<compile_context>
chip_gen: v7x
topology: tpu7x:2x2x1
jax: 0.10.2.dev20260603
libtpu: 0.0.44.dev20260713+nightly
codegen_flags: <defaults>
</compile_context>

<pallas_src>
import functools

import jax
import jax.numpy as jnp
from jax import lax
from jax.experimental import pallas as pl
from jax.experimental.pallas import tpu as pltpu
from jax.experimental.pallas import tpu_sc as plsc

NUM_CARDS = 1000000
EMBED_DIM = 32
BATCH = 16384
HIST = 200

NW = 32
ROWS_PER_W = BATCH // NW
K = 4
NBUF = 4
STEPS = ROWS_PER_W // K
OUTER = STEPS // NBUF
SPLITS = ((0, 128), (128, 72))


def _embed_kernel(ids_hbm, table_hbm, out_hbm, idx_v, rows_v, sem_i, sem_g, sem_o):
    wid = lax.axis_index("s") * 2 + lax.axis_index("c")
    base0 = wid * ROWS_PER_W

    def idx_copy(g, b):
        return pltpu.make_async_copy(
            ids_hbm.at[pl.ds(base0 + g * K, K)], idx_v.at[b], sem_i.at[b])

    def out_copy(g, b):
        return pltpu.make_async_copy(
            rows_v.at[b], out_hbm.at[pl.ds(base0 + g * K, K)], sem_o.at[b])

    def gathers(b):
        for j in range(K):
            for off, n in SPLITS:
                yield pltpu.make_async_copy(
                    table_hbm.at[idx_v.at[b].at[j].at[pl.ds(off, n)]],
                    rows_v.at[b].at[j].at[pl.ds(off, n)],
                    sem_g.at[b])

    def drain_and_flush(g, b):
        for c in gathers(b):
            c.wait()
        out_copy(g, b).start()

    idx_copy(0, 0).start()

    def outer(p, carry):
        for u in range(NBUF):
            g = p * NBUF + u
            prev = (u - 1) % NBUF

            @pl.when(p >= 1)
            def _():
                out_copy(g - NBUF, u).wait()

            idx_copy(g, u).wait()
            for c in gathers(u):
                c.start()

            if u > 0:
                drain_and_flush(g - 1, prev)
            else:
                @pl.when(p >= 1)
                def _():
                    drain_and_flush(g - 1, prev)

            if u < NBUF - 1:
                idx_copy(g + 1, u + 1).start()
            else:
                @pl.when(p < OUTER - 1)
                def _():
                    idx_copy(g + 1, 0).start()
        return carry

    lax.fori_loop(0, OUTER, outer, 0)

    drain_and_flush(STEPS - 1, NBUF - 1)
    for b in range(NBUF):
        out_copy(STEPS - NBUF + b, b).wait()


@jax.jit
def _embed(ids, table):
    fn = functools.partial(
        pl.kernel,
        out_type=jax.ShapeDtypeStruct((BATCH, HIST, EMBED_DIM), jnp.float32),
        mesh=plsc.VectorSubcoreMesh(core_axis_name="c", subcore_axis_name="s"),
        scratch_types=[
            pltpu.VMEM((NBUF, K, HIST), jnp.int32),
            pltpu.VMEM((NBUF, K, HIST, EMBED_DIM), jnp.float32),
            pltpu.SemaphoreType.DMA((NBUF,)),
            pltpu.SemaphoreType.DMA((NBUF,)),
            pltpu.SemaphoreType.DMA((NBUF,)),
        ],
        compiler_params=pltpu.CompilerParams(use_tc_tiling_on_sc=False),
    )(_embed_kernel)
    return fn(ids, table)


def kernel(ids, table):
    return _embed(ids.astype(jnp.int32), table)

# --- scband reference (transcript-rebuilt; emitter-appended) ---
"""Pipeline reference for scband-card-embedding-v2-44109314130126 (READ-ONLY COPY).

The authoritative reference and input builder live on the scoring server;
editing this copy changes nothing except your own understanding.
"""

import jax, jax.numpy as jnp
import numpy as np

NUM_CARDS = 1000000
EMBED_DIM = 32
BATCH = 16384
HIST = 200

def setup_inputs(seed: int = 0) -> dict:
    key = jax.random.key(seed)
    k_ids, k_tab = jax.random.split(key)
    ids = jax.random.randint(k_ids, (BATCH, HIST), 0, NUM_CARDS, dtype=jnp.int64 if jax.config.jax_enable_x64 else jnp.int32)
    table = jax.random.normal(k_tab, (NUM_CARDS, EMBED_DIM), dtype=jnp.float32) * 0.02
    return {"ids": ids, "table": table}

def reference(ids, table):
    # nn.Embedding lookup: gather rows of table by ids
    return jnp.take(table, ids, axis=0)

if __name__ == "__main__":
    import jax
    _d = setup_inputs()
    print(jax.jit(kernel)(*tuple(_d.values())))

</pallas_src>

<mosaic_0001>
#map = affine_map<(d0, d1) -> (0, 0)>
#map1 = affine_map<(d0, d1) -> (0, 0, 0)>
module attributes {stable_mosaic.version = 14 : i64} {
  func.func @_embed_kernel(%arg0: i32, %arg1: i32, %arg2: memref<16384x200xi32, #tpu.memory_space<hbm>>, %arg3: memref<1000000x32xf32, #tpu.memory_space<hbm>>, %arg4: memref<16384x200x32xf32, #tpu.memory_space<hbm>>, %arg5: memref<4x4x200xi32, #tpu.memory_space<vmem>>, %arg6: memref<4x4x200x32xf32, #tpu.memory_space<vmem>>, %arg7: memref<4x!tpu.dma_semaphore, #tpu.memory_space<semaphore_mem>>, %arg8: memref<4x!tpu.dma_semaphore, #tpu.memory_space<semaphore_mem>>, %arg9: memref<4x!tpu.dma_semaphore, #tpu.memory_space<semaphore_mem>>) attributes {dimension_semantics = [#tpu.dimension_semantics<core_parallel>, #tpu.dimension_semantics<subcore_parallel>], iteration_bounds = array<i64: 2, 16>, scalar_prefetch = 0 : i64, scratch_operands = 5 : i64, tpu.core_type = #tpu.core_type<sc_vector_subcore>, window_params = [{transform_indices = #map}, {transform_indices = #map}, {transform_indices = #map1}]} {
    %mul3A = arith.constant 2 : i32
    %mul3A_0 = arith.muli %arg1, %mul3A : i32
    %add3A = arith.addi %mul3A_0, %arg0 : i32
    %mul3A_1 = arith.constant 512 : i32
    %mul3A_2 = arith.muli %add3A, %mul3A_1 : i32
    %add3A_3 = arith.constant 0 : i32
    %add3A_4 = arith.addi %mul3A_2, %add3A_3 : i32
    %dma_start3A = arith.constant 0 : i32
    %dma_start3A_5 = arith.constant 0 : i32
    %dma_start3A_6 = arith.constant 0 : i32
    %dma_start3A_7 = arith.constant 0 : i32
    %dma_start3A_8 = tpu.memref_slice %arg5[%dma_start3A, %dma_start3A_6, %dma_start3A_7] : memref<4x4x200xi32, #tpu.memory_space<vmem>> -> memref<1x4x200xi32, #tpu.memory_space<vmem>>
    %dma_start3A_9 = tpu.memref_squeeze %dma_start3A_8 : memref<1x4x200xi32, #tpu.memory_space<vmem>> -> memref<4x200xi32, #tpu.memory_space<vmem>>
    %dma_start3A_10 = arith.constant 0 : i32
    %dma_start3A_11 = tpu.memref_slice %arg2[%add3A_4, %dma_start3A_10] : memref<16384x200xi32, #tpu.memory_space<hbm>> -> memref<4x200xi32, #tpu.memory_space<hbm>>
    %dma_start3A_12 = tpu.memref_slice %arg7[%dma_start3A_5] : memref<4x!tpu.dma_semaphore, #tpu.memory_space<semaphore_mem>> -> memref<1x!tpu.dma_semaphore, #tpu.memory_space<semaphore_mem>>
    %dma_start3A_13 = tpu.memref_squeeze %dma_start3A_12 : memref<1x!tpu.dma_semaphore, #tpu.memory_space<semaphore_mem>> -> memref<!tpu.dma_semaphore, #tpu.memory_space<semaphore_mem>>
    %dma_start3A_14 = arith.constant 0 : i32
    %dma_start3A_15 = arith.constant 0 : i32
    %dma_start3A_16 = tpu.memref_slice %arg5[%dma_start3A, %dma_start3A_14, %dma_start3A_15] : memref<4x4x200xi32, #tpu.memory_space<vmem>> -> memref<1x4x200xi32, #tpu.memory_space<vmem>>
    %dma_start3A_17 = tpu.memref_squeeze %dma_start3A_16 : memref<1x4x200xi32, #tpu.memory_space<vmem>> -> memref<4x200xi32, #tpu.memory_space<vmem>>
    %dma_start3A_18 = arith.constant 0 : i32
    %dma_start3A_19 = tpu.memref_slice %arg2[%add3A_4, %dma_start3A_18] : memref<16384x200xi32, #tpu.memory_space<hbm>> -> memref<4x200xi32, #tpu.memory_space<hbm>>
    tpu.enqueue_dma source(%dma_start3A_19 : memref<4x200xi32, #tpu.memory_space<hbm>>) target(%dma_start3A_17 : memref<4x200xi32, #tpu.memory_space<vmem>>) target_semaphore(%dma_start3A_13 : memref<!tpu.dma_semaphore, #tpu.memory_space<semaphore_mem>>)
    %scan3A = arith.constant 0 : i32
    %scan3A_20 = arith.constant 0 : i32
    %scan3A_21 = arith.constant 32 : i32
    %scan3A_22 = arith.addi %scan3A_20, %scan3A_21 : i32
    %scan3A_23 = arith.constant 1 : i32
    scf.for %scan3A_382 = %scan3A_20 to %scan3A_22 step %scan3A_23  : i32 {
      %mul3A_383 = arith.constant 4 : i32
      %mul3A_384 = arith.muli %scan3A_382, %mul3A_383 : i32
      %add3A_385 = arith.constant 0 : i32
      %add3A_386 = arith.addi %mul3A_384, %add3A_385 : i32
      %ge3A = arith.constant 1 : i32
      %ge3A_387 = arith.cmpi sge, %scan3A_382, %ge3A : i32
      %convert_element_type3A = arith.extui %ge3A_387 : i1 to i32
      %cond3A = arith.constant 0 : i32
      %cond3A_388 = arith.cmpi ne, %convert_element_type3A, %cond3A : i32
      scf.if %cond3A_388 {
        %sub3A_2374 = arith.constant 4 : i32
        %sub3A_2375 = arith.subi %add3A_386, %sub3A_2374 : i32
        %mul3A_2376 = arith.constant 4 : i32
        %mul3A_2377 = arith.muli %sub3A_2375, %mul3A_2376 : i32
        %add3A_2378 = arith.addi %mul3A_2, %mul3A_2377 : i32
        %dma_wait3A_2379 = arith.constant 0 : i32
        %dma_wait3A_2380 = arith.constant 0 : i32
        %dma_wait3A_2381 = arith.constant 0 : i32
        %dma_wait3A_2382 = arith.constant 0 : i32
        %dma_wait3A_2383 = arith.constant 0 : i32
        %dma_wait3A_2384 = tpu.memref_slice %arg6[%dma_wait3A_2379, %dma_wait3A_2381, %dma_wait3A_2382, %dma_wait3A_2383] : memref<4x4x200x32xf32, #tpu.memory_space<vmem>> -> memref<1x4x200x32xf32, #tpu.memory_space<vmem>>
        %dma_wait3A_2385 = tpu.memref_squeeze %dma_wait3A_2384 : memref<1x4x200x32xf32, #tpu.memory_space<vmem>> -> memref<4x200x32xf32, #tpu.memory_space<vmem>>
        %dma_wait3A_2386 = arith.constant 0 : i32
        %dma_wait3A_2387 = arith.constant 0 : i32
        %dma_wait3A_2388 = tpu.memref_slice %arg4[%add3A_2378, %dma_wait3A_2386, %dma_wait3A_2387] : memref<16384x200x32xf32, #tpu.memory_space<hbm>> -> memref<4x200x32xf32, #tpu.memory_space<hbm>>
        %dma_wait3A_2389 = tpu.memref_slice %arg9[%dma_wait3A_2380] : memref<4x!tpu.dma_semaphore, #tpu.memory_space<semaphore_mem>> -> memref<1x!tpu.dma_semaphore, #tpu.memory_space<semaphore_mem>>
        %dma_wait3A_2390 = tpu.memref_squeeze %dma_wait3A_2389 : memref<1x!tpu.dma_semaphore, #tpu.memory_space<semaphore_mem>> -> memref<!tpu.dma_semaphore, #tpu.memory_space<semaphore_mem>>
        %dma_wait3A_2391 = arith.constant 0 : i32
        %dma_wait3A_2392 = arith.constant 0 : i32
        %dma_wait3A_2393 = tpu.memref_slice %arg4[%add3A_2378, %dma_wait3A_2391, %dma_wait3A_2392] : memref<16384x200x32xf32, #tpu.memory_space<hbm>> -> memref<4x200x32xf32, #tpu.memory_space<hbm>>
        %dma_wait3A_2394 = arith.constant 0 : i32
        %dma_wait3A_2395 = arith.constant 0 : i32
        %dma_wait3A_2396 = arith.constant 0 : i32
        %dma_wait3A_2397 = tpu.memref_slice %arg6[%dma_wait3A_2379, %dma_wait3A_2394, %dma_wait3A_2395, %dma_wait3A_2396] : memref<4x4x200x32xf32, #tpu.memory_space<vmem>> -> memref<1x4x200x32xf32, #tpu.memory_space<vmem>>
        %dma_wait3A_2398 = tpu.memref_squeeze %dma_wait3A_2397 : memref<1x4x200x32xf32, #tpu.memory_space<vmem>> -> memref<4x200x32xf32, #tpu.memory_space<vmem>>
        tpu.wait_dma2 semaphore(%dma_wait3A_2390 : memref<!tpu.dma_semaphore, #tpu.memory_space<semaphore_mem>>) src(%dma_wait3A_2398 : memref<4x200x32xf32, #tpu.memory_space<vmem>>) dst(%dma_wait3A_2393 : memref<4x200x32xf32, #tpu.memory_space<hbm>>)
      } else {
      }
      %mul3A_389 = arith.constant 4 : i32
      %mul3A_390 = arith.muli %add3A_386, %mul3A_389 : i32
      %add3A_391 = arith.addi %mul3A_2, %mul3A_390 : i32
      %dma_wait3A_392 = arith.constant 0 : i32
      %dma_wait3A_393 = arith.constant 0 : i32
      %dma_wait3A_394 = arith.constant 0 : i32
      %dma_wait3A_395 = arith.constant 0 : i32
      %dma_wait3A_396 = tpu.memref_slice %arg5[%dma_wait3A_392, %dma_wait3A_394, %dma_wait3A_395] : memref<4x4x200xi32, #tpu.memory_space<vmem>> -> memref<1x4x200xi32, #tpu.memory_space<vmem>>
      %dma_wait3A_397 = tpu.memref_squeeze %dma_wait3A_396 : memref<1x4x200xi32, #tpu.memory_space<vmem>> -> memref<4x200xi32, #tpu.memory_space<vmem>>
      %dma_wait3A_398 = arith.constant 0 : i32
      %dma_wait3A_399 = tpu.memref_slice %arg2[%add3A_391, %dma_wait3A_398] : memref<16384x200xi32, #tpu.memory_space<hbm>> -> memref<4x200xi32, #tpu.memory_space<hbm>>
      %dma_wait3A_400 = tpu.memref_slice %arg7[%dma_wait3A_393] : memref<4x!tpu.dma_semaphore, #tpu.memory_space<semaphore_mem>> -> memref<1x!tpu.dma_semaphore, #tpu.memory_space<semaphore_mem>>
      %dma_wait3A_401 = tpu.memref_squeeze %dma_wait3A_400 : memref<1x!tpu.dma_semaphore, #tpu.memory_space<semaphore_mem>> -> memref<!tpu.dma_semaphore, #tpu.memory_space<semaphore_mem>>
      %dma_wait3A_402 = arith.constant 0 : i32
      %dma_wait3A_403 = arith.constant 0 : i32
      %dma_wait3A_404 = tpu.memref_slice %arg5[%dma_wait3A_392, %dma_wait3A_402, %dma_wait3A_403] : memref<4x4x200xi32, #tpu.memory_space<vmem>> -> memref<1x4x200xi32, #tpu.memory_space<vmem>>
      %dma_wait3A_405 = tpu.memref_squeeze %dma_wait3A_404 : memref<1x4x200xi32, #tpu.memory_space<vmem>> -> memref<4x200xi32, #tpu.memory_space<vmem>>
      %dma_wait3A_406 = arith.constant 0 : i32
      %dma_wait3A_407 = tpu.memref_slice %arg2[%add3A_391, %dma_wait3A_406] : memref<16384x200xi32, #tpu.memory_space<hbm>> -> memref<4x200xi32, #tpu.memory_space<hbm>>
      tpu.wait_dma2 semaphore(%dma_wait3A_401 : memref<!tpu.dma_semaphore, #tpu.memory_space<semaphore_mem>>) src(%dma_wait3A_407 : memref<4x200xi32, #tpu.memory_space<hbm>>) dst(%dma_wait3A_405 : memref<4x200xi32, #tpu.memory_space<vmem>>)
      %dma_start3A_408 = arith.constant 0 : i32
      %dma_start3A_409 = arith.constant 0 : i32
      %dma_start3A_410 = arith.constant 0 : i32
      %dma_start3A_411 = arith.constant 0 : i32
      %dma_start3A_412 = arith.constant 0 : i32
      %dma_start3A_413 = arith.constant 0 : i32
      %dma_start3A_414 = arith.constant 0 : i32
      %dma_start3A_415 = arith.constant 0 : i32
      %dma_start3A_416 = tpu.memref_slice %arg6[%dma_start3A_410, %dma_start3A_413, %dma_start3A_414, %dma_start3A_415] : memref<4x4x200x32xf32, #tpu.memory_space<vmem>> -> memref<1x4x200x32xf32, #tpu.memory_space<vmem>>
      %dma_start3A_417 = tpu.memref_squeeze %dma_start3A_416 : memref<1x4x200x32xf32, #tpu.memory_space<vmem>> -> memref<4x200x32xf32, #tpu.memory_space<vmem>>
      %dma_start3A_418 = arith.constant 0 : i32
      %dma_start3A_419 = arith.constant 0 : i32
      %dma_start3A_420 = tpu.memref_slice %dma_start3A_417[%dma_start3A_411, %dma_start3A_418, %dma_start3A_419] : memref<4x200x32xf32, #tpu.memory_space<vmem>> -> memref<1x200x32xf32, #tpu.memory_space<vmem>>
      %dma_start3A_421 = tpu.memref_squeeze %dma_start3A_420 : memref<1x200x32xf32, #tpu.memory_space<vmem>> -> memref<200x32xf32, #tpu.memory_space<vmem>>
      %dma_start3A_422 = arith.constant 0 : i32
      %dma_start3A_423 = arith.constant 0 : i32
      %dma_start3A_424 = tpu.memref_slice %dma_start3A_421[%dma_start3A_422, %dma_start3A_423] : memref<200x32xf32, #tpu.memory_space<vmem>> -> memref<128x32xf32, #tpu.memory_space<vmem>>
      %dma_start3A_425 = arith.constant 0 : i32
      %dma_start3A_426 = arith.constant 0 : i32
      %dma_start3A_427 = tpu.memref_slice %arg5[%dma_start3A_408, %dma_start3A_425, %dma_start3A_426] : memref<4x4x200xi32, #tpu.memory_space<vmem>> -> memref<1x4x200xi32, #tpu.memory_space<vmem>>
      %dma_start3A_428 = tpu.memref_squeeze %dma_start3A_427 : memref<1x4x200xi32, #tpu.memory_space<vmem>> -> memref<4x200xi32, #tpu.memory_space<vmem>>
      %dma_start3A_429 = arith.constant 0 : i32
      %dma_start3A_430 = tpu.memref_slice %dma_start3A_428[%dma_start3A_409, %dma_start3A_429] : memref<4x200xi32, #tpu.memory_space<vmem>> -> memref<1x200xi32, #tpu.memory_space<vmem>>
      %dma_start3A_431 = tpu.memref_squeeze %dma_start3A_430 : memref<1x200xi32, #tpu.memory_space<vmem>> -> memref<200xi32, #tpu.memory_space<vmem>>
      %dma_start3A_432 = arith.constant 0 : i32
      %dma_start3A_433 = tpu.memref_slice %dma_start3A_431[%dma_start3A_432] : memref<200xi32, #tpu.memory_space<vmem>> -> memref<128xi32, #tpu.memory_space<vmem>>
      %dma_start3A_434 = arith.constant 0 : i32
      %dma_start3A_435 = arith.constant 0 : i32
      %dma_start3A_436 = tpu.memref_slice %arg3[%dma_start3A_434, %dma_start3A_435] : memref<1000000x32xf32, #tpu.memory_space<hbm>> -> memref<1000000x32xf32, #tpu.memory_space<hbm>>
      %dma_start3A_437 = tpu.memref_slice %arg8[%dma_start3A_412] : memref<4x!tpu.dma_semaphore, #tpu.memory_space<semaphore_mem>> -> memref<1x!tpu.dma_semaphore, #tpu.memory_space<semaphore_mem>>
      %dma_start3A_438 = tpu.memref_squeeze %dma_start3A_437 : memref<1x!tpu.dma_semaphore, #tpu.memory_space<semaphore_mem>> -> memref<!tpu.dma_semaphore, #tpu.memory_space<semaphore_mem>>
      tpu.enqueue_indirect_dma source(%dma_start3A_436 : memref<1000000x32xf32, #tpu.memory_space<hbm>>) target(%dma_start3A_424 : memref<128x32xf32, #tpu.memory_space<vmem>>) offsets(%dma_start3A_433 : memref<128xi32, #tpu.memory_space<vmem>>) semaphore(%dma_start3A_438 : memref<!tpu.dma_semaphore, #tpu.memory_space<semaphore_mem>>)
      %dma_start3A_439 = arith.constant 0 : i32
      %dma_start3A_440 = arith.constant 0 : i32
      %dma_start3A_441 = arith.constant 0 : i32
      %dma_start3A_442 = arith.constant 0 : i32
      %dma_start3A_443 = arith.constant 0 : i32
      %dma_start3A_444 = arith.constant 0 : i32
      %dma_start3A_445 = arith.constant 0 : i32
      %dma_start3A_446 = arith.constant 0 : i32
      %dma_start3A_447 = tpu.memref_slice %arg6[%dma_start3A_441, %dma_start3A_444, %dma_start3A_445, %dma_start3A_446] : memref<4x4x200x32xf32, #tpu.memory_space<vmem>> -> memref<1x4x200x32xf32, #tpu.memory_space<vmem>>
      %dma_start3A_448 = tpu.memref_squeeze %dma_start3A_447 : memref<1x4x200x32xf32, #tpu.memory_space<vmem>> -> memref<4x200x32xf32, #tpu.memory_space<vmem>>
      %dma_start3A_449 = arith.constant 0 : i32
      %dma_start3A_450 = arith.constant 0 : i32
      %dma_start3A_451 = tpu.memref_slice %dma_start3A_448[%dma_start3A_442, %dma_start3A_449, %dma_start3A_450] : memref<4x200x32xf32, #tpu.memory_space<vmem>> -> memref<1x200x32xf32, #tpu.memory_space<vmem>>
      %dma_start3A_452 = tpu.memref_squeeze %dma_start3A_451 : memref<1x200x32xf32, #tpu.memory_space<vmem>> -> memref<200x32xf32, #tpu.memory_space<vmem>>
      %dma_start3A_453 = arith.constant 128 : i32
      %dma_start3A_454 = arith.constant 0 : i32
      %dma_start3A_455 = tpu.memref_slice %dma_start3A_452[%dma_start3A_453, %dma_start3A_454] : memref<200x32xf32, #tpu.memory_space<vmem>> -> memref<72x32xf32, #tpu.memory_space<vmem>>
      %dma_start3A_456 = arith.constant 0 : i32
      %dma_start3A_457 = arith.constant 0 : i32
      %dma_start3A_458 = tpu.memref_slice %arg5[%dma_start3A_439, %dma_start3A_456, %dma_start3A_457] : memref<4x4x200xi32, #tpu.memory_space<vmem>> -> memref<1x4x200xi32, #tpu.memory_space<vmem>>
      %dma_start3A_459 = tpu.memref_squeeze %dma_start3A_458 : memref<1x4x200xi32, #tpu.memory_space<vmem>> -> memref<4x200xi32, #tpu.memory_space<vmem>>
      %dma_start3A_460 = arith.constant 0 : i32
      %dma_start3A_461 = tpu.memref_slice %dma_start3A_459[%dma_start3A_440, %dma_start3A_460] : memref<4x200xi32, #tpu.memory_space<vmem>> -> memref<1x200xi32, #tpu.memory_space<vmem>>
      %dma_start3A_462 = tpu.memref_squeeze %dma_start3A_461 : memref<1x200xi32, #tpu.memory_space<vmem>> -> memref<200xi32, #tpu.memory_space<vmem>>
      %dma_start3A_463 = arith.constant 128 : i32
      %dma_start3A_464 = tpu.memref_slice %dma_start3A_462[%dma_start3A_463] : memref<200xi32, #tpu.memory_space<vmem>> -> memref<72xi32, #tpu.memory_space<vmem>>
      %dma_start3A_465 = arith.constant 0 : i32
      %dma_start3A_466 = arith.constant 0 : i32
      %dma_start3A_467 = tpu.memref_slice %arg3[%dma_start3A_465, %dma_start3A_466] : memref<1000000x32xf32, #tpu.memory_space<hbm>> -> memref<1000000x32xf32, #tpu.memory_space<hbm>>
      %dma_start3A_468 = tpu.memref_slice %arg8[%dma_start3A_443] : memref<4x!tpu.dma_semaphore, #tpu.memory_space<semaphore_mem>> -> memref<1x!tpu.dma_semaphore, #tpu.memory_space<semaphore_mem>>
      %dma_start3A_469 = tpu.memref_squeeze %dma_start3A_468 : memref<1x!tpu.dma_semaphore, #tpu.memory_space<semaphore_mem>> -> memref<!tpu.dma_semaphore, #tpu.memory_space<semaphore_mem>>
      tpu.enqueue_indirect_dma source(%dma_start3A_467 : memref<1000000x32xf32, #tpu.memory_space<hbm>>) target(%dma_start3A_455 : memref<72x32xf32, #tpu.memory_space<vmem>>) offsets(%dma_start3A_464 : memref<72xi32, #tpu.memory_space<vmem>>) semaphore(%dma_start3A_469 : memref<!tpu.dma_semaphore, #tpu.memory_space<semaphore_mem>>)
      %dma_start3A_470 = arith.constant 0 : i32
      %dma_start3A_471 = arith.constant 1 : i32
      %dma_start3A_472 = arith.constant 0 : i32
      %dma_start3A_473 = arith.constant 1 : i32
      %dma_start3A_474 = arith.constant 0 : i32
      %dma_start3A_475 = arith.constant 0 : i32
      %dma_start3A_476 = arith.constant 0 : i32
      %dma_start3A_477 = arith.constant 0 : i32
      %dma_start3A_478 = tpu.memref_slice %arg6[%dma_start3A_472, %dma_start3A_475, %dma_start3A_476, %dma_start3A_477] : memref<4x4x200x32xf32, #tpu.memory_space<vmem>> -> memref<1x4x200x32xf32, #tpu.memory_space<vmem>>
      %dma_start3A_479 = tpu.memref_squeeze %dma_start3A_478 : memref<1x4x200x32xf32, #tpu.memory_space<vmem>> -> memref<4x200x32xf32, #tpu.memory_space<vmem>>
      %dma_start3A_480 = arith.constant 0 : i32
      %dma_start3A_481 = arith.constant 0 : i32
      %dma_start3A_482 = tpu.memref_slice %dma_start3A_479[%dma_start3A_473, %dma_start3A_480, %dma_start3A_481] : memref<4x200x32xf32, #tpu.memory_space<vmem>> -> memref<1x200x32xf32, #tpu.memory_space<vmem>>
      %dma_start3A_483 = tpu.memref_squeeze %dma_start3A_482 : memref<1x200x32xf32, #tpu.memory_space<vmem>> -> memref<200x32xf32, #tpu.memory_space<vmem>>
      %dma_start3A_484 = arith.constant 0 : i32
      %dma_start3A_485 = arith.constant 0 : i32
      %dma_start3A_486 = tpu.memref_slice %dma_start3A_483[%dma_start3A_484, %dma_start3A_485] : memref<200x32xf32, #tpu.memory_space<vmem>> -> memref<128x32xf32, #tpu.memory_space<vmem>>
      %dma_start3A_487 = arith.constant 0 : i32
      %dma_start3A_488 = arith.constant 0 : i32
      %dma_start3A_489 = tpu.memref_slice %arg5[%dma_start3A_470, %dma_start3A_487, %dma_start3A_488] : memref<4x4x200xi32, #tpu.memory_space<vmem>> -> memref<1x4x200xi32, #tpu.memory_space<vmem>>
      %dma_start3A_490 = tpu.memref_squeeze %dma_start3A_489 : memref<1x4x200xi32, #tpu.memory_space<vmem>> -> memref<4x200xi32, #tpu.memory_space<vmem>>
      %dma_start3A_491 = arith.constant 0 : i32
      %dma_start3A_492 = tpu.memref_slice %dma_start3A_490[%dma_start3A_471, %dma_start3A_491] : memref<4x200xi32, #tpu.memory_space<vmem>> -> memref<1x200xi32, #tpu.memory_space<vmem>>
      %dma_start3A_493 = tpu.memref_squeeze %dma_start3A_492 : memref<1x200xi32, #tpu.memory_space<vmem>> -> memref<200xi32, #tpu.memory_space<vmem>>
      %dma_start3A_494 = arith.constant 0 : i32
      %dma_start3A_495 = tpu.memref_slice %dma_start3A_493[%dma_start3A_494] : memref<200xi32, #tpu.memory_space<vmem>> -> memref<128xi32, #tpu.memory_space<vmem>>
      %dma_start3A_496 = arith.constant 0 : i32
      %dma_start3A_497 = arith.constant 0 : i32
      %dma_start3A_498 = tpu.memref_slice %arg3[%dma_start3A_496, %dma_start3A_497] : memref<1000000x32xf32, #tpu.memory_space<hbm>> -> memref<1000000x32xf32, #tpu.memory_space<hbm>>
      %dma_start3A_499 = tpu.memref_slice %arg8[%dma_start3A_474] : memref<4x!tpu.dma_semaphore, #tpu.memory_space<semaphore_mem>> -> memref<1x!tpu.dma_semaphore, #tpu.memory_space<semaphore_mem>>
      %dma_start3A_500 = tpu.memref_squeeze %dma_start3A_499 : memref<1x!tpu.dma_semaphore, #tpu.memory_space<semaphore_mem>> -> memref<!tpu.dma_semaphore, #tpu.memory_space<semaphore_mem>>
      tpu.enqueue_indirect_dma source(%dma_start3A_498 : memref<1000000x32xf32, #tpu.memory_space<hbm>>) target(%dma_start3A_486 : memref<128x32xf32, #tpu.memory_space<vmem>>) offsets(%dma_start3A_495 : memref<128xi32, #tpu.memory_space<vmem>>) semaphore(%dma_start3A_500 : memref<!tpu.dma_semaphore, #tpu.memory_space<semaphore_mem>>)
      %dma_start3A_501 = arith.constant 0 : i32
      %dma_start3A_502 = arith.constant 1 : i32
      %dma_start3A_503 = arith.constant 0 : i32
      %dma_start3A_504 = arith.constant 1 : i32
      %dma_start3A_505 = arith.constant 0 : i32
      %dma_start3A_506 = arith.constant 0 : i32
      %dma_start3A_507 = arith.constant 0 : i32
      %dma_start3A_508 = arith.constant 0 : i32
      %dma_start3A_509 = tpu.memref_slice %arg6[%dma_start3A_503, %dma_start3A_506, %dma_start3A_507, %dma_start3A_508] : memref<4x4x200x32xf32, #tpu.memory_space<vmem>> -> memref<1x4x200x32xf32, #tpu.memory_space<vmem>>
      %dma_start3A_510 = tpu.memref_squeeze %dma_start3A_509 : memref<1x4x200x32xf32, #tpu.memory_space<vmem>> -> memref<4x200x32xf32, #tpu.memory_space<vmem>>
      %dma_start3A_511 = arith.constant 0 : i32
      %dma_start3A_512 = arith.constant 0 : i32
      %dma_start3A_513 = tpu.memref_slice %dma_start3A_510[%dma_start3A_504, %dma_start3A_511, %dma_start3A_512] : memref<4x200x32xf32, #tpu.memory_space<vmem>> -> memref<1x200x32xf32, #tpu.memory_space<vmem>>
      %dma_start3A_514 = tpu.memref_squeeze %dma_start3A_513 : memref<1x200x32xf32, #tpu.memory_space<vmem>> -> memref<200x32xf32, #tpu.memory_space<vmem>>
      %dma_start3A_515 = arith.constant 128 : i32
      %dma_start3A_516 = arith.constant 0 : i32
      %dma_start3A_517 = tpu.memref_slice %dma_start3A_514[%dma_start3A_515, %dma_start3A_516] : memref<200x32xf32, #tpu.memory_space<vmem>> -> memref<72x32xf32, #tpu.memory_space<vmem>>
      %dma_start3A_518 = arith.constant 0 : i32
      %dma_start3A_519 = arith.constant 0 : i32
      %dma_start3A_520 = tpu.memref_slice %arg5[%dma_start3A_501, %dma_start3A_518, %dma_start3A_519] : memref<4x4x200xi32, #tpu.memory_space<vmem>> -> memref<1x4x200xi32, #tpu.memory_space<vmem>>
      %dma_start3A_521 = tpu.memref_squeeze %dma_start3A_520 : memref<1x4x200xi32, #tpu.memory_space<vmem>> -> memref<4x200xi32, #tpu.memory_space<vmem>>
      %dma_start3A_522 = arith.constant 0 : i32
      %dma_start3A_523 = tpu.memref_slice %dma_start3A_521[%dma_start3A_502, %dma_start3A_522] : memref<4x200xi32, #tpu.memory_space<vmem>> -> memref<1x200xi32, #tpu.memory_space<vmem>>
      %dma_start3A_524 = tpu.memref_squeeze %dma_start3A_523 : memref<1x200xi32, #tpu.memory_space<vmem>> -> memref<200xi32, #tpu.memory_space<vmem>>
      %dma_start3A_525 = arith.constant 128 : i32
      %dma_start3A_526 = tpu.memref_slice %dma_start3A_524[%dma_start3A_525] : memref<200xi32, #tpu.memory_space<vmem>> -> memref<72xi32, #tpu.memory_space<vmem>>
      %dma_start3A_527 = arith.constant 0 : i32
      %dma_start3A_528 = arith.constant 0 : i32
      %dma_start3A_529 = tpu.memref_slice %arg3[%dma_start3A_527, %dma_start3A_528] : memref<1000000x32xf32, #tpu.memory_space<hbm>> -> memref<1000000x32xf32, #tpu.memory_space<hbm>>
      %dma_start3A_530 = tpu.memref_slice %arg8[%dma_start3A_505] : memref<4x!tpu.dma_semaphore, #tpu.memory_space<semaphore_mem>> -> memref<1x!tpu.dma_semaphore, #tpu.memory_space<semaphore_mem>>
      %dma_start3A_531 = tpu.memref_squeeze %dma_start3A_530 : memref<1x!tpu.dma_semaphore, #tpu.memory_space<semaphore_mem>> -> memref<!tpu.dma_semaphore, #tpu.memory_space<semaphore_mem>>
      tpu.enqueue_indirect_dma source(%dma_start3A_529 : memref<1000000x32xf32, #tpu.memory_space<hbm>>) target(%dma_start3A_517 : memref<72x32xf32, #tpu.memory_space<vmem>>) offsets(%dma_start3A_526 : memref<72xi32, #tpu.memory_space<vmem>>) semaphore(%dma_start3A_531 : memref<!tpu.dma_semaphore, #tpu.memory_space<semaphore_mem>>)
      %dma_start3A_532 = arith.constant 0 : i32
      %dma_start3A_533 = arith.constant 2 : i32
      %dma_start3A_534 = arith.constant 0 : i32
      %dma_start3A_535 = arith.constant 2 : i32
      %dma_start3A_536 = arith.constant 0 : i32
      %dma_start3A_537 = arith.constant 0 : i32
      %dma_start3A_538 = arith.constant 0 : i32
      %dma_start3A_539 = arith.constant 0 : i32
      %dma_start3A_540 = tpu.memref_slice %arg6[%dma_start3A_534, %dma_start3A_537, %dma_start3A_538, %dma_start3A_539] : memref<4x4x200x32xf32, #tpu.memory_space<vmem>> -> memref<1x4x200x32xf32, #tpu.memory_space<vmem>>
      %dma_start3A_541 = tpu.memref_squeeze %dma_start3A_540 : memref<1x4x200x32xf32, #tpu.memory_space<vmem>> -> memref<4x200x32xf32, #tpu.memory_space<vmem>>
      %dma_start3A_542 = arith.constant 0 : i32
      %dma_start3A_543 = arith.constant 0 : i32
      %dma_start3A_544 = tpu.memref_slice %dma_start3A_541[%dma_start3A_535, %dma_start3A_542, %dma_start3A_543] : memref<4x200x32xf32, #tpu.memory_space<vmem>> -> memref<1x200x32xf32, #tpu.memory_space<vmem>>
      %dma_start3A_545 = tpu.memref_squeeze %dma_start3A_544 : memref<1x200x32xf32, #tpu.memory_space<vmem>> -> memref<200x32xf32, #tpu.memory_space<vmem>>
      %dma_start3A_546 = arith.constant 0 : i32
      %dma_start3A_547 = arith.constant 0 : i32
      %dma_start3A_548 = tpu.memref_slice %dma_start3A_545[%dma_start3A_546, %dma_start3A_547] : memref<200x32xf32, #tpu.memory_space<vmem>> -> memref<128x32xf32, #tpu.memory_space<vmem>>
      %dma_start3A_549 = arith.constant 0 : i32
      %dma_start3A_550 = arith.constant 0 : i32
      %dma_start3A_551 = tpu.memref_slice %arg5[%dma_start3A_532, %dma_start3A_549, %dma_start3A_550] : memref<4x4x200xi32, #tpu.memory_space<vmem>> -> memref<1x4x200xi32, #tpu.memory_space<vmem>>
      %dma_start3A_552 = tpu.memref_squeeze %dma_start3A_551 : memref<1x4x200xi32, #tpu.memory_space<vmem>> -> memref<4x200xi32, #tpu.memory_space<vmem>>
      %dma_start3A_553 = arith.constant 0 : i32
      %dma_start3A_554 = tpu.memref_slice %dma_start3A_552[%dma_start3A_533, %dma_start3A_553] : memref<4x200xi32, #tpu.memory_space<vmem>> -> memref<1x200xi32, #tpu.memory_space<vmem>>
      %dma_start3A_555 = tpu.memref_squeeze %dma_start3A_554 : memref<1x200xi32, #tpu.memory_space<vmem>> -> memref<200xi32, #tpu.memory_space<vmem>>
      %dma_start3A_556 = arith.constant 0 : i32
      %dma_start3A_557 = tpu.memref_slice %dma_start3A_555[%dma_start3A_556] : memref<200xi32, #tpu.memory_space<vmem>> -> memref<128xi32, #tpu.memory_space<vmem>>
      %dma_start3A_558 = arith.constant 0 : i32
      %dma_start3A_559 = arith.constant 0 : i32
      %dma_start3A_560 = tpu.memref_slice %arg3[%dma_start3A_558, %dma_start3A_559] : memref<1000000x32xf32, #tpu.memory_space<hbm>> -> memref<1000000x32xf32, #tpu.memory_space<hbm>>
      %dma_start3A_561 = tpu.memref_slice %arg8[%dma_start3A_536] : memref<4x!tpu.dma_semaphore, #tpu.memory_space<semaphore_mem>> -> memref<1x!tpu.dma_semaphore, #tpu.memory_space<semaphore_mem>>
      %dma_start3A_562 = tpu.memref_squeeze %dma_start3A_561 : memref<1x!tpu.dma_semaphore, #tpu.memory_space<semaphore_mem>> -> memref<!tpu.dma_semaphore, #tpu.memory_space<semaphore_mem>>
      tpu.enqueue_indirect_dma source(%dma_start3A_560 : memref<1000000x32xf32, #tpu.memory_space<hbm>>) target(%dma_start3A_548 : memref<128x32xf32, #tpu.memory_space<vmem>>) offsets(%dma_start3A_557 : memref<128xi32, #tpu.memory_space<vmem>>) semaphore(%dma_start3A_562 : memref<!tpu.dma_semaphore, #tpu.memory_space<semaphore_mem>>)
      %dma_start3A_563 = arith.constant 0 : i32
      %dma_start3A_564 = arith.constant 2 : i32
      %dma_start3A_565 = arith.constant 0 : i32
      %dma_start3A_566 = arith.constant 2 : i32
      %dma_start3A_567 = arith.constant 0 : i32
      %dma_start3A_568 = arith.constant 0 : i32
      %dma_start3A_569 = arith.constant 0 : i32
      %dma_start3A_570 = arith.constant 0 : i32
      %dma_start3A_571 = tpu.memref_slice %arg6[%dma_start3A_565, %dma_start3A_568, %dma_start3A_569, %dma_start3A_570] : memref<4x4x200x32xf32, #tpu.memory_space<vmem>> -> memref<1x4x200x32xf32, #tpu.memory_space<vmem>>
      %dma_start3A_572 = tpu.memref_squeeze %dma_start3A_571 : memref<1x4x200x32xf32, #tpu.memory_space<vmem>> -> memref<4x200x32xf32, #tpu.memory_space<vmem>>
      %dma_start3A_573 = arith.constant 0 : i32
      %dma_start3A_574 = arith.constant 0 : i32
      %dma_start3A_575 = tpu.memref_slice %dma_start3A_572[%dma_start3A_566, %dma_start3A_573, %dma_start3A_574] : memref<4x200x32xf32, #tpu.memory_space<vmem>> -> memref<1x200x32xf32, #tpu.memory_space<vmem>>
      %dma_start3A_576 = tpu.memref_squeeze %dma_start3A_575 : memref<1x200x32xf32, #tpu.memory_space<vmem>> -> memref<200x32xf32, #tpu.memory_space<vmem>>
      %dma_start3A_577 = arith.constant 128 : i32
      %dma_start3A_578 = arith.constant 0 : i32
      %dma_start3A_579 = tpu.memref_slice %dma_start3A_576[%dma_start3A_577, %dma_start3A_578] : memref<200x32xf32, #tpu.memory_space<vmem>> -> memref<72x32xf32, #tpu.memory_space<vmem>>
      %dma_start3A_580 = arith.constant 0 : i32
      %dma_start3A_581 = arith.constant 0 : i32
      %dma_start3A_582 = tpu.memref_slice %arg5[%dma_start3A_563, %dma_start3A_580, %dma_start3A_581] : memref<4x4x200xi32, #tpu.memory_space<vmem>> -> memref<1x4x200xi32, #tpu.memory_space<vmem>>
      %dma_start3A_583 = tpu.memref_squeeze %dma_start3A_582 : memref<1x4x200xi32, #tpu.memory_space<vmem>> -> memref<4x200xi32, #tpu.memory_space<vmem>>
      %dma_start3A_584 = arith.constant 0 : i32
      %dma_start3A_585 = tpu.memref_slice %dma_start3A_583[%dma_start3A_564, %dma_start3A_584] : memref<4x200xi32, #tpu.memory_space<vmem>> -> memref<1x200xi32, #tpu.memory_space<vmem>>
      %dma_start3A_586 = tpu.memref_squeeze %dma_start3A_585 : memref<1x200xi32, #tpu.memory_space<vmem>> -> memref<200xi32, #tpu.memory_space<vmem>>
      %dma_start3A_587 = arith.constant 128 : i32
      %dma_start3A_588 = tpu.memref_slice %dma_start3A_586[%dma_start3A_587] : memref<200xi32, #tpu.memory_space<vmem>> -> memref<72xi32, #tpu.memory_space<vmem>>
      %dma_start3A_589 = arith.constant 0 : i32
      %dma_start3A_590 = arith.constant 0 : i32
      %dma_start3A_591 = tpu.memref_slice %arg3[%dma_start3A_589, %dma_start3A_590] : memref<1000000x32xf32, #tpu.memory_space<hbm>> -> memref<1000000x32xf32, #tpu.memory_space<hbm>>
      %dma_start3A_592 = tpu.memref_slice %arg8[%dma_start3A_567] : memref<4x!tpu.dma_semaphore, #tpu.memory_space<semaphore_mem>> -> memref<1x!tpu.dma_semaphore, #tpu.memory_space<semaphore_mem>>
      %dma_start3A_593 = tpu.memref_squeeze %dma_start3A_592 : memref<1x!tpu.dma_semaphore, #tpu.memory_space<semaphore_mem>> -> memref<!tpu.dma_semaphore, #tpu.memory_space<semaphore_mem>>
      tpu.enqueue_indirect_dma source(%dma_start3A_591 : memref<1000000x32xf32, #tpu.memory_space<hbm>>) target(%dma_start3A_579 : memref<72x32xf32, #tpu.memory_space<vmem>>) offsets(%dma_start3A_588 : memref<72xi32, #tpu.memory_space<vmem>>) semaphore(%dma_start3A_593 : memref<!tpu.dma_semaphore, #tpu.memory_space<semaphore_mem>>)
      %dma_start3A_594 = arith.constant 0 : i32
      %dma_start3A_595 = arith.constant 3 : i32
      %dma_start3A_596 = arith.constant 0 : i32
      %dma_start3A_597 = arith.constant 3 : i32
      %dma_start3A_598 = arith.constant 0 : i32
      %dma_start3A_599 = arith.constant 0 : i32
      %dma_start3A_600 = arith.constant 0 : i32
      %dma_start3A_601 = arith.constant 0 : i32
      %dma_start3A_602 = tpu.memref_slice %arg6[%dma_start3A_596, %dma_start3A_599, %dma_start3A_600, %dma_start3A_601] : memref<4x4x200x32xf32, #tpu.memory_space<vmem>> -> memref<1x4x200x32xf32, #tpu.memory_space<vmem>>
      %dma_start3A_603 = tpu.memref_squeeze %dma_start3A_602 : memref<1x4x200x32xf32, #tpu.memory_space<vmem>> -> memref<4x200x32xf32, #tpu.memory_space<vmem>>
      %dma_start3A_604 = arith.constant 0 : i32
      %dma_start3A_605 = arith.constant 0 : i32
      %dma_start3A_606 = tpu.memref_slice %dma_start3A_603[%dma_start3A_597, %dma_start3A_604, %dma_start3A_605] : memref<4x200x32xf32, #tpu.memory_space<vmem>> -> memref<1x200x32xf32, #tpu.memory_space<vmem>>
      %dma_start3A_607 = tpu.memref_squeeze %dma_start3A_606 : memref<1x200x32xf32, #tpu.memory_space<vmem>> -> memref<200x32xf32, #tpu.memory_space<vmem>>
      %dma_start3A_608 = arith.constant 0 : i32
      %dma_start3A_609 = arith.constant 0 : i32
      %dma_start3A_610 = tpu.memref_slice %dma_start3A_607[%dma_start3A_608, %dma_start3A_609] : memref<200x32xf32, #tpu.memory_space<vmem>> -> memref<128x32xf32, #tpu.memory_space<vmem>>
      %dma_start3A_611 = arith.constant 0 : i32
      %dma_start3A_612 = arith.constant 0 : i32
      %dma_start3A_613 = tpu.memref_slice %arg5[%dma_start3A_594, %dma_start3A_611, %dma_start3A_612] : memref<4x4x200xi32, #tpu.memory_space<vmem>> -> memref<1x4x200xi32, #tpu.memory_space<vmem>>
      %dma_start3A_614 = tpu.memref_squeeze %dma_start3A_613 : memref<1x4x200xi32, #tpu.memory_space<vmem>> -> memref<4x200xi32, #tpu.memory_space<vmem>>
      %dma_start3A_615 = arith.constant 0 : i32
      %dma_start3A_616 = tpu.memref_slice %dma_start3A_614[%dma_start3A_595, %dma_start3A_615] : memref<4x200xi32, #tpu.memory_space<vmem>> -> memref<1x200xi32, #tpu.memory_space<vmem>>
      %dma_start3A_617 = tpu.memref_squeeze %dma_start3A_616 : memref<1x200xi32, #tpu.memory_space<vmem>> -> memref<200xi32, #tpu.memory_space<vmem>>
      %dma_start3A_618 = arith.constant 0 : i32
      %dma_start3A_619 = tpu.memref_slice %dma_start3A_617[%dma_start3A_618] : memref<200xi32, #tpu.memory_space<vmem>> -> memref<128xi32, #tpu.memory_space<vmem>>
      %dma_start3A_620 = arith.constant 0 : i32
      %dma_start3A_621 = arith.constant 0 : i32
      %dma_start3A_622 = tpu.memref_slice %arg3[%dma_start3A_620, %dma_start3A_621] : memref<1000000x32xf32, #tpu.memory_space<hbm>> -> memref<1000000x32xf32, #tpu.memory_space<hbm>>
      %dma_start3A_623 = tpu.memref_slice %arg8[%dma_start3A_598] : memref<4x!tpu.dma_semaphore, #tpu.memory_space<semaphore_mem>> -> memref<1x!tpu.dma_semaphore, #tpu.memory_space<semaphore_mem>>
      %dma_start3A_624 = tpu.memref_squeeze %dma_start3A_623 : memref<1x!tpu.dma_semaphore, #tpu.memory_space<semaphore_mem>> -> memref<!tpu.dma_semaphore, #tpu.memory_space<semaphore_mem>>
      tpu.enqueue_indirect_dma source(%dma_start3A_622 : memref<1000000x32xf32, #tpu.memory_space<hbm>>) target(%dma_start3A_610 : memref<128x32xf32, #tpu.memory_space<vmem>>) offsets(%dma_start3A_619 : memref<128xi32, #tpu.memory_space<vmem>>) semaphore(%dma_start3A_624 : memref<!tpu.dma_semaphore, #tpu.memory_space<semaphore_mem>>)
      %dma_start3A_625 = arith.constant 0 : i32
      %dma_start3A_626 = arith.constant 3 : i32
      %dma_start3A_627 = arith.constant 0 : i32
      %dma_start3A_628 = arith.constant 3 : i32
      %dma_start3A_629 = arith.constant 0 : i32
      %dma_start3A_630 = arith.constant 0 : i32
      %dma_start3A_631 = arith.constant 0 : i32
      %dma_start3A_632 = arith.constant 0 : i32
      %dma_start3A_633 = tpu.memref_slice %arg6[%dma_start3A_627, %dma_start3A_630, %dma_start3A_631, %dma_start3A_632] : memref<4x4x200x32xf32, #tpu.memory_space<vmem>> -> memref<1x4x200x32xf32, #tpu.memory_space<vmem>>
      %dma_start3A_634 = tpu.memref_squeeze %dma_start3A_633 : memref<1x4x200x32xf32, #tpu.memory_space<vmem>> -> memref<4x200x32xf32, #tpu.memory_space<vmem>>
      %dma_start3A_635 = arith.constant 0 : i32
      %dma_start3A_636 = arith.constant 0 : i32
      %dma_start3A_637 = tpu.memref_slice %dma_start3A_634[%dma_start3A_628, %dma_start3A_635, %dma_start3A_636] : memref<4x200x32xf32, #tpu.memory_space<vmem>> -> memref<1x200x32xf32, #tpu.memory_space<vmem>>
      %dma_start3A_638 = tpu.memref_squeeze %dma_start3A_637 : memref<1x200x32xf32, #tpu.memory_space<vmem>> -> memref<200x32xf32, #tpu.memory_space<vmem>>
      %dma_start3A_639 = arith.constant 128 : i32
      %dma_start3A_640 = arith.constant 0 : i32
      %dma_start3A_641 = tpu.memref_slice %dma_start3A_638[%dma_start3A_639, %dma_start3A_640] : memref<200x32xf32, #tpu.memory_space<vmem>> -> memref<72x32xf32, #tpu.memory_space<vmem>>
      %dma_start3A_642 = arith.constant 0 : i32
      %dma_start3A_643 = arith.constant 0 : i32
      %dma_start3A_644 = tpu.memref_slice %arg5[%dma_start3A_625, %dma_start3A_642, %dma_start3A_643] : memref<4x4x200xi32, #tpu.memory_space<vmem>> -> memref<1x4x200xi32, #tpu.memory_space<vmem>>
      %dma_start3A_645 = tpu.memref_squeeze %dma_start3A_644 : memref<1x4x200xi32, #tpu.memory_space<vmem>> -> memref<4x200xi32, #tpu.memory_space<vmem>>
      %dma_start3A_646 = arith.constant 0 : i32
      %dma_start3A_647 = tpu.memref_slice %dma_start3A_645[%dma_start3A_626, %dma_start3A_646] : memref<4x200xi32, #tpu.memory_space<vmem>> -> memref<1x200xi32, #tpu.memory_space<vmem>>
      %dma_start3A_648 = tpu.memref_squeeze %dma_start3A_647 : memref<1x200xi32, #tpu.memory_space<vmem>> -> memref<200xi32, #tpu.memory_space<vmem>>
      %dma_start3A_649 = arith.constant 128 : i32
      %dma_start3A_650 = tpu.memref_slice %dma_start3A_648[%dma_start3A_649] : memref<200xi32, #tpu.memory_space<vmem>> -> memref<72xi32, #tpu.memory_space<vmem>>
      %dma_start3A_651 = arith.constant 0 : i32
      %dma_start3A_652 = arith.constant 0 : i32
      %dma_start3A_653 = tpu.memref_slice %arg3[%dma_start3A_651, %dma_start3A_652] : memref<1000000x32xf32, #tpu.memory_space<hbm>> -> memref<1000000x32xf32, #tpu.memory_space<hbm>>
      %dma_start3A_654 = tpu.memref_slice %arg8[%dma_start3A_629] : memref<4x!tpu.dma_semaphore, #tpu.memory_space<semaphore_mem>> -> memref<1x!tpu.dma_semaphore, #tpu.memory_space<semaphore_mem>>
      %dma_start3A_655 = tpu.memref_squeeze %dma_start3A_654 : memref<1x!tpu.dma_semaphore, #tpu.memory_space<semaphore_mem>> -> memref<!tpu.dma_semaphore, #tpu.memory_space<semaphore_mem>>
      tpu.enqueue_indirect_dma source(%dma_start3A_653 : memref<1000000x32xf32, #tpu.memory_space<hbm>>) target(%dma_start3A_641 : memref<72x32xf32, #tpu.memory_space<vmem>>) offsets(%dma_start3A_650 : memref<72xi32, #tpu.memory_space<vmem>>) semaphore(%dma_start3A_655 : memref<!tpu.dma_semaphore, #tpu.memory_space<semaphore_mem>>)
      %ge3A_656 = arith.constant 1 : i32
      %ge3A_657 = arith.cmpi sge, %scan3A_382, %ge3A_656 : i32
      %convert_element_type3A_658 = arith.extui %ge3A_657 : i1 to i32
      %cond3A_659 = arith.constant 0 : i32
      %cond3A_660 = arith.cmpi ne, %convert_element_type3A_658, %cond3A_659 : i32
      scf.if %cond3A_660 {
        %sub3A_2374 = arith.constant 1 : i32
        %sub3A_2375 = arith.subi %add3A_386, %sub3A_2374 : i32
        %dma_wait3A_2376 = arith.constant 3 : i32
        %dma_wait3A_2377 = arith.constant 0 : i32
        %dma_wait3A_2378 = arith.constant 3 : i32
        %dma_wait3A_2379 = arith.constant 0 : i32
        %dma_wait3A_2380 = arith.constant 3 : i32
        %dma_wait3A_2381 = arith.constant 0 : i32
        %dma_wait3A_2382 = arith.constant 0 : i32
        %dma_wait3A_2383 = arith.constant 0 : i32
        %dma_wait3A_2384 = tpu.memref_slice %arg6[%dma_wait3A_2378, %dma_wait3A_2381, %dma_wait3A_2382, %dma_wait3A_2383] : memref<4x4x200x32xf32, #tpu.memory_space<vmem>> -> memref<1x4x200x32xf32, #tpu.memory_space<vmem>>
        %dma_wait3A_2385 = tpu.memref_squeeze %dma_wait3A_2384 : memref<1x4x200x32xf32, #tpu.memory_space<vmem>> -> memref<4x200x32xf32, #tpu.memory_space<vmem>>
        %dma_wait3A_2386 = arith.constant 0 : i32
        %dma_wait3A_2387 = arith.constant 0 : i32
        %dma_wait3A_2388 = tpu.memref_slice %dma_wait3A_2385[%dma_wait3A_2379, %dma_wait3A_2386, %dma_wait3A_2387] : memref<4x200x32xf32, #tpu.memory_space<vmem>> -> memref<1x200x32xf32, #tpu.memory_space<vmem>>
        %dma_wait3A_2389 = tpu.memref_squeeze %dma_wait3A_2388 : memref<1x200x32xf32, #tpu.memory_space<vmem>> -> memref<200x32xf32, #tpu.memory_space<vmem>>
        %dma_wait3A_2390 = arith.constant 0 : i32
        %dma_wait3A_2391 = arith.constant 0 : i32
        %dma_wait3A_2392 = tpu.memref_slice %dma_wait3A_2389[%dma_wait3A_2390, %dma_wait3A_2391] : memref<200x32xf32, #tpu.memory_space<vmem>> -> memref<128x32xf32, #tpu.memory_space<vmem>>
        %dma_wait3A_2393 = arith.constant 0 : i32
        %dma_wait3A_2394 = arith.constant 0 : i32
        %dma_wait3A_2395 = tpu.memref_slice %arg5[%dma_wait3A_2376, %dma_wait3A_2393, %dma_wait3A_2394] : memref<4x4x200xi32, #tpu.memory_space<vmem>> -> memref<1x4x200xi32, #tpu.memory_space<vmem>>
        %dma_wait3A_2396 = tpu.memref_squeeze %dma_wait3A_2395 : memref<1x4x200xi32, #tpu.memory_space<vmem>> -> memref<4x200xi32, #tpu.memory_space<vmem>>
        %dma_wait3A_2397 = arith.constant 0 : i32
        %dma_wait3A_2398 = tpu.memref_slice %dma_wait3A_2396[%dma_wait3A_2377, %dma_wait3A_2397] : memref<4x200xi32, #tpu.memory_space<vmem>> -> memref<1x200xi32, #tpu.memory_space<vmem>>
        %dma_wait3A_2399 = tpu.memref_squeeze %dma_wait3A_2398 : memref<1x200xi32, #tpu.memory_space<vmem>> -> memref<200xi32, #tpu.memory_space<vmem>>
        %dma_wait3A_2400 = arith.constant 0 : i32
        %dma_wait3A_2401 = tpu.memref_slice %dma_wait3A_2399[%dma_wait3A_2400] : memref<200xi32, #tpu.memory_space<vmem>> -> memref<128xi32, #tpu.memory_space<vmem>>
        %dma_wait3A_2402 = arith.constant 0 : i32
        %dma_wait3A_2403 = arith.constant 0 : i32
        %dma_wait3A_2404 = tpu.memref_slice %arg3[%dma_wait3A_2402, %dma_wait3A_2403] : memref<1000000x32xf32, #tpu.memory_space<hbm>> -> memref<1000000x32xf32, #tpu.memory_space<hbm>>
        %dma_wait3A_2405 = tpu.memref_slice %arg8[%dma_wait3A_2380] : memref<4x!tpu.dma_semaphore, #tpu.memory_space<semaphore_mem>> -> memref<1x!tpu.dma_semaphore, #tpu.memory_space<semaphore_mem>>
        %dma_wait3A_2406 = tpu.memref_squeeze %dma_wait3A_2405 : memref<1x!tpu.dma_semaphore, #tpu.memory_space<semaphore_mem>> -> memref<!tpu.dma_semaphore, #tpu.memory_space<semaphore_mem>>
        tpu.wait_indirect_dma semaphore(%dma_wait3A_2406 : memref<!tpu.dma_semaphore, #tpu.memory_space<semaphore_mem>>) src(%dma_wait3A_2404 : memref<1000000x32xf32, #tpu.memory_space<hbm>>) dst(%dma_wait3A_2392 : memref<128x32xf32, #tpu.memory_space<vmem>>)
        %dma_wait3A_2407 = arith.constant 3 : i32
        %dma_wait3A_2408 = arith.constant 0 : i32
        %dma_wait3A_2409 = arith.constant 3 : i32
        %dma_wait3A_2410 = arith.constant 0 : i32
        %dma_wait3A_2411 = arith.constant 3 : i32
        %dma_wait3A_2412 = arith.constant 0 : i32
        %dma_wait3A_2413 = arith.constant 0 : i32
        %dma_wait3A_2414 = arith.constant 0 : i32
        %dma_wait3A_2415 = tpu.memref_slice %arg6[%dma_wait3A_2409, %dma_wait3A_2412, %dma_wait3A_2413, %dma_wait3A_2414] : memref<4x4x200x32xf32, #tpu.memory_space<vmem>> -> memref<1x4x200x32xf32, #tpu.memory_space<vmem>>
        %dma_wait3A_2416 = tpu.memref_squeeze %dma_wait3A_2415 : memref<1x4x200x32xf32, #tpu.memory_space<vmem>> -> memref<4x200x32xf32, #tpu.memory_space<vmem>>
        %dma_wait3A_2417 = arith.constant 0 : i32
        %dma_wait3A_2418 = arith.constant 0 : i32
        %dma_wait3A_2419 = tpu.memref_slice %dma_wait3A_2416[%dma_wait3A_2410, %dma_wait3A_2417, %dma_wait3A_2418] : memref<4x200x32xf32, #tpu.memory_space<vmem>> -> memref<1x200x32xf32, #tpu.memory_space<vmem>>
        %dma_wait3A_2420 = tpu.memref_squeeze %dma_wait3A_2419 : memref<1x200x32xf32, #tpu.memory_space<vmem>> -> memref<200x32xf32, #tpu.memory_space<vmem>>
        %dma_wait3A_2421 = arith.constant 128 : i32
        %dma_wait3A_2422 = arith.constant 0 : i32
        %dma_wait3A_2423 = tpu.memref_slice %dma_wait3A_2420[%dma_wait3A_2421, %dma_wait3A_2422] : memref<200x32xf32, #tpu.memory_space<vmem>> -> memref<72x32xf32, #tpu.memory_space<vmem>>
        %dma_wait3A_2424 = arith.constant 0 : i32
        %dma_wait3A_2425 = arith.constant 0 : i32
        %dma_wait3A_2426 = tpu.memref_slice %arg5[%dma_wait3A_2407, %dma_wait3A_2424, %dma_wait3A_2425] : memref<4x4x200xi32, #tpu.memory_space<vmem>> -> memref<1x4x200xi32, #tpu.memory_space<vmem>>
        %dma_wait3A_2427 = tpu.memref_squeeze %dma_wait3A_2426 : memref<1x4x200xi32, #tpu.memory_space<vmem>> -> memref<4x200xi32, #tpu.memory_space<vmem>>
        %dma_wait3A_2428 = arith.constant 0 : i32
        %dma_wait3A_2429 = tpu.memref_slice %dma_wait3A_2427[%dma_wait3A_2408, %dma_wait3A_2428] : memref<4x200xi32, #tpu.memory_space<vmem>> -> memref<1x200xi32, #tpu.memory_space<vmem>>
        %dma_wait3A_2430 = tpu.memref_squeeze %dma_wait3A_2429 : memref<1x200xi32, #tpu.memory_space<vmem>> -> memref<200xi32, #tpu.memory_space<vmem>>
        %dma_wait3A_2431 = arith.constant 128 : i32
        %dma_wait3A_2432 = tpu.memref_slice %dma_wait3A_2430[%dma_wait3A_2431] : memref<200xi32, #tpu.memory_space<vmem>> -> memref<72xi32, #tpu.memory_space<vmem>>
        %dma_wait3A_2433 = arith.constant 0 : i32
        %dma_wait3A_2434 = arith.constant 0 : i32
        %dma_wait3A_2435 = tpu.memref_slice %arg3[%dma_wait3A_2433, %dma_wait3A_2434] : memref<1000000x32xf32, #tpu.memory_space<hbm>> -> memref<1000000x32xf32, #tpu.memory_space<hbm>>
        %dma_wait3A_2436 = tpu.memref_slice %arg8[%dma_wait3A_2411] : memref<4x!tpu.dma_semaphore, #tpu.memory_space<semaphore_mem>> -> memref<1x!tpu.dma_semaphore, #tpu.memory_space<semaphore_mem>>
        %dma_wait3A_2437 = tpu.memref_squeeze %dma_wait3A_2436 : memref<1x!tpu.dma_semaphore, #tpu.memory_space<semaphore_mem>> -> memref<!tpu.dma_semaphore, #tpu.memory_space<semaphore_mem>>
        tpu.wait_indirect_dma semaphore(%dma_wait3A_2437 : memref<!tpu.dma_semaphore, #tpu.memory_space<semaphore_mem>>) src(%dma_wait3A_2435 : memref<1000000x32xf32, #tpu.memory_space<hbm>>) dst(%dma_wait3A_2423 : memref<72x32xf32, #tpu.memory_space<vmem>>)
        %dma_wait3A_2438 = arith.constant 3 : i32
        %dma_wait3A_2439 = arith.constant 1 : i32
        %dma_wait3A_2440 = arith.constant 3 : i32
        %dma_wait3A_2441 = arith.constant 1 : i32
        %dma_wait3A_2442 = arith.constant 3 : i32
        %dma_wait3A_2443 = arith.constant 0 : i32
        %dma_wait3A_2444 = arith.constant 0 : i32
        %dma_wait3A_2445 = arith.constant 0 : i32
        %dma_wait3A_2446 = tpu.memref_slice %arg6[%dma_wait3A_2440, %dma_wait3A_2443, %dma_wait3A_2444, %dma_wait3A_2445] : memref<4x4x200x32xf32, #tpu.memory_space<vmem>> -> memref<1x4x200x32xf32, #tpu.memory_space<vmem>>
        %dma_wait3A_2447 = tpu.memref_squeeze %dma_wait3A_2446 : memref<1x4x200x32xf32, #tpu.memory_space<vmem>> -> memref<4x200x32xf32, #tpu.memory_space<vmem>>
        %dma_wait3A_2448 = arith.constant 0 : i32
        %dma_wait3A_2449 = arith.constant 0 : i32
        %dma_wait3A_2450 = tpu.memref_slice %dma_wait3A_2447[%dma_wait3A_2441, %dma_wait3A_2448, %dma_wait3A_2449] : memref<4x200x32xf32, #tpu.memory_space<vmem>> -> memref<1x200x32xf32, #tpu.memory_space<vmem>>
        %dma_wait3A_2451 = tpu.memref_squeeze %dma_wait3A_2450 : memref<1x200x32xf32, #tpu.memory_space<vmem>> -> memref<200x32xf32, #tpu.memory_space<vmem>>
        %dma_wait3A_2452 = arith.constant 0 : i32
        %dma_wait3A_2453 = arith.constant 0 : i32
        %dma_wait3A_2454 = tpu.memref_slice %dma_wait3A_2451[%dma_wait3A_2452, %dma_wait3A_2453] : memref<200x32xf32, #tpu.memory_space<vmem>> -> memref<128x32xf32, #tpu.memory_space<vmem>>
        %dma_wait3A_2455 = arith.constant 0 : i32
        %dma_wait3A_2456 = arith.constant 0 : i32
        %dma_wait3A_2457 = tpu.memref_slice %arg5[%dma_wait3A_2438, %dma_wait3A_2455, %dma_wait3A_2456] : memref<4x4x200xi32, #tpu.memory_space<vmem>> -> memref<1x4x200xi32, #tpu.memory_space<vmem>>
        %dma_wait3A_2458 = tpu.memref_squeeze %dma_wait3A_2457 : memref<1x4x200xi32, #tpu.memory_space<vmem>> -> memref<4x200xi32, #tpu.memory_space<vmem>>
        %dma_wait3A_2459 = arith.constant 0 : i32
        %dma_wait3A_2460 = tpu.memref_slice %dma_wait3A_2458[%dma_wait3A_2439, %dma_wait3A_2459] : memref<4x200xi32, #tpu.memory_space<vmem>> -> memref<1x200xi32, #tpu.memory_space<vmem>>
        %dma_wait3A_2461 = tpu.memref_squeeze %dma_wait3A_2460 : memref<1x200xi32, #tpu.memory_space<vmem>> -> memref<200xi32, #tpu.memory_space<vmem>>
        %dma_wait3A_2462 = arith.constant 0 : i32
        %dma_wait3A_2463 = tpu.memref_slice %dma_wait3A_2461[%dma_wait3A_2462] : memref<200xi32, #tpu.memory_space<vmem>> -> memref<128xi32, #tpu.memory_space<vmem>>
        %dma_wait3A_2464 = arith.constant 0 : i32
        %dma_wait3A_2465 = arith.constant 0 : i32
        %dma_wait3A_2466 = tpu.memref_slice %arg3[%dma_wait3A_2464, %dma_wait3A_2465] : memref<1000000x32xf32, #tpu.memory_space<hbm>> -> memref<1000000x32xf32, #tpu.memory_space<hbm>>
        %dma_wait3A_2467 = tpu.memref_slice %arg8[%dma_wait3A_2442] : memref<4x!tpu.dma_semaphore, #tpu.memory_space<semaphore_mem>> -> memref<1x!tpu.dma_semaphore, #tpu.memory_space<semaphore_mem>>
        %dma_wait3A_2468 = tpu.memref_squeeze %dma_wait3A_2467 : memref<1x!tpu.dma_semaphore, #tpu.memory_space<semaphore_mem>> -> memref<!tpu.dma_semaphore, #tpu.memory_space<semaphore_mem>>
        tpu.wait_indirect_dma semaphore(%dma_wait3A_2468 : memref<!tpu.dma_semaphore, #tpu.memory_space<semaphore_mem>>) src(%dma_wait3A_2466 : memref<1000000x32xf32, #tpu.memory_space<hbm>>) dst(%dma_wait3A_2454 : memref<128x32xf32, #tpu.memory_space<vmem>>)
        %dma_wait3A_2469 = arith.constant 3 : i32
        %dma_wait3A_2470 = arith.constant 1 : i32
        %dma_wait3A_2471 = arith.constant 3 : i32
        %dma_wait3A_2472 = arith.constant 1 : i32
        %dma_wait3A_2473 = arith.constant 3 : i32
        %dma_wait3A_2474 = arith.constant 0 : i32
        %dma_wait3A_2475 = arith.constant 0 : i32
        %dma_wait3A_2476 = arith.constant 0 : i32
        %dma_wait3A_2477 = tpu.memref_slice %arg6[%dma_wait3A_2471, %dma_wait3A_2474, %dma_wait3A_2475, %dma_wait3A_2476] : memref<4x4x200x32xf32, #tpu.memory_space<vmem>> -> memref<1x4x200x32xf32, #tpu.memory_space<vmem>>
        %dma_wait3A_2478 = tpu.memref_squeeze %dma_wait3A_2477 : memref<1x4x200x32xf32, #tpu.memory_space<vmem>> -> memref<4x200x32xf32, #tpu.memory_space<vmem>>
        %dma_wait3A_2479 = arith.constant 0 : i32
        %dma_wait3A_2480 = arith.constant 0 : i32
        %dma_wait3A_2481 = tpu.memref_slice %dma_wait3A_2478[%dma_wait3A_2472, %dma_wait3A_2479, %dma_wait3A_2480] : memref<4x200x32xf32, #tpu.memory_space<vmem>> -> memref<1x200x32xf32, #tpu.memory_space<vmem>>
        %dma_wait3A_2482 = tpu.memref_squeeze %dma_wait3A_2481 : memref<1x200x32xf32, #tpu.memory_space<vmem>> -> memref<200x32xf32, #tpu.memory_space<vmem>>
        %dma_wait3A_2483 = arith.constant 128 : i32
        %dma_wait3A_2484 = arith.constant 0 : i32
        %dma_wait3A_2485 = tpu.memref_slice %dma_wait3A_2482[%dma_wait3A_2483, %dma_wait3A_2484] : memref<200x32xf32, #tpu.memory_space<vmem>> -> memref<72x32xf32, #tpu.memory_space<vmem>>
        %dma_wait3A_2486 = arith.constant 0 : i32
        %dma_wait3A_2487 = arith.constant 0 : i32
        %dma_wait3A_2488 = tpu.memref_slice %arg5[%dma_wait3A_2469, %dma_wait3A_2486, %dma_wait3A_2487] : memref<4x4x200xi32, #tpu.memory_space<vmem>> -> memref<1x4x200xi32, #tpu.memory_space<vmem>>
        %dma_wait3A_2489 = tpu.memref_squeeze %dma_wait3A_2488 : memref<1x4x200xi32, #tpu.memory_space<vmem>> -> memref<4x200xi32, #tpu.memory_space<vmem>>
        %dma_wait3A_2490 = arith.constant 0 : i32
        %dma_wait3A_2491 = tpu.memref_slice %dma_wait3A_2489[%dma_wait3A_2470, %dma_wait3A_2490] : memref<4x200xi32, #tpu.memory_space<vmem>> -> memref<1x200xi32, #tpu.memory_space<vmem>>
        %dma_wait3A_2492 = tpu.memref_squeeze %dma_wait3A_2491 : memref<1x200xi32, #tpu.memory_space<vmem>> -> memref<200xi32, #tpu.memory_space<vmem>>
        %dma_wait3A_2493 = arith.constant 128 : i32
        %dma_wait3A_2494 = tpu.memref_slice %dma_wait3A_2492[%dma_wait3A_2493] : memref<200xi32, #tpu.memory_space<vmem>> -> memref<72xi32, #tpu.memory_space<vmem>>
        %dma_wait3A_2495 = arith.constant 0 : i32
        %dma_wait3A_2496 = arith.constant 0 : i32
        %dma_wait3A_2497 = tpu.memref_slice %arg3[%dma_wait3A_2495, %dma_wait3A_2496] : memref<1000000x32xf32, #tpu.memory_space<hbm>> -> memref<1000000x32xf32, #tpu.memory_space<hbm>>
        %dma_wait3A_2498 = tpu.memref_slice %arg8[%dma_wait3A_2473] : memref<4x!tpu.dma_semaphore, #tpu.memory_space<semaphore_mem>> -> memref<1x!tpu.dma_semaphore, #tpu.memory_space<semaphore_mem>>
        %dma_wait3A_2499 = tpu.memref_squeeze %dma_wait3A_2498 : memref<1x!tpu.dma_semaphore, #tpu.memory_space<semaphore_mem>> -> memref<!tpu.dma_semaphore, #tpu.memory_space<semaphore_mem>>
        tpu.wait_indirect_dma semaphore(%dma_wait3A_2499 : memref<!tpu.dma_semaphore, #tpu.memory_space<semaphore_mem>>) src(%dma_wait3A_2497 : memref<1000000x32xf32, #tpu.memory_space<hbm>>) dst(%dma_wait3A_2485 : memref<72x32xf32, #tpu.memory_space<vmem>>)
        %dma_wait3A_2500 = arith.constant 3 : i32
        %dma_wait3A_2501 = arith.constant 2 : i32
        %dma_wait3A_2502 = arith.constant 3 : i32
        %dma_wait3A_2503 = arith.constant 2 : i32
        %dma_wait3A_2504 = arith.constant 3 : i32
        %dma_wait3A_2505 = arith.constant 0 : i32
        %dma_wait3A_2506 = arith.constant 0 : i32
        %dma_wait3A_2507 = arith.constant 0 : i32
        %dma_wait3A_2508 = tpu.memref_slice %arg6[%dma_wait3A_2502, %dma_wait3A_2505, %dma_wait3A_2506, %dma_wait3A_2507] : memref<4x4x200x32xf32, #tpu.memory_space<vmem>> -> memref<1x4x200x32xf32, #tpu.memory_space<vmem>>
        %dma_wait3A_2509 = tpu.memref_squeeze %dma_wait3A_2508 : memref<1x4x200x32xf32, #tpu.memory_space<vmem>> -> memref<4x200x32xf32, #tpu.memory_space<vmem>>
        %dma_wait3A_2510 = arith.constant 0 : i32
        %dma_wait3A_2511 = arith.constant 0 : i32
        %dma_wait3A_2512 = tpu.memref_slice %dma_wait3A_2509[%dma_wait3A_2503, %dma_wait3A_2510, %dma_wait3A_2511] : memref<4x200x32xf32, #tpu.memory_space<vmem>> -> memref<1x200x32xf32, #tpu.memory_space<vmem>>
        %dma_wait3A_2513 = tpu.memref_squeeze %dma_wait3A_2512 : memref<1x200x32xf32, #tpu.memory_space<vmem>> -> memref<200x32xf32, #tpu.memory_space<vmem>>
        %dma_wait3A_2514 = arith.constant 0 : i32
        %dma_wait3A_2515 = arith.constant 0 : i32
        %dma_wait3A_2516 = tpu.memref_slice %dma_wait3A_2513[%dma_wait3A_2514, %dma_wait3A_2515] : memref<200x32xf32, #tpu.memory_space<vmem>> -> memref<128x32xf32, #tpu.memory_space<vmem>>
        %dma_wait3A_2517 = arith.constant 0 : i32
        %dma_wait3A_2518 = arith.constant 0 : i32
        %dma_wait3A_2519 = tpu.memref_slice %arg5[%dma_wait3A_2500, %dma_wait3A_2517, %dma_wait3A_2518] : memref<4x4x200xi32, #tpu.memory_space<vmem>> -> memref<1x4x200xi32, #tpu.memory_space<vmem>>
        %dma_wait3A_2520 = tpu.memref_squeeze %dma_wait3A_2519 : memref<1x4x200xi32, #tpu.memory_space<vmem>> -> memref<4x200xi32, #tpu.memory_space<vmem>>
        %dma_wait3A_2521 = arith.constant 0 : i32
        %dma_wait3A_2522 = tpu.memref_slice %dma_wait3A_2520[%dma_wait3A_2501, %dma_wait3A_2521] : memref<4x200xi32, #tpu.memory_space<vmem>> -> memref<1x200xi32, #tpu.memory_space<vmem>>
        %dma_wait3A_2523 = tpu.memref_squeeze %dma_wait3A_2522 : memref<1x200xi32, #tpu.memory_space<vmem>> -> memref<200xi32, #tpu.memory_space<vmem>>
        %dma_wait3A_2524 = arith.constant 0 : i32
        %dma_wait3A_2525 = tpu.memref_slice %dma_wait3A_2523[%dma_wait3A_2524] : memref<200xi32, #tpu.memory_space<vmem>> -> memref<128xi32, #tpu.memory_space<vmem>>
        %dma_wait3A_2526 = arith.constant 0 : i32
        %dma_wait3A_2527 = arith.constant 0 : i32
        %dma_wait3A_2528 = tpu.memref_slice %arg3[%dma_wait3A_2526, %dma_wait3A_2527] : memref<1000000x32xf32, #tpu.memory_space<hbm>> -> memref<1000000x32xf32, #tpu.memory_space<hbm>>
        %dma_wait3A_2529 = tpu.memref_slice %arg8[%dma_wait3A_2504] : memref<4x!tpu.dma_semaphore, #tpu.memory_space<semaphore_mem>> -> memref<1x!tpu.dma_semaphore, #tpu.memory_space<semaphore_mem>>
        %dma_wait3A_2530 = tpu.memref_squeeze %dma_wait3A_2529 : memref<1x!tpu.dma_semaphore, #tpu.memory_space<semaphore_mem>> -> memref<!tpu.dma_semaphore, #tpu.memory_space<semaphore_mem>>
        tpu.wait_indirect_dma semaphore(%dma_wait3A_2530 : memref<!tpu.dma_semaphore, #tpu.memory_space<semaphore_mem>>) src(%dma_wait3A_2528 : memref<1000000x32xf32, #tpu.memory_space<hbm>>) dst(%dma_wait3A_2516 : memref<128x32xf32, #tpu.memory_space<vmem>>)
        %dma_wait3A_2531 = arith.constant 3 : i32
        %dma_wait3A_2532 = arith.constant 2 : i32
        %dma_wait3A_2533 = arith.constant 3 : i32
        %dma_wait3A_2534 = arith.constant 2 : i32
        %dma_wait3A_2535 = arith.constant 3 : i32
        %dma_wait3A_2536 = arith.constant 0 : i32
        %dma_wait3A_2537 = arith.constant 0 : i32
        %dma_wait3A_2538 = arith.constant 0 : i32
        %dma_wait3A_2539 = tpu.memref_slice %arg6[%dma_wait3A_2533, %dma_wait3A_2536, %dma_wait3A_2537, %dma_wait3A_2538] : memref<4x4x200x32xf32, #tpu.memory_space<vmem>> -> memref<1x4x200x32xf32, #tpu.memory_space<vmem>>
        %dma_wait3A_2540 = tpu.memref_squeeze %dma_wait3A_2539 : memref<1x4x200x32xf32, #tpu.memory_space<vmem>> -> memref<4x200x32xf32, #tpu.memory_space<vmem>>
        %dma_wait3A_2541 = arith.constant 0 : i32
        %dma_wait3A_2542 = arith.constant 0 : i32
        %dma_wait3A_2543 = tpu.memref_slice %dma_wait3A_2540[%dma_wait3A_2534, %dma_wait3A_2541, %dma_wait3A_2542] : memref<4x200x32xf32, #tpu.memory_space<vmem>> -> memref<1x200x32xf32, #tpu.memory_space<vmem>>
        %dma_wait3A_2544 = tpu.memref_squeeze %dma_wait3A_2543 : memref<1x200x32xf32, #tpu.memory_space<vmem>> -> memref<200x32xf32, #tpu.memory_space<vmem>>
        %dma_wait3A_2545 = arith.constant 128 : i32
        %dma_wait3A_2546 = arith.constant 0 : i32
        %dma_wait3A_2547 = tpu.memref_slice %dma_wait3A_2544[%dma_wait3A_2545, %dma_wait3A_2546] : memref<200x32xf32, #tpu.memory_space<vmem>> -> memref<72x32xf32, #tpu.memory_space<vmem>>
        %dma_wait3A_2548 = arith.constant 0 : i32
        %dma_wait3A_2549 = arith.constant 0 : i32
        %dma_wait3A_2550 = tpu.memref_slice %arg5[%dma_wait3A_2531, %dma_wait3A_2548, %dma_wait3A_2549] : memref<4x4x200xi32, #tpu.memory_space<vmem>> -> memref<1x4x200xi32, #tpu.memory_space<vmem>>
        %dma_wait3A_2551 = tpu.memref_squeeze %dma_wait3A_2550 : memref<1x4x200xi32, #tpu.memory_space<vmem>> -> memref<4x200xi32, #tpu.memory_space<vmem>>
        %dma_wait3A_2552 = arith.constant 0 : i32
        %dma_wait3A_2553 = tpu.memref_slice %dma_wait3A_2551[%dma_wait3A_2532, %dma_wait3A_2552] : memref<4x200xi32, #tpu.memory_space<vmem>> -> memref<1x200xi32, #tpu.memory_space<vmem>>
        %dma_wait3A_2554 = tpu.memref_squeeze %dma_wait3A_2553 : memref<1x200xi32, #tpu.memory_space<vmem>> -> memref<200xi32, #tpu.memory_space<vmem>>
        %dma_wait3A_2555 = arith.constant 128 : i32
        %dma_wait3A_2556 = tpu.memref_slice %dma_wait3A_2554[%dma_wait3A_2555] : memref<200xi32, #tpu.memory_space<vmem>> -> memref<72xi32, #tpu.memory_space<vmem>>
        %dma_wait3A_2557 = arith.constant 0 : i32
        %dma_wait3A_2558 = arith.constant 0 : i32
        %dma_wait3A_2559 = tpu.memref_slice %arg3[%dma_wait3A_2557, %dma_wait3A_2558] : memref<1000000x32xf32, #tpu.memory_space<hbm>> -> memref<1000000x32xf32, #tpu.memory_space<hbm>>
        %dma_wait3A_2560 = tpu.memref_slice %arg8[%dma_wait3A_2535] : memref<4x!tpu.dma_semaphore, #tpu.memory_space<semaphore_mem>> -> memref<1x!tpu.dma_semaphore, #tpu.memory_space<semaphore_mem>>
        %dma_wait3A_2561 = tpu.memref_squeeze %dma_wait3A_2560 : memref<1x!tpu.dma_semaphore, #tpu.memory_space<semaphore_mem>> -> memref<!tpu.dma_semaphore, #tpu.memory_space<semaphore_mem>>
        tpu.wait_indirect_dma semaphore(%dma_wait3A_2561 : memref<!tpu.dma_semaphore, #tpu.memory_space<semaphore_mem>>) src(%dma_wait3A_2559 : memref<1000000x32xf32, #tpu.memory_space<hbm>>) dst(%dma_wait3A_2547 : memref<72x32xf32, #tpu.memory_space<vmem>>)
        %dma_wait3A_2562 = arith.constant 3 : i32
        %dma_wait3A_2563 = arith.constant 3 : i32
        %dma_wait3A_2564 = arith.constant 3 : i32
        %dma_wait3A_2565 = arith.constant 3 : i32
        %dma_wait3A_2566 = arith.constant 3 : i32
        %dma_wait3A_2567 = arith.constant 0 : i32
        %dma_wait3A_2568 = arith.constant 0 : i32
        %dma_wait3A_2569 = arith.constant 0 : i32
        %dma_wait3A_2570 = tpu.memref_slice %arg6[%dma_wait3A_2564, %dma_wait3A_2567, %dma_wait3A_2568, %dma_wait3A_2569] : memref<4x4x200x32xf32, #tpu.memory_space<vmem>> -> memref<1x4x200x32xf32, #tpu.memory_space<vmem>>
        %dma_wait3A_2571 = tpu.memref_squeeze %dma_wait3A_2570 : memref<1x4x200x32xf32, #tpu.memory_space<vmem>> -> memref<4x200x32xf32, #tpu.memory_space<vmem>>
        %dma_wait3A_2572 = arith.constant 0 : i32
        %dma_wait3A_2573 = arith.constant 0 : i32
        %dma_wait3A_2574 = tpu.memref_slice %dma_wait3A_2571[%dma_wait3A_2565, %dma_wait3A_2572, %dma_wait3A_2573] : memref<4x200x32xf32, #tpu.memory_space<vmem>> -> memref<1x200x32xf32, #tpu.memory_space<vmem>>
        %dma_wait3A_2575 = tpu.memref_squeeze %dma_wait3A_2574 : memref<1x200x32xf32, #tpu.memory_space<vmem>> -> memref<200x32xf32, #tpu.memory_space<vmem>>
        %dma_wait3A_2576 = arith.constant 0 : i32
        %dma_wait3A_2577 = arith.constant 0 : i32
        %dma_wait3A_2578 = tpu.memref_slice %dma_wait3A_2575[%dma_wait3A_2576, %dma_wait3A_2577] : memref<200x32xf32, #tpu.memory_space<vmem>> -> memref<128x32xf32, #tpu.memory_space<vmem>>
        %dma_wait3A_2579 = arith.constant 0 : i32
        %dma_wait3A_2580 = arith.constant 0 : i32
        %dma_wait3A_2581 = tpu.memref_slice %arg5[%dma_wait3A_2562, %dma_wait3A_2579, %dma_wait3A_2580] : memref<4x4x200xi32, #tpu.memory_space<vmem>> -> memref<1x4x200xi32, #tpu.memory_space<vmem>>
        %dma_wait3A_2582 = tpu.memref_squeeze %dma_wait3A_2581 : memref<1x4x200xi32, #tpu.memory_space<vmem>> -> memref<4x200xi32, #tpu.memory_space<vmem>>
        %dma_wait3A_2583 = arith.constant 0 : i32
        %dma_wait3A_2584 = tpu.memref_slice %dma_wait3A_2582[%dma_wait3A_2563, %dma_wait3A_2583] : memref<4x200xi32, #tpu.memory_space<vmem>> -> memref<1x200xi32, #tpu.memory_space<vmem>>
        %dma_wait3A_2585 = tpu.memref_squeeze %dma_wait3A_2584 : memref<1x200xi32, #tpu.memory_space<vmem>> -> memref<200xi32, #tpu.memory_space<vmem>>
        %dma_wait3A_2586 = arith.constant 0 : i32
        %dma_wait3A_2587 = tpu.memref_slice %dma_wait3A_2585[%dma_wait3A_2586] : memref<200xi32, #tpu.memory_space<vmem>> -> memref<128xi32, #tpu.memory_space<vmem>>
        %dma_wait3A_2588 = arith.constant 0 : i32
        %dma_wait3A_2589 = arith.constant 0 : i32
        %dma_wait3A_2590 = tpu.memref_slice %arg3[%dma_wait3A_2588, %dma_wait3A_2589] : memref<1000000x32xf32, #tpu.memory_space<hbm>> -> memref<1000000x32xf32, #tpu.memory_space<hbm>>
        %dma_wait3A_2591 = tpu.memref_slice %arg8[%dma_wait3A_2566] : memref<4x!tpu.dma_semaphore, #tpu.memory_space<semaphore_mem>> -> memref<1x!tpu.dma_semaphore, #tpu.memory_space<semaphore_mem>>
        %dma_wait3A_2592 = tpu.memref_squeeze %dma_wait3A_2591 : memref<1x!tpu.dma_semaphore, #tpu.memory_space<semaphore_mem>> -> memref<!tpu.dma_semaphore, #tpu.memory_space<semaphore_mem>>
        tpu.wait_indirect_dma semaphore(%dma_wait3A_2592 : memref<!tpu.dma_semaphore, #tpu.memory_space<semaphore_mem>>) src(%dma_wait3A_2590 : memref<1000000x32xf32, #tpu.memory_space<hbm>>) dst(%dma_wait3A_2578 : memref<128x32xf32, #tpu.memory_space<vmem>>)
        %dma_wait3A_2593 = arith.constant 3 : i32
        %dma_wait3A_2594 = arith.constant 3 : i32
        %dma_wait3A_2595 = arith.constant 3 : i32
        %dma_wait3A_2596 = arith.constant 3 : i32
        %dma_wait3A_2597 = arith.constant 3 : i32
        %dma_wait3A_2598 = arith.constant 0 : i32
        %dma_wait3A_2599 = arith.constant 0 : i32
        %dma_wait3A_2600 = arith.constant 0 : i32
        %dma_wait3A_2601 = tpu.memref_slice %arg6[%dma_wait3A_2595, %dma_wait3A_2598, %dma_wait3A_2599, %dma_wait3A_2600] : memref<4x4x200x32xf32, #tpu.memory_space<vmem>> -> memref<1x4x200x32xf32, #tpu.memory_space<vmem>>
        %dma_wait3A_2602 = tpu.memref_squeeze %dma_wait3A_2601 : memref<1x4x200x32xf32, #tpu.memory_space<vmem>> -> memref<4x200x32xf32, #tpu.memory_space<vmem>>
        %dma_wait3A_2603 = arith.constant 0 : i32
        %dma_wait3A_2604 = arith.constant 0 : i32
        %dma_wait3A_2605 = tpu.memref_slice %dma_wait3A_2602[%dma_wait3A_2596, %dma_wait3A_2603, %dma_wait3A_2604] : memref<4x200x32xf32, #tpu.memory_space<vmem>> -> memref<1x200x32xf32, #tpu.memory_space<vmem>>
        %dma_wait3A_2606 = tpu.memref_squeeze %dma_wait3A_2605 : memref<1x200x32xf32, #tpu.memory_space<vmem>> -> memref<200x32xf32, #tpu.memory_space<vmem>>
        %dma_wait3A_2607 = arith.constant 128 : i32
        %dma_wait3A_2608 = arith.constant 0 : i32
        %dma_wait3A_2609 = tpu.memref_slice %dma_wait3A_2606[%dma_wait3A_2607, %dma_wait3A_2608] : memref<200x32xf32, #tpu.memory_space<vmem>> -> memref<72x32xf32, #tpu.memory_space<vmem>>
        %dma_wait3A_2610 = arith.constant 0 : i32
        %dma_wait3A_2611 = arith.constant 0 : i32
        %dma_wait3A_2612 = tpu.memref_slice %arg5[%dma_wait3A_2593, %dma_wait3A_2610, %dma_wait3A_2611] : memref<4x4x200xi32, #tpu.memory_space<vmem>> -> memref<1x4x200xi32, #tpu.memory_space<vmem>>
        %dma_wait3A_2613 = tpu.memref_squeeze %dma_wait3A_2612 : memref<1x4x200xi32, #tpu.memory_space<vmem>> -> memref<4x200xi32, #tpu.memory_space<vmem>>
        %dma_wait3A_2614 = arith.constant 0 : i32
        %dma_wait3A_2615 = tpu.memref_slice %dma_wait3A_2613[%dma_wait3A_2594, %dma_wait3A_2614] : memref<4x200xi32, #tpu.memory_space<vmem>> -> memref<1x200xi32, #tpu.memory_space<vmem>>
        %dma_wait3A_2616 = tpu.memref_squeeze %dma_wait3A_2615 : memref<1x200xi32, #tpu.memory_space<vmem>> -> memref<200xi32, #tpu.memory_space<vmem>>
        %dma_wait3A_2617 = arith.constant 128 : i32
        %dma_wait3A_2618 = tpu.memref_slice %dma_wait3A_2616[%dma_wait3A_2617] : memref<200xi32, #tpu.memory_space<vmem>> -> memref<72xi32, #tpu.memory_space<vmem>>
        %dma_wait3A_2619 = arith.constant 0 : i32
        %dma_wait3A_2620 = arith.constant 0 : i32
        %dma_wait3A_2621 = tpu.memref_slice %arg3[%dma_wait3A_2619, %dma_wait3A_2620] : memref<1000000x32xf32, #tpu.memory_space<hbm>> -> memref<1000000x32xf32, #tpu.memory_space<hbm>>
        %dma_wait3A_2622 = tpu.memref_slice %arg8[%dma_wait3A_2597] : memref<4x!tpu.dma_semaphore, #tpu.memory_space<semaphore_mem>> -> memref<1x!tpu.dma_semaphore, #tpu.memory_space<semaphore_mem>>
        %dma_wait3A_2623 = tpu.memref_squeeze %dma_wait3A_2622 : memref<1x!tpu.dma_semaphore, #tpu.memory_space<semaphore_mem>> -> memref<!tpu.dma_semaphore, #tpu.memory_space<semaphore_mem>>
        tpu.wait_indirect_dma semaphore(%dma_wait3A_2623 : memref<!tpu.dma_semaphore, #tpu.memory_space<semaphore_mem>>) src(%dma_wait3A_2621 : memref<1000000x32xf32, #tpu.memory_space<hbm>>) dst(%dma_wait3A_2609 : memref<72x32xf32, #tpu.memory_space<vmem>>)
        %mul3A_2624 = arith.constant 4 : i32
        %mul3A_2625 = arith.muli %sub3A_2375, %mul3A_2624 : i32
        %add3A_2626 = arith.addi %mul3A_2, %mul3A_2625 : i32
        %dma_start3A_2627 = arith.constant 3 : i32
        %dma_start3A_2628 = arith.constant 3 : i32
        %dma_start3A_2629 = arith.constant 0 : i32
        %dma_start3A_2630 = arith.constant 0 : i32
        %dma_start3A_2631 = arith.constant 0 : i32
        %dma_start3A_2632 = tpu.memref_slice %arg6[%dma_start3A_2627, %dma_start3A_2629, %dma_start3A_2630, %dma_start3A_2631] : memref<4x4x200x32xf32, #tpu.memory_space<vmem>> -> memref<1x4x200x32xf32, #tpu.memory_space<vmem>>
        %dma_start3A_2633 = tpu.memref_squeeze %dma_start3A_2632 : memref<1x4x200x32xf32, #tpu.memory_space<vmem>> -> memref<4x200x32xf32, #tpu.memory_space<vmem>>
        %dma_start3A_2634 = arith.constant 0 : i32
        %dma_start3A_2635 = arith.constant 0 : i32
        %dma_start3A_2636 = tpu.memref_slice %arg4[%add3A_2626, %dma_start3A_2634, %dma_start3A_2635] : memref<16384x200x32xf32, #tpu.memory_space<hbm>> -> memref<4x200x32xf32, #tpu.memory_space<hbm>>
        %dma_start3A_2637 = tpu.memref_slice %arg9[%dma_start3A_2628] : memref<4x!tpu.dma_semaphore, #tpu.memory_space<semaphore_mem>> -> memref<1x!tpu.dma_semaphore, #tpu.memory_space<semaphore_mem>>
        %dma_start3A_2638 = tpu.memref_squeeze %dma_start3A_2637 : memref<1x!tpu.dma_semaphore, #tpu.memory_space<semaphore_mem>> -> memref<!tpu.dma_semaphore, #tpu.memory_space<semaphore_mem>>
        %dma_start3A_2639 = arith.constant 0 : i32
        %dma_start3A_2640 = arith.constant 0 : i32
        %dma_start3A_2641 = tpu.memref_slice %arg4[%add3A_2626, %dma_start3A_2639, %dma_start3A_2640] : memref<16384x200x32xf32, #tpu.memory_space<hbm>> -> memref<4x200x32xf32, #tpu.memory_space<hbm>>
        %dma_start3A_2642 = arith.constant 0 : i32
        %dma_start3A_2643 = arith.constant 0 : i32
        %dma_start3A_2644 = arith.constant 0 : i32
        %dma_start3A_2645 = tpu.memref_slice %arg6[%dma_start3A_2627, %dma_start3A_2642, %dma_start3A_2643, %dma_start3A_2644] : memref<4x4x200x32xf32, #tpu.memory_space<vmem>> -> memref<1x4x200x32xf32, #tpu.memory_space<vmem>>
        %dma_start3A_2646 = tpu.memref_squeeze %dma_start3A_2645 : memref<1x4x200x32xf32, #tpu.memory_space<vmem>> -> memref<4x200x32xf32, #tpu.memory_space<vmem>>
        tpu.enqueue_dma source(%dma_start3A_2646 : memref<4x200x32xf32, #tpu.memory_space<vmem>>) target(%dma_start3A_2641 : memref<4x200x32xf32, #tpu.memory_space<hbm>>) target_semaphore(%dma_start3A_2638 : memref<!tpu.dma_semaphore, #tpu.memory_space<semaphore_mem>>)
      } else {
      }
      %add3A_661 = arith.constant 1 : i32
      %add3A_662 = arith.addi %add3A_386, %add3A_661 : i32
      %mul3A_663 = arith.constant 4 : i32
      %mul3A_664 = arith.muli %add3A_662, %mul3A_663 : i32
      %add3A_665 = arith.addi %mul3A_2, %mul3A_664 : i32
      %dma_start3A_666 = arith.constant 1 : i32
      %dma_start3A_667 = arith.constant 1 : i32
      %dma_start3A_668 = arith.constant 0 : i32
      %dma_start3A_669 = arith.constant 0 : i32
      %dma_start3A_670 = tpu.memref_slice %arg5[%dma_start3A_666, %dma_start3A_668, %dma_start3A_669] : memref<4x4x200xi32, #tpu.memory_space<vmem>> -> memref<1x4x200xi32, #tpu.memory_space<vmem>>
      %dma_start3A_671 = tpu.memref_squeeze %dma_start3A_670 : memref<1x4x200xi32, #tpu.memory_space<vmem>> -> memref<4x200xi32, #tpu.memory_space<vmem>>
      %dma_start3A_672 = arith.constant 0 : i32
      %dma_start3A_673 = tpu.memref_slice %arg2[%add3A_665, %dma_start3A_672] : memref<16384x200xi32, #tpu.memory_space<hbm>> -> memref<4x200xi32, #tpu.memory_space<hbm>>
      %dma_start3A_674 = tpu.memref_slice %arg7[%dma_start3A_667] : memref<4x!tpu.dma_semaphore, #tpu.memory_space<semaphore_mem>> -> memref<1x!tpu.dma_semaphore, #tpu.memory_space<semaphore_mem>>
      %dma_start3A_675 = tpu.memref_squeeze %dma_start3A_674 : memref<1x!tpu.dma_semaphore, #tpu.memory_space<semaphore_mem>> -> memref<!tpu.dma_semaphore, #tpu.memory_space<semaphore_mem>>
      %dma_start3A_676 = arith.constant 0 : i32
      %dma_start3A_677 = arith.constant 0 : i32
      %dma_start3A_678 = tpu.memref_slice %arg5[%dma_start3A_666, %dma_start3A_676, %dma_start3A_677] : memref<4x4x200xi32, #tpu.memory_space<vmem>> -> memref<1x4x200xi32, #tpu.memory_space<vmem>>
      %dma_start3A_679 = tpu.memref_squeeze %dma_start3A_678 : memref<1x4x200xi32, #tpu.memory_space<vmem>> -> memref<4x200xi32, #tpu.memory_space<vmem>>
      %dma_start3A_680 = arith.constant 0 : i32
      %dma_start3A_681 = tpu.memref_slice %arg2[%add3A_665, %dma_start3A_680] : memref<16384x200xi32, #tpu.memory_space<hbm>> -> memref<4x200xi32, #tpu.memory_space<hbm>>
      tpu.enqueue_dma source(%dma_start3A_681 : memref<4x200xi32, #tpu.memory_space<hbm>>) target(%dma_start3A_679 : memref<4x200xi32, #tpu.memory_space<vmem>>) target_semaphore(%dma_start3A_675 : memref<!tpu.dma_semaphore, #tpu.memory_space<semaphore_mem>>)
      %mul3A_682 = arith.constant 4 : i32
      %mul3A_683 = arith.muli %scan3A_382, %mul3A_682 : i32
      %add3A_684 = arith.constant 1 : i32
      %add3A_685 = arith.addi %mul3A_683, %add3A_684 : i32
      %ge3A_686 = arith.constant 1 : i32
      %ge3A_687 = arith.cmpi sge, %scan3A_382, %ge3A_686 : i32
      %convert_element_type3A_688 = arith.extui %ge3A_687 : i1 to i32
      %cond3A_689 = arith.constant 0 : i32
      %cond3A_690 = arith.cmpi ne, %convert_element_type3A_688, %cond3A_689 : i32
      scf.if %cond3A_690 {
        %sub3A_2374 = arith.constant 4 : i32
        %sub3A_2375 = arith.subi %add3A_685, %sub3A_2374 : i32
        %mul3A_2376 = arith.constant 4 : i32
        %mul3A_2377 = arith.muli %sub3A_2375, %mul3A_2376 : i32
        %add3A_2378 = arith.addi %mul3A_2, %mul3A_2377 : i32
        %dma_wait3A_2379 = arith.constant 1 : i32
        %dma_wait3A_2380 = arith.constant 1 : i32
        %dma_wait3A_2381 = arith.constant 0 : i32
        %dma_wait3A_2382 = arith.constant 0 : i32
        %dma_wait3A_2383 = arith.constant 0 : i32
        %dma_wait3A_2384 = tpu.memref_slice %arg6[%dma_wait3A_2379, %dma_wait3A_2381, %dma_wait3A_2382, %dma_wait3A_2383] : memref<4x4x200x32xf32, #tpu.memory_space<vmem>> -> memref<1x4x200x32xf32, #tpu.memory_space<vmem>>
        %dma_wait3A_2385 = tpu.memref_squeeze %dma_wait3A_2384 : memref<1x4x200x32xf32, #tpu.memory_space<vmem>> -> memref<4x200x32xf32, #tpu.memory_space<vmem>>
        %dma_wait3A_2386 = arith.constant 0 : i32
        %dma_wait3A_2387 = arith.constant 0 : i32
        %dma_wait3A_2388 = tpu.memref_slice %arg4[%add3A_2378, %dma_wait3A_2386, %dma_wait3A_2387] : memref<16384x200x32xf32, #tpu.memory_space<hbm>> -> memref<4x200x32xf32, #tpu.memory_space<hbm>>
        %dma_wait3A_2389 = tpu.memref_slice %arg9[%dma_wait3A_2380] : memref<4x!tpu.dma_semaphore, #tpu.memory_space<semaphore_mem>> -> memref<1x!tpu.dma_semaphore, #tpu.memory_space<semaphore_mem>>
        %dma_wait3A_2390 = tpu.memref_squeeze %dma_wait3A_2389 : memref<1x!tpu.dma_semaphore, #tpu.memory_space<semaphore_mem>> -> memref<!tpu.dma_semaphore, #tpu.memory_space<semaphore_mem>>
        %dma_wait3A_2391 = arith.constant 0 : i32
        %dma_wait3A_2392 = arith.constant 0 : i32
        %dma_wait3A_2393 = tpu.memref_slice %arg4[%add3A_2378, %dma_wait3A_2391, %dma_wait3A_2392] : memref<16384x200x32xf32, #tpu.memory_space<hbm>> -> memref<4x200x32xf32, #tpu.memory_space<hbm>>
        %dma_wait3A_2394 = arith.constant 0 : i32
        %dma_wait3A_2395 = arith.constant 0 : i32
        %dma_wait3A_2396 = arith.constant 0 : i32
        %dma_wait3A_2397 = tpu.memref_slice %arg6[%dma_wait3A_2379, %dma_wait3A_2394, %dma_wait3A_2395, %dma_wait3A_2396] : memref<4x4x200x32xf32, #tpu.memory_space<vmem>> -> memref<1x4x200x32xf32, #tpu.memory_space<vmem>>
        %dma_wait3A_2398 = tpu.memref_squeeze %dma_wait3A_2397 : memref<1x4x200x32xf32, #tpu.memory_space<vmem>> -> memref<4x200x32xf32, #tpu.memory_space<vmem>>
        tpu.wait_dma2 semaphore(%dma_wait3A_2390 : memref<!tpu.dma_semaphore, #tpu.memory_space<semaphore_mem>>) src(%dma_wait3A_2398 : memref<4x200x32xf32, #tpu.memory_space<vmem>>) dst(%dma_wait3A_2393 : memref<4x200x32xf32, #tpu.memory_space<hbm>>)
      } else {
      }
      %mul3A_691 = arith.constant 4 : i32
      %mul3A_692 = arith.muli %add3A_685, %mul3A_691 : i32
      %add3A_693 = arith.addi %mul3A_2, %mul3A_692 : i32
      %dma_wait3A_694 = arith.constant 1 : i32
      %dma_wait3A_695 = arith.constant 1 : i32
      %dma_wait3A_696 = arith.constant 0 : i32
      %dma_wait3A_697 = arith.constant 0 : i32
      %dma_wait3A_698 = tpu.memref_slice %arg5[%dma_wait3A_694, %dma_wait3A_696, %dma_wait3A_697] : memref<4x4x200xi32, #tpu.memory_space<vmem>> -> memref<1x4x200xi32, #tpu.memory_space<vmem>>
      %dma_wait3A_699 = tpu.memref_squeeze %dma_wait3A_698 : memref<1x4x200xi32, #tpu.memory_space<vmem>> -> memref<4x200xi32, #tpu.memory_space<vmem>>
      %dma_wait3A_700 = arith.constant 0 : i32
      %dma_wait3A_701 = tpu.memref_slice %arg2[%add3A_693, %dma_wait3A_700] : memref<16384x200xi32, #tpu.memory_space<hbm>> -> memref<4x200xi32, #tpu.memory_space<hbm>>
      %dma_wait3A_702 = tpu.memref_slice %arg7[%dma_wait3A_695] : memref<4x!tpu.dma_semaphore, #tpu.memory_space<semaphore_mem>> -> memref<1x!tpu.dma_semaphore, #tpu.memory_space<semaphore_mem>>
      %dma_wait3A_703 = tpu.memref_squeeze %dma_wait3A_702 : memref<1x!tpu.dma_semaphore, #tpu.memory_space<semaphore_mem>> -> memref<!tpu.dma_semaphore, #tpu.memory_space<semaphore_mem>>
      %dma_wait3A_704 = arith.constant 0 : i32
      %dma_wait3A_705 = arith.constant 0 : i32
      %dma_wait3A_706 = tpu.memref_slice %arg5[%dma_wait3A_694, %dma_wait3A_704, %dma_wait3A_705] : memref<4x4x200xi32, #tpu.memory_space<vmem>> -> memref<1x4x200xi32, #tpu.memory_space<vmem>>
      %dma_wait3A_707 = tpu.memref_squeeze %dma_wait3A_706 : memref<1x4x200xi32, #tpu.memory_space<vmem>> -> memref<4x200xi32, #tpu.memory_space<vmem>>
      %dma_wait3A_708 = arith.constant 0 : i32
      %dma_wait3A_709 = tpu.memref_slice %arg2[%add3A_693, %dma_wait3A_708] : memref<16384x200xi32, #tpu.memory_space<hbm>> -> memref<4x200xi32, #tpu.memory_space<hbm>>
      tpu.wait_dma2 semaphore(%dma_wait3A_703 : memref<!tpu.dma_semaphore, #tpu.memory_space<semaphore_mem>>) src(%dma_wait3A_709 : memref<4x200xi32, #tpu.memory_space<hbm>>) dst(%dma_wait3A_707 : memref<4x200xi32, #tpu.memory_space<vmem>>)
      %dma_start3A_710 = arith.constant 1 : i32
      %dma_start3A_711 = arith.constant 0 : i32
      %dma_start3A_712 = arith.constant 1 : i32
      %dma_start3A_713 = arith.constant 0 : i32
      %dma_start3A_714 = arith.constant 1 : i32
      %dma_start3A_715 = arith.constant 0 : i32
      %dma_start3A_716 = arith.constant 0 : i32
      %dma_start3A_717 = arith.constant 0 : i32
      %dma_start3A_718 = tpu.memref_slice %arg6[%dma_start3A_712, %dma_start3A_715, %dma_start3A_716, %dma_start3A_717] : memref<4x4x200x32xf32, #tpu.memory_space<vmem>> -> memref<1x4x200x32xf32, #tpu.memory_space<vmem>>
      %dma_start3A_719 = tpu.memref_squeeze %dma_start3A_718 : memref<1x4x200x32xf32, #tpu.memory_space<vmem>> -> memref<4x200x32xf32, #tpu.memory_space<vmem>>
      %dma_start3A_720 = arith.constant 0 : i32
      %dma_start3A_721 = arith.constant 0 : i32
      %dma_start3A_722 = tpu.memref_slice %dma_start3A_719[%dma_start3A_713, %dma_start3A_720, %dma_start3A_721] : memref<4x200x32xf32, #tpu.memory_space<vmem>> -> memref<1x200x32xf32, #tpu.memory_space<vmem>>
      %dma_start3A_723 = tpu.memref_squeeze %dma_start3A_722 : memref<1x200x32xf32, #tpu.memory_space<vmem>> -> memref<200x32xf32, #tpu.memory_space<vmem>>
      %dma_start3A_724 = arith.constant 0 : i32
      %dma_start3A_725 = arith.constant 0 : i32
      %dma_start3A_726 = tpu.memref_slice %dma_start3A_723[%dma_start3A_724, %dma_start3A_725] : memref<200x32xf32, #tpu.memory_space<vmem>> -> memref<128x32xf32, #tpu.memory_space<vmem>>
      %dma_start3A_727 = arith.constant 0 : i32
      %dma_start3A_728 = arith.constant 0 : i32
      %dma_start3A_729 = tpu.memref_slice %arg5[%dma_start3A_710, %dma_start3A_727, %dma_start3A_728] : memref<4x4x200xi32, #tpu.memory_space<vmem>> -> memref<1x4x200xi32, #tpu.memory_space<vmem>>
      %dma_start3A_730 = tpu.memref_squeeze %dma_start3A_729 : memref<1x4x200xi32, #tpu.memory_space<vmem>> -> memref<4x200xi32, #tpu.memory_space<vmem>>
      %dma_start3A_731 = arith.constant 0 : i32
      %dma_start3A_732 = tpu.memref_slice %dma_start3A_730[%dma_start3A_711, %dma_start3A_731] : memref<4x200xi32, #tpu.memory_space<vmem>> -> memref<1x200xi32, #tpu.memory_space<vmem>>
      %dma_start3A_733 = tpu.memref_squeeze %dma_start3A_732 : memref<1x200xi32, #tpu.memory_space<vmem>> -> memref<200xi32, #tpu.memory_space<vmem>>
      %dma_start3A_734 = arith.constant 0 : i32
      %dma_start3A_735 = tpu.memref_slice %dma_start3A_733[%dma_start3A_734] : memref<200xi32, #tpu.memory_space<vmem>> -> memref<128xi32, #tpu.memory_space<vmem>>
      %dma_start3A_736 = arith.constant 0 : i32
      %dma_start3A_737 = arith.constant 0 : i32
      %dma_start3A_738 = tpu.memref_slice %arg3[%dma_start3A_736, %dma_start3A_737] : memref<1000000x32xf32, #tpu.memory_space<hbm>> -> memref<1000000x32xf32, #tpu.memory_space<hbm>>
      %dma_start3A_739 = tpu.memref_slice %arg8[%dma_start3A_714] : memref<4x!tpu.dma_semaphore, #tpu.memory_space<semaphore_mem>> -> memref<1x!tpu.dma_semaphore, #tpu.memory_space<semaphore_mem>>
      %dma_start3A_740 = tpu.memref_squeeze %dma_start3A_739 : memref<1x!tpu.dma_semaphore, #tpu.memory_space<semaphore_mem>> -> memref<!tpu.dma_semaphore, #tpu.memory_space<semaphore_mem>>
      tpu.enqueue_indirect_dma source(%dma_start3A_738 : memref<1000000x32xf32, #tpu.memory_space<hbm>>) target(%dma_start3A_726 : memref<128x32xf32, #tpu.memory_space<vmem>>) offsets(%dma_start3A_735 : memref<128xi32, #tpu.memory_space<vmem>>) semaphore(%dma_start3A_740 : memref<!tpu.dma_semaphore, #tpu.memory_space<semaphore_mem>>)
      %dma_start3A_741 = arith.constant 1 : i32
      %dma_start3A_742 = arith.constant 0 : i32
      %dma_start3A_743 = arith.constant 1 : i32
      %dma_start3A_744 = arith.constant 0 : i32
      %dma_start3A_745 = arith.constant 1 : i32
      %dma_start3A_746 = arith.constant 0 : i32
      %dma_start3A_747 = arith.constant 0 : i32
      %dma_start3A_748 = arith.constant 0 : i32
      %dma_start3A_749 = tpu.memref_slice %arg6[%dma_start3A_743, %dma_start3A_746, %dma_start3A_747, %dma_start3A_748] : memref<4x4x200x32xf32, #tpu.memory_space<vmem>> -> memref<1x4x200x32xf32, #tpu.memory_space<vmem>>
      %dma_start3A_750 = tpu.memref_squeeze %dma_start3A_749 : memref<1x4x200x32xf32, #tpu.memory_space<vmem>> -> memref<4x200x32xf32, #tpu.memory_space<vmem>>
      %dma_start3A_751 = arith.constant 0 : i32
      %dma_start3A_752 = arith.constant 0 : i32
      %dma_start3A_753 = tpu.memref_slice %dma_start3A_750[%dma_start3A_744, %dma_start3A_751, %dma_start3A_752] : memref<4x200x32xf32, #tpu.memory_space<vmem>> -> memref<1x200x32xf32, #tpu.memory_space<vmem>>
      %dma_start3A_754 = tpu.memref_squeeze %dma_start3A_753 : memref<1x200x32xf32, #tpu.memory_space<vmem>> -> memref<200x32xf32, #tpu.memory_space<vmem>>
      %dma_start3A_755 = arith.constant 128 : i32
      %dma_start3A_756 = arith.constant 0 : i32
      %dma_start3A_757 = tpu.memref_slice %dma_start3A_754[%dma_start3A_755, %dma_start3A_756] : memref<200x32xf32, #tpu.memory_space<vmem>> -> memref<72x32xf32, #tpu.memory_space<vmem>>
      %dma_start3A_758 = arith.constant 0 : i32
      %dma_start3A_759 = arith.constant 0 : i32
      %dma_start3A_760 = tpu.memref_slice %arg5[%dma_start3A_741, %dma_start3A_758, %dma_start3A_759] : memref<4x4x200xi32, #tpu.memory_space<vmem>> -> memref<1x4x200xi32, #tpu.memory_space<vmem>>
      %dma_start3A_761 = tpu.memref_squeeze %dma_start3A_760 : memref<1x4x200xi32, #tpu.memory_space<vmem>> -> memref<4x200xi32, #tpu.memory_space<vmem>>
      %dma_start3A_762 = arith.constant 0 : i32
      %dma_start3A_763 = tpu.memref_slice %dma_start3A_761[%dma_start3A_742, %dma_start3A_762] : memref<4x200xi32, #tpu.memory_space<vmem>> -> memref<1x200xi32, #tpu.memory_space<vmem>>
      %dma_start3A_764 = tpu.memref_squeeze %dma_start3A_763 : memref<1x200xi32, #tpu.memory_space<vmem>> -> memref<200xi32, #tpu.memory_space<vmem>>
      %dma_start3A_765 = arith.constant 128 : i32
      %dma_start3A_766 = tpu.memref_slice %dma_start3A_764[%dma_start3A_765] : memref<200xi32, #tpu.memory_space<vmem>> -> memref<72xi32, #tpu.memory_space<vmem>>
      %dma_start3A_767 = arith.constant 0 : i32
      %dma_start3A_768 = arith.constant 0 : i32
      %dma_start3A_769 = tpu.memref_slice %arg3[%dma_start3A_767, %dma_start3A_768] : memref<1000000x32xf32, #tpu.memory_space<hbm>> -> memref<1000000x32xf32, #tpu.memory_space<hbm>>
      %dma_start3A_770 = tpu.memref_slice %arg8[%dma_start3A_745] : memref<4x!tpu.dma_semaphore, #tpu.memory_space<semaphore_mem>> -> memref<1x!tpu.dma_semaphore, #tpu.memory_space<semaphore_mem>>
      %dma_start3A_771 = tpu.memref_squeeze %dma_start3A_770 : memref<1x!tpu.dma_semaphore, #tpu.memory_space<semaphore_mem>> -> memref<!tpu.dma_semaphore, #tpu.memory_space<semaphore_mem>>
      tpu.enqueue_indirect_dma source(%dma_start3A_769 : memref<1000000x32xf32, #tpu.memory_space<hbm>>) target(%dma_start3A_757 : memref<72x32xf32, #tpu.memory_space<vmem>>) offsets(%dma_start3A_766 : memref<72xi32, #tpu.memory_space<vmem>>) semaphore(%dma_start3A_771 : memref<!tpu.dma_semaphore, #tpu.memory_space<semaphore_mem>>)
      %dma_start3A_772 = arith.constant 1 : i32
      %dma_start3A_773 = arith.constant 1 : i32
      %dma_start3A_774 = arith.constant 1 : i32
      %dma_start3A_775 = arith.constant 1 : i32
      %dma_start3A_776 = arith.constant 1 : i32
      %dma_start3A_777 = arith.constant 0 : i32
      %dma_start3A_778 = arith.constant 0 : i32
      %dma_start3A_779 = arith.constant 0 : i32
      %dma_start3A_780 = tpu.memref_slice %arg6[%dma_start3A_774, %dma_start3A_777, %dma_start3A_778, %dma_start3A_779] : memref<4x4x200x32xf32, #tpu.memory_space<vmem>> -> memref<1x4x200x32xf32, #tpu.memory_space<vmem>>
      %dma_start3A_781 = tpu.memref_squeeze %dma_start3A_780 : memref<1x4x200x32xf32, #tpu.memory_space<vmem>> -> memref<4x200x32xf32, #tpu.memory_space<vmem>>
      %dma_start3A_782 = arith.constant 0 : i32
      %dma_start3A_783 = arith.constant 0 : i32
      %dma_start3A_784 = tpu.memref_slice %dma_start3A_781[%dma_start3A_775, %dma_start3A_782, %dma_start3A_783] : memref<4x200x32xf32, #tpu.memory_space<vmem>> -> memref<1x200x32xf32, #tpu.memory_space<vmem>>
      %dma_start3A_785 = tpu.memref_squeeze %dma_start3A_784 : memref<1x200x32xf32, #tpu.memory_space<vmem>> -> memref<200x32xf32, #tpu.memory_space<vmem>>
      %dma_start3A_786 = arith.constant 0 : i32
      %dma_start3A_787 = arith.constant 0 : i32
      %dma_start3A_788 = tpu.memref_slice %dma_start3A_785[%dma_start3A_786, %dma_start3A_787] : memref<200x32xf32, #tpu.memory_space<vmem>> -> memref<128x32xf32, #tpu.memory_space<vmem>>
      %dma_start3A_789 = arith.constant 0 : i32
      %dma_start3A_790 = arith.constant 0 : i32
      %dma_start3A_791 = tpu.memref_slice %arg5[%dma_start3A_772, %dma_start3A_789, %dma_start3A_790] : memref<4x4x200xi32, #tpu.memory_space<vmem>> -> memref<1x4x200xi32, #tpu.memory_space<vmem>>
      %dma_start3A_792 = tpu.memref_squeeze %dma_start3A_791 : memref<1x4x200xi32, #tpu.memory_space<vmem>> -> memref<4x200xi32, #tpu.memory_space<vmem>>
      %dma_start3A_793 = arith.constant 0 : i32
      %dma_start3A_794 = tpu.memref_slice %dma_start3A_792[%dma_start3A_773, %dma_start3A_793] : memref<4x200xi32, #tpu.memory_space<vmem>> -> memref<1x200xi32, #tpu.memory_space<vmem>>
      %dma_start3A_795 = tpu.memref_squeeze %dma_start3A_794 : memref<1x200xi32, #tpu.memory_space<vmem>> -> memref<200xi32, #tpu.memory_space<vmem>>
      %dma_start3A_796 = arith.constant 0 : i32
      %dma_start3A_797 = tpu.memref_slice %dma_start3A_795[%dma_start3A_796] : memref<200xi32, #tpu.memory_space<vmem>> -> memref<128xi32, #tpu.memory_space<vmem>>
      %dma_start3A_798 = arith.constant 0 : i32
      %dma_start3A_799 = arith.constant 0 : i32
      %dma_start3A_800 = tpu.memref_slice %arg3[%dma_start3A_798, %dma_start3A_799] : memref<1000000x32xf32, #tpu.memory_space<hbm>> -> memref<1000000x32xf32, #tpu.memory_space<hbm>>
      %dma_start3A_801 = tpu.memref_slice %arg8[%dma_start3A_776] : memref<4x!tpu.dma_semaphore, #tpu.memory_space<semaphore_mem>> -> memref<1x!tpu.dma_semaphore, #tpu.memory_space<semaphore_mem>>
      %dma_start3A_802 = tpu.memref_squeeze %dma_start3A_801 : memref<1x!tpu.dma_semaphore, #tpu.memory_space<semaphore_mem>> -> memref<!tpu.dma_semaphore, #tpu.memory_space<semaphore_mem>>
      tpu.enqueue_indirect_dma source(%dma_start3A_800 : memref<1000000x32xf32, #tpu.memory_space<hbm>>) target(%dma_start3A_788 : memref<128x32xf32, #tpu.memory_space<vmem>>) offsets(%dma_start3A_797 : memref<128xi32, #tpu.memory_space<vmem>>) semaphore(%dma_start3A_802 : memref<!tpu.dma_semaphore, #tpu.memory_space<semaphore_mem>>)
      %dma_start3A_803 = arith.constant 1 : i32
      %dma_start3A_804 = arith.constant 1 : i32
      %dma_start3A_805 = arith.constant 1 : i32
      %dma_start3A_806 = arith.constant 1 : i32
      %dma_start3A_807 = arith.constant 1 : i32
      %dma_start3A_808 = arith.constant 0 : i32
      %dma_start3A_809 = arith.constant 0 : i32
      %dma_start3A_810 = arith.constant 0 : i32
      %dma_start3A_811 = tpu.memref_slice %arg6[%dma_start3A_805, %dma_start3A_808, %dma_start3A_809, %dma_start3A_810] : memref<4x4x200x32xf32, #tpu.memory_space<vmem>> -> memref<1x4x200x32xf32, #tpu.memory_space<vmem>>
      %dma_start3A_812 = tpu.memref_squeeze %dma_start3A_811 : memref<1x4x200x32xf32, #tpu.memory_space<vmem>> -> memref<4x200x32xf32, #tpu.memory_space<vmem>>
      %dma_start3A_813 = arith.constant 0 : i32
      %dma_start3A_814 = arith.constant 0 : i32
      %dma_start3A_815 = tpu.memref_slice %dma_start3A_812[%dma_start3A_806, %dma_start3A_813, %dma_start3A_814] : memref<4x200x32xf32, #tpu.memory_space<vmem>> -> memref<1x200x32xf32, #tpu.memory_space<vmem>>
      %dma_start3A_816 = tpu.memref_squeeze %dma_start3A_815 : memref<1x200x32xf32, #tpu.memory_space<vmem>> -> memref<200x32xf32, #tpu.memory_space<vmem>>
      %dma_start3A_817 = arith.constant 128 : i32
      %dma_start3A_818 = arith.constant 0 : i32
      %dma_start3A_819 = tpu.memref_slice %dma_start3A_816[%dma_start3A_817, %dma_start3A_818] : memref<200x32xf32, #tpu.memory_space<vmem>> -> memref<72x32xf32, #tpu.memory_space<vmem>>
      %dma_start3A_820 = arith.constant 0 : i32
      %dma_start3A_821 = arith.constant 0 : i32
      %dma_start3A_822 = tpu.memref_slice %arg5[%dma_start3A_803, %dma_start3A_820, %dma_start3A_821] : memref<4x4x200xi32, #tpu.memory_space<vmem>> -> memref<1x4x200xi32, #tpu.memory_space<vmem>>
      %dma_start3A_823 = tpu.memref_squeeze %dma_start3A_822 : memref<1x4x200xi32, #tpu.memory_space<vmem>> -> memref<4x200xi32, #tpu.memory_space<vmem>>
      %dma_start3A_824 = arith.constant 0 : i32
      %dma_start3A_825 = tpu.memref_slice %dma_start3A_823[%dma_start3A_804, %dma_start3A_824] : memref<4x200xi32, #tpu.memory_space<vmem>> -> memref<1x200xi32, #tpu.memory_space<vmem>>
      %dma_start3A_826 = tpu.memref_squeeze %dma_start3A_825 : memref<1x200xi32, #tpu.memory_space<vmem>> -> memref<200xi32, #tpu.memory_space<vmem>>
      %dma_start3A_827 = arith.constant 128 : i32
      %dma_start3A_828 = tpu.memref_slice %dma_start3A_826[%dma_start3A_827] : memref<200xi32, #tpu.memory_space<vmem>> -> memref<72xi32, #tpu.memory_space<vmem>>
      %dma_start3A_829 = arith.constant 0 : i32
      %dma_start3A_830 = arith.constant 0 : i32
      %dma_start3A_831 = tpu.memref_slice %arg3[%dma_start3A_829, %dma_start3A_830] : memref<1000000x32xf32, #tpu.memory_space<hbm>> -> memref<1000000x32xf32, #tpu.memory_space<hbm>>
      %dma_start3A_832 = tpu.memref_slice %arg8[%dma_start3A_807] : memref<4x!tpu.dma_semaphore, #tpu.memory_space<semaphore_mem>> -> memref<1x!tpu.dma_semaphore, #tpu.memory_space<semaphore_mem>>
      %dma_start3A_833 = tpu.memref_squeeze %dma_start3A_832 : memref<1x!tpu.dma_semaphore, #tpu.memory_space<semaphore_mem>> -> memref<!tpu.dma_semaphore, #tpu.memory_space<semaphore_mem>>
      tpu.enqueue_indirect_dma source(%dma_start3A_831 : memref<1000000x32xf32, #tpu.memory_space<hbm>>) target(%dma_start3A_819 : memref<72x32xf32, #tpu.memory_space<vmem>>) offsets(%dma_start3A_828 : memref<72xi32, #tpu.memory_space<vmem>>) semaphore(%dma_start3A_833 : memref<!tpu.dma_semaphore, #tpu.memory_space<semaphore_mem>>)
      %dma_start3A_834 = arith.constant 1 : i32
      %dma_start3A_835 = arith.constant 2 : i32
      %dma_start3A_836 = arith.constant 1 : i32
      %dma_start3A_837 = arith.constant 2 : i32
      %dma_start3A_838 = arith.constant 1 : i32
      %dma_start3A_839 = arith.constant 0 : i32
      %dma_start3A_840 = arith.constant 0 : i32
      %dma_start3A_841 = arith.constant 0 : i32
      %dma_start3A_842 = tpu.memref_slice %arg6[%dma_start3A_836, %dma_start3A_839, %dma_start3A_840, %dma_start3A_841] : memref<4x4x200x32xf32, #tpu.memory_space<vmem>> -> memref<1x4x200x32xf32, #tpu.memory_space<vmem>>
      %dma_start3A_843 = tpu.memref_squeeze %dma_start3A_842 : memref<1x4x200x32xf32, #tpu.memory_space<vmem>> -> memref<4x200x32xf32, #tpu.memory_space<vmem>>
      %dma_start3A_844 = arith.constant 0 : i32
      %dma_start3A_845 = arith.constant 0 : i32
      %dma_start3A_846 = tpu.memref_slice %dma_start3A_843[%dma_start3A_837, %dma_start3A_844, %dma_start3A_845] : memref<4x200x32xf32, #tpu.memory_space<vmem>> -> memref<1x200x32xf32, #tpu.memory_space<vmem>>
      %dma_start3A_847 = tpu.memref_squeeze %dma_start3A_846 : memref<1x200x32xf32, #tpu.memory_space<vmem>> -> memref<200x32xf32, #tpu.memory_space<vmem>>
      %dma_start3A_848 = arith.constant 0 : i32
      %dma_start3A_849 = arith.constant 0 : i32
      %dma_start3A_850 = tpu.memref_slice %dma_start3A_847[%dma_start3A_848, %dma_start3A_849] : memref<200x32xf32, #tpu.memory_space<vmem>> -> memref<128x32xf32, #tpu.memory_space<vmem>>
      %dma_start3A_851 = arith.constant 0 : i32
      %dma_start3A_852 = arith.constant 0 : i32
      %dma_start3A_853 = tpu.memref_slice %arg5[%dma_start3A_834, %dma_start3A_851, %dma_start3A_852] : memref<4x4x200xi32, #tpu.memory_space<vmem>> -> memref<1x4x200xi32, #tpu.memory_space<vmem>>
      %dma_start3A_854 = tpu.memref_squeeze %dma_start3A_853 : memref<1x4x200xi32, #tpu.memory_space<vmem>> -> memref<4x200xi32, #tpu.memory_space<vmem>>
      %dma_start3A_855 = arith.constant 0 : i32
      %dma_start3A_856 = tpu.memref_slice %dma_start3A_854[%dma_start3A_835, %dma_start3A_855] : memref<4x200xi32, #tpu.memory_space<vmem>> -> memref<1x200xi32, #tpu.memory_space<vmem>>
      %dma_start3A_857 = tpu.memref_squeeze %dma_start3A_856 : memref<1x200xi32, #tpu.memory_space<vmem>> -> memref<200xi32, #tpu.memory_space<vmem>>
      %dma_start3A_858 = arith.constant 0 : i32
      %dma_start3A_859 = tpu.memref_slice %dma_start3A_857[%dma_start3A_858] : memref<200xi32, #tpu.memory_space<vmem>> -> memref<128xi32, #tpu.memory_space<vmem>>
      %dma_start3A_860 = arith.constant 0 : i32
      %dma_start3A_861 = arith.constant 0 : i32
      %dma_start3A_862 = tpu.memref_slice %arg3[%dma_start3A_860, %dma_start3A_861] : memref<1000000x32xf32, #tpu.memory_space<hbm>> -> memref<1000000x32xf32, #tpu.memory_space<hbm>>
      %dma_start3A_863 = tpu.memref_slice %arg8[%dma_start3A_838] : memref<4x!tpu.dma_semaphore, #tpu.memory_space<semaphore_mem>> -> memref<1x!tpu.dma_semaphore, #tpu.memory_space<semaphore_mem>>
      %dma_start3A_864 = tpu.memref_squeeze %dma_start3A_863 : memref<1x!tpu.dma_semaphore, #tpu.memory_space<semaphore_mem>> -> memref<!tpu.dma_semaphore, #tpu.memory_space<semaphore_mem>>
      tpu.enqueue_indirect_dma source(%dma_start3A_862 : memref<1000000x32xf32, #tpu.memory_space<hbm>>) target(%dma_start3A_850 : memref<128x32xf32, #tpu.memory_space<vmem>>) offsets(%dma_start3A_859 : memref<128xi32, #tpu.memory_space<vmem>>) semaphore(%dma_start3A_864 : memref<!tpu.dma_semaphore, #tpu.memory_space<semaphore_mem>>)
      %dma_start3A_865 = arith.constant 1 : i32
      %dma_start3A_866 = arith.constant 2 : i32
      %dma_start3A_867 = arith.constant 1 : i32
      %dma_start3A_868 = arith.constant 2 : i32
      %dma_start3A_869 = arith.constant 1 : i32
      %dma_start3A_870 = arith.constant 0 : i32
      %dma_start3A_871 = arith.constant 0 : i32
      %dma_start3A_872 = arith.constant 0 : i32
      %dma_start3A_873 = tpu.memref_slice %arg6[%dma_start3A_867, %dma_start3A_870, %dma_start3A_871, %dma_start3A_872] : memref<4x4x200x32xf32, #tpu.memory_space<vmem>> -> memref<1x4x200x32xf32, #tpu.memory_space<vmem>>
      %dma_start3A_874 = tpu.memref_squeeze %dma_start3A_873 : memref<1x4x200x32xf32, #tpu.memory_space<vmem>> -> memref<4x200x32xf32, #tpu.memory_space<vmem>>
      %dma_start3A_875 = arith.constant 0 : i32
      %dma_start3A_876 = arith.constant 0 : i32
      %dma_start3A_877 = tpu.memref_slice %dma_start3A_874[%dma_start3A_868, %dma_start3A_875, %dma_start3A_876] : memref<4x200x32xf32, #tpu.memory_space<vmem>> -> memref<1x200x32xf32, #tpu.memory_space<vmem>>
      %dma_start3A_878 = tpu.memref_squeeze %dma_start3A_877 : memref<1x200x32xf32, #tpu.memory_space<vmem>> -> memref<200x32xf32, #tpu.memory_space<vmem>>
      %dma_start3A_879 = arith.constant 128 : i32
      %dma_start3A_880 = arith.constant 0 : i32
      %dma_start3A_881 = tpu.memref_slice %dma_start3A_878[%dma_start3A_879, %dma_start3A_880] : memref<200x32xf32, #tpu.memory_space<vmem>> -> memref<72x32xf32, #tpu.memory_space<vmem>>
      %dma_start3A_882 = arith.constant 0 : i32
      %dma_start3A_883 = arith.constant 0 : i32
      %dma_start3A_884 = tpu.memref_slice %arg5[%dma_start3A_865, %dma_start3A_882, %dma_start3A_883] : memref<4x4x200xi32, #tpu.memory_space<vmem>> -> memref<1x4x200xi32, #tpu.memory_space<vmem>>
      %dma_start3A_885 = tpu.memref_squeeze %dma_start3A_884 : memref<1x4x200xi32, #tpu.memory_space<vmem>> -> memref<4x200xi32, #tpu.memory_space<vmem>>
      %dma_start3A_886 = arith.constant 0 : i32
      %dma_start3A_887 = tpu.memref_slice %dma_start3A_885[%dma_start3A_866, %dma_start3A_886] : memref<4x200xi32, #tpu.memory_space<vmem>> -> memref<1x200xi32, #tpu.memory_space<vmem>>
      %dma_start3A_888 = tpu.memref_squeeze %dma_start3A_887 : memref<1x200xi32, #tpu.memory_space<vmem>> -> memref<200xi32, #tpu.memory_space<vmem>>
      %dma_start3A_889 = arith.constant 128 : i32
      %dma_start3A_890 = tpu.memref_slice %dma_start3A_888[%dma_start3A_889] : memref<200xi32, #tpu.memory_space<vmem>> -> memref<72xi32, #tpu.memory_space<vmem>>
      %dma_start3A_891 = arith.constant 0 : i32
      %dma_start3A_892 = arith.constant 0 : i32
      %dma_start3A_893 = tpu.memref_slice %arg3[%dma_start3A_891, %dma_start3A_892] : memref<1000000x32xf32, #tpu.memory_space<hbm>> -> memref<1000000x32xf32, #tpu.memory_space<hbm>>
      %dma_start3A_894 = tpu.memref_slice %arg8[%dma_start3A_869] : memref<4x!tpu.dma_semaphore, #tpu.memory_space<semaphore_mem>> -> memref<1x!tpu.dma_semaphore, #tpu.memory_space<semaphore_mem>>
      %dma_start3A_895 = tpu.memref_squeeze %dma_start3A_894 : memref<1x!tpu.dma_semaphore, #tpu.memory_space<semaphore_mem>> -> memref<!tpu.dma_semaphore, #tpu.memory_space<semaphore_mem>>
      tpu.enqueue_indirect_dma source(%dma_start3A_893 : memref<1000000x32xf32, #tpu.memory_space<hbm>>) target(%dma_start3A_881 : memref<72x32xf32, #tpu.memory_space<vmem>>) offsets(%dma_start3A_890 : memref<72xi32, #tpu.memory_space<vmem>>) semaphore(%dma_start3A_895 : memref<!tpu.dma_semaphore, #tpu.memory_space<semaphore_mem>>)
      %dma_start3A_896 = arith.constant 1 : i32
      %dma_start3A_897 = arith.constant 3 : i32
      %dma_start3A_898 = arith.constant 1 : i32
      %dma_start3A_899 = arith.constant 3 : i32
      %dma_start3A_900 = arith.constant 1 : i32
      %dma_start3A_901 = arith.constant 0 : i32
      %dma_start3A_902 = arith.constant 0 : i32
      %dma_start3A_903 = arith.constant 0 : i32
      %dma_start3A_904 = tpu.memref_slice %arg6[%dma_start3A_898, %dma_start3A_901, %dma_start3A_902, %dma_start3A_903] : memref<4x4x200x32xf32, #tpu.memory_space<vmem>> -> memref<1x4x200x32xf32, #tpu.memory_space<vmem>>
      %dma_start3A_905 = tpu.memref_squeeze %dma_start3A_904 : memref<1x4x200x32xf32, #tpu.memory_space<vmem>> -> memref<4x200x32xf32, #tpu.memory_space<vmem>>
      %dma_start3A_906 = arith.constant 0 : i32
      %dma_start3A_907 = arith.constant 0 : i32
      %dma_start3A_908 = tpu.memref_slice %dma_start3A_905[%dma_start3A_899, %dma_start3A_906, %dma_start3A_907] : memref<4x200x32xf32, #tpu.memory_space<vmem>> -> memref<1x200x32xf32, #tpu.memory_space<vmem>>
      %dma_start3A_909 = tpu.memref_squeeze %dma_start3A_908 : memref<1x200x32xf32, #tpu.memory_space<vmem>> -> memref<200x32xf32, #tpu.memory_space<vmem>>
      %dma_start3A_910 = arith.constant 0 : i32
      %dma_start3A_911 = arith.constant 0 : i32
      %dma_start3A_912 = tpu.memref_slice %dma_start3A_909[%dma_start3A_910, %dma_start3A_911] : memref<200x32xf32, #tpu.memory_space<vmem>> -> memref<128x32xf32, #tpu.memory_space<vmem>>
      %dma_start3A_913 = arith.constant 0 : i32
      %dma_start3A_914 = arith.constant 0 : i32
      %dma_start3A_915 = tpu.memref_slice %arg5[%dma_start3A_896, %dma_start3A_913, %dma_start3A_914] : memref<4x4x200xi32, #tpu.memory_space<vmem>> -> memref<1x4x200xi32, #tpu.memory_space<vmem>>
      %dma_start3A_916 = tpu.memref_squeeze %dma_start3A_915 : memref<1x4x200xi32, #tpu.memory_space<vmem>> -> memref<4x200xi32, #tpu.memory_space<vmem>>
      %dma_start3A_917 = arith.constant 0 : i32
      %dma_start3A_918 = tpu.memref_slice %dma_start3A_916[%dma_start3A_897, %dma_start3A_917] : memref<4x200xi32, #tpu.memory_space<vmem>> -> memref<1x200xi32, #tpu.memory_space<vmem>>
      %dma_start3A_919 = tpu.memref_squeeze %dma_start3A_918 : memref<1x200xi32, #tpu.memory_space<vmem>> -> memref<200xi32, #tpu.memory_space<vmem>>
      %dma_start3A_920 = arith.constant 0 : i32
      %dma_start3A_921 = tpu.memref_slice %dma_start3A_919[%dma_start3A_920] : memref<200xi32, #tpu.memory_space<vmem>> -> memref<128xi32, #tpu.memory_space<vmem>>
      %dma_start3A_922 = arith.constant 0 : i32
      %dma_start3A_923 = arith.constant 0 : i32
      %dma_start3A_924 = tpu.memref_slice %arg3[%dma_start3A_922, %dma_start3A_923] : memref<1000000x32xf32, #tpu.memory_space<hbm>> -> memref<1000000x32xf32, #tpu.memory_space<hbm>>
      %dma_start3A_925 = tpu.memref_slice %arg8[%dma_start3A_900] : memref<4x!tpu.dma_semaphore, #tpu.memory_space<semaphore_mem>> -> memref<1x!tpu.dma_semaphore, #tpu.memory_space<semaphore_mem>>
      %dma_start3A_926 = tpu.memref_squeeze %dma_start3A_925 : memref<1x!tpu.dma_semaphore, #tpu.memory_space<semaphore_mem>> -> memref<!tpu.dma_semaphore, #tpu.memory_space<semaphore_mem>>
      tpu.enqueue_indirect_dma source(%dma_start3A_924 : memref<1000000x32xf32, #tpu.memory_space<hbm>>) target(%dma_start3A_912 : memref<128x32xf32, #tpu.memory_space<vmem>>) offsets(%dma_start3A_921 : memref<128xi32, #tpu.memory_space<vmem>>) semaphore(%dma_start3A_926 : memref<!tpu.dma_semaphore, #tpu.memory_space<semaphore_mem>>)
      %dma_start3A_927 = arith.constant 1 : i32
      %dma_start3A_928 = arith.constant 3 : i32
      %dma_start3A_929 = arith.constant 1 : i32
      %dma_start3A_930 = arith.constant 3 : i32
      %dma_start3A_931 = arith.constant 1 : i32
      %dma_start3A_932 = arith.constant 0 : i32
      %dma_start3A_933 = arith.constant 0 : i32
      %dma_start3A_934 = arith.constant 0 : i32
      %dma_start3A_935 = tpu.memref_slice %arg6[%dma_start3A_929, %dma_start3A_932, %dma_start3A_933, %dma_start3A_934] : memref<4x4x200x32xf32, #tpu.memory_space<vmem>> -> memref<1x4x200x32xf32, #tpu.memory_space<vmem>>
      %dma_start3A_936 = tpu.memref_squeeze %dma_start3A_935 : memref<1x4x200x32xf32, #tpu.memory_space<vmem>> -> memref<4x200x32xf32, #tpu.memory_space<vmem>>
      %dma_start3A_937 = arith.constant 0 : i32
      %dma_start3A_938 = arith.constant 0 : i32
      %dma_start3A_939 = tpu.memref_slice %dma_start3A_936[%dma_start3A_930, %dma_start3A_937, %dma_start3A_938] : memref<4x200x32xf32, #tpu.memory_space<vmem>> -> memref<1x200x32xf32, #tpu.memory_space<vmem>>
      %dma_start3A_940 = tpu.memref_squeeze %dma_start3A_939 : memref<1x200x32xf32, #tpu.memory_space<vmem>> -> memref<200x32xf32, #tpu.memory_space<vmem>>
      %dma_start3A_941 = arith.constant 128 : i32
      %dma_start3A_942 = arith.constant 0 : i32
      %dma_start3A_943 = tpu.memref_slice %dma_start3A_940[%dma_start3A_941, %dma_start3A_942] : memref<200x32xf32, #tpu.memory_space<vmem>> -> memref<72x32xf32, #tpu.memory_space<vmem>>
      %dma_start3A_944 = arith.constant 0 : i32
      %dma_start3A_945 = arith.constant 0 : i32
      %dma_start3A_946 = tpu.memref_slice %arg5[%dma_start3A_927, %dma_start3A_944, %dma_start3A_945] : memref<4x4x200xi32, #tpu.memory_space<vmem>> -> memref<1x4x200xi32, #tpu.memory_space<vmem>>
      %dma_start3A_947 = tpu.memref_squeeze %dma_start3A_946 : memref<1x4x200xi32, #tpu.memory_space<vmem>> -> memref<4x200xi32, #tpu.memory_space<vmem>>
      %dma_start3A_948 = arith.constant 0 : i32
      %dma_start3A_949 = tpu.memref_slice %dma_start3A_947[%dma_start3A_928, %dma_start3A_948] : memref<4x200xi32, #tpu.memory_space<vmem>> -> memref<1x200xi32, #tpu.memory_space<vmem>>
      %dma_start3A_950 = tpu.memref_squeeze %dma_start3A_949 : memref<1x200xi32, #tpu.memory_space<vmem>> -> memref<200xi32, #tpu.memory_space<vmem>>
      %dma_start3A_951 = arith.constant 128 : i32
      %dma_start3A_952 = tpu.memref_slice %dma_start3A_950[%dma_start3A_951] : memref<200xi32, #tpu.memory_space<vmem>> -> memref<72xi32, #tpu.memory_space<vmem>>
      %dma_start3A_953 = arith.constant 0 : i32
      %dma_start3A_954 = arith.constant 0 : i32
      %dma_start3A_955 = tpu.memref_slice %arg3[%dma_start3A_953, %dma_start3A_954] : memref<1000000x32xf32, #tpu.memory_space<hbm>> -> memref<1000000x32xf32, #tpu.memory_space<hbm>>
      %dma_start3A_956 = tpu.memref_slice %arg8[%dma_start3A_931] : memref<4x!tpu.dma_semaphore, #tpu.memory_space<semaphore_mem>> -> memref<1x!tpu.dma_semaphore, #tpu.memory_space<semaphore_mem>>
      %dma_start3A_957 = tpu.memref_squeeze %dma_start3A_956 : memref<1x!tpu.dma_semaphore, #tpu.memory_space<semaphore_mem>> -> memref<!tpu.dma_semaphore, #tpu.memory_space<semaphore_mem>>
      tpu.enqueue_indirect_dma source(%dma_start3A_955 : memref<1000000x32xf32, #tpu.memory_space<hbm>>) target(%dma_start3A_943 : memref<72x32xf32, #tpu.memory_space<vmem>>) offsets(%dma_start3A_952 : memref<72xi32, #tpu.memory_space<vmem>>) semaphore(%dma_start3A_957 : memref<!tpu.dma_semaphore, #tpu.memory_space<semaphore_mem>>)
      %sub3A = arith.constant 1 : i32
      %sub3A_958 = arith.subi %add3A_685, %sub3A : i32
      %dma_wait3A_959 = arith.constant 0 : i32
      %dma_wait3A_960 = arith.constant 0 : i32
      %dma_wait3A_961 = arith.constant 0 : i32
      %dma_wait3A_962 = arith.constant 0 : i32
      %dma_wait3A_963 = arith.constant 0 : i32
      %dma_wait3A_964 = arith.constant 0 : i32
      %dma_wait3A_965 = arith.constant 0 : i32
      %dma_wait3A_966 = arith.constant 0 : i32
      %dma_wait3A_967 = tpu.memref_slice %arg6[%dma_wait3A_961, %dma_wait3A_964, %dma_wait3A_965, %dma_wait3A_966] : memref<4x4x200x32xf32, #tpu.memory_space<vmem>> -> memref<1x4x200x32xf32, #tpu.memory_space<vmem>>
      %dma_wait3A_968 = tpu.memref_squeeze %dma_wait3A_967 : memref<1x4x200x32xf32, #tpu.memory_space<vmem>> -> memref<4x200x32xf32, #tpu.memory_space<vmem>>
      %dma_wait3A_969 = arith.constant 0 : i32
      %dma_wait3A_970 = arith.constant 0 : i32
      %dma_wait3A_971 = tpu.memref_slice %dma_wait3A_968[%dma_wait3A_962, %dma_wait3A_969, %dma_wait3A_970] : memref<4x200x32xf32, #tpu.memory_space<vmem>> -> memref<1x200x32xf32, #tpu.memory_space<vmem>>
      %dma_wait3A_972 = tpu.memref_squeeze %dma_wait3A_971 : memref<1x200x32xf32, #tpu.memory_space<vmem>> -> memref<200x32xf32, #tpu.memory_space<vmem>>
      %dma_wait3A_973 = arith.constant 0 : i32
      %dma_wait3A_974 = arith.constant 0 : i32
      %dma_wait3A_975 = tpu.memref_slice %dma_wait3A_972[%dma_wait3A_973, %dma_wait3A_974] : memref<200x32xf32, #tpu.memory_space<vmem>> -> memref<128x32xf32, #tpu.memory_space<vmem>>
      %dma_wait3A_976 = arith.constant 0 : i32
      %dma_wait3A_977 = arith.constant 0 : i32
      %dma_wait3A_978 = tpu.memref_slice %arg5[%dma_wait3A_959, %dma_wait3A_976, %dma_wait3A_977] : memref<4x4x200xi32, #tpu.memory_space<vmem>> -> memref<1x4x200xi32, #tpu.memory_space<vmem>>
      %dma_wait3A_979 = tpu.memref_squeeze %dma_wait3A_978 : memref<1x4x200xi32, #tpu.memory_space<vmem>> -> memref<4x200xi32, #tpu.memory_space<vmem>>
      %dma_wait3A_980 = arith.constant 0 : i32
      %dma_wait3A_981 = tpu.memref_slice %dma_wait3A_979[%dma_wait3A_960, %dma_wait3A_980] : memref<4x200xi32, #tpu.memory_space<vmem>> -> memref<1x200xi32, #tpu.memory_space<vmem>>
      %dma_wait3A_982 = tpu.memref_squeeze %dma_wait3A_981 : memref<1x200xi32, #tpu.memory_space<vmem>> -> memref<200xi32, #tpu.memory_space<vmem>>
      %dma_wait3A_983 = arith.constant 0 : i32
      %dma_wait3A_984 = tpu.memref_slice %dma_wait3A_982[%dma_wait3A_983] : memref<200xi32, #tpu.memory_space<vmem>> -> memref<128xi32, #tpu.memory_space<vmem>>
      %dma_wait3A_985 = arith.constant 0 : i32
      %dma_wait3A_986 = arith.constant 0 : i32
      %dma_wait3A_987 = tpu.memref_slice %arg3[%dma_wait3A_985, %dma_wait3A_986] : memref<1000000x32xf32, #tpu.memory_space<hbm>> -> memref<1000000x32xf32, #tpu.memory_space<hbm>>
      %dma_wait3A_988 = tpu.memref_slice %arg8[%dma_wait3A_963] : memref<4x!tpu.dma_semaphore, #tpu.memory_space<semaphore_mem>> -> memref<1x!tpu.dma_semaphore, #tpu.memory_space<semaphore_mem>>
      %dma_wait3A_989 = tpu.memref_squeeze %dma_wait3A_988 : memref<1x!tpu.dma_semaphore, #tpu.memory_space<semaphore_mem>> -> memref<!tpu.dma_semaphore, #tpu.memory_space<semaphore_mem>>
      tpu.wait_indirect_dma semaphore(%dma_wait3A_989 : memref<!tpu.dma_semaphore, #tpu.memory_space<semaphore_mem>>) src(%dma_wait3A_987 : memref<1000000x32xf32, #tpu.memory_space<hbm>>) dst(%dma_wait3A_975 : memref<128x32xf32, #tpu.memory_space<vmem>>)
      %dma_wait3A_990 = arith.constant 0 : i32
      %dma_wait3A_991 = arith.constant 0 : i32
      %dma_wait3A_992 = arith.constant 0 : i32
      %dma_wait3A_993 = arith.constant 0 : i32
      %dma_wait3A_994 = arith.constant 0 : i32
      %dma_wait3A_995 = arith.constant 0 : i32
      %dma_wait3A_996 = arith.constant 0 : i32
      %dma_wait3A_997 = arith.constant 0 : i32
      %dma_wait3A_998 = tpu.memref_slice %arg6[%dma_wait3A_992, %dma_wait3A_995, %dma_wait3A_996, %dma_wait3A_997] : memref<4x4x200x32xf32, #tpu.memory_space<vmem>> -> memref<1x4x200x32xf32, #tpu.memory_space<vmem>>
      %dma_wait3A_999 = tpu.memref_squeeze %dma_wait3A_998 : memref<1x4x200x32xf32, #tpu.memory_space<vmem>> -> memref<4x200x32xf32, #tpu.memory_space<vmem>>
      %dma_wait3A_1000 = arith.constant 0 : i32
      %dma_wait3A_1001 = arith.constant 0 : i32
      %dma_wait3A_1002 = tpu.memref_slice %dma_wait3A_999[%dma_wait3A_993, %dma_wait3A_1000, %dma_wait3A_1001] : memref<4x200x32xf32, #tpu.memory_space<vmem>> -> memref<1x200x32xf32, #tpu.memory_space<vmem>>
      %dma_wait3A_1003 = tpu.memref_squeeze %dma_wait3A_1002 : memref<1x200x32xf32, #tpu.memory_space<vmem>> -> memref<200x32xf32, #tpu.memory_space<vmem>>
      %dma_wait3A_1004 = arith.constant 128 : i32
      %dma_wait3A_1005 = arith.constant 0 : i32
      %dma_wait3A_1006 = tpu.memref_slice %dma_wait3A_1003[%dma_wait3A_1004, %dma_wait3A_1005] : memref<200x32xf32, #tpu.memory_space<vmem>> -> memref<72x32xf32, #tpu.memory_space<vmem>>
      %dma_wait3A_1007 = arith.constant 0 : i32
      %dma_wait3A_1008 = arith.constant 0 : i32
      %dma_wait3A_1009 = tpu.memref_slice %arg5[%dma_wait3A_990, %dma_wait3A_1007, %dma_wait3A_1008] : memref<4x4x200xi32, #tpu.memory_space<vmem>> -> memref<1x4x200xi32, #tpu.memory_space<vmem>>
      %dma_wait3A_1010 = tpu.memref_squeeze %dma_wait3A_1009 : memref<1x4x200xi32, #tpu.memory_space<vmem>> -> memref<4x200xi32, #tpu.memory_space<vmem>>
      %dma_wait3A_1011 = arith.constant 0 : i32
      %dma_wait3A_1012 = tpu.memref_slice %dma_wait3A_1010[%dma_wait3A_991, %dma_wait3A_1011] : memref<4x200xi32, #tpu.memory_space<vmem>> -> memref<1x200xi32, #tpu.memory_space<vmem>>
      %dma_wait3A_1013 = tpu.memref_squeeze %dma_wait3A_1012 : memref<1x200xi32, #tpu.memory_space<vmem>> -> memref<200xi32, #tpu.memory_space<vmem>>
      %dma_wait3A_1014 = arith.constant 128 : i32
      %dma_wait3A_1015 = tpu.memref_slice %dma_wait3A_1013[%dma_wait3A_1014] : memref<200xi32, #tpu.memory_space<vmem>> -> memref<72xi32, #tpu.memory_space<vmem>>
      %dma_wait3A_1016 = arith.constant 0 : i32
      %dma_wait3A_1017 = arith.constant 0 : i32
      %dma_wait3A_1018 = tpu.memref_slice %arg3[%dma_wait3A_1016, %dma_wait3A_1017] : memref<1000000x32xf32, #tpu.memory_space<hbm>> -> memref<1000000x32xf32, #tpu.memory_space<hbm>>
      %dma_wait3A_1019 = tpu.memref_slice %arg8[%dma_wait3A_994] : memref<4x!tpu.dma_semaphore, #tpu.memory_space<semaphore_mem>> -> memref<1x!tpu.dma_semaphore, #tpu.memory_space<semaphore_mem>>
      %dma_wait3A_1020 = tpu.memref_squeeze %dma_wait3A_1019 : memref<1x!tpu.dma_semaphore, #tpu.memory_space<semaphore_mem>> -> memref<!tpu.dma_semaphore, #tpu.memory_space<semaphore_mem>>
      tpu.wait_indirect_dma semaphore(%dma_wait3A_1020 : memref<!tpu.dma_semaphore, #tpu.memory_space<semaphore_mem>>) src(%dma_wait3A_1018 : memref<1000000x32xf32, #tpu.memory_space<hbm>>) dst(%dma_wait3A_1006 : memref<72x32xf32, #tpu.memory_space<vmem>>)
      %dma_wait3A_1021 = arith.constant 0 : i32
      %dma_wait3A_1022 = arith.constant 1 : i32
      %dma_wait3A_1023 = arith.constant 0 : i32
      %dma_wait3A_1024 = arith.constant 1 : i32
      %dma_wait3A_1025 = arith.constant 0 : i32
      %dma_wait3A_1026 = arith.constant 0 : i32
      %dma_wait3A_1027 = arith.constant 0 : i32
      %dma_wait3A_1028 = arith.constant 0 : i32
      %dma_wait3A_1029 = tpu.memref_slice %arg6[%dma_wait3A_1023, %dma_wait3A_1026, %dma_wait3A_1027, %dma_wait3A_1028] : memref<4x4x200x32xf32, #tpu.memory_space<vmem>> -> memref<1x4x200x32xf32, #tpu.memory_space<vmem>>
      %dma_wait3A_1030 = tpu.memref_squeeze %dma_wait3A_1029 : memref<1x4x200x32xf32, #tpu.memory_space<vmem>> -> memref<4x200x32xf32, #tpu.memory_space<vmem>>
      %dma_wait3A_1031 = arith.constant 0 : i32
      %dma_wait3A_1032 = arith.constant 0 : i32
      %dma_wait3A_1033 = tpu.memref_slice %dma_wait3A_1030[%dma_wait3A_1024, %dma_wait3A_1031, %dma_wait3A_1032] : memref<4x200x32xf32, #tpu.memory_space<vmem>> -> memref<1x200x32xf32, #tpu.memory_space<vmem>>
      %dma_wait3A_1034 = tpu.memref_squeeze %dma_wait3A_1033 : memref<1x200x32xf32, #tpu.memory_space<vmem>> -> memref<200x32xf32, #tpu.memory_space<vmem>>
      %dma_wait3A_1035 = arith.constant 0 : i32
      %dma_wait3A_1036 = arith.constant 0 : i32
      %dma_wait3A_1037 = tpu.memref_slice %dma_wait3A_1034[%dma_wait3A_1035, %dma_wait3A_1036] : memref<200x32xf32, #tpu.memory_space<vmem>> -> memref<128x32xf32, #tpu.memory_space<vmem>>
      %dma_wait3A_1038 = arith.constant 0 : i32
      %dma_wait3A_1039 = arith.constant 0 : i32
      %dma_wait3A_1040 = tpu.memref_slice %arg5[%dma_wait3A_1021, %dma_wait3A_1038, %dma_wait3A_1039] : memref<4x4x200xi32, #tpu.memory_space<vmem>> -> memref<1x4x200xi32, #tpu.memory_space<vmem>>
      %dma_wait3A_1041 = tpu.memref_squeeze %dma_wait3A_1040 : memref<1x4x200xi32, #tpu.memory_space<vmem>> -> memref<4x200xi32, #tpu.memory_space<vmem>>
      %dma_wait3A_1042 = arith.constant 0 : i32
      %dma_wait3A_1043 = tpu.memref_slice %dma_wait3A_1041[%dma_wait3A_1022, %dma_wait3A_1042] : memref<4x200xi32, #tpu.memory_space<vmem>> -> memref<1x200xi32, #tpu.memory_space<vmem>>
      %dma_wait3A_1044 = tpu.memref_squeeze %dma_wait3A_1043 : memref<1x200xi32, #tpu.memory_space<vmem>> -> memref<200xi32, #tpu.memory_space<vmem>>
      %dma_wait3A_1045 = arith.constant 0 : i32
      %dma_wait3A_1046 = tpu.memref_slice %dma_wait3A_1044[%dma_wait3A_1045] : memref<200xi32, #tpu.memory_space<vmem>> -> memref<128xi32, #tpu.memory_space<vmem>>
      %dma_wait3A_1047 = arith.constant 0 : i32
      %dma_wait3A_1048 = arith.constant 0 : i32
      %dma_wait3A_1049 = tpu.memref_slice %arg3[%dma_wait3A_1047, %dma_wait3A_1048] : memref<1000000x32xf32, #tpu.memory_space<hbm>> -> memref<1000000x32xf32, #tpu.memory_space<hbm>>
      %dma_wait3A_1050 = tpu.memref_slice %arg8[%dma_wait3A_1025] : memref<4x!tpu.dma_semaphore, #tpu.memory_space<semaphore_mem>> -> memref<1x!tpu.dma_semaphore, #tpu.memory_space<semaphore_mem>>
      %dma_wait3A_1051 = tpu.memref_squeeze %dma_wait3A_1050 : memref<1x!tpu.dma_semaphore, #tpu.memory_space<semaphore_mem>> -> memref<!tpu.dma_semaphore, #tpu.memory_space<semaphore_mem>>
      tpu.wait_indirect_dma semaphore(%dma_wait3A_1051 : memref<!tpu.dma_semaphore, #tpu.memory_space<semaphore_mem>>) src(%dma_wait3A_1049 : memref<1000000x32xf32, #tpu.memory_space<hbm>>) dst(%dma_wait3A_1037 : memref<128x32xf32, #tpu.memory_space<vmem>>)
      %dma_wait3A_1052 = arith.constant 0 : i32
      %dma_wait3A_1053 = arith.constant 1 : i32
      %dma_wait3A_1054 = arith.constant 0 : i32
      %dma_wait3A_1055 = arith.constant 1 : i32
      %dma_wait3A_1056 = arith.constant 0 : i32
      %dma_wait3A_1057 = arith.constant 0 : i32
      %dma_wait3A_1058 = arith.constant 0 : i32
      %dma_wait3A_1059 = arith.constant 0 : i32
      %dma_wait3A_1060 = tpu.memref_slice %arg6[%dma_wait3A_1054, %dma_wait3A_1057, %dma_wait3A_1058, %dma_wait3A_1059] : memref<4x4x200x32xf32, #tpu.memory_space<vmem>> -> memref<1x4x200x32xf32, #tpu.memory_space<vmem>>
      %dma_wait3A_1061 = tpu.memref_squeeze %dma_wait3A_1060 : memref<1x4x200x32xf32, #tpu.memory_space<vmem>> -> memref<4x200x32xf32, #tpu.memory_space<vmem>>
      %dma_wait3A_1062 = arith.constant 0 : i32
      %dma_wait3A_1063 = arith.constant 0 : i32
      %dma_wait3A_1064 = tpu.memref_slice %dma_wait3A_1061[%dma_wait3A_1055, %dma_wait3A_1062, %dma_wait3A_1063] : memref<4x200x32xf32, #tpu.memory_space<vmem>> -> memref<1x200x32xf32, #tpu.memory_space<vmem>>
      %dma_wait3A_1065 = tpu.memref_squeeze %dma_wait3A_1064 : memref<1x200x32xf32, #tpu.memory_space<vmem>> -> memref<200x32xf32, #tpu.memory_space<vmem>>
      %dma_wait3A_1066 = arith.constant 128 : i32
      %dma_wait3A_1067 = arith.constant 0 : i32
      %dma_wait3A_1068 = tpu.memref_slice %dma_wait3A_1065[%dma_wait3A_1066, %dma_wait3A_1067] : memref<200x32xf32, #tpu.memory_space<vmem>> -> memref<72x32xf32, #tpu.memory_space<vmem>>
      %dma_wait3A_1069 = arith.constant 0 : i32
      %dma_wait3A_1070 = arith.constant 0 : i32
      %dma_wait3A_1071 = tpu.memref_slice %arg5[%dma_wait3A_1052, %dma_wait3A_1069, %dma_wait3A_1070] : memref<4x4x200xi32, #tpu.memory_space<vmem>> -> memref<1x4x200xi32, #tpu.memory_space<vmem>>
      %dma_wait3A_1072 = tpu.memref_squeeze %dma_wait3A_1071 : memref<1x4x200xi32, #tpu.memory_space<vmem>> -> memref<4x200xi32, #tpu.memory_space<vmem>>
      %dma_wait3A_1073 = arith.constant 0 : i32
      %dma_wait3A_1074 = tpu.memref_slice %dma_wait3A_1072[%dma_wait3A_1053, %dma_wait3A_1073] : memref<4x200xi32, #tpu.memory_space<vmem>> -> memref<1x200xi32, #tpu.memory_space<vmem>>
      %dma_wait3A_1075 = tpu.memref_squeeze %dma_wait3A_1074 : memref<1x200xi32, #tpu.memory_space<vmem>> -> memref<200xi32, #tpu.memory_space<vmem>>
      %dma_wait3A_1076 = arith.constant 128 : i32
      %dma_wait3A_1077 = tpu.memref_slice %dma_wait3A_1075[%dma_wait3A_1076] : memref<200xi32, #tpu.memory_space<vmem>> -> memref<72xi32, #tpu.memory_space<vmem>>
      %dma_wait3A_1078 = arith.constant 0 : i32
      %dma_wait3A_1079 = arith.constant 0 : i32
      %dma_wait3A_1080 = tpu.memref_slice %arg3[%dma_wait3A_1078, %dma_wait3A_1079] : memref<1000000x32xf32, #tpu.memory_space<hbm>> -> memref<1000000x32xf32, #tpu.memory_space<hbm>>
      %dma_wait3A_1081 = tpu.memref_slice %arg8[%dma_wait3A_1056] : memref<4x!tpu.dma_semaphore, #tpu.memory_space<semaphore_mem>> -> memref<1x!tpu.dma_semaphore, #tpu.memory_space<semaphore_mem>>
      %dma_wait3A_1082 = tpu.memref_squeeze %dma_wait3A_1081 : memref<1x!tpu.dma_semaphore, #tpu.memory_space<semaphore_mem>> -> memref<!tpu.dma_semaphore, #tpu.memory_space<semaphore_mem>>
      tpu.wait_indirect_dma semaphore(%dma_wait3A_1082 : memref<!tpu.dma_semaphore, #tpu.memory_space<semaphore_mem>>) src(%dma_wait3A_1080 : memref<1000000x32xf32, #tpu.memory_space<hbm>>) dst(%dma_wait3A_1068 : memref<72x32xf32, #tpu.memory_space<vmem>>)
      %dma_wait3A_1083 = arith.constant 0 : i32
      %dma_wait3A_1084 = arith.constant 2 : i32
      %dma_wait3A_1085 = arith.constant 0 : i32
      %dma_wait3A_1086 = arith.constant 2 : i32
      %dma_wait3A_1087 = arith.constant 0 : i32
      %dma_wait3A_1088 = arith.constant 0 : i32
      %dma_wait3A_1089 = arith.constant 0 : i32
      %dma_wait3A_1090 = arith.constant 0 : i32
      %dma_wait3A_1091 = tpu.memref_slice %arg6[%dma_wait3A_1085, %dma_wait3A_1088, %dma_wait3A_1089, %dma_wait3A_1090] : memref<4x4x200x32xf32, #tpu.memory_space<vmem>> -> memref<1x4x200x32xf32, #tpu.memory_space<vmem>>
      %dma_wait3A_1092 = tpu.memref_squeeze %dma_wait3A_1091 : memref<1x4x200x32xf32, #tpu.memory_space<vmem>> -> memref<4x200x32xf32, #tpu.memory_space<vmem>>
      %dma_wait3A_1093 = arith.constant 0 : i32
      %dma_wait3A_1094 = arith.constant 0 : i32
      %dma_wait3A_1095 = tpu.memref_slice %dma_wait3A_1092[%dma_wait3A_1086, %dma_wait3A_1093, %dma_wait3A_1094] : memref<4x200x32xf32, #tpu.memory_space<vmem>> -> memref<1x200x32xf32, #tpu.memory_space<vmem>>
      %dma_wait3A_1096 = tpu.memref_squeeze %dma_wait3A_1095 : memref<1x200x32xf32, #tpu.memory_space<vmem>> -> memref<200x32xf32, #tpu.memory_space<vmem>>
      %dma_wait3A_1097 = arith.constant 0 : i32
      %dma_wait3A_1098 = arith.constant 0 : i32
      %dma_wait3A_1099 = tpu.memref_slice %dma_wait3A_1096[%dma_wait3A_1097, %dma_wait3A_1098] : memref<200x32xf32, #tpu.memory_space<vmem>> -> memref<128x32xf32, #tpu.memory_space<vmem>>
      %dma_wait3A_1100 = arith.constant 0 : i32
      %dma_wait3A_1101 = arith.constant 0 : i32
      %dma_wait3A_1102 = tpu.memref_slice %arg5[%dma_wait3A_1083, %dma_wait3A_1100, %dma_wait3A_1101] : memref<4x4x200xi32, #tpu.memory_space<vmem>> -> memref<1x4x200xi32, #tpu.memory_space<vmem>>
      %dma_wait3A_1103 = tpu.memref_squeeze %dma_wait3A_1102 : memref<1x4x200xi32, #tpu.memory_space<vmem>> -> memref<4x200xi32, #tpu.memory_space<vmem>>
      %dma_wait3A_1104 = arith.constant 0 : i32
      %dma_wait3A_1105 = tpu.memref_slice %dma_wait3A_1103[%dma_wait3A_1084, %dma_wait3A_1104] : memref<4x200xi32, #tpu.memory_space<vmem>> -> memref<1x200xi32, #tpu.memory_space<vmem>>
      %dma_wait3A_1106 = tpu.memref_squeeze %dma_wait3A_1105 : memref<1x200xi32, #tpu.memory_space<vmem>> -> memref<200xi32, #tpu.memory_space<vmem>>
      %dma_wait3A_1107 = arith.constant 0 : i32
      %dma_wait3A_1108 = tpu.memref_slice %dma_wait3A_1106[%dma_wait3A_1107] : memref<200xi32, #tpu.memory_space<vmem>> -> memref<128xi32, #tpu.memory_space<vmem>>
      %dma_wait3A_1109 = arith.constant 0 : i32
      %dma_wait3A_1110 = arith.constant 0 : i32
      %dma_wait3A_1111 = tpu.memref_slice %arg3[%dma_wait3A_1109, %dma_wait3A_1110] : memref<1000000x32xf32, #tpu.memory_space<hbm>> -> memref<1000000x32xf32, #tpu.memory_space<hbm>>
      %dma_wait3A_1112 = tpu.memref_slice %arg8[%dma_wait3A_1087] : memref<4x!tpu.dma_semaphore, #tpu.memory_space<semaphore_mem>> -> memref<1x!tpu.dma_semaphore, #tpu.memory_space<semaphore_mem>>
      %dma_wait3A_1113 = tpu.memref_squeeze %dma_wait3A_1112 : memref<1x!tpu.dma_semaphore, #tpu.memory_space<semaphore_mem>> -> memref<!tpu.dma_semaphore, #tpu.memory_space<semaphore_mem>>
      tpu.wait_indirect_dma semaphore(%dma_wait3A_1113 : memref<!tpu.dma_semaphore, #tpu.memory_space<semaphore_mem>>) src(%dma_wait3A_1111 : memref<1000000x32xf32, #tpu.memory_space<hbm>>) dst(%dma_wait3A_1099 : memref<128x32xf32, #tpu.memory_space<vmem>>)
      %dma_wait3A_1114 = arith.constant 0 : i32
      %dma_wait3A_1115 = arith.constant 2 : i32
      %dma_wait3A_1116 = arith.constant 0 : i32
      %dma_wait3A_1117 = arith.constant 2 : i32
      %dma_wait3A_1118 = arith.constant 0 : i32
      %dma_wait3A_1119 = arith.constant 0 : i32
      %dma_wait3A_1120 = arith.constant 0 : i32
      %dma_wait3A_1121 = arith.constant 0 : i32
      %dma_wait3A_1122 = tpu.memref_slice %arg6[%dma_wait3A_1116, %dma_wait3A_1119, %dma_wait3A_1120, %dma_wait3A_1121] : memref<4x4x200x32xf32, #tpu.memory_space<vmem>> -> memref<1x4x200x32xf32, #tpu.memory_space<vmem>>
      %dma_wait3A_1123 = tpu.memref_squeeze %dma_wait3A_1122 : memref<1x4x200x32xf32, #tpu.memory_space<vmem>> -> memref<4x200x32xf32, #tpu.memory_space<vmem>>
      %dma_wait3A_1124 = arith.constant 0 : i32
      %dma_wait3A_1125 = arith.constant 0 : i32
      %dma_wait3A_1126 = tpu.memref_slice %dma_wait3A_1123[%dma_wait3A_1117, %dma_wait3A_1124, %dma_wait3A_1125] : memref<4x200x32xf32, #tpu.memory_space<vmem>> -> memref<1x200x32xf32, #tpu.memory_space<vmem>>
      %dma_wait3A_1127 = tpu.memref_squeeze %dma_wait3A_1126 : memref<1x200x32xf32, #tpu.memory_space<vmem>> -> memref<200x32xf32, #tpu.memory_space<vmem>>
      %dma_wait3A_1128 = arith.constant 128 : i32
      %dma_wait3A_1129 = arith.constant 0 : i32
      %dma_wait3A_1130 = tpu.memref_slice %dma_wait3A_1127[%dma_wait3A_1128, %dma_wait3A_1129] : memref<200x32xf32, #tpu.memory_space<vmem>> -> memref<72x32xf32, #tpu.memory_space<vmem>>
      %dma_wait3A_1131 = arith.constant 0 : i32
      %dma_wait3A_1132 = arith.constant 0 : i32
      %dma_wait3A_1133 = tpu.memref_slice %arg5[%dma_wait3A_1114, %dma_wait3A_1131, %dma_wait3A_1132] : memref<4x4x200xi32, #tpu.memory_space<vmem>> -> memref<1x4x200xi32, #tpu.memory_space<vmem>>
      %dma_wait3A_1134 = tpu.memref_squeeze %dma_wait3A_1133 : memref<1x4x200xi32, #tpu.memory_space<vmem>> -> memref<4x200xi32, #tpu.memory_space<vmem>>
      %dma_wait3A_1135 = arith.constant 0 : i32
      %dma_wait3A_1136 = tpu.memref_slice %dma_wait3A_1134[%dma_wait3A_1115, %dma_wait3A_1135] : memref<4x200xi32, #tpu.memory_space<vmem>> -> memref<1x200xi32, #tpu.memory_space<vmem>>
      %dma_wait3A_1137 = tpu.memref_squeeze %dma_wait3A_1136 : memref<1x200xi32, #tpu.memory_space<vmem>> -> memref<200xi32, #tpu.memory_space<vmem>>
      %dma_wait3A_1138 = arith.constant 128 : i32
      %dma_wait3A_1139 = tpu.memref_slice %dma_wait3A_1137[%dma_wait3A_1138] : memref<200xi32, #tpu.memory_space<vmem>> -> memref<72xi32, #tpu.memory_space<vmem>>
      %dma_wait3A_1140 = arith.constant 0 : i32
      %dma_wait3A_1141 = arith.constant 0 : i32
      %dma_wait3A_1142 = tpu.memref_slice %arg3[%dma_wait3A_1140, %dma_wait3A_1141] : memref<1000000x32xf32, #tpu.memory_space<hbm>> -> memref<1000000x32xf32, #tpu.memory_space<hbm>>
      %dma_wait3A_1143 = tpu.memref_slice %arg8[%dma_wait3A_1118] : memref<4x!tpu.dma_semaphore, #tpu.memory_space<semaphore_mem>> -> memref<1x!tpu.dma_semaphore, #tpu.memory_space<semaphore_mem>>
      %dma_wait3A_1144 = tpu.memref_squeeze %dma_wait3A_1143 : memref<1x!tpu.dma_semaphore, #tpu.memory_space<semaphore_mem>> -> memref<!tpu.dma_semaphore, #tpu.memory_space<semaphore_mem>>
      tpu.wait_indirect_dma semaphore(%dma_wait3A_1144 : memref<!tpu.dma_semaphore, #tpu.memory_space<semaphore_mem>>) src(%dma_wait3A_1142 : memref<1000000x32xf32, #tpu.memory_space<hbm>>) dst(%dma_wait3A_1130 : memref<72x32xf32, #tpu.memory_space<vmem>>)
      %dma_wait3A_1145 = arith.constant 0 : i32
      %dma_wait3A_1146 = arith.constant 3 : i32
      %dma_wait3A_1147 = arith.constant 0 : i32
      %dma_wait3A_1148 = arith.constant 3 : i32
      %dma_wait3A_1149 = arith.constant 0 : i32
      %dma_wait3A_1150 = arith.constant 0 : i32
      %dma_wait3A_1151 = arith.constant 0 : i32
      %dma_wait3A_1152 = arith.constant 0 : i32
      %dma_wait3A_1153 = tpu.memref_slice %arg6[%dma_wait3A_1147, %dma_wait3A_1150, %dma_wait3A_1151, %dma_wait3A_1152] : memref<4x4x200x32xf32, #tpu.memory_space<vmem>> -> memref<1x4x200x32xf32, #tpu.memory_space<vmem>>
      %dma_wait3A_1154 = tpu.memref_squeeze %dma_wait3A_1153 : memref<1x4x200x32xf32, #tpu.memory_space<vmem>> -> memref<4x200x32xf32, #tpu.memory_space<vmem>>
      %dma_wait3A_1155 = arith.constant 0 : i32
      %dma_wait3A_1156 = arith.constant 0 : i32
      %dma_wait3A_1157 = tpu.memref_slice %dma_wait3A_1154[%dma_wait3A_1148, %dma_wait3A_1155, %dma_wait3A_1156] : memref<4x200x32xf32, #tpu.memory_space<vmem>> -> memref<1x200x32xf32, #tpu.memory_space<vmem>>
      %dma_wait3A_1158 = tpu.memref_squeeze %dma_wait3A_1157 : memref<1x200x32xf32, #tpu.memory_space<vmem>> -> memref<200x32xf32, #tpu.memory_space<vmem>>
      %dma_wait3A_1159 = arith.constant 0 : i32
      %dma_wait3A_1160 = arith.constant 0 : i32
      %dma_wait3A_1161 = tpu.memref_slice %dma_wait3A_1158[%dma_wait3A_1159, %dma_wait3A_1160] : memref<200x32xf32, #tpu.memory_space<vmem>> -> memref<128x32xf32, #tpu.memory_space<vmem>>
      %dma_wait3A_1162 = arith.constant 0 : i32
      %dma_wait3A_1163 = arith.constant 0 : i32
      %dma_wait3A_1164 = tpu.memref_slice %arg5[%dma_wait3A_1145, %dma_wait3A_1162, %dma_wait3A_1163] : memref<4x4x200xi32, #tpu.memory_space<vmem>> -> memref<1x4x200xi32, #tpu.memory_space<vmem>>
      %dma_wait3A_1165 = tpu.memref_squeeze %dma_wait3A_1164 : memref<1x4x200xi32, #tpu.memory_space<vmem>> -> memref<4x200xi32, #tpu.memory_space<vmem>>
      %dma_wait3A_1166 = arith.constant 0 : i32
      %dma_wait3A_1167 = tpu.memref_slice %dma_wait3A_1165[%dma_wait3A_1146, %dma_wait3A_1166] : memref<4x200xi32, #tpu.memory_space<vmem>> -> memref<1x200xi32, #tpu.memory_space<vmem>>
      %dma_wait3A_1168 = tpu.memref_squeeze %dma_wait3A_1167 : memref<1x200xi32, #tpu.memory_space<vmem>> -> memref<200xi32, #tpu.memory_space<vmem>>
      %dma_wait3A_1169 = arith.constant 0 : i32
      %dma_wait3A_1170 = tpu.memref_slice %dma_wait3A_1168[%dma_wait3A_1169] : memref<200xi32, #tpu.memory_space<vmem>> -> memref<128xi32, #tpu.memory_space<vmem>>
      %dma_wait3A_1171 = arith.constant 0 : i32
      %dma_wait3A_1172 = arith.constant 0 : i32
      %dma_wait3A_1173 = tpu.memref_slice %arg3[%dma_wait3A_1171, %dma_wait3A_1172] : memref<1000000x32xf32, #tpu.memory_space<hbm>> -> memref<1000000x32xf32, #tpu.memory_space<hbm>>
      %dma_wait3A_1174 = tpu.memref_slice %arg8[%dma_wait3A_1149] : memref<4x!tpu.dma_semaphore, #tpu.memory_space<semaphore_mem>> -> memref<1x!tpu.dma_semaphore, #tpu.memory_space<semaphore_mem>>
      %dma_wait3A_1175 = tpu.memref_squeeze %dma_wait3A_1174 : memref<1x!tpu.dma_semaphore, #tpu.memory_space<semaphore_mem>> -> memref<!tpu.dma_semaphore, #tpu.memory_space<semaphore_mem>>
      tpu.wait_indirect_dma semaphore(%dma_wait3A_1175 : memref<!tpu.dma_semaphore, #tpu.memory_space<semaphore_mem>>) src(%dma_wait3A_1173 : memref<1000000x32xf32, #tpu.memory_space<hbm>>) dst(%dma_wait3A_1161 : memref<128x32xf32, #tpu.memory_space<vmem>>)
      %dma_wait3A_1176 = arith.constant 0 : i32
      %dma_wait3A_1177 = arith.constant 3 : i32
      %dma_wait3A_1178 = arith.constant 0 : i32
      %dma_wait3A_1179 = arith.constant 3 : i32
      %dma_wait3A_1180 = arith.constant 0 : i32
      %dma_wait3A_1181 = arith.constant 0 : i32
      %dma_wait3A_1182 = arith.constant 0 : i32
      %dma_wait3A_1183 = arith.constant 0 : i32
      %dma_wait3A_1184 = tpu.memref_slice %arg6[%dma_wait3A_1178, %dma_wait3A_1181, %dma_wait3A_1182, %dma_wait3A_1183] : memref<4x4x200x32xf32, #tpu.memory_space<vmem>> -> memref<1x4x200x32xf32, #tpu.memory_space<vmem>>
      %dma_wait3A_1185 = tpu.memref_squeeze %dma_wait3A_1184 : memref<1x4x200x32xf32, #tpu.memory_space<vmem>> -> memref<4x200x32xf32, #tpu.memory_space<vmem>>
      %dma_wait3A_1186 = arith.constant 0 : i32
      %dma_wait3A_1187 = arith.constant 0 : i32
      %dma_wait3A_1188 = tpu.memref_slice %dma_wait3A_1185[%dma_wait3A_1179, %dma_wait3A_1186, %dma_wait3A_1187] : memref<4x200x32xf32, #tpu.memory_space<vmem>> -> memref<1x200x32xf32, #tpu.memory_space<vmem>>
      %dma_wait3A_1189 = tpu.memref_squeeze %dma_wait3A_1188 : memref<1x200x32xf32, #tpu.memory_space<vmem>> -> memref<200x32xf32, #tpu.memory_space<vmem>>
      %dma_wait3A_1190 = arith.constant 128 : i32
      %dma_wait3A_1191 = arith.constant 0 : i32
      %dma_wait3A_1192 = tpu.memref_slice %dma_wait3A_1189[%dma_wait3A_1190, %dma_wait3A_1191] : memref<200x32xf32, #tpu.memory_space<vmem>> -> memref<72x32xf32, #tpu.memory_space<vmem>>
      %dma_wait3A_1193 = arith.constant 0 : i32
      %dma_wait3A_1194 = arith.constant 0 : i32
      %dma_wait3A_1195 = tpu.memref_slice %arg5[%dma_wait3A_1176, %dma_wait3A_1193, %dma_wait3A_1194] : memref<4x4x200xi32, #tpu.memory_space<vmem>> -> memref<1x4x200xi32, #tpu.memory_space<vmem>>
      %dma_wait3A_1196 = tpu.memref_squeeze %dma_wait3A_1195 : memref<1x4x200xi32, #tpu.memory_space<vmem>> -> memref<4x200xi32, #tpu.memory_space<vmem>>
      %dma_wait3A_1197 = arith.constant 0 : i32
      %dma_wait3A_1198 = tpu.memref_slice %dma_wait3A_1196[%dma_wait3A_1177, %dma_wait3A_1197] : memref<4x200xi32, #tpu.memory_space<vmem>> -> memref<1x200xi32, #tpu.memory_space<vmem>>
      %dma_wait3A_1199 = tpu.memref_squeeze %dma_wait3A_1198 : memref<1x200xi32, #tpu.memory_space<vmem>> -> memref<200xi32, #tpu.memory_space<vmem>>
      %dma_wait3A_1200 = arith.constant 128 : i32
      %dma_wait3A_1201 = tpu.memref_slice %dma_wait3A_1199[%dma_wait3A_1200] : memref<200xi32, #tpu.memory_space<vmem>> -> memref<72xi32, #tpu.memory_space<vmem>>
      %dma_wait3A_1202 = arith.constant 0 : i32
      %dma_wait3A_1203 = arith.constant 0 : i32
      %dma_wait3A_1204 = tpu.memref_slice %arg3[%dma_wait3A_1202, %dma_wait3A_1203] : memref<1000000x32xf32, #tpu.memory_space<hbm>> -> memref<1000000x32xf32, #tpu.memory_space<hbm>>
      %dma_wait3A_1205 = tpu.memref_slice %arg8[%dma_wait3A_1180] : memref<4x!tpu.dma_semaphore, #tpu.memory_space<semaphore_mem>> -> memref<1x!tpu.dma_semaphore, #tpu.memory_space<semaphore_mem>>
      %dma_wait3A_1206 = tpu.memref_squeeze %dma_wait3A_1205 : memref<1x!tpu.dma_semaphore, #tpu.memory_space<semaphore_mem>> -> memref<!tpu.dma_semaphore, #tpu.memory_space<semaphore_mem>>
      tpu.wait_indirect_dma semaphore(%dma_wait3A_1206 : memref<!tpu.dma_semaphore, #tpu.memory_space<semaphore_mem>>) src(%dma_wait3A_1204 : memref<1000000x32xf32, #tpu.memory_space<hbm>>) dst(%dma_wait3A_1192 : memref<72x32xf32, #tpu.memory_space<vmem>>)
      %mul3A_1207 = arith.constant 4 : i32
      %mul3A_1208 = arith.muli %sub3A_958, %mul3A_1207 : i32
      %add3A_1209 = arith.addi %mul3A_2, %mul3A_1208 : i32
      %dma_start3A_1210 = arith.constant 0 : i32
      %dma_start3A_1211 = arith.constant 0 : i32
      %dma_start3A_1212 = arith.constant 0 : i32
      %dma_start3A_1213 = arith.constant 0 : i32
      %dma_start3A_1214 = arith.constant 0 : i32
      %dma_start3A_1215 = tpu.memref_slice %arg6[%dma_start3A_1210, %dma_start3A_1212, %dma_start3A_1213, %dma_start3A_1214] : memref<4x4x200x32xf32, #tpu.memory_space<vmem>> -> memref<1x4x200x32xf32, #tpu.memory_space<vmem>>
      %dma_start3A_1216 = tpu.memref_squeeze %dma_start3A_1215 : memref<1x4x200x32xf32, #tpu.memory_space<vmem>> -> memref<4x200x32xf32, #tpu.memory_space<vmem>>
      %dma_start3A_1217 = arith.constant 0 : i32
      %dma_start3A_1218 = arith.constant 0 : i32
      %dma_start3A_1219 = tpu.memref_slice %arg4[%add3A_1209, %dma_start3A_1217, %dma_start3A_1218] : memref<16384x200x32xf32, #tpu.memory_space<hbm>> -> memref<4x200x32xf32, #tpu.memory_space<hbm>>
      %dma_start3A_1220 = tpu.memref_slice %arg9[%dma_start3A_1211] : memref<4x!tpu.dma_semaphore, #tpu.memory_space<semaphore_mem>> -> memref<1x!tpu.dma_semaphore, #tpu.memory_space<semaphore_mem>>
      %dma_start3A_1221 = tpu.memref_squeeze %dma_start3A_1220 : memref<1x!tpu.dma_semaphore, #tpu.memory_space<semaphore_mem>> -> memref<!tpu.dma_semaphore, #tpu.memory_space<semaphore_mem>>
      %dma_start3A_1222 = arith.constant 0 : i32
      %dma_start3A_1223 = arith.constant 0 : i32
      %dma_start3A_1224 = tpu.memref_slice %arg4[%add3A_1209, %dma_start3A_1222, %dma_start3A_1223] : memref<16384x200x32xf32, #tpu.memory_space<hbm>> -> memref<4x200x32xf32, #tpu.memory_space<hbm>>
      %dma_start3A_1225 = arith.constant 0 : i32
      %dma_start3A_1226 = arith.constant 0 : i32
      %dma_start3A_1227 = arith.constant 0 : i32
      %dma_start3A_1228 = tpu.memref_slice %arg6[%dma_start3A_1210, %dma_start3A_1225, %dma_start3A_1226, %dma_start3A_1227] : memref<4x4x200x32xf32, #tpu.memory_space<vmem>> -> memref<1x4x200x32xf32, #tpu.memory_space<vmem>>
      %dma_start3A_1229 = tpu.memref_squeeze %dma_start3A_1228 : memref<1x4x200x32xf32, #tpu.memory_space<vmem>> -> memref<4x200x32xf32, #tpu.memory_space<vmem>>
      tpu.enqueue_dma source(%dma_start3A_1229 : memref<4x200x32xf32, #tpu.memory_space<vmem>>) target(%dma_start3A_1224 : memref<4x200x32xf32, #tpu.memory_space<hbm>>) target_semaphore(%dma_start3A_1221 : memref<!tpu.dma_semaphore, #tpu.memory_space<semaphore_mem>>)
      %add3A_1230 = arith.constant 1 : i32
      %add3A_1231 = arith.addi %add3A_685, %add3A_1230 : i32
      %mul3A_1232 = arith.constant 4 : i32
      %mul3A_1233 = arith.muli %add3A_1231, %mul3A_1232 : i32
      %add3A_1234 = arith.addi %mul3A_2, %mul3A_1233 : i32
      %dma_start3A_1235 = arith.constant 2 : i32
      %dma_start3A_1236 = arith.constant 2 : i32
      %dma_start3A_1237 = arith.constant 0 : i32
      %dma_start3A_1238 = arith.constant 0 : i32
      %dma_start3A_1239 = tpu.memref_slice %arg5[%dma_start3A_1235, %dma_start3A_1237, %dma_start3A_1238] : memref<4x4x200xi32, #tpu.memory_space<vmem>> -> memref<1x4x200xi32, #tpu.memory_space<vmem>>
      %dma_start3A_1240 = tpu.memref_squeeze %dma_start3A_1239 : memref<1x4x200xi32, #tpu.memory_space<vmem>> -> memref<4x200xi32, #tpu.memory_space<vmem>>
      %dma_start3A_1241 = arith.constant 0 : i32
      %dma_start3A_1242 = tpu.memref_slice %arg2[%add3A_1234, %dma_start3A_1241] : memref<16384x200xi32, #tpu.memory_space<hbm>> -> memref<4x200xi32, #tpu.memory_space<hbm>>
      %dma_start3A_1243 = tpu.memref_slice %arg7[%dma_start3A_1236] : memref<4x!tpu.dma_semaphore, #tpu.memory_space<semaphore_mem>> -> memref<1x!tpu.dma_semaphore, #tpu.memory_space<semaphore_mem>>
      %dma_start3A_1244 = tpu.memref_squeeze %dma_start3A_1243 : memref<1x!tpu.dma_semaphore, #tpu.memory_space<semaphore_mem>> -> memref<!tpu.dma_semaphore, #tpu.memory_space<semaphore_mem>>
      %dma_start3A_1245 = arith.constant 0 : i32
      %dma_start3A_1246 = arith.constant 0 : i32
      %dma_start3A_1247 = tpu.memref_slice %arg5[%dma_start3A_1235, %dma_start3A_1245, %dma_start3A_1246] : memref<4x4x200xi32, #tpu.memory_space<vmem>> -> memref<1x4x200xi32, #tpu.memory_space<vmem>>
      %dma_start3A_1248 = tpu.memref_squeeze %dma_start3A_1247 : memref<1x4x200xi32, #tpu.memory_space<vmem>> -> memref<4x200xi32, #tpu.memory_space<vmem>>
      %dma_start3A_1249 = arith.constant 0 : i32
      %dma_start3A_1250 = tpu.memref_slice %arg2[%add3A_1234, %dma_start3A_1249] : memref<16384x200xi32, #tpu.memory_space<hbm>> -> memref<4x200xi32, #tpu.memory_space<hbm>>
      tpu.enqueue_dma source(%dma_start3A_1250 : memref<4x200xi32, #tpu.memory_space<hbm>>) target(%dma_start3A_1248 : memref<4x200xi32, #tpu.memory_space<vmem>>) target_semaphore(%dma_start3A_1244 : memref<!tpu.dma_semaphore, #tpu.memory_space<semaphore_mem>>)
      %mul3A_1251 = arith.constant 4 : i32
      %mul3A_1252 = arith.muli %scan3A_382, %mul3A_1251 : i32
      %add3A_1253 = arith.constant 2 : i32
      %add3A_1254 = arith.addi %mul3A_1252, %add3A_1253 : i32
      %ge3A_1255 = arith.constant 1 : i32
      %ge3A_1256 = arith.cmpi sge, %scan3A_382, %ge3A_1255 : i32
      %convert_element_type3A_1257 = arith.extui %ge3A_1256 : i1 to i32
      %cond3A_1258 = arith.constant 0 : i32
      %cond3A_1259 = arith.cmpi ne, %convert_element_type3A_1257, %cond3A_1258 : i32
      scf.if %cond3A_1259 {
        %sub3A_2374 = arith.constant 4 : i32
        %sub3A_2375 = arith.subi %add3A_1254, %sub3A_2374 : i32
        %mul3A_2376 = arith.constant 4 : i32
        %mul3A_2377 = arith.muli %sub3A_2375, %mul3A_2376 : i32
        %add3A_2378 = arith.addi %mul3A_2, %mul3A_2377 : i32
        %dma_wait3A_2379 = arith.constant 2 : i32
        %dma_wait3A_2380 = arith.constant 2 : i32
        %dma_wait3A_2381 = arith.constant 0 : i32
        %dma_wait3A_2382 = arith.constant 0 : i32
        %dma_wait3A_2383 = arith.constant 0 : i32
        %dma_wait3A_2384 = tpu.memref_slice %arg6[%dma_wait3A_2379, %dma_wait3A_2381, %dma_wait3A_2382, %dma_wait3A_2383] : memref<4x4x200x32xf32, #tpu.memory_space<vmem>> -> memref<1x4x200x32xf32, #tpu.memory_space<vmem>>
        %dma_wait3A_2385 = tpu.memref_squeeze %dma_wait3A_2384 : memref<1x4x200x32xf32, #tpu.memory_space<vmem>> -> memref<4x200x32xf32, #tpu.memory_space<vmem>>
        %dma_wait3A_2386 = arith.constant 0 : i32
        %dma_wait3A_2387 = arith.constant 0 : i32
        %dma_wait3A_2388 = tpu.memref_slice %arg4[%add3A_2378, %dma_wait3A_2386, %dma_wait3A_2387] : memref<16384x200x32xf32, #tpu.memory_space<hbm>> -> memref<4x200x32xf32, #tpu.memory_space<hbm>>
        %dma_wait3A_2389 = tpu.memref_slice %arg9[%dma_wait3A_2380] : memref<4x!tpu.dma_semaphore, #tpu.memory_space<semaphore_mem>> -> memref<1x!tpu.dma_semaphore, #tpu.memory_space<semaphore_mem>>
        %dma_wait3A_2390 = tpu.memref_squeeze %dma_wait3A_2389 : memref<1x!tpu.dma_semaphore, #tpu.memory_space<semaphore_mem>> -> memref<!tpu.dma_semaphore, #tpu.memory_space<semaphore_mem>>
        %dma_wait3A_2391 = arith.constant 0 : i32
        %dma_wait3A_2392 = arith.constant 0 : i32
        %dma_wait3A_2393 = tpu.memref_slice %arg4[%add3A_2378, %dma_wait3A_2391, %dma_wait3A_2392] : memref<16384x200x32xf32, #tpu.memory_space<hbm>> -> memref<4x200x32xf32, #tpu.memory_space<hbm>>
        %dma_wait3A_2394 = arith.constant 0 : i32
        %dma_wait3A_2395 = arith.constant 0 : i32
        %dma_wait3A_2396 = arith.constant 0 : i32
        %dma_wait3A_2397 = tpu.memref_slice %arg6[%dma_wait3A_2379, %dma_wait3A_2394, %dma_wait3A_2395, %dma_wait3A_2396] : memref<4x4x200x32xf32, #tpu.memory_space<vmem>> -> memref<1x4x200x32xf32, #tpu.memory_space<vmem>>
        %dma_wait3A_2398 = tpu.memref_squeeze %dma_wait3A_2397 : memref<1x4x200x32xf32, #tpu.memory_space<vmem>> -> memref<4x200x32xf32, #tpu.memory_space<vmem>>
        tpu.wait_dma2 semaphore(%dma_wait3A_2390 : memref<!tpu.dma_semaphore, #tpu.memory_space<semaphore_mem>>) src(%dma_wait3A_2398 : memref<4x200x32xf32, #tpu.memory_space<vmem>>) dst(%dma_wait3A_2393 : memref<4x200x32xf32, #tpu.memory_space<hbm>>)
      } else {
      }
      %mul3A_1260 = arith.constant 4 : i32
      %mul3A_1261 = arith.muli %add3A_1254, %mul3A_1260 : i32
      %add3A_1262 = arith.addi %mul3A_2, %mul3A_1261 : i32
      %dma_wait3A_1263 = arith.constant 2 : i32
      %dma_wait3A_1264 = arith.constant 2 : i32
      %dma_wait3A_1265 = arith.constant 0 : i32
      %dma_wait3A_1266 = arith.constant 0 : i32
      %dma_wait3A_1267 = tpu.memref_slice %arg5[%dma_wait3A_1263, %dma_wait3A_1265, %dma_wait3A_1266] : memref<4x4x200xi32, #tpu.memory_space<vmem>> -> memref<1x4x200xi32, #tpu.memory_space<vmem>>
      %dma_wait3A_1268 = tpu.memref_squeeze %dma_wait3A_1267 : memref<1x4x200xi32, #tpu.memory_space<vmem>> -> memref<4x200xi32, #tpu.memory_space<vmem>>
      %dma_wait3A_1269 = arith.constant 0 : i32
      %dma_wait3A_1270 = tpu.memref_slice %arg2[%add3A_1262, %dma_wait3A_1269] : memref<16384x200xi32, #tpu.memory_space<hbm>> -> memref<4x200xi32, #tpu.memory_space<hbm>>
      %dma_wait3A_1271 = tpu.memref_slice %arg7[%dma_wait3A_1264] : memref<4x!tpu.dma_semaphore, #tpu.memory_space<semaphore_mem>> -> memref<1x!tpu.dma_semaphore, #tpu.memory_space<semaphore_mem>>
      %dma_wait3A_1272 = tpu.memref_squeeze %dma_wait3A_1271 : memref<1x!tpu.dma_semaphore, #tpu.memory_space<semaphore_mem>> -> memref<!tpu.dma_semaphore, #tpu.memory_space<semaphore_mem>>
      %dma_wait3A_1273 = arith.constant 0 : i32
      %dma_wait3A_1274 = arith.constant 0 : i32
      %dma_wait3A_1275 = tpu.memref_slice %arg5[%dma_wait3A_1263, %dma_wait3A_1273, %dma_wait3A_1274] : memref<4x4x200xi32, #tpu.memory_space<vmem>> -> memref<1x4x200xi32, #tpu.memory_space<vmem>>
      %dma_wait3A_1276 = tpu.memref_squeeze %dma_wait3A_1275 : memref<1x4x200xi32, #tpu.memory_space<vmem>> -> memref<4x200xi32, #tpu.memory_space<vmem>>
      %dma_wait3A_1277 = arith.constant 0 : i32
      %dma_wait3A_1278 = tpu.memref_slice %arg2[%add3A_1262, %dma_wait3A_1277] : memref<16384x200xi32, #tpu.memory_space<hbm>> -> memref<4x200xi32, #tpu.memory_space<hbm>>
      tpu.wait_dma2 semaphore(%dma_wait3A_1272 : memref<!tpu.dma_semaphore, #tpu.memory_space<semaphore_mem>>) src(%dma_wait3A_1278 : memref<4x200xi32, #tpu.memory_space<hbm>>) dst(%dma_wait3A_1276 : memref<4x200xi32, #tpu.memory_space<vmem>>)
      %dma_start3A_1279 = arith.constant 2 : i32
      %dma_start3A_1280 = arith.constant 0 : i32
      %dma_start3A_1281 = arith.constant 2 : i32
      %dma_start3A_1282 = arith.constant 0 : i32
      %dma_start3A_1283 = arith.constant 2 : i32
      %dma_start3A_1284 = arith.constant 0 : i32
      %dma_start3A_1285 = arith.constant 0 : i32
      %dma_start3A_1286 = arith.constant 0 : i32
      %dma_start3A_1287 = tpu.memref_slice %arg6[%dma_start3A_1281, %dma_start3A_1284, %dma_start3A_1285, %dma_start3A_1286] : memref<4x4x200x32xf32, #tpu.memory_space<vmem>> -> memref<1x4x200x32xf32, #tpu.memory_space<vmem>>
      %dma_start3A_1288 = tpu.memref_squeeze %dma_start3A_1287 : memref<1x4x200x32xf32, #tpu.memory_space<vmem>> -> memref<4x200x32xf32, #tpu.memory_space<vmem>>
      %dma_start3A_1289 = arith.constant 0 : i32
      %dma_start3A_1290 = arith.constant 0 : i32
      %dma_start3A_1291 = tpu.memref_slice %dma_start3A_1288[%dma_start3A_1282, %dma_start3A_1289, %dma_start3A_1290] : memref<4x200x32xf32, #tpu.memory_space<vmem>> -> memref<1x200x32xf32, #tpu.memory_space<vmem>>
      %dma_start3A_1292 = tpu.memref_squeeze %dma_start3A_1291 : memref<1x200x32xf32, #tpu.memory_space<vmem>> -> memref<200x32xf32, #tpu.memory_space<vmem>>
      %dma_start3A_1293 = arith.constant 0 : i32
      %dma_start3A_1294 = arith.constant 0 : i32
      %dma_start3A_1295 = tpu.memref_slice %dma_start3A_1292[%dma_start3A_1293, %dma_start3A_1294] : memref<200x32xf32, #tpu.memory_space<vmem>> -> memref<128x32xf32, #tpu.memory_space<vmem>>
      %dma_start3A_1296 = arith.constant 0 : i32
      %dma_start3A_1297 = arith.constant 0 : i32
      %dma_start3A_1298 = tpu.memref_slice %arg5[%dma_start3A_1279, %dma_start3A_1296, %dma_start3A_1297] : memref<4x4x200xi32, #tpu.memory_space<vmem>> -> memref<1x4x200xi32, #tpu.memory_space<vmem>>
      %dma_start3A_1299 = tpu.memref_squeeze %dma_start3A_1298 : memref<1x4x200xi32, #tpu.memory_space<vmem>> -> memref<4x200xi32, #tpu.memory_space<vmem>>
      %dma_start3A_1300 = arith.constant 0 : i32
      %dma_start3A_1301 = tpu.memref_slice %dma_start3A_1299[%dma_start3A_1280, %dma_start3A_1300] : memref<4x200xi32, #tpu.memory_space<vmem>> -> memref<1x200xi32, #tpu.memory_space<vmem>>
      %dma_start3A_1302 = tpu.memref_squeeze %dma_start3A_1301 : memref<1x200xi32, #tpu.memory_space<vmem>> -> memref<200xi32, #tpu.memory_space<vmem>>
      %dma_start3A_1303 = arith.constant 0 : i32
      %dma_start3A_1304 = tpu.memref_slice %dma_start3A_1302[%dma_start3A_1303] : memref<200xi32, #tpu.memory_space<vmem>> -> memref<128xi32, #tpu.memory_space<vmem>>
      %dma_start3A_1305 = arith.constant 0 : i32
      %dma_start3A_1306 = arith.constant 0 : i32
      %dma_start3A_1307 = tpu.memref_slice %arg3[%dma_start3A_1305, %dma_start3A_1306] : memref<1000000x32xf32, #tpu.memory_space<hbm>> -> memref<1000000x32xf32, #tpu.memory_space<hbm>>
      %dma_start3A_1308 = tpu.memref_slice %arg8[%dma_start3A_1283] : memref<4x!tpu.dma_semaphore, #tpu.memory_space<semaphore_mem>> -> memref<1x!tpu.dma_semaphore, #tpu.memory_space<semaphore_mem>>
      %dma_start3A_1309 = tpu.memref_squeeze %dma_start3A_1308 : memref<1x!tpu.dma_semaphore, #tpu.memory_space<semaphore_mem>> -> memref<!tpu.dma_semaphore, #tpu.memory_space<semaphore_mem>>
      tpu.enqueue_indirect_dma source(%dma_start3A_1307 : memref<1000000x32xf32, #tpu.memory_space<hbm>>) target(%dma_start3A_1295 : memref<128x32xf32, #tpu.memory_space<vmem>>) offsets(%dma_start3A_1304 : memref<128xi32, #tpu.memory_space<vmem>>) semaphore(%dma_start3A_1309 : memref<!tpu.dma_semaphore, #tpu.memory_space<semaphore_mem>>)
      %dma_start3A_1310 = arith.constant 2 : i32
      %dma_start3A_1311 = arith.constant 0 : i32
      %dma_start3A_1312 = arith.constant 2 : i32
      %dma_start3A_1313 = arith.constant 0 : i32
      %dma_start3A_1314 = arith.constant 2 : i32
      %dma_start3A_1315 = arith.constant 0 : i32
      %dma_start3A_1316 = arith.constant 0 : i32
      %dma_start3A_1317 = arith.constant 0 : i32
      %dma_start3A_1318 = tpu.memref_slice %arg6[%dma_start3A_1312, %dma_start3A_1315, %dma_start3A_1316, %dma_start3A_1317] : memref<4x4x200x32xf32, #tpu.memory_space<vmem>> -> memref<1x4x200x32xf32, #tpu.memory_space<vmem>>
      %dma_start3A_1319 = tpu.memref_squeeze %dma_start3A_1318 : memref<1x4x200x32xf32, #tpu.memory_space<vmem>> -> memref<4x200x32xf32, #tpu.memory_space<vmem>>
      %dma_start3A_1320 = arith.constant 0 : i32
      %dma_start3A_1321 = arith.constant 0 : i32
      %dma_start3A_1322 = tpu.memref_slice %dma_start3A_1319[%dma_start3A_1313, %dma_start3A_1320, %dma_start3A_1321] : memref<4x200x32xf32, #tpu.memory_space<vmem>> -> memref<1x200x32xf32, #tpu.memory_space<vmem>>
      %dma_start3A_1323 = tpu.memref_squeeze %dma_start3A_1322 : memref<1x200x32xf32, #tpu.memory_space<vmem>> -> memref<200x32xf32, #tpu.memory_space<vmem>>
      %dma_start3A_1324 = arith.constant 128 : i32
      %dma_start3A_1325 = arith.constant 0 : i32
      %dma_start3A_1326 = tpu.memref_slice %dma_start3A_1323[%dma_start3A_1324, %dma_start3A_1325] : memref<200x32xf32, #tpu.memory_space<vmem>> -> memref<72x32xf32, #tpu.memory_space<vmem>>
      %dma_start3A_1327 = arith.constant 0 : i32
      %dma_start3A_1328 = arith.constant 0 : i32
      %dma_start3A_1329 = tpu.memref_slice %arg5[%dma_start3A_1310, %dma_start3A_1327, %dma_start3A_1328] : memref<4x4x200xi32, #tpu.memory_space<vmem>> -> memref<1x4x200xi32, #tpu.memory_space<vmem>>
      %dma_start3A_1330 = tpu.memref_squeeze %dma_start3A_1329 : memref<1x4x200xi32, #tpu.memory_space<vmem>> -> memref<4x200xi32, #tpu.memory_space<vmem>>
      %dma_start3A_1331 = arith.constant 0 : i32
      %dma_start3A_1332 = tpu.memref_slice %dma_start3A_1330[%dma_start3A_1311, %dma_start3A_1331] : memref<4x200xi32, #tpu.memory_space<vmem>> -> memref<1x200xi32, #tpu.memory_space<vmem>>
      %dma_start3A_1333 = tpu.memref_squeeze %dma_start3A_1332 : memref<1x200xi32, #tpu.memory_space<vmem>> -> memref<200xi32, #tpu.memory_space<vmem>>
      %dma_start3A_1334 = arith.constant 128 : i32
      %dma_start3A_1335 = tpu.memref_slice %dma_start3A_1333[%dma_start3A_1334] : memref<200xi32, #tpu.memory_space<vmem>> -> memref<72xi32, #tpu.memory_space<vmem>>
      %dma_start3A_1336 = arith.constant 0 : i32
      %dma_start3A_1337 = arith.constant 0 : i32
      %dma_start3A_1338 = tpu.memref_slice %arg3[%dma_start3A_1336, %dma_start3A_1337] : memref<1000000x32xf32, #tpu.memory_space<hbm>> -> memref<1000000x32xf32, #tpu.memory_space<hbm>>
      %dma_start3A_1339 = tpu.memref_slice %arg8[%dma_start3A_1314] : memref<4x!tpu.dma_semaphore, #tpu.memory_space<semaphore_mem>> -> memref<1x!tpu.dma_semaphore, #tpu.memory_space<semaphore_mem>>
      %dma_start3A_1340 = tpu.memref_squeeze %dma_start3A_1339 : memref<1x!tpu.dma_semaphore, #tpu.memory_space<semaphore_mem>> -> memref<!tpu.dma_semaphore, #tpu.memory_space<semaphore_mem>>
      tpu.enqueue_indirect_dma source(%dma_start3A_1338 : memref<1000000x32xf32, #tpu.memory_space<hbm>>) target(%dma_start3A_1326 : memref<72x32xf32, #tpu.memory_space<vmem>>) offsets(%dma_start3A_1335 : memref<72xi32, #tpu.memory_space<vmem>>) semaphore(%dma_start3A_1340 : memref<!tpu.dma_semaphore, #tpu.memory_space<semaphore_mem>>)
      %dma_start3A_1341 = arith.constant 2 : i32
      %dma_start3A_1342 = arith.constant 1 : i32
      %dma_start3A_1343 = arith.constant 2 : i32
      %dma_start3A_1344 = arith.constant 1 : i32
      %dma_start3A_1345 = arith.constant 2 : i32
      %dma_start3A_1346 = arith.constant 0 : i32
      %dma_start3A_1347 = arith.constant 0 : i32
      %dma_start3A_1348 = arith.constant 0 : i32
      %dma_start3A_1349 = tpu.memref_slice %arg6[%dma_start3A_1343, %dma_start3A_1346, %dma_start3A_1347, %dma_start3A_1348] : memref<4x4x200x32xf32, #tpu.memory_space<vmem>> -> memref<1x4x200x32xf32, #tpu.memory_space<vmem>>
      %dma_start3A_1350 = tpu.memref_squeeze %dma_start3A_1349 : memref<1x4x200x32xf32, #tpu.memory_space<vmem>> -> memref<4x200x32xf32, #tpu.memory_space<vmem>>
      %dma_start3A_1351 = arith.constant 0 : i32
      %dma_start3A_1352 = arith.constant 0 : i32
      %dma_start3A_1353 = tpu.memref_slice %dma_start3A_1350[%dma_start3A_1344, %dma_start3A_1351, %dma_start3A_1352] : memref<4x200x32xf32, #tpu.memory_space<vmem>> -> memref<1x200x32xf32, #tpu.memory_space<vmem>>
      %dma_start3A_1354 = tpu.memref_squeeze %dma_start3A_1353 : memref<1x200x32xf32, #tpu.memory_space<vmem>> -> memref<200x32xf32, #tpu.memory_space<vmem>>
      %dma_start3A_1355 = arith.constant 0 : i32
      %dma_start3A_1356 = arith.constant 0 : i32
      %dma_start3A_1357 = tpu.memref_slice %dma_start3A_1354[%dma_start3A_1355, %dma_start3A_1356] : memref<200x32xf32, #tpu.memory_space<vmem>> -> memref<128x32xf32, #tpu.memory_space<vmem>>
      %dma_start3A_1358 = arith.constant 0 : i32
      %dma_start3A_1359 = arith.constant 0 : i32
      %dma_start3A_1360 = tpu.memref_slice %arg5[%dma_start3A_1341, %dma_start3A_1358, %dma_start3A_1359] : memref<4x4x200xi32, #tpu.memory_space<vmem>> -> memref<1x4x200xi32, #tpu.memory_space<vmem>>
      %dma_start3A_1361 = tpu.memref_squeeze %dma_start3A_1360 : memref<1x4x200xi32, #tpu.memory_space<vmem>> -> memref<4x200xi32, #tpu.memory_space<vmem>>
      %dma_start3A_1362 = arith.constant 0 : i32
      %dma_start3A_1363 = tpu.memref_slice %dma_start3A_1361[%dma_start3A_1342, %dma_start3A_1362] : memref<4x200xi32, #tpu.memory_space<vmem>> -> memref<1x200xi32, #tpu.memory_space<vmem>>
      %dma_start3A_1364 = tpu.memref_squeeze %dma_start3A_1363 : memref<1x200xi32, #tpu.memory_space<vmem>> -> memref<200xi32, #tpu.memory_space<vmem>>
      %dma_start3A_1365 = arith.constant 0 : i32
      %dma_start3A_1366 = tpu.memref_slice %dma_start3A_1364[%dma_start3A_1365] : memref<200xi32, #tpu.memory_space<vmem>> -> memref<128xi32, #tpu.memory_space<vmem>>
      %dma_start3A_1367 = arith.constant 0 : i32
      %dma_start3A_1368 = arith.constant 0 : i32
      %dma_start3A_1369 = tpu.memref_slice %arg3[%dma_start3A_1367, %dma_start3A_1368] : memref<1000000x32xf32, #tpu.memory_space<hbm>> -> memref<1000000x32xf32, #tpu.memory_space<hbm>>
      %dma_start3A_1370 = tpu.memref_slice %arg8[%dma_start3A_1345] : memref<4x!tpu.dma_semaphore, #tpu.memory_space<semaphore_mem>> -> memref<1x!tpu.dma_semaphore, #tpu.memory_space<semaphore_mem>>
      %dma_start3A_1371 = tpu.memref_squeeze %dma_start3A_1370 : memref<1x!tpu.dma_semaphore, #tpu.memory_space<semaphore_mem>> -> memref<!tpu.dma_semaphore, #tpu.memory_space<semaphore_mem>>
      tpu.enqueue_indirect_dma source(%dma_start3A_1369 : memref<1000000x32xf32, #tpu.memory_space<hbm>>) target(%dma_start3A_1357 : memref<128x32xf32, #tpu.memory_space<vmem>>) offsets(%dma_start3A_1366 : memref<128xi32, #tpu.memory_space<vmem>>) semaphore(%dma_start3A_1371 : memref<!tpu.dma_semaphore, #tpu.memory_space<semaphore_mem>>)
      %dma_start3A_1372 = arith.constant 2 : i32
      %dma_start3A_1373 = arith.constant 1 : i32
      %dma_start3A_1374 = arith.constant 2 : i32
      %dma_start3A_1375 = arith.constant 1 : i32
      %dma_start3A_1376 = arith.constant 2 : i32
      %dma_start3A_1377 = arith.constant 0 : i32
      %dma_start3A_1378 = arith.constant 0 : i32
      %dma_start3A_1379 = arith.constant 0 : i32
      %dma_start3A_1380 = tpu.memref_slice %arg6[%dma_start3A_1374, %dma_start3A_1377, %dma_start3A_1378, %dma_start3A_1379] : memref<4x4x200x32xf32, #tpu.memory_space<vmem>> -> memref<1x4x200x32xf32, #tpu.memory_space<vmem>>
      %dma_start3A_1381 = tpu.memref_squeeze %dma_start3A_1380 : memref<1x4x200x32xf32, #tpu.memory_space<vmem>> -> memref<4x200x32xf32, #tpu.memory_space<vmem>>
      %dma_start3A_1382 = arith.constant 0 : i32
      %dma_start3A_1383 = arith.constant 0 : i32
      %dma_start3A_1384 = tpu.memref_slice %dma_start3A_1381[%dma_start3A_1375, %dma_start3A_1382, %dma_start3A_1383] : memref<4x200x32xf32, #tpu.memory_space<vmem>> -> memref<1x200x32xf32, #tpu.memory_space<vmem>>
      %dma_start3A_1385 = tpu.memref_squeeze %dma_start3A_1384 : memref<1x200x32xf32, #tpu.memory_space<vmem>> -> memref<200x32xf32, #tpu.memory_space<vmem>>
      %dma_start3A_1386 = arith.constant 128 : i32
      %dma_start3A_1387 = arith.constant 0 : i32
      %dma_start3A_1388 = tpu.memref_slice %dma_start3A_1385[%dma_start3A_1386, %dma_start3A_1387] : memref<200x32xf32, #tpu.memory_space<vmem>> -> memref<72x32xf32, #tpu.memory_space<vmem>>
      %dma_start3A_1389 = arith.constant 0 : i32
      %dma_start3A_1390 = arith.constant 0 : i32
      %dma_start3A_1391 = tpu.memref_slice %arg5[%dma_start3A_1372, %dma_start3A_1389, %dma_start3A_1390] : memref<4x4x200xi32, #tpu.memory_space<vmem>> -> memref<1x4x200xi32, #tpu.memory_space<vmem>>
      %dma_start3A_1392 = tpu.memref_squeeze %dma_start3A_1391 : memref<1x4x200xi32, #tpu.memory_space<vmem>> -> memref<4x200xi32, #tpu.memory_space<vmem>>
      %dma_start3A_1393 = arith.constant 0 : i32
      %dma_start3A_1394 = tpu.memref_slice %dma_start3A_1392[%dma_start3A_1373, %dma_start3A_1393] : memref<4x200xi32, #tpu.memory_space<vmem>> -> memref<1x200xi32, #tpu.memory_space<vmem>>
      %dma_start3A_1395 = tpu.memref_squeeze %dma_start3A_1394 : memref<1x200xi32, #tpu.memory_space<vmem>> -> memref<200xi32, #tpu.memory_space<vmem>>
      %dma_start3A_1396 = arith.constant 128 : i32
      %dma_start3A_1397 = tpu.memref_slice %dma_start3A_1395[%dma_start3A_1396] : memref<200xi32, #tpu.memory_space<vmem>> -> memref<72xi32, #tpu.memory_space<vmem>>
      %dma_start3A_1398 = arith.constant 0 : i32
      %dma_start3A_1399 = arith.constant 0 : i32
      %dma_start3A_1400 = tpu.memref_slice %arg3[%dma_start3A_1398, %dma_start3A_1399] : memref<1000000x32xf32, #tpu.memory_space<hbm>> -> memref<1000000x32xf32, #tpu.memory_space<hbm>>
      %dma_start3A_1401 = tpu.memref_slice %arg8[%dma_start3A_1376] : memref<4x!tpu.dma_semaphore, #tpu.memory_space<semaphore_mem>> -> memref<1x!tpu.dma_semaphore, #tpu.memory_space<semaphore_mem>>
      %dma_start3A_1402 = tpu.memref_squeeze %dma_start3A_1401 : memref<1x!tpu.dma_semaphore, #tpu.memory_space<semaphore_mem>> -> memref<!tpu.dma_semaphore, #tpu.memory_space<semaphore_mem>>
      tpu.enqueue_indirect_dma source(%dma_start3A_1400 : memref<1000000x32xf32, #tpu.memory_space<hbm>>) target(%dma_start3A_1388 : memref<72x32xf32, #tpu.memory_space<vmem>>) offsets(%dma_start3A_1397 : memref<72xi32, #tpu.memory_space<vmem>>) semaphore(%dma_start3A_1402 : memref<!tpu.dma_semaphore, #tpu.memory_space<semaphore_mem>>)
      %dma_start3A_1403 = arith.constant 2 : i32
      %dma_start3A_1404 = arith.constant 2 : i32
      %dma_start3A_1405 = arith.constant 2 : i32
      %dma_start3A_1406 = arith.constant 2 : i32
      %dma_start3A_1407 = arith.constant 2 : i32
      %dma_start3A_1408 = arith.constant 0 : i32
      %dma_start3A_1409 = arith.constant 0 : i32
      %dma_start3A_1410 = arith.constant 0 : i32
      %dma_start3A_1411 = tpu.memref_slice %arg6[%dma_start3A_1405, %dma_start3A_1408, %dma_start3A_1409, %dma_start3A_1410] : memref<4x4x200x32xf32, #tpu.memory_space<vmem>> -> memref<1x4x200x32xf32, #tpu.memory_space<vmem>>
      %dma_start3A_1412 = tpu.memref_squeeze %dma_start3A_1411 : memref<1x4x200x32xf32, #tpu.memory_space<vmem>> -> memref<4x200x32xf32, #tpu.memory_space<vmem>>
      %dma_start3A_1413 = arith.constant 0 : i32
      %dma_start3A_1414 = arith.constant 0 : i32
      %dma_start3A_1415 = tpu.memref_slice %dma_start3A_1412[%dma_start3A_1406, %dma_start3A_1413, %dma_start3A_1414] : memref<4x200x32xf32, #tpu.memory_space<vmem>> -> memref<1x200x32xf32, #tpu.memory_space<vmem>>
      %dma_start3A_1416 = tpu.memref_squeeze %dma_start3A_1415 : memref<1x200x32xf32, #tpu.memory_space<vmem>> -> memref<200x32xf32, #tpu.memory_space<vmem>>
      %dma_start3A_1417 = arith.constant 0 : i32
      %dma_start3A_1418 = arith.constant 0 : i32
      %dma_start3A_1419 = tpu.memref_slice %dma_start3A_1416[%dma_start3A_1417, %dma_start3A_1418] : memref<200x32xf32, #tpu.memory_space<vmem>> -> memref<128x32xf32, #tpu.memory_space<vmem>>
      %dma_start3A_1420 = arith.constant 0 : i32
      %dma_start3A_1421 = arith.constant 0 : i32
      %dma_start3A_1422 = tpu.memref_slice %arg5[%dma_start3A_1403, %dma_start3A_1420, %dma_start3A_1421] : memref<4x4x200xi32, #tpu.memory_space<vmem>> -> memref<1x4x200xi32, #tpu.memory_space<vmem>>
      %dma_start3A_1423 = tpu.memref_squeeze %dma_start3A_1422 : memref<1x4x200xi32, #tpu.memory_space<vmem>> -> memref<4x200xi32, #tpu.memory_space<vmem>>
      %dma_start3A_1424 = arith.constant 0 : i32
      %dma_start3A_1425 = tpu.memref_slice %dma_start3A_1423[%dma_start3A_1404, %dma_start3A_1424] : memref<4x200xi32, #tpu.memory_space<vmem>> -> memref<1x200xi32, #tpu.memory_space<vmem>>
      %dma_start3A_1426 = tpu.memref_squeeze %dma_start3A_1425 : memref<1x200xi32, #tpu.memory_space<vmem>> -> memref<200xi32, #tpu.memory_space<vmem>>
      %dma_start3A_1427 = arith.constant 0 : i32
      %dma_start3A_1428 = tpu.memref_slice %dma_start3A_1426[%dma_start3A_1427] : memref<200xi32, #tpu.memory_space<vmem>> -> memref<128xi32, #tpu.memory_space<vmem>>
      %dma_start3A_1429 = arith.constant 0 : i32
      %dma_start3A_1430 = arith.constant 0 : i32
      %dma_start3A_1431 = tpu.memref_slice %arg3[%dma_start3A_1429, %dma_start3A_1430] : memref<1000000x32xf32, #tpu.memory_space<hbm>> -> memref<1000000x32xf32, #tpu.memory_space<hbm>>
      %dma_start3A_1432 = tpu.memref_slice %arg8[%dma_start3A_1407] : memref<4x!tpu.dma_semaphore, #tpu.memory_space<semaphore_mem>> -> memref<1x!tpu.dma_semaphore, #tpu.memory_space<semaphore_mem>>
      %dma_start3A_1433 = tpu.memref_squeeze %dma_start3A_1432 : memref<1x!tpu.dma_semaphore, #tpu.memory_space<semaphore_mem>> -> memref<!tpu.dma_semaphore, #tpu.memory_space<semaphore_mem>>
      tpu.enqueue_indirect_dma source(%dma_start3A_1431 : memref<1000000x32xf32, #tpu.memory_space<hbm>>) target(%dma_start3A_1419 : memref<128x32xf32, #tpu.memory_space<vmem>>) offsets(%dma_start3A_1428 : memref<128xi32, #tpu.memory_space<vmem>>) semaphore(%dma_start3A_1433 : memref<!tpu.dma_semaphore, #tpu.memory_space<semaphore_mem>>)
      %dma_start3A_1434 = arith.constant 2 : i32
      %dma_start3A_1435 = arith.constant 2 : i32
      %dma_start3A_1436 = arith.constant 2 : i32
      %dma_start3A_1437 = arith.constant 2 : i32
      %dma_start3A_1438 = arith.constant 2 : i32
      %dma_start3A_1439 = arith.constant 0 : i32
      %dma_start3A_1440 = arith.constant 0 : i32
      %dma_start3A_1441 = arith.constant 0 : i32
      %dma_start3A_1442 = tpu.memref_slice %arg6[%dma_start3A_1436, %dma_start3A_1439, %dma_start3A_1440, %dma_start3A_1441] : memref<4x4x200x32xf32, #tpu.memory_space<vmem>> -> memref<1x4x200x32xf32, #tpu.memory_space<vmem>>
      %dma_start3A_1443 = tpu.memref_squeeze %dma_start3A_1442 : memref<1x4x200x32xf32, #tpu.memory_space<vmem>> -> memref<4x200x32xf32, #tpu.memory_space<vmem>>
      %dma_start3A_1444 = arith.constant 0 : i32
      %dma_start3A_1445 = arith.constant 0 : i32
      %dma_start3A_1446 = tpu.memref_slice %dma_start3A_1443[%dma_start3A_1437, %dma_start3A_1444, %dma_start3A_1445] : memref<4x200x32xf32, #tpu.memory_space<vmem>> -> memref<1x200x32xf32, #tpu.memory_space<vmem>>
      %dma_start3A_1447 = tpu.memref_squeeze %dma_start3A_1446 : memref<1x200x32xf32, #tpu.memory_space<vmem>> -> memref<200x32xf32, #tpu.memory_space<vmem>>
      %dma_start3A_1448 = arith.constant 128 : i32
      %dma_start3A_1449 = arith.constant 0 : i32
      %dma_start3A_1450 = tpu.memref_slice %dma_start3A_1447[%dma_start3A_1448, %dma_start3A_1449] : memref<200x32xf32, #tpu.memory_space<vmem>> -> memref<72x32xf32, #tpu.memory_space<vmem>>
      %dma_start3A_1451 = arith.constant 0 : i32
      %dma_start3A_1452 = arith.constant 0 : i32
      %dma_start3A_1453 = tpu.memref_slice %arg5[%dma_start3A_1434, %dma_start3A_1451, %dma_start3A_1452] : memref<4x4x200xi32, #tpu.memory_space<vmem>> -> memref<1x4x200xi32, #tpu.memory_space<vmem>>
      %dma_start3A_1454 = tpu.memref_squeeze %dma_start3A_1453 : memref<1x4x200xi32, #tpu.memory_space<vmem>> -> memref<4x200xi32, #tpu.memory_space<vmem>>
      %dma_start3A_1455 = arith.constant 0 : i32
      %dma_start3A_1456 = tpu.memref_slice %dma_start3A_1454[%dma_start3A_1435, %dma_start3A_1455] : memref<4x200xi32, #tpu.memory_space<vmem>> -> memref<1x200xi32, #tpu.memory_space<vmem>>
      %dma_start3A_1457 = tpu.memref_squeeze %dma_start3A_1456 : memref<1x200xi32, #tpu.memory_space<vmem>> -> memref<200xi32, #tpu.memory_space<vmem>>
      %dma_start3A_1458 = arith.constant 128 : i32
      %dma_start3A_1459 = tpu.memref_slice %dma_start3A_1457[%dma_start3A_1458] : memref<200xi32, #tpu.memory_space<vmem>> -> memref<72xi32, #tpu.memory_space<vmem>>
      %dma_start3A_1460 = arith.constant 0 : i32
      %dma_start3A_1461 = arith.constant 0 : i32
      %dma_start3A_1462 = tpu.memref_slice %arg3[%dma_start3A_1460, %dma_start3A_1461] : memref<1000000x32xf32, #tpu.memory_space<hbm>> -> memref<1000000x32xf32, #tpu.memory_space<hbm>>
      %dma_start3A_1463 = tpu.memref_slice %arg8[%dma_start3A_1438] : memref<4x!tpu.dma_semaphore, #tpu.memory_space<semaphore_mem>> -> memref<1x!tpu.dma_semaphore, #tpu.memory_space<semaphore_mem>>
      %dma_start3A_1464 = tpu.memref_squeeze %dma_start3A_1463 : memref<1x!tpu.dma_semaphore, #tpu.memory_space<semaphore_mem>> -> memref<!tpu.dma_semaphore, #tpu.memory_space<semaphore_mem>>
      tpu.enqueue_indirect_dma source(%dma_start3A_1462 : memref<1000000x32xf32, #tpu.memory_space<hbm>>) target(%dma_start3A_1450 : memref<72x32xf32, #tpu.memory_space<vmem>>) offsets(%dma_start3A_1459 : memref<72xi32, #tpu.memory_space<vmem>>) semaphore(%dma_start3A_1464 : memref<!tpu.dma_semaphore, #tpu.memory_space<semaphore_mem>>)
      %dma_start3A_1465 = arith.constant 2 : i32
      %dma_start3A_1466 = arith.constant 3 : i32
      %dma_start3A_1467 = arith.constant 2 : i32
      %dma_start3A_1468 = arith.constant 3 : i32
      %dma_start3A_1469 = arith.constant 2 : i32
      %dma_start3A_1470 = arith.constant 0 : i32
      %dma_start3A_1471 = arith.constant 0 : i32
      %dma_start3A_1472 = arith.constant 0 : i32
      %dma_start3A_1473 = tpu.memref_slice %arg6[%dma_start3A_1467, %dma_start3A_1470, %dma_start3A_1471, %dma_start3A_1472] : memref<4x4x200x32xf32, #tpu.memory_space<vmem>> -> memref<1x4x200x32xf32, #tpu.memory_space<vmem>>
      %dma_start3A_1474 = tpu.memref_squeeze %dma_start3A_1473 : memref<1x4x200x32xf32, #tpu.memory_space<vmem>> -> memref<4x200x32xf32, #tpu.memory_space<vmem>>
      %dma_start3A_1475 = arith.constant 0 : i32
      %dma_start3A_1476 = arith.constant 0 : i32
      %dma_start3A_1477 = tpu.memref_slice %dma_start3A_1474[%dma_start3A_1468, %dma_start3A_1475, %dma_start3A_1476] : memref<4x200x32xf32, #tpu.memory_space<vmem>> -> memref<1x200x32xf32, #tpu.memory_space<vmem>>
      %dma_start3A_1478 = tpu.memref_squeeze %dma_start3A_1477 : memref<1x200x32xf32, #tpu.memory_space<vmem>> -> memref<200x32xf32, #tpu.memory_space<vmem>>
      %dma_start3A_1479 = arith.constant 0 : i32
      %dma_start3A_1480 = arith.constant 0 : i32
      %dma_start3A_1481 = tpu.memref_slice %dma_start3A_1478[%dma_start3A_1479, %dma_start3A_1480] : memref<200x32xf32, #tpu.memory_space<vmem>> -> memref<128x32xf32, #tpu.memory_space<vmem>>
      %dma_start3A_1482 = arith.constant 0 : i32
      %dma_start3A_1483 = arith.constant 0 : i32
      %dma_start3A_1484 = tpu.memref_slice %arg5[%dma_start3A_1465, %dma_start3A_1482, %dma_start3A_1483] : memref<4x4x200xi32, #tpu.memory_space<vmem>> -> memref<1x4x200xi32, #tpu.memory_space<vmem>>
      %dma_start3A_1485 = tpu.memref_squeeze %dma_start3A_1484 : memref<1x4x200xi32, #tpu.memory_space<vmem>> -> memref<4x200xi32, #tpu.memory_space<vmem>>
      %dma_start3A_1486 = arith.constant 0 : i32
      %dma_start3A_1487 = tpu.memref_slice %dma_start3A_1485[%dma_start3A_1466, %dma_start3A_1486] : memref<4x200xi32, #tpu.memory_space<vmem>> -> memref<1x200xi32, #tpu.memory_space<vmem>>
      %dma_start3A_1488 = tpu.memref_squeeze %dma_start3A_1487 : memref<1x200xi32, #tpu.memory_space<vmem>> -> memref<200xi32, #tpu.memory_space<vmem>>
      %dma_start3A_1489 = arith.constant 0 : i32
      %dma_start3A_1490 = tpu.memref_slice %dma_start3A_1488[%dma_start3A_1489] : memref<200xi32, #tpu.memory_space<vmem>> -> memref<128xi32, #tpu.memory_space<vmem>>
      %dma_start3A_1491 = arith.constant 0 : i32
      %dma_start3A_1492 = arith.constant 0 : i32
      %dma_start3A_1493 = tpu.memref_slice %arg3[%dma_start3A_1491, %dma_start3A_1492] : memref<1000000x32xf32, #tpu.memory_space<hbm>> -> memref<1000000x32xf32, #tpu.memory_space<hbm>>
      %dma_start3A_1494 = tpu.memref_slice %arg8[%dma_start3A_1469] : memref<4x!tpu.dma_semaphore, #tpu.memory_space<semaphore_mem>> -> memref<1x!tpu.dma_semaphore, #tpu.memory_space<semaphore_mem>>
      %dma_start3A_1495 = tpu.memref_squeeze %dma_start3A_1494 : memref<1x!tpu.dma_semaphore, #tpu.memory_space<semaphore_mem>> -> memref<!tpu.dma_semaphore, #tpu.memory_space<semaphore_mem>>
      tpu.enqueue_indirect_dma source(%dma_start3A_1493 : memref<1000000x32xf32, #tpu.memory_space<hbm>>) target(%dma_start3A_1481 : memref<128x32xf32, #tpu.memory_space<vmem>>) offsets(%dma_start3A_1490 : memref<128xi32, #tpu.memory_space<vmem>>) semaphore(%dma_start3A_1495 : memref<!tpu.dma_semaphore, #tpu.memory_space<semaphore_mem>>)
      %dma_start3A_1496 = arith.constant 2 : i32
      %dma_start3A_1497 = arith.constant 3 : i32
      %dma_start3A_1498 = arith.constant 2 : i32
      %dma_start3A_1499 = arith.constant 3 : i32
      %dma_start3A_1500 = arith.constant 2 : i32
      %dma_start3A_1501 = arith.constant 0 : i32
      %dma_start3A_1502 = arith.constant 0 : i32
      %dma_start3A_1503 = arith.constant 0 : i32
      %dma_start3A_1504 = tpu.memref_slice %arg6[%dma_start3A_1498, %dma_start3A_1501, %dma_start3A_1502, %dma_start3A_1503] : memref<4x4x200x32xf32, #tpu.memory_space<vmem>> -> memref<1x4x200x32xf32, #tpu.memory_space<vmem>>
      %dma_start3A_1505 = tpu.memref_squeeze %dma_start3A_1504 : memref<1x4x200x32xf32, #tpu.memory_space<vmem>> -> memref<4x200x32xf32, #tpu.memory_space<vmem>>
      %dma_start3A_1506 = arith.constant 0 : i32
      %dma_start3A_1507 = arith.constant 0 : i32
      %dma_start3A_1508 = tpu.memref_slice %dma_start3A_1505[%dma_start3A_1499, %dma_start3A_1506, %dma_start3A_1507] : memref<4x200x32xf32, #tpu.memory_space<vmem>> -> memref<1x200x32xf32, #tpu.memory_space<vmem>>
      %dma_start3A_1509 = tpu.memref_squeeze %dma_start3A_1508 : memref<1x200x32xf32, #tpu.memory_space<vmem>> -> memref<200x32xf32, #tpu.memory_space<vmem>>
      %dma_start3A_1510 = arith.constant 128 : i32
      %dma_start3A_1511 = arith.constant 0 : i32
      %dma_start3A_1512 = tpu.memref_slice %dma_start3A_1509[%dma_start3A_1510, %dma_start3A_1511] : memref<200x32xf32, #tpu.memory_space<vmem>> -> memref<72x32xf32, #tpu.memory_space<vmem>>
      %dma_start3A_1513 = arith.constant 0 : i32
      %dma_start3A_1514 = arith.constant 0 : i32
      %dma_start3A_1515 = tpu.memref_slice %arg5[%dma_start3A_1496, %dma_start3A_1513, %dma_start3A_1514] : memref<4x4x200xi32, #tpu.memory_space<vmem>> -> memref<1x4x200xi32, #tpu.memory_space<vmem>>
      %dma_start3A_1516 = tpu.memref_squeeze %dma_start3A_1515 : memref<1x4x200xi32, #tpu.memory_space<vmem>> -> memref<4x200xi32, #tpu.memory_space<vmem>>
      %dma_start3A_1517 = arith.constant 0 : i32
      %dma_start3A_1518 = tpu.memref_slice %dma_start3A_1516[%dma_start3A_1497, %dma_start3A_1517] : memref<4x200xi32, #tpu.memory_space<vmem>> -> memref<1x200xi32, #tpu.memory_space<vmem>>
      %dma_start3A_1519 = tpu.memref_squeeze %dma_start3A_1518 : memref<1x200xi32, #tpu.memory_space<vmem>> -> memref<200xi32, #tpu.memory_space<vmem>>
      %dma_start3A_1520 = arith.constant 128 : i32
      %dma_start3A_1521 = tpu.memref_slice %dma_start3A_1519[%dma_start3A_1520] : memref<200xi32, #tpu.memory_space<vmem>> -> memref<72xi32, #tpu.memory_space<vmem>>
      %dma_start3A_1522 = arith.constant 0 : i32
      %dma_start3A_1523 = arith.constant 0 : i32
      %dma_start3A_1524 = tpu.memref_slice %arg3[%dma_start3A_1522, %dma_start3A_1523] : memref<1000000x32xf32, #tpu.memory_space<hbm>> -> memref<1000000x32xf32, #tpu.memory_space<hbm>>
      %dma_start3A_1525 = tpu.memref_slice %arg8[%dma_start3A_1500] : memref<4x!tpu.dma_semaphore, #tpu.memory_space<semaphore_mem>> -> memref<1x!tpu.dma_semaphore, #tpu.memory_space<semaphore_mem>>
      %dma_start3A_1526 = tpu.memref_squeeze %dma_start3A_1525 : memref<1x!tpu.dma_semaphore, #tpu.memory_space<semaphore_mem>> -> memref<!tpu.dma_semaphore, #tpu.memory_space<semaphore_mem>>
      tpu.enqueue_indirect_dma source(%dma_start3A_1524 : memref<1000000x32xf32, #tpu.memory_space<hbm>>) target(%dma_start3A_1512 : memref<72x32xf32, #tpu.memory_space<vmem>>) offsets(%dma_start3A_1521 : memref<72xi32, #tpu.memory_space<vmem>>) semaphore(%dma_start3A_1526 : memref<!tpu.dma_semaphore, #tpu.memory_space<semaphore_mem>>)
      %sub3A_1527 = arith.constant 1 : i32
      %sub3A_1528 = arith.subi %add3A_1254, %sub3A_1527 : i32
      %dma_wait3A_1529 = arith.constant 1 : i32
      %dma_wait3A_1530 = arith.constant 0 : i32
      %dma_wait3A_1531 = arith.constant 1 : i32
      %dma_wait3A_1532 = arith.constant 0 : i32
      %dma_wait3A_1533 = arith.constant 1 : i32
      %dma_wait3A_1534 = arith.constant 0 : i32
      %dma_wait3A_1535 = arith.constant 0 : i32
      %dma_wait3A_1536 = arith.constant 0 : i32
      %dma_wait3A_1537 = tpu.memref_slice %arg6[%dma_wait3A_1531, %dma_wait3A_1534, %dma_wait3A_1535, %dma_wait3A_1536] : memref<4x4x200x32xf32, #tpu.memory_space<vmem>> -> memref<1x4x200x32xf32, #tpu.memory_space<vmem>>
      %dma_wait3A_1538 = tpu.memref_squeeze %dma_wait3A_1537 : memref<1x4x200x32xf32, #tpu.memory_space<vmem>> -> memref<4x200x32xf32, #tpu.memory_space<vmem>>
      %dma_wait3A_1539 = arith.constant 0 : i32
      %dma_wait3A_1540 = arith.constant 0 : i32
      %dma_wait3A_1541 = tpu.memref_slice %dma_wait3A_1538[%dma_wait3A_1532, %dma_wait3A_1539, %dma_wait3A_1540] : memref<4x200x32xf32, #tpu.memory_space<vmem>> -> memref<1x200x32xf32, #tpu.memory_space<vmem>>
      %dma_wait3A_1542 = tpu.memref_squeeze %dma_wait3A_1541 : memref<1x200x32xf32, #tpu.memory_space<vmem>> -> memref<200x32xf32, #tpu.memory_space<vmem>>
      %dma_wait3A_1543 = arith.constant 0 : i32
      %dma_wait3A_1544 = arith.constant 0 : i32
      %dma_wait3A_1545 = tpu.memref_slice %dma_wait3A_1542[%dma_wait3A_1543, %dma_wait3A_1544] : memref<200x32xf32, #tpu.memory_space<vmem>> -> memref<128x32xf32, #tpu.memory_space<vmem>>
      %dma_wait3A_1546 = arith.constant 0 : i32
      %dma_wait3A_1547 = arith.constant 0 : i32
      %dma_wait3A_1548 = tpu.memref_slice %arg5[%dma_wait3A_1529, %dma_wait3A_1546, %dma_wait3A_1547] : memref<4x4x200xi32, #tpu.memory_space<vmem>> -> memref<1x4x200xi32, #tpu.memory_space<vmem>>
      %dma_wait3A_1549 = tpu.memref_squeeze %dma_wait3A_1548 : memref<1x4x200xi32, #tpu.memory_space<vmem>> -> memref<4x200xi32, #tpu.memory_space<vmem>>
      %dma_wait3A_1550 = arith.constant 0 : i32
      %dma_wait3A_1551 = tpu.memref_slice %dma_wait3A_1549[%dma_wait3A_1530, %dma_wait3A_1550] : memref<4x200xi32, #tpu.memory_space<vmem>> -> memref<1x200xi32, #tpu.memory_space<vmem>>
      %dma_wait3A_1552 = tpu.memref_squeeze %dma_wait3A_1551 : memref<1x200xi32, #tpu.memory_space<vmem>> -> memref<200xi32, #tpu.memory_space<vmem>>
      %dma_wait3A_1553 = arith.constant 0 : i32
      %dma_wait3A_1554 = tpu.memref_slice %dma_wait3A_1552[%dma_wait3A_1553] : memref<200xi32, #tpu.memory_space<vmem>> -> memref<128xi32, #tpu.memory_space<vmem>>
      %dma_wait3A_1555 = arith.constant 0 : i32
      %dma_wait3A_1556 = arith.constant 0 : i32
      %dma_wait3A_1557 = tpu.memref_slice %arg3[%dma_wait3A_1555, %dma_wait3A_1556] : memref<1000000x32xf32, #tpu.memory_space<hbm>> -> memref<1000000x32xf32, #tpu.memory_space<hbm>>
      %dma_wait3A_1558 = tpu.memref_slice %arg8[%dma_wait3A_1533] : memref<4x!tpu.dma_semaphore, #tpu.memory_space<semaphore_mem>> -> memref<1x!tpu.dma_semaphore, #tpu.memory_space<semaphore_mem>>
      %dma_wait3A_1559 = tpu.memref_squeeze %dma_wait3A_1558 : memref<1x!tpu.dma_semaphore, #tpu.memory_space<semaphore_mem>> -> memref<!tpu.dma_semaphore, #tpu.memory_space<semaphore_mem>>
      tpu.wait_indirect_dma semaphore(%dma_wait3A_1559 : memref<!tpu.dma_semaphore, #tpu.memory_space<semaphore_mem>>) src(%dma_wait3A_1557 : memref<1000000x32xf32, #tpu.memory_space<hbm>>) dst(%dma_wait3A_1545 : memref<128x32xf32, #tpu.memory_space<vmem>>)
      %dma_wait3A_1560 = arith.constant 1 : i32
      %dma_wait3A_1561 = arith.constant 0 : i32
      %dma_wait3A_1562 = arith.constant 1 : i32
      %dma_wait3A_1563 = arith.constant 0 : i32
      %dma_wait3A_1564 = arith.constant 1 : i32
      %dma_wait3A_1565 = arith.constant 0 : i32
      %dma_wait3A_1566 = arith.constant 0 : i32
      %dma_wait3A_1567 = arith.constant 0 : i32
      %dma_wait3A_1568 = tpu.memref_slice %arg6[%dma_wait3A_1562, %dma_wait3A_1565, %dma_wait3A_1566, %dma_wait3A_1567] : memref<4x4x200x32xf32, #tpu.memory_space<vmem>> -> memref<1x4x200x32xf32, #tpu.memory_space<vmem>>
      %dma_wait3A_1569 = tpu.memref_squeeze %dma_wait3A_1568 : memref<1x4x200x32xf32, #tpu.memory_space<vmem>> -> memref<4x200x32xf32, #tpu.memory_space<vmem>>
      %dma_wait3A_1570 = arith.constant 0 : i32
      %dma_wait3A_1571 = arith.constant 0 : i32
      %dma_wait3A_1572 = tpu.memref_slice %dma_wait3A_1569[%dma_wait3A_1563, %dma_wait3A_1570, %dma_wait3A_1571] : memref<4x200x32xf32, #tpu.memory_space<vmem>> -> memref<1x200x32xf32, #tpu.memory_space<vmem>>
      %dma_wait3A_1573 = tpu.memref_squeeze %dma_wait3A_1572 : memref<1x200x32xf32, #tpu.memory_space<vmem>> -> memref<200x32xf32, #tpu.memory_space<vmem>>
      %dma_wait3A_1574 = arith.constant 128 : i32
      %dma_wait3A_1575 = arith.constant 0 : i32
      %dma_wait3A_1576 = tpu.memref_slice %dma_wait3A_1573[%dma_wait3A_1574, %dma_wait3A_1575] : memref<200x32xf32, #tpu.memory_space<vmem>> -> memref<72x32xf32, #tpu.memory_space<vmem>>
      %dma_wait3A_1577 = arith.constant 0 : i32
      %dma_wait3A_1578 = arith.constant 0 : i32
      %dma_wait3A_1579 = tpu.memref_slice %arg5[%dma_wait3A_1560, %dma_wait3A_1577, %dma_wait3A_1578] : memref<4x4x200xi32, #tpu.memory_space<vmem>> -> memref<1x4x200xi32, #tpu.memory_space<vmem>>
      %dma_wait3A_1580 = tpu.memref_squeeze %dma_wait3A_1579 : memref<1x4x200xi32, #tpu.memory_space<vmem>> -> memref<4x200xi32, #tpu.memory_space<vmem>>
      %dma_wait3A_1581 = arith.constant 0 : i32
      %dma_wait3A_1582 = tpu.memref_slice %dma_wait3A_1580[%dma_wait3A_1561, %dma_wait3A_1581] : memref<4x200xi32, #tpu.memory_space<vmem>> -> memref<1x200xi32, #tpu.memory_space<vmem>>
      %dma_wait3A_1583 = tpu.memref_squeeze %dma_wait3A_1582 : memref<1x200xi32, #tpu.memory_space<vmem>> -> memref<200xi32, #tpu.memory_space<vmem>>
      %dma_wait3A_1584 = arith.constant 128 : i32
      %dma_wait3A_1585 = tpu.memref_slice %dma_wait3A_1583[%dma_wait3A_1584] : memref<200xi32, #tpu.memory_space<vmem>> -> memref<72xi32, #tpu.memory_space<vmem>>
      %dma_wait3A_1586 = arith.constant 0 : i32
      %dma_wait3A_1587 = arith.constant 0 : i32
      %dma_wait3A_1588 = tpu.memref_slice %arg3[%dma_wait3A_1586, %dma_wait3A_1587] : memref<1000000x32xf32, #tpu.memory_space<hbm>> -> memref<1000000x32xf32, #tpu.memory_space<hbm>>
      %dma_wait3A_1589 = tpu.memref_slice %arg8[%dma_wait3A_1564] : memref<4x!tpu.dma_semaphore, #tpu.memory_space<semaphore_mem>> -> memref<1x!tpu.dma_semaphore, #tpu.memory_space<semaphore_mem>>
      %dma_wait3A_1590 = tpu.memref_squeeze %dma_wait3A_1589 : memref<1x!tpu.dma_semaphore, #tpu.memory_space<semaphore_mem>> -> memref<!tpu.dma_semaphore, #tpu.memory_space<semaphore_mem>>
      tpu.wait_indirect_dma semaphore(%dma_wait3A_1590 : memref<!tpu.dma_semaphore, #tpu.memory_space<semaphore_mem>>) src(%dma_wait3A_1588 : memref<1000000x32xf32, #tpu.memory_space<hbm>>) dst(%dma_wait3A_1576 : memref<72x32xf32, #tpu.memory_space<vmem>>)
      %dma_wait3A_1591 = arith.constant 1 : i32
      %dma_wait3A_1592 = arith.constant 1 : i32
      %dma_wait3A_1593 = arith.constant 1 : i32
      %dma_wait3A_1594 = arith.constant 1 : i32
      %dma_wait3A_1595 = arith.constant 1 : i32
      %dma_wait3A_1596 = arith.constant 0 : i32
      %dma_wait3A_1597 = arith.constant 0 : i32
      %dma_wait3A_1598 = arith.constant 0 : i32
      %dma_wait3A_1599 = tpu.memref_slice %arg6[%dma_wait3A_1593, %dma_wait3A_1596, %dma_wait3A_1597, %dma_wait3A_1598] : memref<4x4x200x32xf32, #tpu.memory_space<vmem>> -> memref<1x4x200x32xf32, #tpu.memory_space<vmem>>
      %dma_wait3A_1600 = tpu.memref_squeeze %dma_wait3A_1599 : memref<1x4x200x32xf32, #tpu.memory_space<vmem>> -> memref<4x200x32xf32, #tpu.memory_space<vmem>>
      %dma_wait3A_1601 = arith.constant 0 : i32
      %dma_wait3A_1602 = arith.constant 0 : i32
      %dma_wait3A_1603 = tpu.memref_slice %dma_wait3A_1600[%dma_wait3A_1594, %dma_wait3A_1601, %dma_wait3A_1602] : memref<4x200x32xf32, #tpu.memory_space<vmem>> -> memref<1x200x32xf32, #tpu.memory_space<vmem>>
      %dma_wait3A_1604 = tpu.memref_squeeze %dma_wait3A_1603 : memref<1x200x32xf32, #tpu.memory_space<vmem>> -> memref<200x32xf32, #tpu.memory_space<vmem>>
      %dma_wait3A_1605 = arith.constant 0 : i32
      %dma_wait3A_1606 = arith.constant 0 : i32
      %dma_wait3A_1607 = tpu.memref_slice %dma_wait3A_1604[%dma_wait3A_1605, %dma_wait3A_1606] : memref<200x32xf32, #tpu.memory_space<vmem>> -> memref<128x32xf32, #tpu.memory_space<vmem>>
      %dma_wait3A_1608 = arith.constant 0 : i32
      %dma_wait3A_1609 = arith.constant 0 : i32
      %dma_wait3A_1610 = tpu.memref_slice %arg5[%dma_wait3A_1591, %dma_wait3A_1608, %dma_wait3A_1609] : memref<4x4x200xi32, #tpu.memory_space<vmem>> -> memref<1x4x200xi32, #tpu.memory_space<vmem>>
      %dma_wait3A_1611 = tpu.memref_squeeze %dma_wait3A_1610 : memref<1x4x200xi32, #tpu.memory_space<vmem>> -> memref<4x200xi32, #tpu.memory_space<vmem>>
      %dma_wait3A_1612 = arith.constant 0 : i32
      %dma_wait3A_1613 = tpu.memref_slice %dma_wait3A_1611[%dma_wait3A_1592, %dma_wait3A_1612] : memref<4x200xi32, #tpu.memory_space<vmem>> -> memref<1x200xi32, #tpu.memory_space<vmem>>
      %dma_wait3A_1614 = tpu.memref_squeeze %dma_wait3A_1613 : memref<1x200xi32, #tpu.memory_space<vmem>> -> memref<200xi32, #tpu.memory_space<vmem>>
      %dma_wait3A_1615 = arith.constant 0 : i32
      %dma_wait3A_1616 = tpu.memref_slice %dma_wait3A_1614[%dma_wait3A_1615] : memref<200xi32, #tpu.memory_space<vmem>> -> memref<128xi32, #tpu.memory_space<vmem>>
      %dma_wait3A_1617 = arith.constant 0 : i32
      %dma_wait3A_1618 = arith.constant 0 : i32
      %dma_wait3A_1619 = tpu.memref_slice %arg3[%dma_wait3A_1617, %dma_wait3A_1618] : memref<1000000x32xf32, #tpu.memory_space<hbm>> -> memref<1000000x32xf32, #tpu.memory_space<hbm>>
      %dma_wait3A_1620 = tpu.memref_slice %arg8[%dma_wait3A_1595] : memref<4x!tpu.dma_semaphore, #tpu.memory_space<semaphore_mem>> -> memref<1x!tpu.dma_semaphore, #tpu.memory_space<semaphore_mem>>
      %dma_wait3A_1621 = tpu.memref_squeeze %dma_wait3A_1620 : memref<1x!tpu.dma_semaphore, #tpu.memory_space<semaphore_mem>> -> memref<!tpu.dma_semaphore, #tpu.memory_space<semaphore_mem>>
      tpu.wait_indirect_dma semaphore(%dma_wait3A_1621 : memref<!tpu.dma_semaphore, #tpu.memory_space<semaphore_mem>>) src(%dma_wait3A_1619 : memref<1000000x32xf32, #tpu.memory_space<hbm>>) dst(%dma_wait3A_1607 : memref<128x32xf32, #tpu.memory_space<vmem>>)
      %dma_wait3A_1622 = arith.constant 1 : i32
      %dma_wait3A_1623 = arith.constant 1 : i32
      %dma_wait3A_1624 = arith.constant 1 : i32
      %dma_wait3A_1625 = arith.constant 1 : i32
      %dma_wait3A_1626 = arith.constant 1 : i32
      %dma_wait3A_1627 = arith.constant 0 : i32
      %dma_wait3A_1628 = arith.constant 0 : i32
      %dma_wait3A_1629 = arith.constant 0 : i32
      %dma_wait3A_1630 = tpu.memref_slice %arg6[%dma_wait3A_1624, %dma_wait3A_1627, %dma_wait3A_1628, %dma_wait3A_1629] : memref<4x4x200x32xf32, #tpu.memory_space<vmem>> -> memref<1x4x200x32xf32, #tpu.memory_space<vmem>>
      %dma_wait3A_1631 = tpu.memref_squeeze %dma_wait3A_1630 : memref<1x4x200x32xf32, #tpu.memory_space<vmem>> -> memref<4x200x32xf32, #tpu.memory_space<vmem>>
      %dma_wait3A_1632 = arith.constant 0 : i32
      %dma_wait3A_1633 = arith.constant 0 : i32
      %dma_wait3A_1634 = tpu.memref_slice %dma_wait3A_1631[%dma_wait3A_1625, %dma_wait3A_1632, %dma_wait3A_1633] : memref<4x200x32xf32, #tpu.memory_space<vmem>> -> memref<1x200x32xf32, #tpu.memory_space<vmem>>
      %dma_wait3A_1635 = tpu.memref_squeeze %dma_wait3A_1634 : memref<1x200x32xf32, #tpu.memory_space<vmem>> -> memref<200x32xf32, #tpu.memory_space<vmem>>
      %dma_wait3A_1636 = arith.constant 128 : i32
      %dma_wait3A_1637 = arith.constant 0 : i32
      %dma_wait3A_1638 = tpu.memref_slice %dma_wait3A_1635[%dma_wait3A_1636, %dma_wait3A_1637] : memref<200x32xf32, #tpu.memory_space<vmem>> -> memref<72x32xf32, #tpu.memory_space<vmem>>
      %dma_wait3A_1639 = arith.constant 0 : i32
      %dma_wait3A_1640 = arith.constant 0 : i32
      %dma_wait3A_1641 = tpu.memref_slice %arg5[%dma_wait3A_1622, %dma_wait3A_1639, %dma_wait3A_1640] : memref<4x4x200xi32, #tpu.memory_space<vmem>> -> memref<1x4x200xi32, #tpu.memory_space<vmem>>
      %dma_wait3A_1642 = tpu.memref_squeeze %dma_wait3A_1641 : memref<1x4x200xi32, #tpu.memory_space<vmem>> -> memref<4x200xi32, #tpu.memory_space<vmem>>
      %dma_wait3A_1643 = arith.constant 0 : i32
      %dma_wait3A_1644 = tpu.memref_slice %dma_wait3A_1642[%dma_wait3A_1623, %dma_wait3A_1643] : memref<4x200xi32, #tpu.memory_space<vmem>> -> memref<1x200xi32, #tpu.memory_space<vmem>>
      %dma_wait3A_1645 = tpu.memref_squeeze %dma_wait3A_1644 : memref<1x200xi32, #tpu.memory_space<vmem>> -> memref<200xi32, #tpu.memory_space<vmem>>
      %dma_wait3A_1646 = arith.constant 128 : i32
      %dma_wait3A_1647 = tpu.memref_slice %dma_wait3A_1645[%dma_wait3A_1646] : memref<200xi32, #tpu.memory_space<vmem>> -> memref<72xi32, #tpu.memory_space<vmem>>
      %dma_wait3A_1648 = arith.constant 0 : i32
      %dma_wait3A_1649 = arith.constant 0 : i32
      %dma_wait3A_1650 = tpu.memref_slice %arg3[%dma_wait3A_1648, %dma_wait3A_1649] : memref<1000000x32xf32, #tpu.memory_space<hbm>> -> memref<1000000x32xf32, #tpu.memory_space<hbm>>
      %dma_wait3A_1651 = tpu.memref_slice %arg8[%dma_wait3A_1626] : memref<4x!tpu.dma_semaphore, #tpu.memory_space<semaphore_mem>> -> memref<1x!tpu.dma_semaphore, #tpu.memory_space<semaphore_mem>>
      %dma_wait3A_1652 = tpu.memref_squeeze %dma_wait3A_1651 : memref<1x!tpu.dma_semaphore, #tpu.memory_space<semaphore_mem>> -> memref<!tpu.dma_semaphore, #tpu.memory_space<semaphore_mem>>
      tpu.wait_indirect_dma semaphore(%dma_wait3A_1652 : memref<!tpu.dma_semaphore, #tpu.memory_space<semaphore_mem>>) src(%dma_wait3A_1650 : memref<1000000x32xf32, #tpu.memory_space<hbm>>) dst(%dma_wait3A_1638 : memref<72x32xf32, #tpu.memory_space<vmem>>)
      %dma_wait3A_1653 = arith.constant 1 : i32
      %dma_wait3A_1654 = arith.constant 2 : i32
      %dma_wait3A_1655 = arith.constant 1 : i32
      %dma_wait3A_1656 = arith.constant 2 : i32
      %dma_wait3A_1657 = arith.constant 1 : i32
      %dma_wait3A_1658 = arith.constant 0 : i32
      %dma_wait3A_1659 = arith.constant 0 : i32
      %dma_wait3A_1660 = arith.constant 0 : i32
      %dma_wait3A_1661 = tpu.memref_slice %arg6[%dma_wait3A_1655, %dma_wait3A_1658, %dma_wait3A_1659, %dma_wait3A_1660] : memref<4x4x200x32xf32, #tpu.memory_space<vmem>> -> memref<1x4x200x32xf32, #tpu.memory_space<vmem>>
      %dma_wait3A_1662 = tpu.memref_squeeze %dma_wait3A_1661 : memref<1x4x200x32xf32, #tpu.memory_space<vmem>> -> memref<4x200x32xf32, #tpu.memory_space<vmem>>
      %dma_wait3A_1663 = arith.constant 0 : i32
      %dma_wait3A_1664 = arith.constant 0 : i32
      %dma_wait3A_1665 = tpu.memref_slice %dma_wait3A_1662[%dma_wait3A_1656, %dma_wait3A_1663, %dma_wait3A_1664] : memref<4x200x32xf32, #tpu.memory_space<vmem>> -> memref<1x200x32xf32, #tpu.memory_space<vmem>>
      %dma_wait3A_1666 = tpu.memref_squeeze %dma_wait3A_1665 : memref<1x200x32xf32, #tpu.memory_space<vmem>> -> memref<200x32xf32, #tpu.memory_space<vmem>>
      %dma_wait3A_1667 = arith.constant 0 : i32
      %dma_wait3A_1668 = arith.constant 0 : i32
      %dma_wait3A_1669 = tpu.memref_slice %dma_wait3A_1666[%dma_wait3A_1667, %dma_wait3A_1668] : memref<200x32xf32, #tpu.memory_space<vmem>> -> memref<128x32xf32, #tpu.memory_space<vmem>>
      %dma_wait3A_1670 = arith.constant 0 : i32
      %dma_wait3A_1671 = arith.constant 0 : i32
      %dma_wait3A_1672 = tpu.memref_slice %arg5[%dma_wait3A_1653, %dma_wait3A_1670, %dma_wait3A_1671] : memref<4x4x200xi32, #tpu.memory_space<vmem>> -> memref<1x4x200xi32, #tpu.memory_space<vmem>>
      %dma_wait3A_1673 = tpu.memref_squeeze %dma_wait3A_1672 : memref<1x4x200xi32, #tpu.memory_space<vmem>> -> memref<4x200xi32, #tpu.memory_space<vmem>>
      %dma_wait3A_1674 = arith.constant 0 : i32
      %dma_wait3A_1675 = tpu.memref_slice %dma_wait3A_1673[%dma_wait3A_1654, %dma_wait3A_1674] : memref<4x200xi32, #tpu.memory_space<vmem>> -> memref<1x200xi32, #tpu.memory_space<vmem>>
      %dma_wait3A_1676 = tpu.memref_squeeze %dma_wait3A_1675 : memref<1x200xi32, #tpu.memory_space<vmem>> -> memref<200xi32, #tpu.memory_space<vmem>>
      %dma_wait3A_1677 = arith.constant 0 : i32
      %dma_wait3A_1678 = tpu.memref_slice %dma_wait3A_1676[%dma_wait3A_1677] : memref<200xi32, #tpu.memory_space<vmem>> -> memref<128xi32, #tpu.memory_space<vmem>>
      %dma_wait3A_1679 = arith.constant 0 : i32
      %dma_wait3A_1680 = arith.constant 0 : i32
      %dma_wait3A_1681 = tpu.memref_slice %arg3[%dma_wait3A_1679, %dma_wait3A_1680] : memref<1000000x32xf32, #tpu.memory_space<hbm>> -> memref<1000000x32xf32, #tpu.memory_space<hbm>>
      %dma_wait3A_1682 = tpu.memref_slice %arg8[%dma_wait3A_1657] : memref<4x!tpu.dma_semaphore, #tpu.memory_space<semaphore_mem>> -> memref<1x!tpu.dma_semaphore, #tpu.memory_space<semaphore_mem>>
      %dma_wait3A_1683 = tpu.memref_squeeze %dma_wait3A_1682 : memref<1x!tpu.dma_semaphore, #tpu.memory_space<semaphore_mem>> -> memref<!tpu.dma_semaphore, #tpu.memory_space<semaphore_mem>>
      tpu.wait_indirect_dma semaphore(%dma_wait3A_1683 : memref<!tpu.dma_semaphore, #tpu.memory_space<semaphore_mem>>) src(%dma_wait3A_1681 : memref<1000000x32xf32, #tpu.memory_space<hbm>>) dst(%dma_wait3A_1669 : memref<128x32xf32, #tpu.memory_space<vmem>>)
      %dma_wait3A_1684 = arith.constant 1 : i32
      %dma_wait3A_1685 = arith.constant 2 : i32
      %dma_wait3A_1686 = arith.constant 1 : i32
      %dma_wait3A_1687 = arith.constant 2 : i32
      %dma_wait3A_1688 = arith.constant 1 : i32
      %dma_wait3A_1689 = arith.constant 0 : i32
      %dma_wait3A_1690 = arith.constant 0 : i32
      %dma_wait3A_1691 = arith.constant 0 : i32
      %dma_wait3A_1692 = tpu.memref_slice %arg6[%dma_wait3A_1686, %dma_wait3A_1689, %dma_wait3A_1690, %dma_wait3A_1691] : memref<4x4x200x32xf32, #tpu.memory_space<vmem>> -> memref<1x4x200x32xf32, #tpu.memory_space<vmem>>
      %dma_wait3A_1693 = tpu.memref_squeeze %dma_wait3A_1692 : memref<1x4x200x32xf32, #tpu.memory_space<vmem>> -> memref<4x200x32xf32, #tpu.memory_space<vmem>>
      %dma_wait3A_1694 = arith.constant 0 : i32
      %dma_wait3A_1695 = arith.constant 0 : i32
      %dma_wait3A_1696 = tpu.memref_slice %dma_wait3A_1693[%dma_wait3A_1687, %dma_wait3A_1694, %dma_wait3A_1695] : memref<4x200x32xf32, #tpu.memory_space<vmem>> -> memref<1x200x32xf32, #tpu.memory_space<vmem>>
      %dma_wait3A_1697 = tpu.memref_squeeze %dma_wait3A_1696 : memref<1x200x32xf32, #tpu.memory_space<vmem>> -> memref<200x32xf32, #tpu.memory_space<vmem>>
      %dma_wait3A_1698 = arith.constant 128 : i32
      %dma_wait3A_1699 = arith.constant 0 : i32
      %dma_wait3A_1700 = tpu.memref_slice %dma_wait3A_1697[%dma_wait3A_1698, %dma_wait3A_1699] : memref<200x32xf32, #tpu.memory_space<vmem>> -> memref<72x32xf32, #tpu.memory_space<vmem>>
      %dma_wait3A_1701 = arith.constant 0 : i32
      %dma_wait3A_1702 = arith.constant 0 : i32
      %dma_wait3A_1703 = tpu.memref_slice %arg5[%dma_wait3A_1684, %dma_wait3A_1701, %dma_wait3A_1702] : memref<4x4x200xi32, #tpu.memory_space<vmem>> -> memref<1x4x200xi32, #tpu.memory_space<vmem>>
      %dma_wait3A_1704 = tpu.memref_squeeze %dma_wait3A_1703 : memref<1x4x200xi32, #tpu.memory_space<vmem>> -> memref<4x200xi32, #tpu.memory_space<vmem>>
      %dma_wait3A_1705 = arith.constant 0 : i32
      %dma_wait3A_1706 = tpu.memref_slice %dma_wait3A_1704[%dma_wait3A_1685, %dma_wait3A_1705] : memref<4x200xi32, #tpu.memory_space<vmem>> -> memref<1x200xi32, #tpu.memory_space<vmem>>
      %dma_wait3A_1707 = tpu.memref_squeeze %dma_wait3A_1706 : memref<1x200xi32, #tpu.memory_space<vmem>> -> memref<200xi32, #tpu.memory_space<vmem>>
      %dma_wait3A_1708 = arith.constant 128 : i32
      %dma_wait3A_1709 = tpu.memref_slice %dma_wait3A_1707[%dma_wait3A_1708] : memref<200xi32, #tpu.memory_space<vmem>> -> memref<72xi32, #tpu.memory_space<vmem>>
      %dma_wait3A_1710 = arith.constant 0 : i32
      %dma_wait3A_1711 = arith.constant 0 : i32
      %dma_wait3A_1712 = tpu.memref_slice %arg3[%dma_wait3A_1710, %dma_wait3A_1711] : memref<1000000x32xf32, #tpu.memory_space<hbm>> -> memref<1000000x32xf32, #tpu.memory_space<hbm>>
      %dma_wait3A_1713 = tpu.memref_slice %arg8[%dma_wait3A_1688] : memref<4x!tpu.dma_semaphore, #tpu.memory_space<semaphore_mem>> -> memref<1x!tpu.dma_semaphore, #tpu.memory_space<semaphore_mem>>
      %dma_wait3A_1714 = tpu.memref_squeeze %dma_wait3A_1713 : memref<1x!tpu.dma_semaphore, #tpu.memory_space<semaphore_mem>> -> memref<!tpu.dma_semaphore, #tpu.memory_space<semaphore_mem>>
      tpu.wait_indirect_dma semaphore(%dma_wait3A_1714 : memref<!tpu.dma_semaphore, #tpu.memory_space<semaphore_mem>>) src(%dma_wait3A_1712 : memref<1000000x32xf32, #tpu.memory_space<hbm>>) dst(%dma_wait3A_1700 : memref<72x32xf32, #tpu.memory_space<vmem>>)
      %dma_wait3A_1715 = arith.constant 1 : i32
      %dma_wait3A_1716 = arith.constant 3 : i32
      %dma_wait3A_1717 = arith.constant 1 : i32
      %dma_wait3A_1718 = arith.constant 3 : i32
      %dma_wait3A_1719 = arith.constant 1 : i32
      %dma_wait3A_1720 = arith.constant 0 : i32
      %dma_wait3A_1721 = arith.constant 0 : i32
      %dma_wait3A_1722 = arith.constant 0 : i32
      %dma_wait3A_1723 = tpu.memref_slice %arg6[%dma_wait3A_1717, %dma_wait3A_1720, %dma_wait3A_1721, %dma_wait3A_1722] : memref<4x4x200x32xf32, #tpu.memory_space<vmem>> -> memref<1x4x200x32xf32, #tpu.memory_space<vmem>>
      %dma_wait3A_1724 = tpu.memref_squeeze %dma_wait3A_1723 : memref<1x4x200x32xf32, #tpu.memory_space<vmem>> -> memref<4x200x32xf32, #tpu.memory_space<vmem>>
      %dma_wait3A_1725 = arith.constant 0 : i32
      %dma_wait3A_1726 = arith.constant 0 : i32
      %dma_wait3A_1727 = tpu.memref_slice %dma_wait3A_1724[%dma_wait3A_1718, %dma_wait3A_1725, %dma_wait3A_1726] : memref<4x200x32xf32, #tpu.memory_space<vmem>> -> memref<1x200x32xf32, #tpu.memory_space<vmem>>
      %dma_wait3A_1728 = tpu.memref_squeeze %dma_wait3A_1727 : memref<1x200x32xf32, #tpu.memory_space<vmem>> -> memref<200x32xf32, #tpu.memory_space<vmem>>
      %dma_wait3A_1729 = arith.constant 0 : i32
      %dma_wait3A_1730 = arith.constant 0 : i32
      %dma_wait3A_1731 = tpu.memref_slice %dma_wait3A_1728[%dma_wait3A_1729, %dma_wait3A_1730] : memref<200x32xf32, #tpu.memory_space<vmem>> -> memref<128x32xf32, #tpu.memory_space<vmem>>
      %dma_wait3A_1732 = arith.constant 0 : i32
      %dma_wait3A_1733 = arith.constant 0 : i32
      %dma_wait3A_1734 = tpu.memref_slice %arg5[%dma_wait3A_1715, %dma_wait3A_1732, %dma_wait3A_1733] : memref<4x4x200xi32, #tpu.memory_space<vmem>> -> memref<1x4x200xi32, #tpu.memory_space<vmem>>
      %dma_wait3A_1735 = tpu.memref_squeeze %dma_wait3A_1734 : memref<1x4x200xi32, #tpu.memory_space<vmem>> -> memref<4x200xi32, #tpu.memory_space<vmem>>
      %dma_wait3A_1736 = arith.constant 0 : i32
      %dma_wait3A_1737 = tpu.memref_slice %dma_wait3A_1735[%dma_wait3A_1716, %dma_wait3A_1736] : memref<4x200xi32, #tpu.memory_space<vmem>> -> memref<1x200xi32, #tpu.memory_space<vmem>>
      %dma_wait3A_1738 = tpu.memref_squeeze %dma_wait3A_1737 : memref<1x200xi32, #tpu.memory_space<vmem>> -> memref<200xi32, #tpu.memory_space<vmem>>
      %dma_wait3A_1739 = arith.constant 0 : i32
      %dma_wait3A_1740 = tpu.memref_slice %dma_wait3A_1738[%dma_wait3A_1739] : memref<200xi32, #tpu.memory_space<vmem>> -> memref<128xi32, #tpu.memory_space<vmem>>
      %dma_wait3A_1741 = arith.constant 0 : i32
      %dma_wait3A_1742 = arith.constant 0 : i32
      %dma_wait3A_1743 = tpu.memref_slice %arg3[%dma_wait3A_1741, %dma_wait3A_1742] : memref<1000000x32xf32, #tpu.memory_space<hbm>> -> memref<1000000x32xf32, #tpu.memory_space<hbm>>
      %dma_wait3A_1744 = tpu.memref_slice %arg8[%dma_wait3A_1719] : memref<4x!tpu.dma_semaphore, #tpu.memory_space<semaphore_mem>> -> memref<1x!tpu.dma_semaphore, #tpu.memory_space<semaphore_mem>>
      %dma_wait3A_1745 = tpu.memref_squeeze %dma_wait3A_1744 : memref<1x!tpu.dma_semaphore, #tpu.memory_space<semaphore_mem>> -> memref<!tpu.dma_semaphore, #tpu.memory_space<semaphore_mem>>
      tpu.wait_indirect_dma semaphore(%dma_wait3A_1745 : memref<!tpu.dma_semaphore, #tpu.memory_space<semaphore_mem>>) src(%dma_wait3A_1743 : memref<1000000x32xf32, #tpu.memory_space<hbm>>) dst(%dma_wait3A_1731 : memref<128x32xf32, #tpu.memory_space<vmem>>)
      %dma_wait3A_1746 = arith.constant 1 : i32
      %dma_wait3A_1747 = arith.constant 3 : i32
      %dma_wait3A_1748 = arith.constant 1 : i32
      %dma_wait3A_1749 = arith.constant 3 : i32
      %dma_wait3A_1750 = arith.constant 1 : i32
      %dma_wait3A_1751 = arith.constant 0 : i32
      %dma_wait3A_1752 = arith.constant 0 : i32
      %dma_wait3A_1753 = arith.constant 0 : i32
      %dma_wait3A_1754 = tpu.memref_slice %arg6[%dma_wait3A_1748, %dma_wait3A_1751, %dma_wait3A_1752, %dma_wait3A_1753] : memref<4x4x200x32xf32, #tpu.memory_space<vmem>> -> memref<1x4x200x32xf32, #tpu.memory_space<vmem>>
      %dma_wait3A_1755 = tpu.memref_squeeze %dma_wait3A_1754 : memref<1x4x200x32xf32, #tpu.memory_space<vmem>> -> memref<4x200x32xf32, #tpu.memory_space<vmem>>
      %dma_wait3A_1756 = arith.constant 0 : i32
      %dma_wait3A_1757 = arith.constant 0 : i32
      %dma_wait3A_1758 = tpu.memref_slice %dma_wait3A_1755[%dma_wait3A_1749, %dma_wait3A_1756, %dma_wait3A_1757] : memref<4x200x32xf32, #tpu.memory_space<vmem>> -> memref<1x200x32xf32, #tpu.memory_space<vmem>>
      %dma_wait3A_1759 = tpu.memref_squeeze %dma_wait3A_1758 : memref<1x200x32xf32, #tpu.memory_space<vmem>> -> memref<200x32xf32, #tpu.memory_space<vmem>>
      %dma_wait3A_1760 = arith.constant 128 : i32
      %dma_wait3A_1761 = arith.constant 0 : i32
      %dma_wait3A_1762 = tpu.memref_slice %dma_wait3A_1759[%dma_wait3A_1760, %dma_wait3A_1761] : memref<200x32xf32, #tpu.memory_space<vmem>> -> memref<72x32xf32, #tpu.memory_space<vmem>>
      %dma_wait3A_1763 = arith.constant 0 : i32
      %dma_wait3A_1764 = arith.constant 0 : i32
      %dma_wait3A_1765 = tpu.memref_slice %arg5[%dma_wait3A_1746, %dma_wait3A_1763, %dma_wait3A_1764] : memref<4x4x200xi32, #tpu.memory_space<vmem>> -> memref<1x4x200xi32, #tpu.memory_space<vmem>>
      %dma_wait3A_1766 = tpu.memref_squeeze %dma_wait3A_1765 : memref<1x4x200xi32, #tpu.memory_space<vmem>> -> memref<4x200xi32, #tpu.memory_space<vmem>>
      %dma_wait3A_1767 = arith.constant 0 : i32
      %dma_wait3A_1768 = tpu.memref_slice %dma_wait3A_1766[%dma_wait3A_1747, %dma_wait3A_1767] : memref<4x200xi32, #tpu.memory_space<vmem>> -> memref<1x200xi32, #tpu.memory_space<vmem>>
      %dma_wait3A_1769 = tpu.memref_squeeze %dma_wait3A_1768 : memref<1x200xi32, #tpu.memory_space<vmem>> -> memref<200xi32, #tpu.memory_space<vmem>>
      %dma_wait3A_1770 = arith.constant 128 : i32
      %dma_wait3A_1771 = tpu.memref_slice %dma_wait3A_1769[%dma_wait3A_1770] : memref<200xi32, #tpu.memory_space<vmem>> -> memref<72xi32, #tpu.memory_space<vmem>>
      %dma_wait3A_1772 = arith.constant 0 : i32
      %dma_wait3A_1773 = arith.constant 0 : i32
      %dma_wait3A_1774 = tpu.memref_slice %arg3[%dma_wait3A_1772, %dma_wait3A_1773] : memref<1000000x32xf32, #tpu.memory_space<hbm>> -> memref<1000000x32xf32, #tpu.memory_space<hbm>>
      %dma_wait3A_1775 = tpu.memref_slice %arg8[%dma_wait3A_1750] : memref<4x!tpu.dma_semaphore, #tpu.memory_space<semaphore_mem>> -> memref<1x!tpu.dma_semaphore, #tpu.memory_space<semaphore_mem>>
      %dma_wait3A_1776 = tpu.memref_squeeze %dma_wait3A_1775 : memref<1x!tpu.dma_semaphore, #tpu.memory_space<semaphore_mem>> -> memref<!tpu.dma_semaphore, #tpu.memory_space<semaphore_mem>>
      tpu.wait_indirect_dma semaphore(%dma_wait3A_1776 : memref<!tpu.dma_semaphore, #tpu.memory_space<semaphore_mem>>) src(%dma_wait3A_1774 : memref<1000000x32xf32, #tpu.memory_space<hbm>>) dst(%dma_wait3A_1762 : memref<72x32xf32, #tpu.memory_space<vmem>>)
      %mul3A_1777 = arith.constant 4 : i32
      %mul3A_1778 = arith.muli %sub3A_1528, %mul3A_1777 : i32
      %add3A_1779 = arith.addi %mul3A_2, %mul3A_1778 : i32
      %dma_start3A_1780 = arith.constant 1 : i32
      %dma_start3A_1781 = arith.constant 1 : i32
      %dma_start3A_1782 = arith.constant 0 : i32
      %dma_start3A_1783 = arith.constant 0 : i32
      %dma_start3A_1784 = arith.constant 0 : i32
      %dma_start3A_1785 = tpu.memref_slice %arg6[%dma_start3A_1780, %dma_start3A_1782, %dma_start3A_1783, %dma_start3A_1784] : memref<4x4x200x32xf32, #tpu.memory_space<vmem>> -> memref<1x4x200x32xf32, #tpu.memory_space<vmem>>
      %dma_start3A_1786 = tpu.memref_squeeze %dma_start3A_1785 : memref<1x4x200x32xf32, #tpu.memory_space<vmem>> -> memref<4x200x32xf32, #tpu.memory_space<vmem>>
      %dma_start3A_1787 = arith.constant 0 : i32
      %dma_start3A_1788 = arith.constant 0 : i32
      %dma_start3A_1789 = tpu.memref_slice %arg4[%add3A_1779, %dma_start3A_1787, %dma_start3A_1788] : memref<16384x200x32xf32, #tpu.memory_space<hbm>> -> memref<4x200x32xf32, #tpu.memory_space<hbm>>
      %dma_start3A_1790 = tpu.memref_slice %arg9[%dma_start3A_1781] : memref<4x!tpu.dma_semaphore, #tpu.memory_space<semaphore_mem>> -> memref<1x!tpu.dma_semaphore, #tpu.memory_space<semaphore_mem>>
      %dma_start3A_1791 = tpu.memref_squeeze %dma_start3A_1790 : memref<1x!tpu.dma_semaphore, #tpu.memory_space<semaphore_mem>> -> memref<!tpu.dma_semaphore, #tpu.memory_space<semaphore_mem>>
      %dma_start3A_1792 = arith.constant 0 : i32
      %dma_start3A_1793 = arith.constant 0 : i32
      %dma_start3A_1794 = tpu.memref_slice %arg4[%add3A_1779, %dma_start3A_1792, %dma_start3A_1793] : memref<16384x200x32xf32, #tpu.memory_space<hbm>> -> memref<4x200x32xf32, #tpu.memory_space<hbm>>
      %dma_start3A_1795 = arith.constant 0 : i32
      %dma_start3A_1796 = arith.constant 0 : i32
      %dma_start3A_1797 = arith.constant 0 : i32
      %dma_start3A_1798 = tpu.memref_slice %arg6[%dma_start3A_1780, %dma_start3A_1795, %dma_start3A_1796, %dma_start3A_1797] : memref<4x4x200x32xf32, #tpu.memory_space<vmem>> -> memref<1x4x200x32xf32, #tpu.memory_space<vmem>>
      %dma_start3A_1799 = tpu.memref_squeeze %dma_start3A_1798 : memref<1x4x200x32xf32, #tpu.memory_space<vmem>> -> memref<4x200x32xf32, #tpu.memory_space<vmem>>
      tpu.enqueue_dma source(%dma_start3A_1799 : memref<4x200x32xf32, #tpu.memory_space<vmem>>) target(%dma_start3A_1794 : memref<4x200x32xf32, #tpu.memory_space<hbm>>) target_semaphore(%dma_start3A_1791 : memref<!tpu.dma_semaphore, #tpu.memory_space<semaphore_mem>>)
      %add3A_1800 = arith.constant 1 : i32
      %add3A_1801 = arith.addi %add3A_1254, %add3A_1800 : i32
      %mul3A_1802 = arith.constant 4 : i32
      %mul3A_1803 = arith.muli %add3A_1801, %mul3A_1802 : i32
      %add3A_1804 = arith.addi %mul3A_2, %mul3A_1803 : i32
      %dma_start3A_1805 = arith.constant 3 : i32
      %dma_start3A_1806 = arith.constant 3 : i32
      %dma_start3A_1807 = arith.constant 0 : i32
      %dma_start3A_1808 = arith.constant 0 : i32
      %dma_start3A_1809 = tpu.memref_slice %arg5[%dma_start3A_1805, %dma_start3A_1807, %dma_start3A_1808] : memref<4x4x200xi32, #tpu.memory_space<vmem>> -> memref<1x4x200xi32, #tpu.memory_space<vmem>>
      %dma_start3A_1810 = tpu.memref_squeeze %dma_start3A_1809 : memref<1x4x200xi32, #tpu.memory_space<vmem>> -> memref<4x200xi32, #tpu.memory_space<vmem>>
      %dma_start3A_1811 = arith.constant 0 : i32
      %dma_start3A_1812 = tpu.memref_slice %arg2[%add3A_1804, %dma_start3A_1811] : memref<16384x200xi32, #tpu.memory_space<hbm>> -> memref<4x200xi32, #tpu.memory_space<hbm>>
      %dma_start3A_1813 = tpu.memref_slice %arg7[%dma_start3A_1806] : memref<4x!tpu.dma_semaphore, #tpu.memory_space<semaphore_mem>> -> memref<1x!tpu.dma_semaphore, #tpu.memory_space<semaphore_mem>>
      %dma_start3A_1814 = tpu.memref_squeeze %dma_start3A_1813 : memref<1x!tpu.dma_semaphore, #tpu.memory_space<semaphore_mem>> -> memref<!tpu.dma_semaphore, #tpu.memory_space<semaphore_mem>>
      %dma_start3A_1815 = arith.constant 0 : i32
      %dma_start3A_1816 = arith.constant 0 : i32
      %dma_start3A_1817 = tpu.memref_slice %arg5[%dma_start3A_1805, %dma_start3A_1815, %dma_start3A_1816] : memref<4x4x200xi32, #tpu.memory_space<vmem>> -> memref<1x4x200xi32, #tpu.memory_space<vmem>>
      %dma_start3A_1818 = tpu.memref_squeeze %dma_start3A_1817 : memref<1x4x200xi32, #tpu.memory_space<vmem>> -> memref<4x200xi32, #tpu.memory_space<vmem>>
      %dma_start3A_1819 = arith.constant 0 : i32
      %dma_start3A_1820 = tpu.memref_slice %arg2[%add3A_1804, %dma_start3A_1819] : memref<16384x200xi32, #tpu.memory_space<hbm>> -> memref<4x200xi32, #tpu.memory_space<hbm>>
      tpu.enqueue_dma source(%dma_start3A_1820 : memref<4x200xi32, #tpu.memory_space<hbm>>) target(%dma_start3A_1818 : memref<4x200xi32, #tpu.memory_space<vmem>>) target_semaphore(%dma_start3A_1814 : memref<!tpu.dma_semaphore, #tpu.memory_space<semaphore_mem>>)
      %mul3A_1821 = arith.constant 4 : i32
      %mul3A_1822 = arith.muli %scan3A_382, %mul3A_1821 : i32
      %add3A_1823 = arith.constant 3 : i32
      %add3A_1824 = arith.addi %mul3A_1822, %add3A_1823 : i32
      %ge3A_1825 = arith.constant 1 : i32
      %ge3A_1826 = arith.cmpi sge, %scan3A_382, %ge3A_1825 : i32
      %convert_element_type3A_1827 = arith.extui %ge3A_1826 : i1 to i32
      %cond3A_1828 = arith.constant 0 : i32
      %cond3A_1829 = arith.cmpi ne, %convert_element_type3A_1827, %cond3A_1828 : i32
      scf.if %cond3A_1829 {
        %sub3A_2374 = arith.constant 4 : i32
        %sub3A_2375 = arith.subi %add3A_1824, %sub3A_2374 : i32
        %mul3A_2376 = arith.constant 4 : i32
        %mul3A_2377 = arith.muli %sub3A_2375, %mul3A_2376 : i32
        %add3A_2378 = arith.addi %mul3A_2, %mul3A_2377 : i32
        %dma_wait3A_2379 = arith.constant 3 : i32
        %dma_wait3A_2380 = arith.constant 3 : i32
        %dma_wait3A_2381 = arith.constant 0 : i32
        %dma_wait3A_2382 = arith.constant 0 : i32
        %dma_wait3A_2383 = arith.constant 0 : i32
        %dma_wait3A_2384 = tpu.memref_slice %arg6[%dma_wait3A_2379, %dma_wait3A_2381, %dma_wait3A_2382, %dma_wait3A_2383] : memref<4x4x200x32xf32, #tpu.memory_space<vmem>> -> memref<1x4x200x32xf32, #tpu.memory_space<vmem>>
        %dma_wait3A_2385 = tpu.memref_squeeze %dma_wait3A_2384 : memref<1x4x200x32xf32, #tpu.memory_space<vmem>> -> memref<4x200x32xf32, #tpu.memory_space<vmem>>
        %dma_wait3A_2386 = arith.constant 0 : i32
        %dma_wait3A_2387 = arith.constant 0 : i32
        %dma_wait3A_2388 = tpu.memref_slice %arg4[%add3A_2378, %dma_wait3A_2386, %dma_wait3A_2387] : memref<16384x200x32xf32, #tpu.memory_space<hbm>> -> memref<4x200x32xf32, #tpu.memory_space<hbm>>
        %dma_wait3A_2389 = tpu.memref_slice %arg9[%dma_wait3A_2380] : memref<4x!tpu.dma_semaphore, #tpu.memory_space<semaphore_mem>> -> memref<1x!tpu.dma_semaphore, #tpu.memory_space<semaphore_mem>>
        %dma_wait3A_2390 = tpu.memref_squeeze %dma_wait3A_2389 : memref<1x!tpu.dma_semaphore, #tpu.memory_space<semaphore_mem>> -> memref<!tpu.dma_semaphore, #tpu.memory_space<semaphore_mem>>
        %dma_wait3A_2391 = arith.constant 0 : i32
        %dma_wait3A_2392 = arith.constant 0 : i32
        %dma_wait3A_2393 = tpu.memref_slice %arg4[%add3A_2378, %dma_wait3A_2391, %dma_wait3A_2392] : memref<16384x200x32xf32, #tpu.memory_space<hbm>> -> memref<4x200x32xf32, #tpu.memory_space<hbm>>
        %dma_wait3A_2394 = arith.constant 0 : i32
        %dma_wait3A_2395 = arith.constant 0 : i32
        %dma_wait3A_2396 = arith.constant 0 : i32
        %dma_wait3A_2397 = tpu.memref_slice %arg6[%dma_wait3A_2379, %dma_wait3A_2394, %dma_wait3A_2395, %dma_wait3A_2396] : memref<4x4x200x32xf32, #tpu.memory_space<vmem>> -> memref<1x4x200x32xf32, #tpu.memory_space<vmem>>
        %dma_wait3A_2398 = tpu.memref_squeeze %dma_wait3A_2397 : memref<1x4x200x32xf32, #tpu.memory_space<vmem>> -> memref<4x200x32xf32, #tpu.memory_space<vmem>>
        tpu.wait_dma2 semaphore(%dma_wait3A_2390 : memref<!tpu.dma_semaphore, #tpu.memory_space<semaphore_mem>>) src(%dma_wait3A_2398 : memref<4x200x32xf32, #tpu.memory_space<vmem>>) dst(%dma_wait3A_2393 : memref<4x200x32xf32, #tpu.memory_space<hbm>>)
      } else {
      }
      %mul3A_1830 = arith.constant 4 : i32
      %mul3A_1831 = arith.muli %add3A_1824, %mul3A_1830 : i32
      %add3A_1832 = arith.addi %mul3A_2, %mul3A_1831 : i32
      %dma_wait3A_1833 = arith.constant 3 : i32
      %dma_wait3A_1834 = arith.constant 3 : i32
      %dma_wait3A_1835 = arith.constant 0 : i32
      %dma_wait3A_1836 = arith.constant 0 : i32
      %dma_wait3A_1837 = tpu.memref_slice %arg5[%dma_wait3A_1833, %dma_wait3A_1835, %dma_wait3A_1836] : memref<4x4x200xi32, #tpu.memory_space<vmem>> -> memref<1x4x200xi32, #tpu.memory_space<vmem>>
      %dma_wait3A_1838 = tpu.memref_squeeze %dma_wait3A_1837 : memref<1x4x200xi32, #tpu.memory_space<vmem>> -> memref<4x200xi32, #tpu.memory_space<vmem>>
      %dma_wait3A_1839 = arith.constant 0 : i32
      %dma_wait3A_1840 = tpu.memref_slice %arg2[%add3A_1832, %dma_wait3A_1839] : memref<16384x200xi32, #tpu.memory_space<hbm>> -> memref<4x200xi32, #tpu.memory_space<hbm>>
      %dma_wait3A_1841 = tpu.memref_slice %arg7[%dma_wait3A_1834] : memref<4x!tpu.dma_semaphore, #tpu.memory_space<semaphore_mem>> -> memref<1x!tpu.dma_semaphore, #tpu.memory_space<semaphore_mem>>
      %dma_wait3A_1842 = tpu.memref_squeeze %dma_wait3A_1841 : memref<1x!tpu.dma_semaphore, #tpu.memory_space<semaphore_mem>> -> memref<!tpu.dma_semaphore, #tpu.memory_space<semaphore_mem>>
      %dma_wait3A_1843 = arith.constant 0 : i32
      %dma_wait3A_1844 = arith.constant 0 : i32
      %dma_wait3A_1845 = tpu.memref_slice %arg5[%dma_wait3A_1833, %dma_wait3A_1843, %dma_wait3A_1844] : memref<4x4x200xi32, #tpu.memory_space<vmem>> -> memref<1x4x200xi32, #tpu.memory_space<vmem>>
      %dma_wait3A_1846 = tpu.memref_squeeze %dma_wait3A_1845 : memref<1x4x200xi32, #tpu.memory_space<vmem>> -> memref<4x200xi32, #tpu.memory_space<vmem>>
      %dma_wait3A_1847 = arith.constant 0 : i32
      %dma_wait3A_1848 = tpu.memref_slice %arg2[%add3A_1832, %dma_wait3A_1847] : memref<16384x200xi32, #tpu.memory_space<hbm>> -> memref<4x200xi32, #tpu.memory_space<hbm>>
      tpu.wait_dma2 semaphore(%dma_wait3A_1842 : memref<!tpu.dma_semaphore, #tpu.memory_space<semaphore_mem>>) src(%dma_wait3A_1848 : memref<4x200xi32, #tpu.memory_space<hbm>>) dst(%dma_wait3A_1846 : memref<4x200xi32, #tpu.memory_space<vmem>>)
      %dma_start3A_1849 = arith.constant 3 : i32
      %dma_start3A_1850 = arith.constant 0 : i32
      %dma_start3A_1851 = arith.constant 3 : i32
      %dma_start3A_1852 = arith.constant 0 : i32
      %dma_start3A_1853 = arith.constant 3 : i32
      %dma_start3A_1854 = arith.constant 0 : i32
      %dma_start3A_1855 = arith.constant 0 : i32
      %dma_start3A_1856 = arith.constant 0 : i32
      %dma_start3A_1857 = tpu.memref_slice %arg6[%dma_start3A_1851, %dma_start3A_1854, %dma_start3A_1855, %dma_start3A_1856] : memref<4x4x200x32xf32, #tpu.memory_space<vmem>> -> memref<1x4x200x32xf32, #tpu.memory_space<vmem>>
      %dma_start3A_1858 = tpu.memref_squeeze %dma_start3A_1857 : memref<1x4x200x32xf32, #tpu.memory_space<vmem>> -> memref<4x200x32xf32, #tpu.memory_space<vmem>>
      %dma_start3A_1859 = arith.constant 0 : i32
      %dma_start3A_1860 = arith.constant 0 : i32
      %dma_start3A_1861 = tpu.memref_slice %dma_start3A_1858[%dma_start3A_1852, %dma_start3A_1859, %dma_start3A_1860] : memref<4x200x32xf32, #tpu.memory_space<vmem>> -> memref<1x200x32xf32, #tpu.memory_space<vmem>>
      %dma_start3A_1862 = tpu.memref_squeeze %dma_start3A_1861 : memref<1x200x32xf32, #tpu.memory_space<vmem>> -> memref<200x32xf32, #tpu.memory_space<vmem>>
      %dma_start3A_1863 = arith.constant 0 : i32
      %dma_start3A_1864 = arith.constant 0 : i32
      %dma_start3A_1865 = tpu.memref_slice %dma_start3A_1862[%dma_start3A_1863, %dma_start3A_1864] : memref<200x32xf32, #tpu.memory_space<vmem>> -> memref<128x32xf32, #tpu.memory_space<vmem>>
      %dma_start3A_1866 = arith.constant 0 : i32
      %dma_start3A_1867 = arith.constant 0 : i32
      %dma_start3A_1868 = tpu.memref_slice %arg5[%dma_start3A_1849, %dma_start3A_1866, %dma_start3A_1867] : memref<4x4x200xi32, #tpu.memory_space<vmem>> -> memref<1x4x200xi32, #tpu.memory_space<vmem>>
      %dma_start3A_1869 = tpu.memref_squeeze %dma_start3A_1868 : memref<1x4x200xi32, #tpu.memory_space<vmem>> -> memref<4x200xi32, #tpu.memory_space<vmem>>
      %dma_start3A_1870 = arith.constant 0 : i32
      %dma_start3A_1871 = tpu.memref_slice %dma_start3A_1869[%dma_start3A_1850, %dma_start3A_1870] : memref<4x200xi32, #tpu.memory_space<vmem>> -> memref<1x200xi32, #tpu.memory_space<vmem>>
      %dma_start3A_1872 = tpu.memref_squeeze %dma_start3A_1871 : memref<1x200xi32, #tpu.memory_space<vmem>> -> memref<200xi32, #tpu.memory_space<vmem>>
      %dma_start3A_1873 = arith.constant 0 : i32
      %dma_start3A_1874 = tpu.memref_slice %dma_start3A_1872[%dma_start3A_1873] : memref<200xi32, #tpu.memory_space<vmem>> -> memref<128xi32, #tpu.memory_space<vmem>>
      %dma_start3A_1875 = arith.constant 0 : i32
      %dma_start3A_1876 = arith.constant 0 : i32
      %dma_start3A_1877 = tpu.memref_slice %arg3[%dma_start3A_1875, %dma_start3A_1876] : memref<1000000x32xf32, #tpu.memory_space<hbm>> -> memref<1000000x32xf32, #tpu.memory_space<hbm>>
      %dma_start3A_1878 = tpu.memref_slice %arg8[%dma_start3A_1853] : memref<4x!tpu.dma_semaphore, #tpu.memory_space<semaphore_mem>> -> memref<1x!tpu.dma_semaphore, #tpu.memory_space<semaphore_mem>>
      %dma_start3A_1879 = tpu.memref_squeeze %dma_start3A_1878 : memref<1x!tpu.dma_semaphore, #tpu.memory_space<semaphore_mem>> -> memref<!tpu.dma_semaphore, #tpu.memory_space<semaphore_mem>>
      tpu.enqueue_indirect_dma source(%dma_start3A_1877 : memref<1000000x32xf32, #tpu.memory_space<hbm>>) target(%dma_start3A_1865 : memref<128x32xf32, #tpu.memory_space<vmem>>) offsets(%dma_start3A_1874 : memref<128xi32, #tpu.memory_space<vmem>>) semaphore(%dma_start3A_1879 : memref<!tpu.dma_semaphore, #tpu.memory_space<semaphore_mem>>)
      %dma_start3A_1880 = arith.constant 3 : i32
      %dma_start3A_1881 = arith.constant 0 : i32
      %dma_start3A_1882 = arith.constant 3 : i32
      %dma_start3A_1883 = arith.constant 0 : i32
      %dma_start3A_1884 = arith.constant 3 : i32
      %dma_start3A_1885 = arith.constant 0 : i32
      %dma_start3A_1886 = arith.constant 0 : i32
      %dma_start3A_1887 = arith.constant 0 : i32
      %dma_start3A_1888 = tpu.memref_slice %arg6[%dma_start3A_1882, %dma_start3A_1885, %dma_start3A_1886, %dma_start3A_1887] : memref<4x4x200x32xf32, #tpu.memory_space<vmem>> -> memref<1x4x200x32xf32, #tpu.memory_space<vmem>>
      %dma_start3A_1889 = tpu.memref_squeeze %dma_start3A_1888 : memref<1x4x200x32xf32, #tpu.memory_space<vmem>> -> memref<4x200x32xf32, #tpu.memory_space<vmem>>
      %dma_start3A_1890 = arith.constant 0 : i32
      %dma_start3A_1891 = arith.constant 0 : i32
      %dma_start3A_1892 = tpu.memref_slice %dma_start3A_1889[%dma_start3A_1883, %dma_start3A_1890, %dma_start3A_1891] : memref<4x200x32xf32, #tpu.memory_space<vmem>> -> memref<1x200x32xf32, #tpu.memory_space<vmem>>
      %dma_start3A_1893 = tpu.memref_squeeze %dma_start3A_1892 : memref<1x200x32xf32, #tpu.memory_space<vmem>> -> memref<200x32xf32, #tpu.memory_space<vmem>>
      %dma_start3A_1894 = arith.constant 128 : i32
      %dma_start3A_1895 = arith.constant 0 : i32
      %dma_start3A_1896 = tpu.memref_slice %dma_start3A_1893[%dma_start3A_1894, %dma_start3A_1895] : memref<200x32xf32, #tpu.memory_space<vmem>> -> memref<72x32xf32, #tpu.memory_space<vmem>>
      %dma_start3A_1897 = arith.constant 0 : i32
      %dma_start3A_1898 = arith.constant 0 : i32
      %dma_start3A_1899 = tpu.memref_slice %arg5[%dma_start3A_1880, %dma_start3A_1897, %dma_start3A_1898] : memref<4x4x200xi32, #tpu.memory_space<vmem>> -> memref<1x4x200xi32, #tpu.memory_space<vmem>>
      %dma_start3A_1900 = tpu.memref_squeeze %dma_start3A_1899 : memref<1x4x200xi32, #tpu.memory_space<vmem>> -> memref<4x200xi32, #tpu.memory_space<vmem>>
      %dma_start3A_1901 = arith.constant 0 : i32
      %dma_start3A_1902 = tpu.memref_slice %dma_start3A_1900[%dma_start3A_1881, %dma_start3A_1901] : memref<4x200xi32, #tpu.memory_space<vmem>> -> memref<1x200xi32, #tpu.memory_space<vmem>>
      %dma_start3A_1903 = tpu.memref_squeeze %dma_start3A_1902 : memref<1x200xi32, #tpu.memory_space<vmem>> -> memref<200xi32, #tpu.memory_space<vmem>>
      %dma_start3A_1904 = arith.constant 128 : i32
      %dma_start3A_1905 = tpu.memref_slice %dma_start3A_1903[%dma_start3A_1904] : memref<200xi32, #tpu.memory_space<vmem>> -> memref<72xi32, #tpu.memory_space<vmem>>
      %dma_start3A_1906 = arith.constant 0 : i32
      %dma_start3A_1907 = arith.constant 0 : i32
      %dma_start3A_1908 = tpu.memref_slice %arg3[%dma_start3A_1906, %dma_start3A_1907] : memref<1000000x32xf32, #tpu.memory_space<hbm>> -> memref<1000000x32xf32, #tpu.memory_space<hbm>>
      %dma_start3A_1909 = tpu.memref_slice %arg8[%dma_start3A_1884] : memref<4x!tpu.dma_semaphore, #tpu.memory_space<semaphore_mem>> -> memref<1x!tpu.dma_semaphore, #tpu.memory_space<semaphore_mem>>
      %dma_start3A_1910 = tpu.memref_squeeze %dma_start3A_1909 : memref<1x!tpu.dma_semaphore, #tpu.memory_space<semaphore_mem>> -> memref<!tpu.dma_semaphore, #tpu.memory_space<semaphore_mem>>
      tpu.enqueue_indirect_dma source(%dma_start3A_1908 : memref<1000000x32xf32, #tpu.memory_space<hbm>>) target(%dma_start3A_1896 : memref<72x32xf32, #tpu.memory_space<vmem>>) offsets(%dma_start3A_1905 : memref<72xi32, #tpu.memory_space<vmem>>) semaphore(%dma_start3A_1910 : memref<!tpu.dma_semaphore, #tpu.memory_space<semaphore_mem>>)
      %dma_start3A_1911 = arith.constant 3 : i32
      %dma_start3A_1912 = arith.constant 1 : i32
      %dma_start3A_1913 = arith.constant 3 : i32
      %dma_start3A_1914 = arith.constant 1 : i32
      %dma_start3A_1915 = arith.constant 3 : i32
      %dma_start3A_1916 = arith.constant 0 : i32
      %dma_start3A_1917 = arith.constant 0 : i32
      %dma_start3A_1918 = arith.constant 0 : i32
      %dma_start3A_1919 = tpu.memref_slice %arg6[%dma_start3A_1913, %dma_start3A_1916, %dma_start3A_1917, %dma_start3A_1918] : memref<4x4x200x32xf32, #tpu.memory_space<vmem>> -> memref<1x4x200x32xf32, #tpu.memory_space<vmem>>
      %dma_start3A_1920 = tpu.memref_squeeze %dma_start3A_1919 : memref<1x4x200x32xf32, #tpu.memory_space<vmem>> -> memref<4x200x32xf32, #tpu.memory_space<vmem>>
      %dma_start3A_1921 = arith.constant 0 : i32
      %dma_start3A_1922 = arith.constant 0 : i32
      %dma_start3A_1923 = tpu.memref_slice %dma_start3A_1920[%dma_start3A_1914, %dma_start3A_1921, %dma_start3A_1922] : memref<4x200x32xf32, #tpu.memory_space<vmem>> -> memref<1x200x32xf32, #tpu.memory_space<vmem>>
      %dma_start3A_1924 = tpu.memref_squeeze %dma_start3A_1923 : memref<1x200x32xf32, #tpu.memory_space<vmem>> -> memref<200x32xf32, #tpu.memory_space<vmem>>
      %dma_start3A_1925 = arith.constant 0 : i32
      %dma_start3A_1926 = arith.constant 0 : i32
      %dma_start3A_1927 = tpu.memref_slice %dma_start3A_1924[%dma_start3A_1925, %dma_start3A_1926] : memref<200x32xf32, #tpu.memory_space<vmem>> -> memref<128x32xf32, #tpu.memory_space<vmem>>
      %dma_start3A_1928 = arith.constant 0 : i32
      %dma_start3A_1929 = arith.constant 0 : i32
      %dma_start3A_1930 = tpu.memref_slice %arg5[%dma_start3A_1911, %dma_start3A_1928, %dma_start3A_1929] : memref<4x4x200xi32, #tpu.memory_space<vmem>> -> memref<1x4x200xi32, #tpu.memory_space<vmem>>
      %dma_start3A_1931 = tpu.memref_squeeze %dma_start3A_1930 : memref<1x4x200xi32, #tpu.memory_space<vmem>> -> memref<4x200xi32, #tpu.memory_space<vmem>>
      %dma_start3A_1932 = arith.constant 0 : i32
      %dma_start3A_1933 = tpu.memref_slice %dma_start3A_1931[%dma_start3A_1912, %dma_start3A_1932] : memref<4x200xi32, #tpu.memory_space<vmem>> -> memref<1x200xi32, #tpu.memory_space<vmem>>
      %dma_start3A_1934 = tpu.memref_squeeze %dma_start3A_1933 : memref<1x200xi32, #tpu.memory_space<vmem>> -> memref<200xi32, #tpu.memory_space<vmem>>
      %dma_start3A_1935 = arith.constant 0 : i32
      %dma_start3A_1936 = tpu.memref_slice %dma_start3A_1934[%dma_start3A_1935] : memref<200xi32, #tpu.memory_space<vmem>> -> memref<128xi32, #tpu.memory_space<vmem>>
      %dma_start3A_1937 = arith.constant 0 : i32
      %dma_start3A_1938 = arith.constant 0 : i32
      %dma_start3A_1939 = tpu.memref_slice %arg3[%dma_start3A_1937, %dma_start3A_1938] : memref<1000000x32xf32, #tpu.memory_space<hbm>> -> memref<1000000x32xf32, #tpu.memory_space<hbm>>
      %dma_start3A_1940 = tpu.memref_slice %arg8[%dma_start3A_1915] : memref<4x!tpu.dma_semaphore, #tpu.memory_space<semaphore_mem>> -> memref<1x!tpu.dma_semaphore, #tpu.memory_space<semaphore_mem>>
      %dma_start3A_1941 = tpu.memref_squeeze %dma_start3A_1940 : memref<1x!tpu.dma_semaphore, #tpu.memory_space<semaphore_mem>> -> memref<!tpu.dma_semaphore, #tpu.memory_space<semaphore_mem>>
      tpu.enqueue_indirect_dma source(%dma_start3A_1939 : memref<1000000x32xf32, #tpu.memory_space<hbm>>) target(%dma_start3A_1927 : memref<128x32xf32, #tpu.memory_space<vmem>>) offsets(%dma_start3A_1936 : memref<128xi32, #tpu.memory_space<vmem>>) semaphore(%dma_start3A_1941 : memref<!tpu.dma_semaphore, #tpu.memory_space<semaphore_mem>>)
      %dma_start3A_1942 = arith.constant 3 : i32
      %dma_start3A_1943 = arith.constant 1 : i32
      %dma_start3A_1944 = arith.constant 3 : i32
      %dma_start3A_1945 = arith.constant 1 : i32
      %dma_start3A_1946 = arith.constant 3 : i32
      %dma_start3A_1947 = arith.constant 0 : i32
      %dma_start3A_1948 = arith.constant 0 : i32
      %dma_start3A_1949 = arith.constant 0 : i32
      %dma_start3A_1950 = tpu.memref_slice %arg6[%dma_start3A_1944, %dma_start3A_1947, %dma_start3A_1948, %dma_start3A_1949] : memref<4x4x200x32xf32, #tpu.memory_space<vmem>> -> memref<1x4x200x32xf32, #tpu.memory_space<vmem>>
      %dma_start3A_1951 = tpu.memref_squeeze %dma_start3A_1950 : memref<1x4x200x32xf32, #tpu.memory_space<vmem>> -> memref<4x200x32xf32, #tpu.memory_space<vmem>>
      %dma_start3A_1952 = arith.constant 0 : i32
      %dma_start3A_1953 = arith.constant 0 : i32
      %dma_start3A_1954 = tpu.memref_slice %dma_start3A_1951[%dma_start3A_1945, %dma_start3A_1952, %dma_start3A_1953] : memref<4x200x32xf32, #tpu.memory_space<vmem>> -> memref<1x200x32xf32, #tpu.memory_space<vmem>>
      %dma_start3A_1955 = tpu.memref_squeeze %dma_start3A_1954 : memref<1x200x32xf32, #tpu.memory_space<vmem>> -> memref<200x32xf32, #tpu.memory_space<vmem>>
      %dma_start3A_1956 = arith.constant 128 : i32
      %dma_start3A_1957 = arith.constant 0 : i32
      %dma_start3A_1958 = tpu.memref_slice %dma_start3A_1955[%dma_start3A_1956, %dma_start3A_1957] : memref<200x32xf32, #tpu.memory_space<vmem>> -> memref<72x32xf32, #tpu.memory_space<vmem>>
      %dma_start3A_1959 = arith.constant 0 : i32
      %dma_start3A_1960 = arith.constant 0 : i32
      %dma_start3A_1961 = tpu.memref_slice %arg5[%dma_start3A_1942, %dma_start3A_1959, %dma_start3A_1960] : memref<4x4x200xi32, #tpu.memory_space<vmem>> -> memref<1x4x200xi32, #tpu.memory_space<vmem>>
      %dma_start3A_1962 = tpu.memref_squeeze %dma_start3A_1961 : memref<1x4x200xi32, #tpu.memory_space<vmem>> -> memref<4x200xi32, #tpu.memory_space<vmem>>
      %dma_start3A_1963 = arith.constant 0 : i32
      %dma_start3A_1964 = tpu.memref_slice %dma_start3A_1962[%dma_start3A_1943, %dma_start3A_1963] : memref<4x200xi32, #tpu.memory_space<vmem>> -> memref<1x200xi32, #tpu.memory_space<vmem>>
      %dma_start3A_1965 = tpu.memref_squeeze %dma_start3A_1964 : memref<1x200xi32, #tpu.memory_space<vmem>> -> memref<200xi32, #tpu.memory_space<vmem>>
      %dma_start3A_1966 = arith.constant 128 : i32
      %dma_start3A_1967 = tpu.memref_slice %dma_start3A_1965[%dma_start3A_1966] : memref<200xi32, #tpu.memory_space<vmem>> -> memref<72xi32, #tpu.memory_space<vmem>>
      %dma_start3A_1968 = arith.constant 0 : i32
      %dma_start3A_1969 = arith.constant 0 : i32
      %dma_start3A_1970 = tpu.memref_slice %arg3[%dma_start3A_1968, %dma_start3A_1969] : memref<1000000x32xf32, #tpu.memory_space<hbm>> -> memref<1000000x32xf32, #tpu.memory_space<hbm>>
      %dma_start3A_1971 = tpu.memref_slice %arg8[%dma_start3A_1946] : memref<4x!tpu.dma_semaphore, #tpu.memory_space<semaphore_mem>> -> memref<1x!tpu.dma_semaphore, #tpu.memory_space<semaphore_mem>>
      %dma_start3A_1972 = tpu.memref_squeeze %dma_start3A_1971 : memref<1x!tpu.dma_semaphore, #tpu.memory_space<semaphore_mem>> -> memref<!tpu.dma_semaphore, #tpu.memory_space<semaphore_mem>>
      tpu.enqueue_indirect_dma source(%dma_start3A_1970 : memref<1000000x32xf32, #tpu.memory_space<hbm>>) target(%dma_start3A_1958 : memref<72x32xf32, #tpu.memory_space<vmem>>) offsets(%dma_start3A_1967 : memref<72xi32, #tpu.memory_space<vmem>>) semaphore(%dma_start3A_1972 : memref<!tpu.dma_semaphore, #tpu.memory_space<semaphore_mem>>)
      %dma_start3A_1973 = arith.constant 3 : i32
      %dma_start3A_1974 = arith.constant 2 : i32
      %dma_start3A_1975 = arith.constant 3 : i32
      %dma_start3A_1976 = arith.constant 2 : i32
      %dma_start3A_1977 = arith.constant 3 : i32
      %dma_start3A_1978 = arith.constant 0 : i32
      %dma_start3A_1979 = arith.constant 0 : i32
      %dma_start3A_1980 = arith.constant 0 : i32
      %dma_start3A_1981 = tpu.memref_slice %arg6[%dma_start3A_1975, %dma_start3A_1978, %dma_start3A_1979, %dma_start3A_1980] : memref<4x4x200x32xf32, #tpu.memory_space<vmem>> -> memref<1x4x200x32xf32, #tpu.memory_space<vmem>>
      %dma_start3A_1982 = tpu.memref_squeeze %dma_start3A_1981 : memref<1x4x200x32xf32, #tpu.memory_space<vmem>> -> memref<4x200x32xf32, #tpu.memory_space<vmem>>
      %dma_start3A_1983 = arith.constant 0 : i32
      %dma_start3A_1984 = arith.constant 0 : i32
      %dma_start3A_1985 = tpu.memref_slice %dma_start3A_1982[%dma_start3A_1976, %dma_start3A_1983, %dma_start3A_1984] : memref<4x200x32xf32, #tpu.memory_space<vmem>> -> memref<1x200x32xf32, #tpu.memory_space<vmem>>
      %dma_start3A_1986 = tpu.memref_squeeze %dma_start3A_1985 : memref<1x200x32xf32, #tpu.memory_space<vmem>> -> memref<200x32xf32, #tpu.memory_space<vmem>>
      %dma_start3A_1987 = arith.constant 0 : i32
      %dma_start3A_1988 = arith.constant 0 : i32
      %dma_start3A_1989 = tpu.memref_slice %dma_start3A_1986[%dma_start3A_1987, %dma_start3A_1988] : memref<200x32xf32, #tpu.memory_space<vmem>> -> memref<128x32xf32, #tpu.memory_space<vmem>>
      %dma_start3A_1990 = arith.constant 0 : i32
      %dma_start3A_1991 = arith.constant 0 : i32
      %dma_start3A_1992 = tpu.memref_slice %arg5[%dma_start3A_1973, %dma_start3A_1990, %dma_start3A_1991] : memref<4x4x200xi32, #tpu.memory_space<vmem>> -> memref<1x4x200xi32, #tpu.memory_space<vmem>>
      %dma_start3A_1993 = tpu.memref_squeeze %dma_start3A_1992 : memref<1x4x200xi32, #tpu.memory_space<vmem>> -> memref<4x200xi32, #tpu.memory_space<vmem>>
      %dma_start3A_1994 = arith.constant 0 : i32
      %dma_start3A_1995 = tpu.memref_slice %dma_start3A_1993[%dma_start3A_1974, %dma_start3A_1994] : memref<4x200xi32, #tpu.memory_space<vmem>> -> memref<1x200xi32, #tpu.memory_space<vmem>>
      %dma_start3A_1996 = tpu.memref_squeeze %dma_start3A_1995 : memref<1x200xi32, #tpu.memory_space<vmem>> -> memref<200xi32, #tpu.memory_space<vmem>>
      %dma_start3A_1997 = arith.constant 0 : i32
      %dma_start3A_1998 = tpu.memref_slice %dma_start3A_1996[%dma_start3A_1997] : memref<200xi32, #tpu.memory_space<vmem>> -> memref<128xi32, #tpu.memory_space<vmem>>
      %dma_start3A_1999 = arith.constant 0 : i32
      %dma_start3A_2000 = arith.constant 0 : i32
      %dma_start3A_2001 = tpu.memref_slice %arg3[%dma_start3A_1999, %dma_start3A_2000] : memref<1000000x32xf32, #tpu.memory_space<hbm>> -> memref<1000000x32xf32, #tpu.memory_space<hbm>>
      %dma_start3A_2002 = tpu.memref_slice %arg8[%dma_start3A_1977] : memref<4x!tpu.dma_semaphore, #tpu.memory_space<semaphore_mem>> -> memref<1x!tpu.dma_semaphore, #tpu.memory_space<semaphore_mem>>
      %dma_start3A_2003 = tpu.memref_squeeze %dma_start3A_2002 : memref<1x!tpu.dma_semaphore, #tpu.memory_space<semaphore_mem>> -> memref<!tpu.dma_semaphore, #tpu.memory_space<semaphore_mem>>
      tpu.enqueue_indirect_dma source(%dma_start3A_2001 : memref<1000000x32xf32, #tpu.memory_space<hbm>>) target(%dma_start3A_1989 : memref<128x32xf32, #tpu.memory_space<vmem>>) offsets(%dma_start3A_1998 : memref<128xi32, #tpu.memory_space<vmem>>) semaphore(%dma_start3A_2003 : memref<!tpu.dma_semaphore, #tpu.memory_space<semaphore_mem>>)
      %dma_start3A_2004 = arith.constant 3 : i32
      %dma_start3A_2005 = arith.constant 2 : i32
      %dma_start3A_2006 = arith.constant 3 : i32
      %dma_start3A_2007 = arith.constant 2 : i32
      %dma_start3A_2008 = arith.constant 3 : i32
      %dma_start3A_2009 = arith.constant 0 : i32
      %dma_start3A_2010 = arith.constant 0 : i32
      %dma_start3A_2011 = arith.constant 0 : i32
      %dma_start3A_2012 = tpu.memref_slice %arg6[%dma_start3A_2006, %dma_start3A_2009, %dma_start3A_2010, %dma_start3A_2011] : memref<4x4x200x32xf32, #tpu.memory_space<vmem>> -> memref<1x4x200x32xf32, #tpu.memory_space<vmem>>
      %dma_start3A_2013 = tpu.memref_squeeze %dma_start3A_2012 : memref<1x4x200x32xf32, #tpu.memory_space<vmem>> -> memref<4x200x32xf32, #tpu.memory_space<vmem>>
      %dma_start3A_2014 = arith.constant 0 : i32
      %dma_start3A_2015 = arith.constant 0 : i32
      %dma_start3A_2016 = tpu.memref_slice %dma_start3A_2013[%dma_start3A_2007, %dma_start3A_2014, %dma_start3A_2015] : memref<4x200x32xf32, #tpu.memory_space<vmem>> -> memref<1x200x32xf32, #tpu.memory_space<vmem>>
      %dma_start3A_2017 = tpu.memref_squeeze %dma_start3A_2016 : memref<1x200x32xf32, #tpu.memory_space<vmem>> -> memref<200x32xf32, #tpu.memory_space<vmem>>
      %dma_start3A_2018 = arith.constant 128 : i32
      %dma_start3A_2019 = arith.constant 0 : i32
      %dma_start3A_2020 = tpu.memref_slice %dma_start3A_2017[%dma_start3A_2018, %dma_start3A_2019] : memref<200x32xf32, #tpu.memory_space<vmem>> -> memref<72x32xf32, #tpu.memory_space<vmem>>
      %dma_start3A_2021 = arith.constant 0 : i32
      %dma_start3A_2022 = arith.constant 0 : i32
      %dma_start3A_2023 = tpu.memref_slice %arg5[%dma_start3A_2004, %dma_start3A_2021, %dma_start3A_2022] : memref<4x4x200xi32, #tpu.memory_space<vmem>> -> memref<1x4x200xi32, #tpu.memory_space<vmem>>
      %dma_start3A_2024 = tpu.memref_squeeze %dma_start3A_2023 : memref<1x4x200xi32, #tpu.memory_space<vmem>> -> memref<4x200xi32, #tpu.memory_space<vmem>>
      %dma_start3A_2025 = arith.constant 0 : i32
      %dma_start3A_2026 = tpu.memref_slice %dma_start3A_2024[%dma_start3A_2005, %dma_start3A_2025] : memref<4x200xi32, #tpu.memory_space<vmem>> -> memref<1x200xi32, #tpu.memory_space<vmem>>
      %dma_start3A_2027 = tpu.memref_squeeze %dma_start3A_2026 : memref<1x200xi32, #tpu.memory_space<vmem>> -> memref<200xi32, #tpu.memory_space<vmem>>
      %dma_start3A_2028 = arith.constant 128 : i32
      %dma_start3A_2029 = tpu.memref_slice %dma_start3A_2027[%dma_start3A_2028] : memref<200xi32, #tpu.memory_space<vmem>> -> memref<72xi32, #tpu.memory_space<vmem>>
      %dma_start3A_2030 = arith.constant 0 : i32
      %dma_start3A_2031 = arith.constant 0 : i32
      %dma_start3A_2032 = tpu.memref_slice %arg3[%dma_start3A_2030, %dma_start3A_2031] : memref<1000000x32xf32, #tpu.memory_space<hbm>> -> memref<1000000x32xf32, #tpu.memory_space<hbm>>
      %dma_start3A_2033 = tpu.memref_slice %arg8[%dma_start3A_2008] : memref<4x!tpu.dma_semaphore, #tpu.memory_space<semaphore_mem>> -> memref<1x!tpu.dma_semaphore, #tpu.memory_space<semaphore_mem>>
      %dma_start3A_2034 = tpu.memref_squeeze %dma_start3A_2033 : memref<1x!tpu.dma_semaphore, #tpu.memory_space<semaphore_mem>> -> memref<!tpu.dma_semaphore, #tpu.memory_space<semaphore_mem>>
      tpu.enqueue_indirect_dma source(%dma_start3A_2032 : memref<1000000x32xf32, #tpu.memory_space<hbm>>) target(%dma_start3A_2020 : memref<72x32xf32, #tpu.memory_space<vmem>>) offsets(%dma_start3A_2029 : memref<72xi32, #tpu.memory_space<vmem>>) semaphore(%dma_start3A_2034 : memref<!tpu.dma_semaphore, #tpu.memory_space<semaphore_mem>>)
      %dma_start3A_2035 = arith.constant 3 : i32
      %dma_start3A_2036 = arith.constant 3 : i32
      %dma_start3A_2037 = arith.constant 3 : i32
      %dma_start3A_2038 = arith.constant 3 : i32
      %dma_start3A_2039 = arith.constant 3 : i32
      %dma_start3A_2040 = arith.constant 0 : i32
      %dma_start3A_2041 = arith.constant 0 : i32
      %dma_start3A_2042 = arith.constant 0 : i32
      %dma_start3A_2043 = tpu.memref_slice %arg6[%dma_start3A_2037, %dma_start3A_2040, %dma_start3A_2041, %dma_start3A_2042] : memref<4x4x200x32xf32, #tpu.memory_space<vmem>> -> memref<1x4x200x32xf32, #tpu.memory_space<vmem>>
      %dma_start3A_2044 = tpu.memref_squeeze %dma_start3A_2043 : memref<1x4x200x32xf32, #tpu.memory_space<vmem>> -> memref<4x200x32xf32, #tpu.memory_space<vmem>>
      %dma_start3A_2045 = arith.constant 0 : i32
      %dma_start3A_2046 = arith.constant 0 : i32
      %dma_start3A_2047 = tpu.memref_slice %dma_start3A_2044[%dma_start3A_2038, %dma_start3A_2045, %dma_start3A_2046] : memref<4x200x32xf32, #tpu.memory_space<vmem>> -> memref<1x200x32xf32, #tpu.memory_space<vmem>>
      %dma_start3A_2048 = tpu.memref_squeeze %dma_start3A_2047 : memref<1x200x32xf32, #tpu.memory_space<vmem>> -> memref<200x32xf32, #tpu.memory_space<vmem>>
      %dma_start3A_2049 = arith.constant 0 : i32
      %dma_start3A_2050 = arith.constant 0 : i32
      %dma_start3A_2051 = tpu.memref_slice %dma_start3A_2048[%dma_start3A_2049, %dma_start3A_2050] : memref<200x32xf32, #tpu.memory_space<vmem>> -> memref<128x32xf32, #tpu.memory_space<vmem>>
      %dma_start3A_2052 = arith.constant 0 : i32
      %dma_start3A_2053 = arith.constant 0 : i32
      %dma_start3A_2054 = tpu.memref_slice %arg5[%dma_start3A_2035, %dma_start3A_2052, %dma_start3A_2053] : memref<4x4x200xi32, #tpu.memory_space<vmem>> -> memref<1x4x200xi32, #tpu.memory_space<vmem>>
      %dma_start3A_2055 = tpu.memref_squeeze %dma_start3A_2054 : memref<1x4x200xi32, #tpu.memory_space<vmem>> -> memref<4x200xi32, #tpu.memory_space<vmem>>
      %dma_start3A_2056 = arith.constant 0 : i32
      %dma_start3A_2057 = tpu.memref_slice %dma_start3A_2055[%dma_start3A_2036, %dma_start3A_2056] : memref<4x200xi32, #tpu.memory_space<vmem>> -> memref<1x200xi32, #tpu.memory_space<vmem>>
      %dma_start3A_2058 = tpu.memref_squeeze %dma_start3A_2057 : memref<1x200xi32, #tpu.memory_space<vmem>> -> memref<200xi32, #tpu.memory_space<vmem>>
      %dma_start3A_2059 = arith.constant 0 : i32
      %dma_start3A_2060 = tpu.memref_slice %dma_start3A_2058[%dma_start3A_2059] : memref<200xi32, #tpu.memory_space<vmem>> -> memref<128xi32, #tpu.memory_space<vmem>>
      %dma_start3A_2061 = arith.constant 0 : i32
      %dma_start3A_2062 = arith.constant 0 : i32
      %dma_start3A_2063 = tpu.memref_slice %arg3[%dma_start3A_2061, %dma_start3A_2062] : memref<1000000x32xf32, #tpu.memory_space<hbm>> -> memref<1000000x32xf32, #tpu.memory_space<hbm>>
      %dma_start3A_2064 = tpu.memref_slice %arg8[%dma_start3A_2039] : memref<4x!tpu.dma_semaphore, #tpu.memory_space<semaphore_mem>> -> memref<1x!tpu.dma_semaphore, #tpu.memory_space<semaphore_mem>>
      %dma_start3A_2065 = tpu.memref_squeeze %dma_start3A_2064 : memref<1x!tpu.dma_semaphore, #tpu.memory_space<semaphore_mem>> -> memref<!tpu.dma_semaphore, #tpu.memory_space<semaphore_mem>>
      tpu.enqueue_indirect_dma source(%dma_start3A_2063 : memref<1000000x32xf32, #tpu.memory_space<hbm>>) target(%dma_start3A_2051 : memref<128x32xf32, #tpu.memory_space<vmem>>) offsets(%dma_start3A_2060 : memref<128xi32, #tpu.memory_space<vmem>>) semaphore(%dma_start3A_2065 : memref<!tpu.dma_semaphore, #tpu.memory_space<semaphore_mem>>)
      %dma_start3A_2066 = arith.constant 3 : i32
      %dma_start3A_2067 = arith.constant 3 : i32
      %dma_start3A_2068 = arith.constant 3 : i32
      %dma_start3A_2069 = arith.constant 3 : i32
      %dma_start3A_2070 = arith.constant 3 : i32
      %dma_start3A_2071 = arith.constant 0 : i32
      %dma_start3A_2072 = arith.constant 0 : i32
      %dma_start3A_2073 = arith.constant 0 : i32
      %dma_start3A_2074 = tpu.memref_slice %arg6[%dma_start3A_2068, %dma_start3A_2071, %dma_start3A_2072, %dma_start3A_2073] : memref<4x4x200x32xf32, #tpu.memory_space<vmem>> -> memref<1x4x200x32xf32, #tpu.memory_space<vmem>>
      %dma_start3A_2075 = tpu.memref_squeeze %dma_start3A_2074 : memref<1x4x200x32xf32, #tpu.memory_space<vmem>> -> memref<4x200x32xf32, #tpu.memory_space<vmem>>
      %dma_start3A_2076 = arith.constant 0 : i32
      %dma_start3A_2077 = arith.constant 0 : i32
      %dma_start3A_2078 = tpu.memref_slice %dma_start3A_2075[%dma_start3A_2069, %dma_start3A_2076, %dma_start3A_2077] : memref<4x200x32xf32, #tpu.memory_space<vmem>> -> memref<1x200x32xf32, #tpu.memory_space<vmem>>
      %dma_start3A_2079 = tpu.memref_squeeze %dma_start3A_2078 : memref<1x200x32xf32, #tpu.memory_space<vmem>> -> memref<200x32xf32, #tpu.memory_space<vmem>>
      %dma_start3A_2080 = arith.constant 128 : i32
      %dma_start3A_2081 = arith.constant 0 : i32
      %dma_start3A_2082 = tpu.memref_slice %dma_start3A_2079[%dma_start3A_2080, %dma_start3A_2081] : memref<200x32xf32, #tpu.memory_space<vmem>> -> memref<72x32xf32, #tpu.memory_space<vmem>>
      %dma_start3A_2083 = arith.constant 0 : i32
      %dma_start3A_2084 = arith.constant 0 : i32
      %dma_start3A_2085 = tpu.memref_slice %arg5[%dma_start3A_2066, %dma_start3A_2083, %dma_start3A_2084] : memref<4x4x200xi32, #tpu.memory_space<vmem>> -> memref<1x4x200xi32, #tpu.memory_space<vmem>>
      %dma_start3A_2086 = tpu.memref_squeeze %dma_start3A_2085 : memref<1x4x200xi32, #tpu.memory_space<vmem>> -> memref<4x200xi32, #tpu.memory_space<vmem>>
      %dma_start3A_2087 = arith.constant 0 : i32
      %dma_start3A_2088 = tpu.memref_slice %dma_start3A_2086[%dma_start3A_2067, %dma_start3A_2087] : memref<4x200xi32, #tpu.memory_space<vmem>> -> memref<1x200xi32, #tpu.memory_space<vmem>>
      %dma_start3A_2089 = tpu.memref_squeeze %dma_start3A_2088 : memref<1x200xi32, #tpu.memory_space<vmem>> -> memref<200xi32, #tpu.memory_space<vmem>>
      %dma_start3A_2090 = arith.constant 128 : i32
      %dma_start3A_2091 = tpu.memref_slice %dma_start3A_2089[%dma_start3A_2090] : memref<200xi32, #tpu.memory_space<vmem>> -> memref<72xi32, #tpu.memory_space<vmem>>
      %dma_start3A_2092 = arith.constant 0 : i32
      %dma_start3A_2093 = arith.constant 0 : i32
      %dma_start3A_2094 = tpu.memref_slice %arg3[%dma_start3A_2092, %dma_start3A_2093] : memref<1000000x32xf32, #tpu.memory_space<hbm>> -> memref<1000000x32xf32, #tpu.memory_space<hbm>>
      %dma_start3A_2095 = tpu.memref_slice %arg8[%dma_start3A_2070] : memref<4x!tpu.dma_semaphore, #tpu.memory_space<semaphore_mem>> -> memref<1x!tpu.dma_semaphore, #tpu.memory_space<semaphore_mem>>
      %dma_start3A_2096 = tpu.memref_squeeze %dma_start3A_2095 : memref<1x!tpu.dma_semaphore, #tpu.memory_space<semaphore_mem>> -> memref<!tpu.dma_semaphore, #tpu.memory_space<semaphore_mem>>
      tpu.enqueue_indirect_dma source(%dma_start3A_2094 : memref<1000000x32xf32, #tpu.memory_space<hbm>>) target(%dma_start3A_2082 : memref<72x32xf32, #tpu.memory_space<vmem>>) offsets(%dma_start3A_2091 : memref<72xi32, #tpu.memory_space<vmem>>) semaphore(%dma_start3A_2096 : memref<!tpu.dma_semaphore, #tpu.memory_space<semaphore_mem>>)
      %sub3A_2097 = arith.constant 1 : i32
      %sub3A_2098 = arith.subi %add3A_1824, %sub3A_2097 : i32
      %dma_wait3A_2099 = arith.constant 2 : i32
      %dma_wait3A_2100 = arith.constant 0 : i32
      %dma_wait3A_2101 = arith.constant 2 : i32
      %dma_wait3A_2102 = arith.constant 0 : i32
      %dma_wait3A_2103 = arith.constant 2 : i32
      %dma_wait3A_2104 = arith.constant 0 : i32
      %dma_wait3A_2105 = arith.constant 0 : i32
      %dma_wait3A_2106 = arith.constant 0 : i32
      %dma_wait3A_2107 = tpu.memref_slice %arg6[%dma_wait3A_2101, %dma_wait3A_2104, %dma_wait3A_2105, %dma_wait3A_2106] : memref<4x4x200x32xf32, #tpu.memory_space<vmem>> -> memref<1x4x200x32xf32, #tpu.memory_space<vmem>>
      %dma_wait3A_2108 = tpu.memref_squeeze %dma_wait3A_2107 : memref<1x4x200x32xf32, #tpu.memory_space<vmem>> -> memref<4x200x32xf32, #tpu.memory_space<vmem>>
      %dma_wait3A_2109 = arith.constant 0 : i32
      %dma_wait3A_2110 = arith.constant 0 : i32
      %dma_wait3A_2111 = tpu.memref_slice %dma_wait3A_2108[%dma_wait3A_2102, %dma_wait3A_2109, %dma_wait3A_2110] : memref<4x200x32xf32, #tpu.memory_space<vmem>> -> memref<1x200x32xf32, #tpu.memory_space<vmem>>
      %dma_wait3A_2112 = tpu.memref_squeeze %dma_wait3A_2111 : memref<1x200x32xf32, #tpu.memory_space<vmem>> -> memref<200x32xf32, #tpu.memory_space<vmem>>
      %dma_wait3A_2113 = arith.constant 0 : i32
      %dma_wait3A_2114 = arith.constant 0 : i32
      %dma_wait3A_2115 = tpu.memref_slice %dma_wait3A_2112[%dma_wait3A_2113, %dma_wait3A_2114] : memref<200x32xf32, #tpu.memory_space<vmem>> -> memref<128x32xf32, #tpu.memory_space<vmem>>
      %dma_wait3A_2116 = arith.constant 0 : i32
      %dma_wait3A_2117 = arith.constant 0 : i32
      %dma_wait3A_2118 = tpu.memref_slice %arg5[%dma_wait3A_2099, %dma_wait3A_2116, %dma_wait3A_2117] : memref<4x4x200xi32, #tpu.memory_space<vmem>> -> memref<1x4x200xi32, #tpu.memory_space<vmem>>
      %dma_wait3A_2119 = tpu.memref_squeeze %dma_wait3A_2118 : memref<1x4x200xi32, #tpu.memory_space<vmem>> -> memref<4x200xi32, #tpu.memory_space<vmem>>
      %dma_wait3A_2120 = arith.constant 0 : i32
      %dma_wait3A_2121 = tpu.memref_slice %dma_wait3A_2119[%dma_wait3A_2100, %dma_wait3A_2120] : memref<4x200xi32, #tpu.memory_space<vmem>> -> memref<1x200xi32, #tpu.memory_space<vmem>>
      %dma_wait3A_2122 = tpu.memref_squeeze %dma_wait3A_2121 : memref<1x200xi32, #tpu.memory_space<vmem>> -> memref<200xi32, #tpu.memory_space<vmem>>
      %dma_wait3A_2123 = arith.constant 0 : i32
      %dma_wait3A_2124 = tpu.memref_slice %dma_wait3A_2122[%dma_wait3A_2123] : memref<200xi32, #tpu.memory_space<vmem>> -> memref<128xi32, #tpu.memory_space<vmem>>
      %dma_wait3A_2125 = arith.constant 0 : i32
      %dma_wait3A_2126 = arith.constant 0 : i32
      %dma_wait3A_2127 = tpu.memref_slice %arg3[%dma_wait3A_2125, %dma_wait3A_2126] : memref<1000000x32xf32, #tpu.memory_space<hbm>> -> memref<1000000x32xf32, #tpu.memory_space<hbm>>
      %dma_wait3A_2128 = tpu.memref_slice %arg8[%dma_wait3A_2103] : memref<4x!tpu.dma_semaphore, #tpu.memory_space<semaphore_mem>> -> memref<1x!tpu.dma_semaphore, #tpu.memory_space<semaphore_mem>>
      %dma_wait3A_2129 = tpu.memref_squeeze %dma_wait3A_2128 : memref<1x!tpu.dma_semaphore, #tpu.memory_space<semaphore_mem>> -> memref<!tpu.dma_semaphore, #tpu.memory_space<semaphore_mem>>
      tpu.wait_indirect_dma semaphore(%dma_wait3A_2129 : memref<!tpu.dma_semaphore, #tpu.memory_space<semaphore_mem>>) src(%dma_wait3A_2127 : memref<1000000x32xf32, #tpu.memory_space<hbm>>) dst(%dma_wait3A_2115 : memref<128x32xf32, #tpu.memory_space<vmem>>)
      %dma_wait3A_2130 = arith.constant 2 : i32
      %dma_wait3A_2131 = arith.constant 0 : i32
      %dma_wait3A_2132 = arith.constant 2 : i32
      %dma_wait3A_2133 = arith.constant 0 : i32
      %dma_wait3A_2134 = arith.constant 2 : i32
      %dma_wait3A_2135 = arith.constant 0 : i32
      %dma_wait3A_2136 = arith.constant 0 : i32
      %dma_wait3A_2137 = arith.constant 0 : i32
      %dma_wait3A_2138 = tpu.memref_slice %arg6[%dma_wait3A_2132, %dma_wait3A_2135, %dma_wait3A_2136, %dma_wait3A_2137] : memref<4x4x200x32xf32, #tpu.memory_space<vmem>> -> memref<1x4x200x32xf32, #tpu.memory_space<vmem>>
      %dma_wait3A_2139 = tpu.memref_squeeze %dma_wait3A_2138 : memref<1x4x200x32xf32, #tpu.memory_space<vmem>> -> memref<4x200x32xf32, #tpu.memory_space<vmem>>
      %dma_wait3A_2140 = arith.constant 0 : i32
      %dma_wait3A_2141 = arith.constant 0 : i32
      %dma_wait3A_2142 = tpu.memref_slice %dma_wait3A_2139[%dma_wait3A_2133, %dma_wait3A_2140, %dma_wait3A_2141] : memref<4x200x32xf32, #tpu.memory_space<vmem>> -> memref<1x200x32xf32, #tpu.memory_space<vmem>>
      %dma_wait3A_2143 = tpu.memref_squeeze %dma_wait3A_2142 : memref<1x200x32xf32, #tpu.memory_space<vmem>> -> memref<200x32xf32, #tpu.memory_space<vmem>>
      %dma_wait3A_2144 = arith.constant 128 : i32
      %dma_wait3A_2145 = arith.constant 0 : i32
      %dma_wait3A_2146 = tpu.memref_slice %dma_wait3A_2143[%dma_wait3A_2144, %dma_wait3A_2145] : memref<200x32xf32, #tpu.memory_space<vmem>> -> memref<72x32xf32, #tpu.memory_space<vmem>>
      %dma_wait3A_2147 = arith.constant 0 : i32
      %dma_wait3A_2148 = arith.constant 0 : i32
      %dma_wait3A_2149 = tpu.memref_slice %arg5[%dma_wait3A_2130, %dma_wait3A_2147, %dma_wait3A_2148] : memref<4x4x200xi32, #tpu.memory_space<vmem>> -> memref<1x4x200xi32, #tpu.memory_space<vmem>>
      %dma_wait3A_2150 = tpu.memref_squeeze %dma_wait3A_2149 : memref<1x4x200xi32, #tpu.memory_space<vmem>> -> memref<4x200xi32, #tpu.memory_space<vmem>>
      %dma_wait3A_2151 = arith.constant 0 : i32
      %dma_wait3A_2152 = tpu.memref_slice %dma_wait3A_2150[%dma_wait3A_2131, %dma_wait3A_2151] : memref<4x200xi32, #tpu.memory_space<vmem>> -> memref<1x200xi32, #tpu.memory_space<vmem>>
      %dma_wait3A_2153 = tpu.memref_squeeze %dma_wait3A_2152 : memref<1x200xi32, #tpu.memory_space<vmem>> -> memref<200xi32, #tpu.memory_space<vmem>>
      %dma_wait3A_2154 = arith.constant 128 : i32
      %dma_wait3A_2155 = tpu.memref_slice %dma_wait3A_2153[%dma_wait3A_2154] : memref<200xi32, #tpu.memory_space<vmem>> -> memref<72xi32, #tpu.memory_space<vmem>>
      %dma_wait3A_2156 = arith.constant 0 : i32
      %dma_wait3A_2157 = arith.constant 0 : i32
      %dma_wait3A_2158 = tpu.memref_slice %arg3[%dma_wait3A_2156, %dma_wait3A_2157] : memref<1000000x32xf32, #tpu.memory_space<hbm>> -> memref<1000000x32xf32, #tpu.memory_space<hbm>>
      %dma_wait3A_2159 = tpu.memref_slice %arg8[%dma_wait3A_2134] : memref<4x!tpu.dma_semaphore, #tpu.memory_space<semaphore_mem>> -> memref<1x!tpu.dma_semaphore, #tpu.memory_space<semaphore_mem>>
      %dma_wait3A_2160 = tpu.memref_squeeze %dma_wait3A_2159 : memref<1x!tpu.dma_semaphore, #tpu.memory_space<semaphore_mem>> -> memref<!tpu.dma_semaphore, #tpu.memory_space<semaphore_mem>>
      tpu.wait_indirect_dma semaphore(%dma_wait3A_2160 : memref<!tpu.dma_semaphore, #tpu.memory_space<semaphore_mem>>) src(%dma_wait3A_2158 : memref<1000000x32xf32, #tpu.memory_space<hbm>>) dst(%dma_wait3A_2146 : memref<72x32xf32, #tpu.memory_space<vmem>>)
      %dma_wait3A_2161 = arith.constant 2 : i32
      %dma_wait3A_2162 = arith.constant 1 : i32
      %dma_wait3A_2163 = arith.constant 2 : i32
      %dma_wait3A_2164 = arith.constant 1 : i32
      %dma_wait3A_2165 = arith.constant 2 : i32
      %dma_wait3A_2166 = arith.constant 0 : i32
      %dma_wait3A_2167 = arith.constant 0 : i32
      %dma_wait3A_2168 = arith.constant 0 : i32
      %dma_wait3A_2169 = tpu.memref_slice %arg6[%dma_wait3A_2163, %dma_wait3A_2166, %dma_wait3A_2167, %dma_wait3A_2168] : memref<4x4x200x32xf32, #tpu.memory_space<vmem>> -> memref<1x4x200x32xf32, #tpu.memory_space<vmem>>
      %dma_wait3A_2170 = tpu.memref_squeeze %dma_wait3A_2169 : memref<1x4x200x32xf32, #tpu.memory_space<vmem>> -> memref<4x200x32xf32, #tpu.memory_space<vmem>>
      %dma_wait3A_2171 = arith.constant 0 : i32
      %dma_wait3A_2172 = arith.constant 0 : i32
      %dma_wait3A_2173 = tpu.memref_slice %dma_wait3A_2170[%dma_wait3A_2164, %dma_wait3A_2171, %dma_wait3A_2172] : memref<4x200x32xf32, #tpu.memory_space<vmem>> -> memref<1x200x32xf32, #tpu.memory_space<vmem>>
      %dma_wait3A_2174 = tpu.memref_squeeze %dma_wait3A_2173 : memref<1x200x32xf32, #tpu.memory_space<vmem>> -> memref<200x32xf32, #tpu.memory_space<vmem>>
      %dma_wait3A_2175 = arith.constant 0 : i32
      %dma_wait3A_2176 = arith.constant 0 : i32
      %dma_wait3A_2177 = tpu.memref_slice %dma_wait3A_2174[%dma_wait3A_2175, %dma_wait3A_2176] : memref<200x32xf32, #tpu.memory_space<vmem>> -> memref<128x32xf32, #tpu.memory_space<vmem>>
      %dma_wait3A_2178 = arith.constant 0 : i32
      %dma_wait3A_2179 = arith.constant 0 : i32
      %dma_wait3A_2180 = tpu.memref_slice %arg5[%dma_wait3A_2161, %dma_wait3A_2178, %dma_wait3A_2179] : memref<4x4x200xi32, #tpu.memory_space<vmem>> -> memref<1x4x200xi32, #tpu.memory_space<vmem>>
      %dma_wait3A_2181 = tpu.memref_squeeze %dma_wait3A_2180 : memref<1x4x200xi32, #tpu.memory_space<vmem>> -> memref<4x200xi32, #tpu.memory_space<vmem>>
      %dma_wait3A_2182 = arith.constant 0 : i32
      %dma_wait3A_2183 = tpu.memref_slice %dma_wait3A_2181[%dma_wait3A_2162, %dma_wait3A_2182] : memref<4x200xi32, #tpu.memory_space<vmem>> -> memref<1x200xi32, #tpu.memory_space<vmem>>
      %dma_wait3A_2184 = tpu.memref_squeeze %dma_wait3A_2183 : memref<1x200xi32, #tpu.memory_space<vmem>> -> memref<200xi32, #tpu.memory_space<vmem>>
      %dma_wait3A_2185 = arith.constant 0 : i32
      %dma_wait3A_2186 = tpu.memref_slice %dma_wait3A_2184[%dma_wait3A_2185] : memref<200xi32, #tpu.memory_space<vmem>> -> memref<128xi32, #tpu.memory_space<vmem>>
      %dma_wait3A_2187 = arith.constant 0 : i32
      %dma_wait3A_2188 = arith.constant 0 : i32
      %dma_wait3A_2189 = tpu.memref_slice %arg3[%dma_wait3A_2187, %dma_wait3A_2188] : memref<1000000x32xf32, #tpu.memory_space<hbm>> -> memref<1000000x32xf32, #tpu.memory_space<hbm>>
      %dma_wait3A_2190 = tpu.memref_slice %arg8[%dma_wait3A_2165] : memref<4x!tpu.dma_semaphore, #tpu.memory_space<semaphore_mem>> -> memref<1x!tpu.dma_semaphore, #tpu.memory_space<semaphore_mem>>
      %dma_wait3A_2191 = tpu.memref_squeeze %dma_wait3A_2190 : memref<1x!tpu.dma_semaphore, #tpu.memory_space<semaphore_mem>> -> memref<!tpu.dma_semaphore, #tpu.memory_space<semaphore_mem>>
      tpu.wait_indirect_dma semaphore(%dma_wait3A_2191 : memref<!tpu.dma_semaphore, #tpu.memory_space<semaphore_mem>>) src(%dma_wait3A_2189 : memref<1000000x32xf32, #tpu.memory_space<hbm>>) dst(%dma_wait3A_2177 : memref<128x32xf32, #tpu.memory_space<vmem>>)
      %dma_wait3A_2192 = arith.constant 2 : i32
      %dma_wait3A_2193 = arith.constant 1 : i32
      %dma_wait3A_2194 = arith.constant 2 : i32
      %dma_wait3A_2195 = arith.constant 1 : i32
      %dma_wait3A_2196 = arith.constant 2 : i32
      %dma_wait3A_2197 = arith.constant 0 : i32
      %dma_wait3A_2198 = arith.constant 0 : i32
      %dma_wait3A_2199 = arith.constant 0 : i32
      %dma_wait3A_2200 = tpu.memref_slice %arg6[%dma_wait3A_2194, %dma_wait3A_2197, %dma_wait3A_2198, %dma_wait3A_2199] : memref<4x4x200x32xf32, #tpu.memory_space<vmem>> -> memref<1x4x200x32xf32, #tpu.memory_space<vmem>>
      %dma_wait3A_2201 = tpu.memref_squeeze %dma_wait3A_2200 : memref<1x4x200x32xf32, #tpu.memory_space<vmem>> -> memref<4x200x32xf32, #tpu.memory_space<vmem>>
      %dma_wait3A_2202 = arith.constant 0 : i32
      %dma_wait3A_2203 = arith.constant 0 : i32
      %dma_wait3A_2204 = tpu.memref_slice %dma_wait3A_2201[%dma_wait3A_2195, %dma_wait3A_2202, %dma_wait3A_2203] : memref<4x200x32xf32, #tpu.memory_space<vmem>> -> memref<1x200x32xf32, #tpu.memory_space<vmem>>
      %dma_wait3A_2205 = tpu.memref_squeeze %dma_wait3A_2204 : memref<1x200x32xf32, #tpu.memory_space<vmem>> -> memref<200x32xf32, #tpu.memory_space<vmem>>
      %dma_wait3A_2206 = arith.constant 128 : i32
      %dma_wait3A_2207 = arith.constant 0 : i32
      %dma_wait3A_2208 = tpu.memref_slice %dma_wait3A_2205[%dma_wait3A_2206, %dma_wait3A_2207] : memref<200x32xf32, #tpu.memory_space<vmem>> -> memref<72x32xf32, #tpu.memory_space<vmem>>
      %dma_wait3A_2209 = arith.constant 0 : i32
      %dma_wait3A_2210 = arith.constant 0 : i32
      %dma_wait3A_2211 = tpu.memref_slice %arg5[%dma_wait3A_2192, %dma_wait3A_2209, %dma_wait3A_2210] : memref<4x4x200xi32, #tpu.memory_space<vmem>> -> memref<1x4x200xi32, #tpu.memory_space<vmem>>
      %dma_wait3A_2212 = tpu.memref_squeeze %dma_wait3A_2211 : memref<1x4x200xi32, #tpu.memory_space<vmem>> -> memref<4x200xi32, #tpu.memory_space<vmem>>
      %dma_wait3A_2213 = arith.constant 0 : i32
      %dma_wait3A_2214 = tpu.memref_slice %dma_wait3A_2212[%dma_wait3A_2193, %dma_wait3A_2213] : memref<4x200xi32, #tpu.memory_space<vmem>> -> memref<1x200xi32, #tpu.memory_space<vmem>>
      %dma_wait3A_2215 = tpu.memref_squeeze %dma_wait3A_2214 : memref<1x200xi32, #tpu.memory_space<vmem>> -> memref<200xi32, #tpu.memory_space<vmem>>
      %dma_wait3A_2216 = arith.constant 128 : i32
      %dma_wait3A_2217 = tpu.memref_slice %dma_wait3A_2215[%dma_wait3A_2216] : memref<200xi32, #tpu.memory_space<vmem>> -> memref<72xi32, #tpu.memory_space<vmem>>
      %dma_wait3A_2218 = arith.constant 0 : i32
      %dma_wait3A_2219 = arith.constant 0 : i32
      %dma_wait3A_2220 = tpu.memref_slice %arg3[%dma_wait3A_2218, %dma_wait3A_2219] : memref<1000000x32xf32, #tpu.memory_space<hbm>> -> memref<1000000x32xf32, #tpu.memory_space<hbm>>
      %dma_wait3A_2221 = tpu.memref_slice %arg8[%dma_wait3A_2196] : memref<4x!tpu.dma_semaphore, #tpu.memory_space<semaphore_mem>> -> memref<1x!tpu.dma_semaphore, #tpu.memory_space<semaphore_mem>>
      %dma_wait3A_2222 = tpu.memref_squeeze %dma_wait3A_2221 : memref<1x!tpu.dma_semaphore, #tpu.memory_space<semaphore_mem>> -> memref<!tpu.dma_semaphore, #tpu.memory_space<semaphore_mem>>
      tpu.wait_indirect_dma semaphore(%dma_wait3A_2222 : memref<!tpu.dma_semaphore, #tpu.memory_space<semaphore_mem>>) src(%dma_wait3A_2220 : memref<1000000x32xf32, #tpu.memory_space<hbm>>) dst(%dma_wait3A_2208 : memref<72x32xf32, #tpu.memory_space<vmem>>)
      %dma_wait3A_2223 = arith.constant 2 : i32
      %dma_wait3A_2224 = arith.constant 2 : i32
      %dma_wait3A_2225 = arith.constant 2 : i32
      %dma_wait3A_2226 = arith.constant 2 : i32
      %dma_wait3A_2227 = arith.constant 2 : i32
      %dma_wait3A_2228 = arith.constant 0 : i32
      %dma_wait3A_2229 = arith.constant 0 : i32
      %dma_wait3A_2230 = arith.constant 0 : i32
      %dma_wait3A_2231 = tpu.memref_slice %arg6[%dma_wait3A_2225, %dma_wait3A_2228, %dma_wait3A_2229, %dma_wait3A_2230] : memref<4x4x200x32xf32, #tpu.memory_space<vmem>> -> memref<1x4x200x32xf32, #tpu.memory_space<vmem>>
      %dma_wait3A_2232 = tpu.memref_squeeze %dma_wait3A_2231 : memref<1x4x200x32xf32, #tpu.memory_space<vmem>> -> memref<4x200x32xf32, #tpu.memory_space<vmem>>
      %dma_wait3A_2233 = arith.constant 0 : i32
      %dma_wait3A_2234 = arith.constant 0 : i32
      %dma_wait3A_2235 = tpu.memref_slice %dma_wait3A_2232[%dma_wait3A_2226, %dma_wait3A_2233, %dma_wait3A_2234] : memref<4x200x32xf32, #tpu.memory_space<vmem>> -> memref<1x200x32xf32, #tpu.memory_space<vmem>>
      %dma_wait3A_2236 = tpu.memref_squeeze %dma_wait3A_2235 : memref<1x200x32xf32, #tpu.memory_space<vmem>> -> memref<200x32xf32, #tpu.memory_space<vmem>>
      %dma_wait3A_2237 = arith.constant 0 : i32
      %dma_wait3A_2238 = arith.constant 0 : i32
      %dma_wait3A_2239 = tpu.memref_slice %dma_wait3A_2236[%dma_wait3A_2237, %dma_wait3A_2238] : memref<200x32xf32, #tpu.memory_space<vmem>> -> memref<128x32xf32, #tpu.memory_space<vmem>>
      %dma_wait3A_2240 = arith.constant 0 : i32
      %dma_wait3A_2241 = arith.constant 0 : i32
      %dma_wait3A_2242 = tpu.memref_slice %arg5[%dma_wait3A_2223, %dma_wait3A_2240, %dma_wait3A_2241] : memref<4x4x200xi32, #tpu.memory_space<vmem>> -> memref<1x4x200xi32, #tpu.memory_space<vmem>>
      %dma_wait3A_2243 = tpu.memref_squeeze %dma_wait3A_2242 : memref<1x4x200xi32, #tpu.memory_space<vmem>> -> memref<4x200xi32, #tpu.memory_space<vmem>>
      %dma_wait3A_2244 = arith.constant 0 : i32
      %dma_wait3A_2245 = tpu.memref_slice %dma_wait3A_2243[%dma_wait3A_2224, %dma_wait3A_2244] : memref<4x200xi32, #tpu.memory_space<vmem>> -> memref<1x200xi32, #tpu.memory_space<vmem>>
      %dma_wait3A_2246 = tpu.memref_squeeze %dma_wait3A_2245 : memref<1x200xi32, #tpu.memory_space<vmem>> -> memref<200xi32, #tpu.memory_space<vmem>>
      %dma_wait3A_2247 = arith.constant 0 : i32
      %dma_wait3A_2248 = tpu.memref_slice %dma_wait3A_2246[%dma_wait3A_2247] : memref<200xi32, #tpu.memory_space<vmem>> -> memref<128xi32, #tpu.memory_space<vmem>>
      %dma_wait3A_2249 = arith.constant 0 : i32
      %dma_wait3A_2250 = arith.constant 0 : i32
      %dma_wait3A_2251 = tpu.memref_slice %arg3[%dma_wait3A_2249, %dma_wait3A_2250] : memref<1000000x32xf32, #tpu.memory_space<hbm>> -> memref<1000000x32xf32, #tpu.memory_space<hbm>>
      %dma_wait3A_2252 = tpu.memref_slice %arg8[%dma_wait3A_2227] : memref<4x!tpu.dma_semaphore, #tpu.memory_space<semaphore_mem>> -> memref<1x!tpu.dma_semaphore, #tpu.memory_space<semaphore_mem>>
      %dma_wait3A_2253 = tpu.memref_squeeze %dma_wait3A_2252 : memref<1x!tpu.dma_semaphore, #tpu.memory_space<semaphore_mem>> -> memref<!tpu.dma_semaphore, #tpu.memory_space<semaphore_mem>>
      tpu.wait_indirect_dma semaphore(%dma_wait3A_2253 : memref<!tpu.dma_semaphore, #tpu.memory_space<semaphore_mem>>) src(%dma_wait3A_2251 : memref<1000000x32xf32, #tpu.memory_space<hbm>>) dst(%dma_wait3A_2239 : memref<128x32xf32, #tpu.memory_space<vmem>>)
      %dma_wait3A_2254 = arith.constant 2 : i32
      %dma_wait3A_2255 = arith.constant 2 : i32
      %dma_wait3A_2256 = arith.constant 2 : i32
      %dma_wait3A_2257 = arith.constant 2 : i32
      %dma_wait3A_2258 = arith.constant 2 : i32
      %dma_wait3A_2259 = arith.constant 0 : i32
      %dma_wait3A_2260 = arith.constant 0 : i32
      %dma_wait3A_2261 = arith.constant 0 : i32
      %dma_wait3A_2262 = tpu.memref_slice %arg6[%dma_wait3A_2256, %dma_wait3A_2259, %dma_wait3A_2260, %dma_wait3A_2261] : memref<4x4x200x32xf32, #tpu.memory_space<vmem>> -> memref<1x4x200x32xf32, #tpu.memory_space<vmem>>
      %dma_wait3A_2263 = tpu.memref_squeeze %dma_wait3A_2262 : memref<1x4x200x32xf32, #tpu.memory_space<vmem>> -> memref<4x200x32xf32, #tpu.memory_space<vmem>>
      %dma_wait3A_2264 = arith.constant 0 : i32
      %dma_wait3A_2265 = arith.constant 0 : i32
      %dma_wait3A_2266 = tpu.memref_slice %dma_wait3A_2263[%dma_wait3A_2257, %dma_wait3A_2264, %dma_wait3A_2265] : memref<4x200x32xf32, #tpu.memory_space<vmem>> -> memref<1x200x32xf32, #tpu.memory_space<vmem>>
      %dma_wait3A_2267 = tpu.memref_squeeze %dma_wait3A_2266 : memref<1x200x32xf32, #tpu.memory_space<vmem>> -> memref<200x32xf32, #tpu.memory_space<vmem>>
      %dma_wait3A_2268 = arith.constant 128 : i32
      %dma_wait3A_2269 = arith.constant 0 : i32
      %dma_wait3A_2270 = tpu.memref_slice %dma_wait3A_2267[%dma_wait3A_2268, %dma_wait3A_2269] : memref<200x32xf32, #tpu.memory_space<vmem>> -> memref<72x32xf32, #tpu.memory_space<vmem>>
      %dma_wait3A_2271 = arith.constant 0 : i32
      %dma_wait3A_2272 = arith.constant 0 : i32
      %dma_wait3A_2273 = tpu.memref_slice %arg5[%dma_wait3A_2254, %dma_wait3A_2271, %dma_wait3A_2272] : memref<4x4x200xi32, #tpu.memory_space<vmem>> -> memref<1x4x200xi32, #tpu.memory_space<vmem>>
      %dma_wait3A_2274 = tpu.memref_squeeze %dma_wait3A_2273 : memref<1x4x200xi32, #tpu.memory_space<vmem>> -> memref<4x200xi32, #tpu.memory_space<vmem>>
      %dma_wait3A_2275 = arith.constant 0 : i32
      %dma_wait3A_2276 = tpu.memref_slice %dma_wait3A_2274[%dma_wait3A_2255, %dma_wait3A_2275] : memref<4x200xi32, #tpu.memory_space<vmem>> -> memref<1x200xi32, #tpu.memory_space<vmem>>
      %dma_wait3A_2277 = tpu.memref_squeeze %dma_wait3A_2276 : memref<1x200xi32, #tpu.memory_space<vmem>> -> memref<200xi32, #tpu.memory_space<vmem>>
      %dma_wait3A_2278 = arith.constant 128 : i32
      %dma_wait3A_2279 = tpu.memref_slice %dma_wait3A_2277[%dma_wait3A_2278] : memref<200xi32, #tpu.memory_space<vmem>> -> memref<72xi32, #tpu.memory_space<vmem>>
      %dma_wait3A_2280 = arith.constant 0 : i32
      %dma_wait3A_2281 = arith.constant 0 : i32
      %dma_wait3A_2282 = tpu.memref_slice %arg3[%dma_wait3A_2280, %dma_wait3A_2281] : memref<1000000x32xf32, #tpu.memory_space<hbm>> -> memref<1000000x32xf32, #tpu.memory_space<hbm>>
      %dma_wait3A_2283 = tpu.memref_slice %arg8[%dma_wait3A_2258] : memref<4x!tpu.dma_semaphore, #tpu.memory_space<semaphore_mem>> -> memref<1x!tpu.dma_semaphore, #tpu.memory_space<semaphore_mem>>
      %dma_wait3A_2284 = tpu.memref_squeeze %dma_wait3A_2283 : memref<1x!tpu.dma_semaphore, #tpu.memory_space<semaphore_mem>> -> memref<!tpu.dma_semaphore, #tpu.memory_space<semaphore_mem>>
      tpu.wait_indirect_dma semaphore(%dma_wait3A_2284 : memref<!tpu.dma_semaphore, #tpu.memory_space<semaphore_mem>>) src(%dma_wait3A_2282 : memref<1000000x32xf32, #tpu.memory_space<hbm>>) dst(%dma_wait3A_2270 : memref<72x32xf32, #tpu.memory_space<vmem>>)
      %dma_wait3A_2285 = arith.constant 2 : i32
      %dma_wait3A_2286 = arith.constant 3 : i32
      %dma_wait3A_2287 = arith.constant 2 : i32
      %dma_wait3A_2288 = arith.constant 3 : i32
      %dma_wait3A_2289 = arith.constant 2 : i32
      %dma_wait3A_2290 = arith.constant 0 : i32
      %dma_wait3A_2291 = arith.constant 0 : i32
      %dma_wait3A_2292 = arith.constant 0 : i32
      %dma_wait3A_2293 = tpu.memref_slice %arg6[%dma_wait3A_2287, %dma_wait3A_2290, %dma_wait3A_2291, %dma_wait3A_2292] : memref<4x4x200x32xf32, #tpu.memory_space<vmem>> -> memref<1x4x200x32xf32, #tpu.memory_space<vmem>>
      %dma_wait3A_2294 = tpu.memref_squeeze %dma_wait3A_2293 : memref<1x4x200x32xf32, #tpu.memory_space<vmem>> -> memref<4x200x32xf32, #tpu.memory_space<vmem>>
      %dma_wait3A_2295 = arith.constant 0 : i32
      %dma_wait3A_2296 = arith.constant 0 : i32
      %dma_wait3A_2297 = tpu.memref_slice %dma_wait3A_2294[%dma_wait3A_2288, %dma_wait3A_2295, %dma_wait3A_2296] : memref<4x200x32xf32, #tpu.memory_space<vmem>> -> memref<1x200x32xf32, #tpu.memory_space<vmem>>
      %dma_wait3A_2298 = tpu.memref_squeeze %dma_wait3A_2297 : memref<1x200x32xf32, #tpu.memory_space<vmem>> -> memref<200x32xf32, #tpu.memory_space<vmem>>
      %dma_wait3A_2299 = arith.constant 0 : i32
      %dma_wait3A_2300 = arith.constant 0 : i32
      %dma_wait3A_2301 = tpu.memref_slice %dma_wait3A_2298[%dma_wait3A_2299, %dma_wait3A_2300] : memref<200x32xf32, #tpu.memory_space<vmem>> -> memref<128x32xf32, #tpu.memory_space<vmem>>
      %dma_wait3A_2302 = arith.constant 0 : i32
      %dma_wait3A_2303 = arith.constant 0 : i32
      %dma_wait3A_2304 = tpu.memref_slice %arg5[%dma_wait3A_2285, %dma_wait3A_2302, %dma_wait3A_2303] : memref<4x4x200xi32, #tpu.memory_space<vmem>> -> memref<1x4x200xi32, #tpu.memory_space<vmem>>
      %dma_wait3A_2305 = tpu.memref_squeeze %dma_wait3A_2304 : memref<1x4x200xi32, #tpu.memory_space<vmem>> -> memref<4x200xi32, #tpu.memory_space<vmem>>
      %dma_wait3A_2306 = arith.constant 0 : i32
      %dma_wait3A_2307 = tpu.memref_slice %dma_wait3A_2305[%dma_wait3A_2286, %dma_wait3A_2306] : memref<4x200xi32, #tpu.memory_space<vmem>> -> memref<1x200xi32, #tpu.memory_space<vmem>>
      %dma_wait3A_2308 = tpu.memref_squeeze %dma_wait3A_2307 : memref<1x200xi32, #tpu.memory_space<vmem>> -> memref<200xi32, #tpu.memory_space<vmem>>
      %dma_wait3A_2309 = arith.constant 0 : i32
      %dma_wait3A_2310 = tpu.memref_slice %dma_wait3A_2308[%dma_wait3A_2309] : memref<200xi32, #tpu.memory_space<vmem>> -> memref<128xi32, #tpu.memory_space<vmem>>
      %dma_wait3A_2311 = arith.constant 0 : i32
      %dma_wait3A_2312 = arith.constant 0 : i32
      %dma_wait3A_2313 = tpu.memref_slice %arg3[%dma_wait3A_2311, %dma_wait3A_2312] : memref<1000000x32xf32, #tpu.memory_space<hbm>> -> memref<1000000x32xf32, #tpu.memory_space<hbm>>
      %dma_wait3A_2314 = tpu.memref_slice %arg8[%dma_wait3A_2289] : memref<4x!tpu.dma_semaphore, #tpu.memory_space<semaphore_mem>> -> memref<1x!tpu.dma_semaphore, #tpu.memory_space<semaphore_mem>>
      %dma_wait3A_2315 = tpu.memref_squeeze %dma_wait3A_2314 : memref<1x!tpu.dma_semaphore, #tpu.memory_space<semaphore_mem>> -> memref<!tpu.dma_semaphore, #tpu.memory_space<semaphore_mem>>
      tpu.wait_indirect_dma semaphore(%dma_wait3A_2315 : memref<!tpu.dma_semaphore, #tpu.memory_space<semaphore_mem>>) src(%dma_wait3A_2313 : memref<1000000x32xf32, #tpu.memory_space<hbm>>) dst(%dma_wait3A_2301 : memref<128x32xf32, #tpu.memory_space<vmem>>)
      %dma_wait3A_2316 = arith.constant 2 : i32
      %dma_wait3A_2317 = arith.constant 3 : i32
      %dma_wait3A_2318 = arith.constant 2 : i32
      %dma_wait3A_2319 = arith.constant 3 : i32
      %dma_wait3A_2320 = arith.constant 2 : i32
      %dma_wait3A_2321 = arith.constant 0 : i32
      %dma_wait3A_2322 = arith.constant 0 : i32
      %dma_wait3A_2323 = arith.constant 0 : i32
      %dma_wait3A_2324 = tpu.memref_slice %arg6[%dma_wait3A_2318, %dma_wait3A_2321, %dma_wait3A_2322, %dma_wait3A_2323] : memref<4x4x200x32xf32, #tpu.memory_space<vmem>> -> memref<1x4x200x32xf32, #tpu.memory_space<vmem>>
      %dma_wait3A_2325 = tpu.memref_squeeze %dma_wait3A_2324 : memref<1x4x200x32xf32, #tpu.memory_space<vmem>> -> memref<4x200x32xf32, #tpu.memory_space<vmem>>
      %dma_wait3A_2326 = arith.constant 0 : i32
      %dma_wait3A_2327 = arith.constant 0 : i32
      %dma_wait3A_2328 = tpu.memref_slice %dma_wait3A_2325[%dma_wait3A_2319, %dma_wait3A_2326, %dma_wait3A_2327] : memref<4x200x32xf32, #tpu.memory_space<vmem>> -> memref<1x200x32xf32, #tpu.memory_space<vmem>>
      %dma_wait3A_2329 = tpu.memref_squeeze %dma_wait3A_2328 : memref<1x200x32xf32, #tpu.memory_space<vmem>> -> memref<200x32xf32, #tpu.memory_space<vmem>>
      %dma_wait3A_2330 = arith.constant 128 : i32
      %dma_wait3A_2331 = arith.constant 0 : i32
      %dma_wait3A_2332 = tpu.memref_slice %dma_wait3A_2329[%dma_wait3A_2330, %dma_wait3A_2331] : memref<200x32xf32, #tpu.memory_space<vmem>> -> memref<72x32xf32, #tpu.memory_space<vmem>>
      %dma_wait3A_2333 = arith.constant 0 : i32
      %dma_wait3A_2334 = arith.constant 0 : i32
      %dma_wait3A_2335 = tpu.memref_slice %arg5[%dma_wait3A_2316, %dma_wait3A_2333, %dma_wait3A_2334] : memref<4x4x200xi32, #tpu.memory_space<vmem>> -> memref<1x4x200xi32, #tpu.memory_space<vmem>>
      %dma_wait3A_2336 = tpu.memref_squeeze %dma_wait3A_2335 : memref<1x4x200xi32, #tpu.memory_space<vmem>> -> memref<4x200xi32, #tpu.memory_space<vmem>>
      %dma_wait3A_2337 = arith.constant 0 : i32
      %dma_wait3A_2338 = tpu.memref_slice %dma_wait3A_2336[%dma_wait3A_2317, %dma_wait3A_2337] : memref<4x200xi32, #tpu.memory_space<vmem>> -> memref<1x200xi32, #tpu.memory_space<vmem>>
      %dma_wait3A_2339 = tpu.memref_squeeze %dma_wait3A_2338 : memref<1x200xi32, #tpu.memory_space<vmem>> -> memref<200xi32, #tpu.memory_space<vmem>>
      %dma_wait3A_2340 = arith.constant 128 : i32
      %dma_wait3A_2341 = tpu.memref_slice %dma_wait3A_2339[%dma_wait3A_2340] : memref<200xi32, #tpu.memory_space<vmem>> -> memref<72xi32, #tpu.memory_space<vmem>>
      %dma_wait3A_2342 = arith.constant 0 : i32
      %dma_wait3A_2343 = arith.constant 0 : i32
      %dma_wait3A_2344 = tpu.memref_slice %arg3[%dma_wait3A_2342, %dma_wait3A_2343] : memref<1000000x32xf32, #tpu.memory_space<hbm>> -> memref<1000000x32xf32, #tpu.memory_space<hbm>>
      %dma_wait3A_2345 = tpu.memref_slice %arg8[%dma_wait3A_2320] : memref<4x!tpu.dma_semaphore, #tpu.memory_space<semaphore_mem>> -> memref<1x!tpu.dma_semaphore, #tpu.memory_space<semaphore_mem>>
      %dma_wait3A_2346 = tpu.memref_squeeze %dma_wait3A_2345 : memref<1x!tpu.dma_semaphore, #tpu.memory_space<semaphore_mem>> -> memref<!tpu.dma_semaphore, #tpu.memory_space<semaphore_mem>>
      tpu.wait_indirect_dma semaphore(%dma_wait3A_2346 : memref<!tpu.dma_semaphore, #tpu.memory_space<semaphore_mem>>) src(%dma_wait3A_2344 : memref<1000000x32xf32, #tpu.memory_space<hbm>>) dst(%dma_wait3A_2332 : memref<72x32xf32, #tpu.memory_space<vmem>>)
      %mul3A_2347 = arith.constant 4 : i32
      %mul3A_2348 = arith.muli %sub3A_2098, %mul3A_2347 : i32
      %add3A_2349 = arith.addi %mul3A_2, %mul3A_2348 : i32
      %dma_start3A_2350 = arith.constant 2 : i32
      %dma_start3A_2351 = arith.constant 2 : i32
      %dma_start3A_2352 = arith.constant 0 : i32
      %dma_start3A_2353 = arith.constant 0 : i32
      %dma_start3A_2354 = arith.constant 0 : i32
      %dma_start3A_2355 = tpu.memref_slice %arg6[%dma_start3A_2350, %dma_start3A_2352, %dma_start3A_2353, %dma_start3A_2354] : memref<4x4x200x32xf32, #tpu.memory_space<vmem>> -> memref<1x4x200x32xf32, #tpu.memory_space<vmem>>
      %dma_start3A_2356 = tpu.memref_squeeze %dma_start3A_2355 : memref<1x4x200x32xf32, #tpu.memory_space<vmem>> -> memref<4x200x32xf32, #tpu.memory_space<vmem>>
      %dma_start3A_2357 = arith.constant 0 : i32
      %dma_start3A_2358 = arith.constant 0 : i32
      %dma_start3A_2359 = tpu.memref_slice %arg4[%add3A_2349, %dma_start3A_2357, %dma_start3A_2358] : memref<16384x200x32xf32, #tpu.memory_space<hbm>> -> memref<4x200x32xf32, #tpu.memory_space<hbm>>
      %dma_start3A_2360 = tpu.memref_slice %arg9[%dma_start3A_2351] : memref<4x!tpu.dma_semaphore, #tpu.memory_space<semaphore_mem>> -> memref<1x!tpu.dma_semaphore, #tpu.memory_space<semaphore_mem>>
      %dma_start3A_2361 = tpu.memref_squeeze %dma_start3A_2360 : memref<1x!tpu.dma_semaphore, #tpu.memory_space<semaphore_mem>> -> memref<!tpu.dma_semaphore, #tpu.memory_space<semaphore_mem>>
      %dma_start3A_2362 = arith.constant 0 : i32
      %dma_start3A_2363 = arith.constant 0 : i32
      %dma_start3A_2364 = tpu.memref_slice %arg4[%add3A_2349, %dma_start3A_2362, %dma_start3A_2363] : memref<16384x200x32xf32, #tpu.memory_space<hbm>> -> memref<4x200x32xf32, #tpu.memory_space<hbm>>
      %dma_start3A_2365 = arith.constant 0 : i32
      %dma_start3A_2366 = arith.constant 0 : i32
      %dma_start3A_2367 = arith.constant 0 : i32
      %dma_start3A_2368 = tpu.memref_slice %arg6[%dma_start3A_2350, %dma_start3A_2365, %dma_start3A_2366, %dma_start3A_2367] : memref<4x4x200x32xf32, #tpu.memory_space<vmem>> -> memref<1x4x200x32xf32, #tpu.memory_space<vmem>>
      %dma_start3A_2369 = tpu.memref_squeeze %dma_start3A_2368 : memref<1x4x200x32xf32, #tpu.memory_space<vmem>> -> memref<4x200x32xf32, #tpu.memory_space<vmem>>
      tpu.enqueue_dma source(%dma_start3A_2369 : memref<4x200x32xf32, #tpu.memory_space<vmem>>) target(%dma_start3A_2364 : memref<4x200x32xf32, #tpu.memory_space<hbm>>) target_semaphore(%dma_start3A_2361 : memref<!tpu.dma_semaphore, #tpu.memory_space<semaphore_mem>>)
      %lt3A = arith.constant 31 : i32
      %lt3A_2370 = arith.cmpi slt, %scan3A_382, %lt3A : i32
      %convert_element_type3A_2371 = arith.extui %lt3A_2370 : i1 to i32
      %cond3A_2372 = arith.constant 0 : i32
      %cond3A_2373 = arith.cmpi ne, %convert_element_type3A_2371, %cond3A_2372 : i32
      scf.if %cond3A_2373 {
        %add3A_2374 = arith.constant 1 : i32
        %add3A_2375 = arith.addi %add3A_1824, %add3A_2374 : i32
        %mul3A_2376 = arith.constant 4 : i32
        %mul3A_2377 = arith.muli %add3A_2375, %mul3A_2376 : i32
        %add3A_2378 = arith.addi %mul3A_2, %mul3A_2377 : i32
        %dma_start3A_2379 = arith.constant 0 : i32
        %dma_start3A_2380 = arith.constant 0 : i32
        %dma_start3A_2381 = arith.constant 0 : i32
        %dma_start3A_2382 = arith.constant 0 : i32
        %dma_start3A_2383 = tpu.memref_slice %arg5[%dma_start3A_2379, %dma_start3A_2381, %dma_start3A_2382] : memref<4x4x200xi32, #tpu.memory_space<vmem>> -> memref<1x4x200xi32, #tpu.memory_space<vmem>>
        %dma_start3A_2384 = tpu.memref_squeeze %dma_start3A_2383 : memref<1x4x200xi32, #tpu.memory_space<vmem>> -> memref<4x200xi32, #tpu.memory_space<vmem>>
        %dma_start3A_2385 = arith.constant 0 : i32
        %dma_start3A_2386 = tpu.memref_slice %arg2[%add3A_2378, %dma_start3A_2385] : memref<16384x200xi32, #tpu.memory_space<hbm>> -> memref<4x200xi32, #tpu.memory_space<hbm>>
        %dma_start3A_2387 = tpu.memref_slice %arg7[%dma_start3A_2380] : memref<4x!tpu.dma_semaphore, #tpu.memory_space<semaphore_mem>> -> memref<1x!tpu.dma_semaphore, #tpu.memory_space<semaphore_mem>>
        %dma_start3A_2388 = tpu.memref_squeeze %dma_start3A_2387 : memref<1x!tpu.dma_semaphore, #tpu.memory_space<semaphore_mem>> -> memref<!tpu.dma_semaphore, #tpu.memory_space<semaphore_mem>>
        %dma_start3A_2389 = arith.constant 0 : i32
        %dma_start3A_2390 = arith.constant 0 : i32
        %dma_start3A_2391 = tpu.memref_slice %arg5[%dma_start3A_2379, %dma_start3A_2389, %dma_start3A_2390] : memref<4x4x200xi32, #tpu.memory_space<vmem>> -> memref<1x4x200xi32, #tpu.memory_space<vmem>>
        %dma_start3A_2392 = tpu.memref_squeeze %dma_start3A_2391 : memref<1x4x200xi32, #tpu.memory_space<vmem>> -> memref<4x200xi32, #tpu.memory_space<vmem>>
        %dma_start3A_2393 = arith.constant 0 : i32
        %dma_start3A_2394 = tpu.memref_slice %arg2[%add3A_2378, %dma_start3A_2393] : memref<16384x200xi32, #tpu.memory_space<hbm>> -> memref<4x200xi32, #tpu.memory_space<hbm>>
        tpu.enqueue_dma source(%dma_start3A_2394 : memref<4x200xi32, #tpu.memory_space<hbm>>) target(%dma_start3A_2392 : memref<4x200xi32, #tpu.memory_space<vmem>>) target_semaphore(%dma_start3A_2388 : memref<!tpu.dma_semaphore, #tpu.memory_space<semaphore_mem>>)
      } else {
      }
    }
    %scan3A_24 = arith.constant 32 : i32
    %dma_wait3A = arith.constant 3 : i32
    %dma_wait3A_25 = arith.constant 0 : i32
    %dma_wait3A_26 = arith.constant 3 : i32
    %dma_wait3A_27 = arith.constant 0 : i32
    %dma_wait3A_28 = arith.constant 3 : i32
    %dma_wait3A_29 = arith.constant 0 : i32
    %dma_wait3A_30 = arith.constant 0 : i32
    %dma_wait3A_31 = arith.constant 0 : i32
    %dma_wait3A_32 = tpu.memref_slice %arg6[%dma_wait3A_26, %dma_wait3A_29, %dma_wait3A_30, %dma_wait3A_31] : memref<4x4x200x32xf32, #tpu.memory_space<vmem>> -> memref<1x4x200x32xf32, #tpu.memory_space<vmem>>
    %dma_wait3A_33 = tpu.memref_squeeze %dma_wait3A_32 : memref<1x4x200x32xf32, #tpu.memory_space<vmem>> -> memref<4x200x32xf32, #tpu.memory_space<vmem>>
    %dma_wait3A_34 = arith.constant 0 : i32
    %dma_wait3A_35 = arith.constant 0 : i32
    %dma_wait3A_36 = tpu.memref_slice %dma_wait3A_33[%dma_wait3A_27, %dma_wait3A_34, %dma_wait3A_35] : memref<4x200x32xf32, #tpu.memory_space<vmem>> -> memref<1x200x32xf32, #tpu.memory_space<vmem>>
    %dma_wait3A_37 = tpu.memref_squeeze %dma_wait3A_36 : memref<1x200x32xf32, #tpu.memory_space<vmem>> -> memref<200x32xf32, #tpu.memory_space<vmem>>
    %dma_wait3A_38 = arith.constant 0 : i32
    %dma_wait3A_39 = arith.constant 0 : i32
    %dma_wait3A_40 = tpu.memref_slice %dma_wait3A_37[%dma_wait3A_38, %dma_wait3A_39] : memref<200x32xf32, #tpu.memory_space<vmem>> -> memref<128x32xf32, #tpu.memory_space<vmem>>
    %dma_wait3A_41 = arith.constant 0 : i32
    %dma_wait3A_42 = arith.constant 0 : i32
    %dma_wait3A_43 = tpu.memref_slice %arg5[%dma_wait3A, %dma_wait3A_41, %dma_wait3A_42] : memref<4x4x200xi32, #tpu.memory_space<vmem>> -> memref<1x4x200xi32, #tpu.memory_space<vmem>>
    %dma_wait3A_44 = tpu.memref_squeeze %dma_wait3A_43 : memref<1x4x200xi32, #tpu.memory_space<vmem>> -> memref<4x200xi32, #tpu.memory_space<vmem>>
    %dma_wait3A_45 = arith.constant 0 : i32
    %dma_wait3A_46 = tpu.memref_slice %dma_wait3A_44[%dma_wait3A_25, %dma_wait3A_45] : memref<4x200xi32, #tpu.memory_space<vmem>> -> memref<1x200xi32, #tpu.memory_space<vmem>>
    %dma_wait3A_47 = tpu.memref_squeeze %dma_wait3A_46 : memref<1x200xi32, #tpu.memory_space<vmem>> -> memref<200xi32, #tpu.memory_space<vmem>>
    %dma_wait3A_48 = arith.constant 0 : i32
    %dma_wait3A_49 = tpu.memref_slice %dma_wait3A_47[%dma_wait3A_48] : memref<200xi32, #tpu.memory_space<vmem>> -> memref<128xi32, #tpu.memory_space<vmem>>
    %dma_wait3A_50 = arith.constant 0 : i32
    %dma_wait3A_51 = arith.constant 0 : i32
    %dma_wait3A_52 = tpu.memref_slice %arg3[%dma_wait3A_50, %dma_wait3A_51] : memref<1000000x32xf32, #tpu.memory_space<hbm>> -> memref<1000000x32xf32, #tpu.memory_space<hbm>>
    %dma_wait3A_53 = tpu.memref_slice %arg8[%dma_wait3A_28] : memref<4x!tpu.dma_semaphore, #tpu.memory_space<semaphore_mem>> -> memref<1x!tpu.dma_semaphore, #tpu.memory_space<semaphore_mem>>
    %dma_wait3A_54 = tpu.memref_squeeze %dma_wait3A_53 : memref<1x!tpu.dma_semaphore, #tpu.memory_space<semaphore_mem>> -> memref<!tpu.dma_semaphore, #tpu.memory_space<semaphore_mem>>
    tpu.wait_indirect_dma semaphore(%dma_wait3A_54 : memref<!tpu.dma_semaphore, #tpu.memory_space<semaphore_mem>>) src(%dma_wait3A_52 : memref<1000000x32xf32, #tpu.memory_space<hbm>>) dst(%dma_wait3A_40 : memref<128x32xf32, #tpu.memory_space<vmem>>)
    %dma_wait3A_55 = arith.constant 3 : i32
    %dma_wait3A_56 = arith.constant 0 : i32
    %dma_wait3A_57 = arith.constant 3 : i32
    %dma_wait3A_58 = arith.constant 0 : i32
    %dma_wait3A_59 = arith.constant 3 : i32
    %dma_wait3A_60 = arith.constant 0 : i32
    %dma_wait3A_61 = arith.constant 0 : i32
    %dma_wait3A_62 = arith.constant 0 : i32
    %dma_wait3A_63 = tpu.memref_slice %arg6[%dma_wait3A_57, %dma_wait3A_60, %dma_wait3A_61, %dma_wait3A_62] : memref<4x4x200x32xf32, #tpu.memory_space<vmem>> -> memref<1x4x200x32xf32, #tpu.memory_space<vmem>>
    %dma_wait3A_64 = tpu.memref_squeeze %dma_wait3A_63 : memref<1x4x200x32xf32, #tpu.memory_space<vmem>> -> memref<4x200x32xf32, #tpu.memory_space<vmem>>
    %dma_wait3A_65 = arith.constant 0 : i32
    %dma_wait3A_66 = arith.constant 0 : i32
    %dma_wait3A_67 = tpu.memref_slice %dma_wait3A_64[%dma_wait3A_58, %dma_wait3A_65, %dma_wait3A_66] : memref<4x200x32xf32, #tpu.memory_space<vmem>> -> memref<1x200x32xf32, #tpu.memory_space<vmem>>
    %dma_wait3A_68 = tpu.memref_squeeze %dma_wait3A_67 : memref<1x200x32xf32, #tpu.memory_space<vmem>> -> memref<200x32xf32, #tpu.memory_space<vmem>>
    %dma_wait3A_69 = arith.constant 128 : i32
    %dma_wait3A_70 = arith.constant 0 : i32
    %dma_wait3A_71 = tpu.memref_slice %dma_wait3A_68[%dma_wait3A_69, %dma_wait3A_70] : memref<200x32xf32, #tpu.memory_space<vmem>> -> memref<72x32xf32, #tpu.memory_space<vmem>>
    %dma_wait3A_72 = arith.constant 0 : i32
    %dma_wait3A_73 = arith.constant 0 : i32
    %dma_wait3A_74 = tpu.memref_slice %arg5[%dma_wait3A_55, %dma_wait3A_72, %dma_wait3A_73] : memref<4x4x200xi32, #tpu.memory_space<vmem>> -> memref<1x4x200xi32, #tpu.memory_space<vmem>>
    %dma_wait3A_75 = tpu.memref_squeeze %dma_wait3A_74 : memref<1x4x200xi32, #tpu.memory_space<vmem>> -> memref<4x200xi32, #tpu.memory_space<vmem>>
    %dma_wait3A_76 = arith.constant 0 : i32
    %dma_wait3A_77 = tpu.memref_slice %dma_wait3A_75[%dma_wait3A_56, %dma_wait3A_76] : memref<4x200xi32, #tpu.memory_space<vmem>> -> memref<1x200xi32, #tpu.memory_space<vmem>>
    %dma_wait3A_78 = tpu.memref_squeeze %dma_wait3A_77 : memref<1x200xi32, #tpu.memory_space<vmem>> -> memref<200xi32, #tpu.memory_space<vmem>>
    %dma_wait3A_79 = arith.constant 128 : i32
    %dma_wait3A_80 = tpu.memref_slice %dma_wait3A_78[%dma_wait3A_79] : memref<200xi32, #tpu.memory_space<vmem>> -> memref<72xi32, #tpu.memory_space<vmem>>
    %dma_wait3A_81 = arith.constant 0 : i32
    %dma_wait3A_82 = arith.constant 0 : i32
    %dma_wait3A_83 = tpu.memref_slice %arg3[%dma_wait3A_81, %dma_wait3A_82] : memref<1000000x32xf32, #tpu.memory_space<hbm>> -> memref<1000000x32xf32, #tpu.memory_space<hbm>>
    %dma_wait3A_84 = tpu.memref_slice %arg8[%dma_wait3A_59] : memref<4x!tpu.dma_semaphore, #tpu.memory_space<semaphore_mem>> -> memref<1x!tpu.dma_semaphore, #tpu.memory_space<semaphore_mem>>
    %dma_wait3A_85 = tpu.memref_squeeze %dma_wait3A_84 : memref<1x!tpu.dma_semaphore, #tpu.memory_space<semaphore_mem>> -> memref<!tpu.dma_semaphore, #tpu.memory_space<semaphore_mem>>
    tpu.wait_indirect_dma semaphore(%dma_wait3A_85 : memref<!tpu.dma_semaphore, #tpu.memory_space<semaphore_mem>>) src(%dma_wait3A_83 : memref<1000000x32xf32, #tpu.memory_space<hbm>>) dst(%dma_wait3A_71 : memref<72x32xf32, #tpu.memory_space<vmem>>)
    %dma_wait3A_86 = arith.constant 3 : i32
    %dma_wait3A_87 = arith.constant 1 : i32
    %dma_wait3A_88 = arith.constant 3 : i32
    %dma_wait3A_89 = arith.constant 1 : i32
    %dma_wait3A_90 = arith.constant 3 : i32
    %dma_wait3A_91 = arith.constant 0 : i32
    %dma_wait3A_92 = arith.constant 0 : i32
    %dma_wait3A_93 = arith.constant 0 : i32
    %dma_wait3A_94 = tpu.memref_slice %arg6[%dma_wait3A_88, %dma_wait3A_91, %dma_wait3A_92, %dma_wait3A_93] : memref<4x4x200x32xf32, #tpu.memory_space<vmem>> -> memref<1x4x200x32xf32, #tpu.memory_space<vmem>>
    %dma_wait3A_95 = tpu.memref_squeeze %dma_wait3A_94 : memref<1x4x200x32xf32, #tpu.memory_space<vmem>> -> memref<4x200x32xf32, #tpu.memory_space<vmem>>
    %dma_wait3A_96 = arith.constant 0 : i32
    %dma_wait3A_97 = arith.constant 0 : i32
    %dma_wait3A_98 = tpu.memref_slice %dma_wait3A_95[%dma_wait3A_89, %dma_wait3A_96, %dma_wait3A_97] : memref<4x200x32xf32, #tpu.memory_space<vmem>> -> memref<1x200x32xf32, #tpu.memory_space<vmem>>
    %dma_wait3A_99 = tpu.memref_squeeze %dma_wait3A_98 : memref<1x200x32xf32, #tpu.memory_space<vmem>> -> memref<200x32xf32, #tpu.memory_space<vmem>>
    %dma_wait3A_100 = arith.constant 0 : i32
    %dma_wait3A_101 = arith.constant 0 : i32
    %dma_wait3A_102 = tpu.memref_slice %dma_wait3A_99[%dma_wait3A_100, %dma_wait3A_101] : memref<200x32xf32, #tpu.memory_space<vmem>> -> memref<128x32xf32, #tpu.memory_space<vmem>>
    %dma_wait3A_103 = arith.constant 0 : i32
    %dma_wait3A_104 = arith.constant 0 : i32
    %dma_wait3A_105 = tpu.memref_slice %arg5[%dma_wait3A_86, %dma_wait3A_103, %dma_wait3A_104] : memref<4x4x200xi32, #tpu.memory_space<vmem>> -> memref<1x4x200xi32, #tpu.memory_space<vmem>>
    %dma_wait3A_106 = tpu.memref_squeeze %dma_wait3A_105 : memref<1x4x200xi32, #tpu.memory_space<vmem>> -> memref<4x200xi32, #tpu.memory_space<vmem>>
    %dma_wait3A_107 = arith.constant 0 : i32
    %dma_wait3A_108 = tpu.memref_slice %dma_wait3A_106[%dma_wait3A_87, %dma_wait3A_107] : memref<4x200xi32, #tpu.memory_space<vmem>> -> memref<1x200xi32, #tpu.memory_space<vmem>>
    %dma_wait3A_109 = tpu.memref_squeeze %dma_wait3A_108 : memref<1x200xi32, #tpu.memory_space<vmem>> -> memref<200xi32, #tpu.memory_space<vmem>>
    %dma_wait3A_110 = arith.constant 0 : i32
    %dma_wait3A_111 = tpu.memref_slice %dma_wait3A_109[%dma_wait3A_110] : memref<200xi32, #tpu.memory_space<vmem>> -> memref<128xi32, #tpu.memory_space<vmem>>
    %dma_wait3A_112 = arith.constant 0 : i32
    %dma_wait3A_113 = arith.constant 0 : i32
    %dma_wait3A_114 = tpu.memref_slice %arg3[%dma_wait3A_112, %dma_wait3A_113] : memref<1000000x32xf32, #tpu.memory_space<hbm>> -> memref<1000000x32xf32, #tpu.memory_space<hbm>>
    %dma_wait3A_115 = tpu.memref_slice %arg8[%dma_wait3A_90] : memref<4x!tpu.dma_semaphore, #tpu.memory_space<semaphore_mem>> -> memref<1x!tpu.dma_semaphore, #tpu.memory_space<semaphore_mem>>
    %dma_wait3A_116 = tpu.memref_squeeze %dma_wait3A_115 : memref<1x!tpu.dma_semaphore, #tpu.memory_space<semaphore_mem>> -> memref<!tpu.dma_semaphore, #tpu.memory_space<semaphore_mem>>
    tpu.wait_indirect_dma semaphore(%dma_wait3A_116 : memref<!tpu.dma_semaphore, #tpu.memory_space<semaphore_mem>>) src(%dma_wait3A_114 : memref<1000000x32xf32, #tpu.memory_space<hbm>>) dst(%dma_wait3A_102 : memref<128x32xf32, #tpu.memory_space<vmem>>)
    %dma_wait3A_117 = arith.constant 3 : i32
    %dma_wait3A_118 = arith.constant 1 : i32
    %dma_wait3A_119 = arith.constant 3 : i32
    %dma_wait3A_120 = arith.constant 1 : i32
    %dma_wait3A_121 = arith.constant 3 : i32
    %dma_wait3A_122 = arith.constant 0 : i32
    %dma_wait3A_123 = arith.constant 0 : i32
    %dma_wait3A_124 = arith.constant 0 : i32
    %dma_wait3A_125 = tpu.memref_slice %arg6[%dma_wait3A_119, %dma_wait3A_122, %dma_wait3A_123, %dma_wait3A_124] : memref<4x4x200x32xf32, #tpu.memory_space<vmem>> -> memref<1x4x200x32xf32, #tpu.memory_space<vmem>>
    %dma_wait3A_126 = tpu.memref_squeeze %dma_wait3A_125 : memref<1x4x200x32xf32, #tpu.memory_space<vmem>> -> memref<4x200x32xf32, #tpu.memory_space<vmem>>
    %dma_wait3A_127 = arith.constant 0 : i32
    %dma_wait3A_128 = arith.constant 0 : i32
    %dma_wait3A_129 = tpu.memref_slice %dma_wait3A_126[%dma_wait3A_120, %dma_wait3A_127, %dma_wait3A_128] : memref<4x200x32xf32, #tpu.memory_space<vmem>> -> memref<1x200x32xf32, #tpu.memory_space<vmem>>
    %dma_wait3A_130 = tpu.memref_squeeze %dma_wait3A_129 : memref<1x200x32xf32, #tpu.memory_space<vmem>> -> memref<200x32xf32, #tpu.memory_space<vmem>>
    %dma_wait3A_131 = arith.constant 128 : i32
    %dma_wait3A_132 = arith.constant 0 : i32
    %dma_wait3A_133 = tpu.memref_slice %dma_wait3A_130[%dma_wait3A_131, %dma_wait3A_132] : memref<200x32xf32, #tpu.memory_space<vmem>> -> memref<72x32xf32, #tpu.memory_space<vmem>>
    %dma_wait3A_134 = arith.constant 0 : i32
    %dma_wait3A_135 = arith.constant 0 : i32
    %dma_wait3A_136 = tpu.memref_slice %arg5[%dma_wait3A_117, %dma_wait3A_134, %dma_wait3A_135] : memref<4x4x200xi32, #tpu.memory_space<vmem>> -> memref<1x4x200xi32, #tpu.memory_space<vmem>>
    %dma_wait3A_137 = tpu.memref_squeeze %dma_wait3A_136 : memref<1x4x200xi32, #tpu.memory_space<vmem>> -> memref<4x200xi32, #tpu.memory_space<vmem>>
    %dma_wait3A_138 = arith.constant 0 : i32
    %dma_wait3A_139 = tpu.memref_slice %dma_wait3A_137[%dma_wait3A_118, %dma_wait3A_138] : memref<4x200xi32, #tpu.memory_space<vmem>> -> memref<1x200xi32, #tpu.memory_space<vmem>>
    %dma_wait3A_140 = tpu.memref_squeeze %dma_wait3A_139 : memref<1x200xi32, #tpu.memory_space<vmem>> -> memref<200xi32, #tpu.memory_space<vmem>>
    %dma_wait3A_141 = arith.constant 128 : i32
    %dma_wait3A_142 = tpu.memref_slice %dma_wait3A_140[%dma_wait3A_141] : memref<200xi32, #tpu.memory_space<vmem>> -> memref<72xi32, #tpu.memory_space<vmem>>
    %dma_wait3A_143 = arith.constant 0 : i32
    %dma_wait3A_144 = arith.constant 0 : i32
    %dma_wait3A_145 = tpu.memref_slice %arg3[%dma_wait3A_143, %dma_wait3A_144] : memref<1000000x32xf32, #tpu.memory_space<hbm>> -> memref<1000000x32xf32, #tpu.memory_space<hbm>>
    %dma_wait3A_146 = tpu.memref_slice %arg8[%dma_wait3A_121] : memref<4x!tpu.dma_semaphore, #tpu.memory_space<semaphore_mem>> -> memref<1x!tpu.dma_semaphore, #tpu.memory_space<semaphore_mem>>
    %dma_wait3A_147 = tpu.memref_squeeze %dma_wait3A_146 : memref<1x!tpu.dma_semaphore, #tpu.memory_space<semaphore_mem>> -> memref<!tpu.dma_semaphore, #tpu.memory_space<semaphore_mem>>
    tpu.wait_indirect_dma semaphore(%dma_wait3A_147 : memref<!tpu.dma_semaphore, #tpu.memory_space<semaphore_mem>>) src(%dma_wait3A_145 : memref<1000000x32xf32, #tpu.memory_space<hbm>>) dst(%dma_wait3A_133 : memref<72x32xf32, #tpu.memory_space<vmem>>)
    %dma_wait3A_148 = arith.constant 3 : i32
    %dma_wait3A_149 = arith.constant 2 : i32
    %dma_wait3A_150 = arith.constant 3 : i32
    %dma_wait3A_151 = arith.constant 2 : i32
    %dma_wait3A_152 = arith.constant 3 : i32
    %dma_wait3A_153 = arith.constant 0 : i32
    %dma_wait3A_154 = arith.constant 0 : i32
    %dma_wait3A_155 = arith.constant 0 : i32
    %dma_wait3A_156 = tpu.memref_slice %arg6[%dma_wait3A_150, %dma_wait3A_153, %dma_wait3A_154, %dma_wait3A_155] : memref<4x4x200x32xf32, #tpu.memory_space<vmem>> -> memref<1x4x200x32xf32, #tpu.memory_space<vmem>>
    %dma_wait3A_157 = tpu.memref_squeeze %dma_wait3A_156 : memref<1x4x200x32xf32, #tpu.memory_space<vmem>> -> memref<4x200x32xf32, #tpu.memory_space<vmem>>
    %dma_wait3A_158 = arith.constant 0 : i32
    %dma_wait3A_159 = arith.constant 0 : i32
    %dma_wait3A_160 = tpu.memref_slice %dma_wait3A_157[%dma_wait3A_151, %dma_wait3A_158, %dma_wait3A_159] : memref<4x200x32xf32, #tpu.memory_space<vmem>> -> memref<1x200x32xf32, #tpu.memory_space<vmem>>
    %dma_wait3A_161 = tpu.memref_squeeze %dma_wait3A_160 : memref<1x200x32xf32, #tpu.memory_space<vmem>> -> memref<200x32xf32, #tpu.memory_space<vmem>>
    %dma_wait3A_162 = arith.constant 0 : i32
    %dma_wait3A_163 = arith.constant 0 : i32
    %dma_wait3A_164 = tpu.memref_slice %dma_wait3A_161[%dma_wait3A_162, %dma_wait3A_163] : memref<200x32xf32, #tpu.memory_space<vmem>> -> memref<128x32xf32, #tpu.memory_space<vmem>>
    %dma_wait3A_165 = arith.constant 0 : i32
    %dma_wait3A_166 = arith.constant 0 : i32
    %dma_wait3A_167 = tpu.memref_slice %arg5[%dma_wait3A_148, %dma_wait3A_165, %dma_wait3A_166] : memref<4x4x200xi32, #tpu.memory_space<vmem>> -> memref<1x4x200xi32, #tpu.memory_space<vmem>>
    %dma_wait3A_168 = tpu.memref_squeeze %dma_wait3A_167 : memref<1x4x200xi32, #tpu.memory_space<vmem>> -> memref<4x200xi32, #tpu.memory_space<vmem>>
    %dma_wait3A_169 = arith.constant 0 : i32
    %dma_wait3A_170 = tpu.memref_slice %dma_wait3A_168[%dma_wait3A_149, %dma_wait3A_169] : memref<4x200xi32, #tpu.memory_space<vmem>> -> memref<1x200xi32, #tpu.memory_space<vmem>>
    %dma_wait3A_171 = tpu.memref_squeeze %dma_wait3A_170 : memref<1x200xi32, #tpu.memory_space<vmem>> -> memref<200xi32, #tpu.memory_space<vmem>>
    %dma_wait3A_172 = arith.constant 0 : i32
    %dma_wait3A_173 = tpu.memref_slice %dma_wait3A_171[%dma_wait3A_172] : memref<200xi32, #tpu.memory_space<vmem>> -> memref<128xi32, #tpu.memory_space<vmem>>
    %dma_wait3A_174 = arith.constant 0 : i32
    %dma_wait3A_175 = arith.constant 0 : i32
    %dma_wait3A_176 = tpu.memref_slice %arg3[%dma_wait3A_174, %dma_wait3A_175] : memref<1000000x32xf32, #tpu.memory_space<hbm>> -> memref<1000000x32xf32, #tpu.memory_space<hbm>>
    %dma_wait3A_177 = tpu.memref_slice %arg8[%dma_wait3A_152] : memref<4x!tpu.dma_semaphore, #tpu.memory_space<semaphore_mem>> -> memref<1x!tpu.dma_semaphore, #tpu.memory_space<semaphore_mem>>
    %dma_wait3A_178 = tpu.memref_squeeze %dma_wait3A_177 : memref<1x!tpu.dma_semaphore, #tpu.memory_space<semaphore_mem>> -> memref<!tpu.dma_semaphore, #tpu.memory_space<semaphore_mem>>
    tpu.wait_indirect_dma semaphore(%dma_wait3A_178 : memref<!tpu.dma_semaphore, #tpu.memory_space<semaphore_mem>>) src(%dma_wait3A_176 : memref<1000000x32xf32, #tpu.memory_space<hbm>>) dst(%dma_wait3A_164 : memref<128x32xf32, #tpu.memory_space<vmem>>)
    %dma_wait3A_179 = arith.constant 3 : i32
    %dma_wait3A_180 = arith.constant 2 : i32
    %dma_wait3A_181 = arith.constant 3 : i32
    %dma_wait3A_182 = arith.constant 2 : i32
    %dma_wait3A_183 = arith.constant 3 : i32
    %dma_wait3A_184 = arith.constant 0 : i32
    %dma_wait3A_185 = arith.constant 0 : i32
    %dma_wait3A_186 = arith.constant 0 : i32
    %dma_wait3A_187 = tpu.memref_slice %arg6[%dma_wait3A_181, %dma_wait3A_184, %dma_wait3A_185, %dma_wait3A_186] : memref<4x4x200x32xf32, #tpu.memory_space<vmem>> -> memref<1x4x200x32xf32, #tpu.memory_space<vmem>>
    %dma_wait3A_188 = tpu.memref_squeeze %dma_wait3A_187 : memref<1x4x200x32xf32, #tpu.memory_space<vmem>> -> memref<4x200x32xf32, #tpu.memory_space<vmem>>
    %dma_wait3A_189 = arith.constant 0 : i32
    %dma_wait3A_190 = arith.constant 0 : i32
    %dma_wait3A_191 = tpu.memref_slice %dma_wait3A_188[%dma_wait3A_182, %dma_wait3A_189, %dma_wait3A_190] : memref<4x200x32xf32, #tpu.memory_space<vmem>> -> memref<1x200x32xf32, #tpu.memory_space<vmem>>
    %dma_wait3A_192 = tpu.memref_squeeze %dma_wait3A_191 : memref<1x200x32xf32, #tpu.memory_space<vmem>> -> memref<200x32xf32, #tpu.memory_space<vmem>>
    %dma_wait3A_193 = arith.constant 128 : i32
    %dma_wait3A_194 = arith.constant 0 : i32
    %dma_wait3A_195 = tpu.memref_slice %dma_wait3A_192[%dma_wait3A_193, %dma_wait3A_194] : memref<200x32xf32, #tpu.memory_space<vmem>> -> memref<72x32xf32, #tpu.memory_space<vmem>>
    %dma_wait3A_196 = arith.constant 0 : i32
    %dma_wait3A_197 = arith.constant 0 : i32
    %dma_wait3A_198 = tpu.memref_slice %arg5[%dma_wait3A_179, %dma_wait3A_196, %dma_wait3A_197] : memref<4x4x200xi32, #tpu.memory_space<vmem>> -> memref<1x4x200xi32, #tpu.memory_space<vmem>>
    %dma_wait3A_199 = tpu.memref_squeeze %dma_wait3A_198 : memref<1x4x200xi32, #tpu.memory_space<vmem>> -> memref<4x200xi32, #tpu.memory_space<vmem>>
    %dma_wait3A_200 = arith.constant 0 : i32
    %dma_wait3A_201 = tpu.memref_slice %dma_wait3A_199[%dma_wait3A_180, %dma_wait3A_200] : memref<4x200xi32, #tpu.memory_space<vmem>> -> memref<1x200xi32, #tpu.memory_space<vmem>>
    %dma_wait3A_202 = tpu.memref_squeeze %dma_wait3A_201 : memref<1x200xi32, #tpu.memory_space<vmem>> -> memref<200xi32, #tpu.memory_space<vmem>>
    %dma_wait3A_203 = arith.constant 128 : i32
    %dma_wait3A_204 = tpu.memref_slice %dma_wait3A_202[%dma_wait3A_203] : memref<200xi32, #tpu.memory_space<vmem>> -> memref<72xi32, #tpu.memory_space<vmem>>
    %dma_wait3A_205 = arith.constant 0 : i32
    %dma_wait3A_206 = arith.constant 0 : i32
    %dma_wait3A_207 = tpu.memref_slice %arg3[%dma_wait3A_205, %dma_wait3A_206] : memref<1000000x32xf32, #tpu.memory_space<hbm>> -> memref<1000000x32xf32, #tpu.memory_space<hbm>>
    %dma_wait3A_208 = tpu.memref_slice %arg8[%dma_wait3A_183] : memref<4x!tpu.dma_semaphore, #tpu.memory_space<semaphore_mem>> -> memref<1x!tpu.dma_semaphore, #tpu.memory_space<semaphore_mem>>
    %dma_wait3A_209 = tpu.memref_squeeze %dma_wait3A_208 : memref<1x!tpu.dma_semaphore, #tpu.memory_space<semaphore_mem>> -> memref<!tpu.dma_semaphore, #tpu.memory_space<semaphore_mem>>
    tpu.wait_indirect_dma semaphore(%dma_wait3A_209 : memref<!tpu.dma_semaphore, #tpu.memory_space<semaphore_mem>>) src(%dma_wait3A_207 : memref<1000000x32xf32, #tpu.memory_space<hbm>>) dst(%dma_wait3A_195 : memref<72x32xf32, #tpu.memory_space<vmem>>)
    %dma_wait3A_210 = arith.constant 3 : i32
    %dma_wait3A_211 = arith.constant 3 : i32
    %dma_wait3A_212 = arith.constant 3 : i32
    %dma_wait3A_213 = arith.constant 3 : i32
    %dma_wait3A_214 = arith.constant 3 : i32
    %dma_wait3A_215 = arith.constant 0 : i32
    %dma_wait3A_216 = arith.constant 0 : i32
    %dma_wait3A_217 = arith.constant 0 : i32
    %dma_wait3A_218 = tpu.memref_slice %arg6[%dma_wait3A_212, %dma_wait3A_215, %dma_wait3A_216, %dma_wait3A_217] : memref<4x4x200x32xf32, #tpu.memory_space<vmem>> -> memref<1x4x200x32xf32, #tpu.memory_space<vmem>>
    %dma_wait3A_219 = tpu.memref_squeeze %dma_wait3A_218 : memref<1x4x200x32xf32, #tpu.memory_space<vmem>> -> memref<4x200x32xf32, #tpu.memory_space<vmem>>
    %dma_wait3A_220 = arith.constant 0 : i32
    %dma_wait3A_221 = arith.constant 0 : i32
    %dma_wait3A_222 = tpu.memref_slice %dma_wait3A_219[%dma_wait3A_213, %dma_wait3A_220, %dma_wait3A_221] : memref<4x200x32xf32, #tpu.memory_space<vmem>> -> memref<1x200x32xf32, #tpu.memory_space<vmem>>
    %dma_wait3A_223 = tpu.memref_squeeze %dma_wait3A_222 : memref<1x200x32xf32, #tpu.memory_space<vmem>> -> memref<200x32xf32, #tpu.memory_space<vmem>>
    %dma_wait3A_224 = arith.constant 0 : i32
    %dma_wait3A_225 = arith.constant 0 : i32
    %dma_wait3A_226 = tpu.memref_slice %dma_wait3A_223[%dma_wait3A_224, %dma_wait3A_225] : memref<200x32xf32, #tpu.memory_space<vmem>> -> memref<128x32xf32, #tpu.memory_space<vmem>>
    %dma_wait3A_227 = arith.constant 0 : i32
    %dma_wait3A_228 = arith.constant 0 : i32
    %dma_wait3A_229 = tpu.memref_slice %arg5[%dma_wait3A_210, %dma_wait3A_227, %dma_wait3A_228] : memref<4x4x200xi32, #tpu.memory_space<vmem>> -> memref<1x4x200xi32, #tpu.memory_space<vmem>>
    %dma_wait3A_230 = tpu.memref_squeeze %dma_wait3A_229 : memref<1x4x200xi32, #tpu.memory_space<vmem>> -> memref<4x200xi32, #tpu.memory_space<vmem>>
    %dma_wait3A_231 = arith.constant 0 : i32
    %dma_wait3A_232 = tpu.memref_slice %dma_wait3A_230[%dma_wait3A_211, %dma_wait3A_231] : memref<4x200xi32, #tpu.memory_space<vmem>> -> memref<1x200xi32, #tpu.memory_space<vmem>>
    %dma_wait3A_233 = tpu.memref_squeeze %dma_wait3A_232 : memref<1x200xi32, #tpu.memory_space<vmem>> -> memref<200xi32, #tpu.memory_space<vmem>>
    %dma_wait3A_234 = arith.constant 0 : i32
    %dma_wait3A_235 = tpu.memref_slice %dma_wait3A_233[%dma_wait3A_234] : memref<200xi32, #tpu.memory_space<vmem>> -> memref<128xi32, #tpu.memory_space<vmem>>
    %dma_wait3A_236 = arith.constant 0 : i32
    %dma_wait3A_237 = arith.constant 0 : i32
    %dma_wait3A_238 = tpu.memref_slice %arg3[%dma_wait3A_236, %dma_wait3A_237] : memref<1000000x32xf32, #tpu.memory_space<hbm>> -> memref<1000000x32xf32, #tpu.memory_space<hbm>>
    %dma_wait3A_239 = tpu.memref_slice %arg8[%dma_wait3A_214] : memref<4x!tpu.dma_semaphore, #tpu.memory_space<semaphore_mem>> -> memref<1x!tpu.dma_semaphore, #tpu.memory_space<semaphore_mem>>
    %dma_wait3A_240 = tpu.memref_squeeze %dma_wait3A_239 : memref<1x!tpu.dma_semaphore, #tpu.memory_space<semaphore_mem>> -> memref<!tpu.dma_semaphore, #tpu.memory_space<semaphore_mem>>
    tpu.wait_indirect_dma semaphore(%dma_wait3A_240 : memref<!tpu.dma_semaphore, #tpu.memory_space<semaphore_mem>>) src(%dma_wait3A_238 : memref<1000000x32xf32, #tpu.memory_space<hbm>>) dst(%dma_wait3A_226 : memref<128x32xf32, #tpu.memory_space<vmem>>)
    %dma_wait3A_241 = arith.constant 3 : i32
    %dma_wait3A_242 = arith.constant 3 : i32
    %dma_wait3A_243 = arith.constant 3 : i32
    %dma_wait3A_244 = arith.constant 3 : i32
    %dma_wait3A_245 = arith.constant 3 : i32
    %dma_wait3A_246 = arith.constant 0 : i32
    %dma_wait3A_247 = arith.constant 0 : i32
    %dma_wait3A_248 = arith.constant 0 : i32
    %dma_wait3A_249 = tpu.memref_slice %arg6[%dma_wait3A_243, %dma_wait3A_246, %dma_wait3A_247, %dma_wait3A_248] : memref<4x4x200x32xf32, #tpu.memory_space<vmem>> -> memref<1x4x200x32xf32, #tpu.memory_space<vmem>>
    %dma_wait3A_250 = tpu.memref_squeeze %dma_wait3A_249 : memref<1x4x200x32xf32, #tpu.memory_space<vmem>> -> memref<4x200x32xf32, #tpu.memory_space<vmem>>
    %dma_wait3A_251 = arith.constant 0 : i32
    %dma_wait3A_252 = arith.constant 0 : i32
    %dma_wait3A_253 = tpu.memref_slice %dma_wait3A_250[%dma_wait3A_244, %dma_wait3A_251, %dma_wait3A_252] : memref<4x200x32xf32, #tpu.memory_space<vmem>> -> memref<1x200x32xf32, #tpu.memory_space<vmem>>
    %dma_wait3A_254 = tpu.memref_squeeze %dma_wait3A_253 : memref<1x200x32xf32, #tpu.memory_space<vmem>> -> memref<200x32xf32, #tpu.memory_space<vmem>>
    %dma_wait3A_255 = arith.constant 128 : i32
    %dma_wait3A_256 = arith.constant 0 : i32
    %dma_wait3A_257 = tpu.memref_slice %dma_wait3A_254[%dma_wait3A_255, %dma_wait3A_256] : memref<200x32xf32, #tpu.memory_space<vmem>> -> memref<72x32xf32, #tpu.memory_space<vmem>>
    %dma_wait3A_258 = arith.constant 0 : i32
    %dma_wait3A_259 = arith.constant 0 : i32
    %dma_wait3A_260 = tpu.memref_slice %arg5[%dma_wait3A_241, %dma_wait3A_258, %dma_wait3A_259] : memref<4x4x200xi32, #tpu.memory_space<vmem>> -> memref<1x4x200xi32, #tpu.memory_space<vmem>>
    %dma_wait3A_261 = tpu.memref_squeeze %dma_wait3A_260 : memref<1x4x200xi32, #tpu.memory_space<vmem>> -> memref<4x200xi32, #tpu.memory_space<vmem>>
    %dma_wait3A_262 = arith.constant 0 : i32
    %dma_wait3A_263 = tpu.memref_slice %dma_wait3A_261[%dma_wait3A_242, %dma_wait3A_262] : memref<4x200xi32, #tpu.memory_space<vmem>> -> memref<1x200xi32, #tpu.memory_space<vmem>>
    %dma_wait3A_264 = tpu.memref_squeeze %dma_wait3A_263 : memref<1x200xi32, #tpu.memory_space<vmem>> -> memref<200xi32, #tpu.memory_space<vmem>>
    %dma_wait3A_265 = arith.constant 128 : i32
    %dma_wait3A_266 = tpu.memref_slice %dma_wait3A_264[%dma_wait3A_265] : memref<200xi32, #tpu.memory_space<vmem>> -> memref<72xi32, #tpu.memory_space<vmem>>
    %dma_wait3A_267 = arith.constant 0 : i32
    %dma_wait3A_268 = arith.constant 0 : i32
    %dma_wait3A_269 = tpu.memref_slice %arg3[%dma_wait3A_267, %dma_wait3A_268] : memref<1000000x32xf32, #tpu.memory_space<hbm>> -> memref<1000000x32xf32, #tpu.memory_space<hbm>>
    %dma_wait3A_270 = tpu.memref_slice %arg8[%dma_wait3A_245] : memref<4x!tpu.dma_semaphore, #tpu.memory_space<semaphore_mem>> -> memref<1x!tpu.dma_semaphore, #tpu.memory_space<semaphore_mem>>
    %dma_wait3A_271 = tpu.memref_squeeze %dma_wait3A_270 : memref<1x!tpu.dma_semaphore, #tpu.memory_space<semaphore_mem>> -> memref<!tpu.dma_semaphore, #tpu.memory_space<semaphore_mem>>
    tpu.wait_indirect_dma semaphore(%dma_wait3A_271 : memref<!tpu.dma_semaphore, #tpu.memory_space<semaphore_mem>>) src(%dma_wait3A_269 : memref<1000000x32xf32, #tpu.memory_space<hbm>>) dst(%dma_wait3A_257 : memref<72x32xf32, #tpu.memory_space<vmem>>)
    %add3A_272 = arith.constant 508 : i32
    %add3A_273 = arith.addi %mul3A_2, %add3A_272 : i32
    %dma_start3A_274 = arith.constant 3 : i32
    %dma_start3A_275 = arith.constant 3 : i32
    %dma_start3A_276 = arith.constant 0 : i32
    %dma_start3A_277 = arith.constant 0 : i32
    %dma_start3A_278 = arith.constant 0 : i32
    %dma_start3A_279 = tpu.memref_slice %arg6[%dma_start3A_274, %dma_start3A_276, %dma_start3A_277, %dma_start3A_278] : memref<4x4x200x32xf32, #tpu.memory_space<vmem>> -> memref<1x4x200x32xf32, #tpu.memory_space<vmem>>
    %dma_start3A_280 = tpu.memref_squeeze %dma_start3A_279 : memref<1x4x200x32xf32, #tpu.memory_space<vmem>> -> memref<4x200x32xf32, #tpu.memory_space<vmem>>
    %dma_start3A_281 = arith.constant 0 : i32
    %dma_start3A_282 = arith.constant 0 : i32
    %dma_start3A_283 = tpu.memref_slice %arg4[%add3A_273, %dma_start3A_281, %dma_start3A_282] : memref<16384x200x32xf32, #tpu.memory_space<hbm>> -> memref<4x200x32xf32, #tpu.memory_space<hbm>>
    %dma_start3A_284 = tpu.memref_slice %arg9[%dma_start3A_275] : memref<4x!tpu.dma_semaphore, #tpu.memory_space<semaphore_mem>> -> memref<1x!tpu.dma_semaphore, #tpu.memory_space<semaphore_mem>>
    %dma_start3A_285 = tpu.memref_squeeze %dma_start3A_284 : memref<1x!tpu.dma_semaphore, #tpu.memory_space<semaphore_mem>> -> memref<!tpu.dma_semaphore, #tpu.memory_space<semaphore_mem>>
    %dma_start3A_286 = arith.constant 0 : i32
    %dma_start3A_287 = arith.constant 0 : i32
    %dma_start3A_288 = tpu.memref_slice %arg4[%add3A_273, %dma_start3A_286, %dma_start3A_287] : memref<16384x200x32xf32, #tpu.memory_space<hbm>> -> memref<4x200x32xf32, #tpu.memory_space<hbm>>
    %dma_start3A_289 = arith.constant 0 : i32
    %dma_start3A_290 = arith.constant 0 : i32
    %dma_start3A_291 = arith.constant 0 : i32
    %dma_start3A_292 = tpu.memref_slice %arg6[%dma_start3A_274, %dma_start3A_289, %dma_start3A_290, %dma_start3A_291] : memref<4x4x200x32xf32, #tpu.memory_space<vmem>> -> memref<1x4x200x32xf32, #tpu.memory_space<vmem>>
    %dma_start3A_293 = tpu.memref_squeeze %dma_start3A_292 : memref<1x4x200x32xf32, #tpu.memory_space<vmem>> -> memref<4x200x32xf32, #tpu.memory_space<vmem>>
    tpu.enqueue_dma source(%dma_start3A_293 : memref<4x200x32xf32, #tpu.memory_space<vmem>>) target(%dma_start3A_288 : memref<4x200x32xf32, #tpu.memory_space<hbm>>) target_semaphore(%dma_start3A_285 : memref<!tpu.dma_semaphore, #tpu.memory_space<semaphore_mem>>)
    %add3A_294 = arith.constant 496 : i32
    %add3A_295 = arith.addi %mul3A_2, %add3A_294 : i32
    %dma_wait3A_296 = arith.constant 0 : i32
    %dma_wait3A_297 = arith.constant 0 : i32
    %dma_wait3A_298 = arith.constant 0 : i32
    %dma_wait3A_299 = arith.constant 0 : i32
    %dma_wait3A_300 = arith.constant 0 : i32
    %dma_wait3A_301 = tpu.memref_slice %arg6[%dma_wait3A_296, %dma_wait3A_298, %dma_wait3A_299, %dma_wait3A_300] : memref<4x4x200x32xf32, #tpu.memory_space<vmem>> -> memref<1x4x200x32xf32, #tpu.memory_space<vmem>>
    %dma_wait3A_302 = tpu.memref_squeeze %dma_wait3A_301 : memref<1x4x200x32xf32, #tpu.memory_space<vmem>> -> memref<4x200x32xf32, #tpu.memory_space<vmem>>
    %dma_wait3A_303 = arith.constant 0 : i32
    %dma_wait3A_304 = arith.constant 0 : i32
    %dma_wait3A_305 = tpu.memref_slice %arg4[%add3A_295, %dma_wait3A_303, %dma_wait3A_304] : memref<16384x200x32xf32, #tpu.memory_space<hbm>> -> memref<4x200x32xf32, #tpu.memory_space<hbm>>
    %dma_wait3A_306 = tpu.memref_slice %arg9[%dma_wait3A_297] : memref<4x!tpu.dma_semaphore, #tpu.memory_space<semaphore_mem>> -> memref<1x!tpu.dma_semaphore, #tpu.memory_space<semaphore_mem>>
    %dma_wait3A_307 = tpu.memref_squeeze %dma_wait3A_306 : memref<1x!tpu.dma_semaphore, #tpu.memory_space<semaphore_mem>> -> memref<!tpu.dma_semaphore, #tpu.memory_space<semaphore_mem>>
    %dma_wait3A_308 = arith.constant 0 : i32
    %dma_wait3A_309 = arith.constant 0 : i32
    %dma_wait3A_310 = tpu.memref_slice %arg4[%add3A_295, %dma_wait3A_308, %dma_wait3A_309] : memref<16384x200x32xf32, #tpu.memory_space<hbm>> -> memref<4x200x32xf32, #tpu.memory_space<hbm>>
    %dma_wait3A_311 = arith.constant 0 : i32
    %dma_wait3A_312 = arith.constant 0 : i32
    %dma_wait3A_313 = arith.constant 0 : i32
    %dma_wait3A_314 = tpu.memref_slice %arg6[%dma_wait3A_296, %dma_wait3A_311, %dma_wait3A_312, %dma_wait3A_313] : memref<4x4x200x32xf32, #tpu.memory_space<vmem>> -> memref<1x4x200x32xf32, #tpu.memory_space<vmem>>
    %dma_wait3A_315 = tpu.memref_squeeze %dma_wait3A_314 : memref<1x4x200x32xf32, #tpu.memory_space<vmem>> -> memref<4x200x32xf32, #tpu.memory_space<vmem>>
    tpu.wait_dma2 semaphore(%dma_wait3A_307 : memref<!tpu.dma_semaphore, #tpu.memory_space<semaphore_mem>>) src(%dma_wait3A_315 : memref<4x200x32xf32, #tpu.memory_space<vmem>>) dst(%dma_wait3A_310 : memref<4x200x32xf32, #tpu.memory_space<hbm>>)
    %add3A_316 = arith.constant 500 : i32
    %add3A_317 = arith.addi %mul3A_2, %add3A_316 : i32
    %dma_wait3A_318 = arith.constant 1 : i32
    %dma_wait3A_319 = arith.constant 1 : i32
    %dma_wait3A_320 = arith.constant 0 : i32
    %dma_wait3A_321 = arith.constant 0 : i32
    %dma_wait3A_322 = arith.constant 0 : i32
    %dma_wait3A_323 = tpu.memref_slice %arg6[%dma_wait3A_318, %dma_wait3A_320, %dma_wait3A_321, %dma_wait3A_322] : memref<4x4x200x32xf32, #tpu.memory_space<vmem>> -> memref<1x4x200x32xf32, #tpu.memory_space<vmem>>
    %dma_wait3A_324 = tpu.memref_squeeze %dma_wait3A_323 : memref<1x4x200x32xf32, #tpu.memory_space<vmem>> -> memref<4x200x32xf32, #tpu.memory_space<vmem>>
    %dma_wait3A_325 = arith.constant 0 : i32
    %dma_wait3A_326 = arith.constant 0 : i32
    %dma_wait3A_327 = tpu.memref_slice %arg4[%add3A_317, %dma_wait3A_325, %dma_wait3A_326] : memref<16384x200x32xf32, #tpu.memory_space<hbm>> -> memref<4x200x32xf32, #tpu.memory_space<hbm>>
    %dma_wait3A_328 = tpu.memref_slice %arg9[%dma_wait3A_319] : memref<4x!tpu.dma_semaphore, #tpu.memory_space<semaphore_mem>> -> memref<1x!tpu.dma_semaphore, #tpu.memory_space<semaphore_mem>>
    %dma_wait3A_329 = tpu.memref_squeeze %dma_wait3A_328 : memref<1x!tpu.dma_semaphore, #tpu.memory_space<semaphore_mem>> -> memref<!tpu.dma_semaphore, #tpu.memory_space<semaphore_mem>>
    %dma_wait3A_330 = arith.constant 0 : i32
    %dma_wait3A_331 = arith.constant 0 : i32
    %dma_wait3A_332 = tpu.memref_slice %arg4[%add3A_317, %dma_wait3A_330, %dma_wait3A_331] : memref<16384x200x32xf32, #tpu.memory_space<hbm>> -> memref<4x200x32xf32, #tpu.memory_space<hbm>>
    %dma_wait3A_333 = arith.constant 0 : i32
    %dma_wait3A_334 = arith.constant 0 : i32
    %dma_wait3A_335 = arith.constant 0 : i32
    %dma_wait3A_336 = tpu.memref_slice %arg6[%dma_wait3A_318, %dma_wait3A_333, %dma_wait3A_334, %dma_wait3A_335] : memref<4x4x200x32xf32, #tpu.memory_space<vmem>> -> memref<1x4x200x32xf32, #tpu.memory_space<vmem>>
    %dma_wait3A_337 = tpu.memref_squeeze %dma_wait3A_336 : memref<1x4x200x32xf32, #tpu.memory_space<vmem>> -> memref<4x200x32xf32, #tpu.memory_space<vmem>>
    tpu.wait_dma2 semaphore(%dma_wait3A_329 : memref<!tpu.dma_semaphore, #tpu.memory_space<semaphore_mem>>) src(%dma_wait3A_337 : memref<4x200x32xf32, #tpu.memory_space<vmem>>) dst(%dma_wait3A_332 : memref<4x200x32xf32, #tpu.memory_space<hbm>>)
    %add3A_338 = arith.constant 504 : i32
    %add3A_339 = arith.addi %mul3A_2, %add3A_338 : i32
    %dma_wait3A_340 = arith.constant 2 : i32
    %dma_wait3A_341 = arith.constant 2 : i32
    %dma_wait3A_342 = arith.constant 0 : i32
    %dma_wait3A_343 = arith.constant 0 : i32
    %dma_wait3A_344 = arith.constant 0 : i32
    %dma_wait3A_345 = tpu.memref_slice %arg6[%dma_wait3A_340, %dma_wait3A_342, %dma_wait3A_343, %dma_wait3A_344] : memref<4x4x200x32xf32, #tpu.memory_space<vmem>> -> memref<1x4x200x32xf32, #tpu.memory_space<vmem>>
    %dma_wait3A_346 = tpu.memref_squeeze %dma_wait3A_345 : memref<1x4x200x32xf32, #tpu.memory_space<vmem>> -> memref<4x200x32xf32, #tpu.memory_space<vmem>>
    %dma_wait3A_347 = arith.constant 0 : i32
    %dma_wait3A_348 = arith.constant 0 : i32
    %dma_wait3A_349 = tpu.memref_slice %arg4[%add3A_339, %dma_wait3A_347, %dma_wait3A_348] : memref<16384x200x32xf32, #tpu.memory_space<hbm>> -> memref<4x200x32xf32, #tpu.memory_space<hbm>>
    %dma_wait3A_350 = tpu.memref_slice %arg9[%dma_wait3A_341] : memref<4x!tpu.dma_semaphore, #tpu.memory_space<semaphore_mem>> -> memref<1x!tpu.dma_semaphore, #tpu.memory_space<semaphore_mem>>
    %dma_wait3A_351 = tpu.memref_squeeze %dma_wait3A_350 : memref<1x!tpu.dma_semaphore, #tpu.memory_space<semaphore_mem>> -> memref<!tpu.dma_semaphore, #tpu.memory_space<semaphore_mem>>
    %dma_wait3A_352 = arith.constant 0 : i32
    %dma_wait3A_353 = arith.constant 0 : i32
    %dma_wait3A_354 = tpu.memref_slice %arg4[%add3A_339, %dma_wait3A_352, %dma_wait3A_353] : memref<16384x200x32xf32, #tpu.memory_space<hbm>> -> memref<4x200x32xf32, #tpu.memory_space<hbm>>
    %dma_wait3A_355 = arith.constant 0 : i32
    %dma_wait3A_356 = arith.constant 0 : i32
    %dma_wait3A_357 = arith.constant 0 : i32
    %dma_wait3A_358 = tpu.memref_slice %arg6[%dma_wait3A_340, %dma_wait3A_355, %dma_wait3A_356, %dma_wait3A_357] : memref<4x4x200x32xf32, #tpu.memory_space<vmem>> -> memref<1x4x200x32xf32, #tpu.memory_space<vmem>>
    %dma_wait3A_359 = tpu.memref_squeeze %dma_wait3A_358 : memref<1x4x200x32xf32, #tpu.memory_space<vmem>> -> memref<4x200x32xf32, #tpu.memory_space<vmem>>
    tpu.wait_dma2 semaphore(%dma_wait3A_351 : memref<!tpu.dma_semaphore, #tpu.memory_space<semaphore_mem>>) src(%dma_wait3A_359 : memref<4x200x32xf32, #tpu.memory_space<vmem>>) dst(%dma_wait3A_354 : memref<4x200x32xf32, #tpu.memory_space<hbm>>)
    %add3A_360 = arith.constant 508 : i32
    %add3A_361 = arith.addi %mul3A_2, %add3A_360 : i32
    %dma_wait3A_362 = arith.constant 3 : i32
    %dma_wait3A_363 = arith.constant 3 : i32
    %dma_wait3A_364 = arith.constant 0 : i32
    %dma_wait3A_365 = arith.constant 0 : i32
    %dma_wait3A_366 = arith.constant 0 : i32
    %dma_wait3A_367 = tpu.memref_slice %arg6[%dma_wait3A_362, %dma_wait3A_364, %dma_wait3A_365, %dma_wait3A_366] : memref<4x4x200x32xf32, #tpu.memory_space<vmem>> -> memref<1x4x200x32xf32, #tpu.memory_space<vmem>>
    %dma_wait3A_368 = tpu.memref_squeeze %dma_wait3A_367 : memref<1x4x200x32xf32, #tpu.memory_space<vmem>> -> memref<4x200x32xf32, #tpu.memory_space<vmem>>
    %dma_wait3A_369 = arith.constant 0 : i32
    %dma_wait3A_370 = arith.constant 0 : i32
    %dma_wait3A_371 = tpu.memref_slice %arg4[%add3A_361, %dma_wait3A_369, %dma_wait3A_370] : memref<16384x200x32xf32, #tpu.memory_space<hbm>> -> memref<4x200x32xf32, #tpu.memory_space<hbm>>
    %dma_wait3A_372 = tpu.memref_slice %arg9[%dma_wait3A_363] : memref<4x!tpu.dma_semaphore, #tpu.memory_space<semaphore_mem>> -> memref<1x!tpu.dma_semaphore, #tpu.memory_space<semaphore_mem>>
    %dma_wait3A_373 = tpu.memref_squeeze %dma_wait3A_372 : memref<1x!tpu.dma_semaphore, #tpu.memory_space<semaphore_mem>> -> memref<!tpu.dma_semaphore, #tpu.memory_space<semaphore_mem>>
    %dma_wait3A_374 = arith.constant 0 : i32
    %dma_wait3A_375 = arith.constant 0 : i32
    %dma_wait3A_376 = tpu.memref_slice %arg4[%add3A_361, %dma_wait3A_374, %dma_wait3A_375] : memref<16384x200x32xf32, #tpu.memory_space<hbm>> -> memref<4x200x32xf32, #tpu.memory_space<hbm>>
    %dma_wait3A_377 = arith.constant 0 : i32
    %dma_wait3A_378 = arith.constant 0 : i32
    %dma_wait3A_379 = arith.constant 0 : i32
    %dma_wait3A_380 = tpu.memref_slice %arg6[%dma_wait3A_362, %dma_wait3A_377, %dma_wait3A_378, %dma_wait3A_379] : memref<4x4x200x32xf32, #tpu.memory_space<vmem>> -> memref<1x4x200x32xf32, #tpu.memory_space<vmem>>
    %dma_wait3A_381 = tpu.memref_squeeze %dma_wait3A_380 : memref<1x4x200x32xf32, #tpu.memory_space<vmem>> -> memref<4x200x32xf32, #tpu.memory_space<vmem>>
    tpu.wait_dma2 semaphore(%dma_wait3A_373 : memref<!tpu.dma_semaphore, #tpu.memory_space<semaphore_mem>>) src(%dma_wait3A_381 : memref<4x200x32xf32, #tpu.memory_space<vmem>>) dst(%dma_wait3A_376 : memref<4x200x32xf32, #tpu.memory_space<hbm>>)
    return
  }
}

</mosaic_0001>

<sc_bundles>
// kernel: _embed.3.cloned.1.call-start
scs
__scs_entry_jumppad:
0x0: {  	(pc) =	sbr.rel $0x88, $3  }
0x1: {  	(tag) =	ssettag $0x0;
	lr =	simm.s32 $0x1  }
0x2: {  	[smem:$0x3F9F] =	sst lr;
	_ =	strace $0xD0000000  }
0x3: {  	_ = 	snop  }
0x4: {  	_ = 	snop  }
0x5: {  	_ = 	snop  }
0x6: {  	_ = 	snop  }
0x7: {  	_ = 	snop  }
__scs_overlays_trampoline_lowered:
0x8: {  	[smem:$0x3FAE] =	sst s0  }
0x9: {  	[smem:$0x3FAF] =	sst s1  }
0xa: {  	[smem:$0x3FB0] =	sst s2  }
0xb: {  	[smem:$0x3FB1] =	sst s3  }
0xc: {  	[smem:$0x3FB2] =	sst s4  }
0xd: {  	[smem:$0x3FB3] =	sst s5  }
0xe: {  	[smem:$0x3FB4] =	sst s6  }
0xf: {  	[smem:$0x3FB5] =	sst s7  }
0x10: {  	[smem:$0x3FB6] =	sst s8  }
0x11: {  	[smem:$0x3FB7] =	sst s9;
	s0 =	simm.s32 @!p0 $0x0  }
0x12: {  	s1 =	sld [smem:$0x3F9D];
	s0 =	simm.s32 @p0 $0x1  }
0x13: {  	[smem:$0x3FB8] =	sst s0;
	s0 =	simm.s32 @!p1 $0x0  }
0x14: {  	s2 =	sld [smem:$0x3F9C];
	s0 =	simm.s32 @p1 $0x1  }
0x15: {  	[smem:$0x3FB9] =	sst s0;
	s0 =	simm.s32 @!p2 $0x0  }
0x16: {  	s3 =	sld [smem:$0x3FDB];
	s0 =	simm.s32 @p2 $0x1  }
0x17: {  	s4 =	simm.s32 $0x1BF5;
	[smem:$0x3FBB] =	sst s0  }
0x18: {  	s0 =	sld [smem:$0x3F9E];
	_ =	swait.ge [sflag:s4], $0x0  }
0x19: {  	s7 =	sld [smem:$0x3F9F]  }
0x1a: {  	s8 =	sadd.s32 $0xFFFFE003, lr  }
0x1b: {  	s9 =	sadd.s32 $0xFFFFFEF7, lr;
	s5 =	simm.s32 $0xFFFFFFFF;
	p2 =	slt.u32 s8, $0xFFFFF086  }
0x1c: {  	p1 =	slt.u32 s9, $0xF7A;
	s5 =	simm.s32 @!p2 $0x0  }
0x1d: {  	s5 =	simm.s32 @p1 $0x1;
	p0 =	seq.s32 s7, s2  }
0x1e: {  	s7 =	smul.u32 @!p0 $0xF7A, s2;
	p2 =	seq.s32 @!p0 s5, $0x0  }
0x1f: {  	s9 =	smul.u32 $0xF7A, s1;
	s8 =	simm.s32 @!p0 $0x1BF5;
	p2 =	por !p2, p0  }
0x20: {  	[sflag:s8] =	ssyncset.s32 @!p0 $0xFFFFF086;
	s6 =	sadd.s32 @!p0 s3, s7;
	s7 =	simm.s32 @!p0 $0x108  }
0x21: {  	s3 =	sadd.s32 s3, s9;
	s6 =	sadd.s32 @!p0 $0x88, s6;
	s7 =	simm.s32 @p2 $0x1082  }
0x22: {  	[simem:s7], [sflag:s8] =	dma.local @!p0 [hbm:s6], $0xF7A  }
0x23: {  	s9 =	sor.u32 $0xD0000000, s2;
	s6 =	simm.s32 $0x108;
	_ =	swait.ge @!p0 [sflag:s8], $0x0  }
0x24: {  	s3 =	sadd.s32 $0x88, s3;
	s6 =	simm.s32 @!p1 $0x1082;
	[sflag:s4] =	ssyncset.s32 $0xFFFFF086  }
0x25: {  	[simem:s6], [sflag:s4] =	dma.local [hbm:s3], $0xF7A  }
0x26: {  	[smem:$0x3F9F] =	sst s1;
	(tag) =	ssettag s2;
	_ =	strace s9  }
0x27: {  	s1 =	sld [smem:$0x3FAF]  }
0x28: {  	s2 =	sld [smem:$0x3FB0]  }
0x29: {  	s4 =	sld [smem:$0x3FB2]  }
0x2a: {  	p0 =	seq.s32 s5, $0x0;
	s5 =	sld [smem:$0x3FB3]  }
0x2b: {  	s6 =	sld [smem:$0x3FB4]  }
0x2c: {  	s7 =	sld [smem:$0x3FB5]  }
0x2d: {  	s3 =	simm.s32 $0x108;
	s8 =	sld [smem:$0x3FB6]  }
0x2e: {  	s3 =	simm.s32 @!p0 $0x1082;
	s9 =	sld [smem:$0x3FB7]  }
0x2f: {  	lr =	sadd.s32 s0, s3;
	s0 =	sld [smem:$0x3FAE]  }
0x30: {  	s3 =	sld [smem:$0x3FB1]  }
0x31: {  	[smem:$0x3FBA] =	sst s10  }
0x32: {  	s10 =	sld [smem:$0x3FB8];
	_ =	sdelay $0x3  }
0x33: {  	p0 =	seq.s32 s10, $0x1;
	s10 =	sld [smem:$0x3FBA];
	_ =	sdelay $0x3  }
0x34: {  	[smem:$0x3FBA] =	sst s10  }
0x35: {  	s10 =	sld [smem:$0x3FB9];
	_ =	sdelay $0x3  }
0x36: {  	p1 =	seq.s32 s10, $0x1;
	s10 =	sld [smem:$0x3FBA];
	_ =	sdelay $0x3  }
0x37: {  	[smem:$0x3FBA] =	sst s10  }
0x38: {  	s10 =	sld [smem:$0x3FBB]  }
0x39: {  	_ = 	snop;
	(pc) =	sbr.ind lr, $3  }
0x3a: {  	_ = 	snop  }
0x3b: {  	_ = 	snop  }
0x3c: {  	p2 =	seq.s32 s10, $0x1;
	s10 =	sld [smem:$0x3FBA]  }
0x3d: {  	_ =	shalt  }
0x3e: {  	_ =	shalt  }
0x3f: {  	_ =	shalt  }
0x40: {  	_ =	shalt  }
0x41: {  	_ =	shalt  }
0x42: {  	_ =	shalt  }
0x43: {  	_ =	shalt  }
0x44: {  	_ =	shalt  }
0x45: {  	_ =	shalt  }
0x46: {  	_ =	shalt  }
0x47: {  	_ =	shalt  }
0x48: {  	_ =	shalt  }
0x49: {  	_ =	shalt  }
0x4a: {  	_ =	shalt  }
0x4b: {  	_ =	shalt  }
0x4c: {  	_ =	shalt  }
0x4d: {  	_ =	shalt  }
0x4e: {  	_ =	shalt  }
0x4f: {  	_ =	shalt  }
0x50: {  	_ =	shalt  }
0x51: {  	_ =	shalt  }
0x52: {  	_ =	shalt  }
0x53: {  	_ =	shalt  }
0x54: {  	_ =	shalt  }
0x55: {  	_ =	shalt  }
0x56: {  	_ =	shalt  }
0x57: {  	_ =	shalt  }
0x58: {  	_ =	shalt  }
0x59: {  	_ =	shalt  }
0x5a: {  	_ =	shalt  }
0x5b: {  	_ =	shalt  }
0x5c: {  	_ =	shalt  }
0x5d: {  	_ =	shalt  }
0x5e: {  	_ =	shalt  }
0x5f: {  	_ =	shalt  }
0x60: {  	_ =	shalt  }
0x61: {  	_ =	shalt  }
0x62: {  	_ =	shalt  }
0x63: {  	_ =	shalt  }
0x64: {  	_ =	shalt  }
0x65: {  	_ =	shalt  }
0x66: {  	_ =	shalt  }
0x67: {  	_ =	shalt  }
0x68: {  	_ =	shalt  }
0x69: {  	_ =	shalt  }
0x6a: {  	_ =	shalt  }
0x6b: {  	_ =	shalt  }
0x6c: {  	_ =	shalt  }
0x6d: {  	_ =	shalt  }
0x6e: {  	_ =	shalt  }
0x6f: {  	_ =	shalt  }
0x70: {  	_ =	shalt  }
0x71: {  	_ =	shalt  }
0x72: {  	_ =	shalt  }
0x73: {  	_ =	shalt  }
0x74: {  	_ =	shalt  }
0x75: {  	_ =	shalt  }
0x76: {  	_ =	shalt  }
0x77: {  	_ =	shalt  }
0x78: {  	_ =	shalt  }
0x79: {  	_ =	shalt  }
0x7a: {  	_ =	shalt  }
0x7b: {  	_ =	shalt  }
0x7c: {  	_ =	shalt  }
0x7d: {  	_ =	shalt  }
0x7e: {  	_ =	shalt  }
0x7f: {  	_ =	shalt  }
0x80: {  	_ =	shalt  }
0x81: {  	_ =	shalt  }
0x82: {  	_ =	shalt  }
0x83: {  	_ =	shalt  }
0x84: {  	_ =	shalt  }
0x85: {  	_ =	shalt  }
0x86: {  	_ =	shalt  }
0x87: {  	_ =	shalt  }
.Lfunc_end0:
.L_simem_size_0:
called_computation.1_lowered:
.L_overlay_start_0:
0x88: {  	s2 =	sld [smem:$0x3FD9]  }
0x89: {  	s3 =	sld [smem:$0x3FFE];
	_ =	sdelay $0x1  }
0x8a: {  	s1 =	srdreg.scid  }
0x8b: {  	s0 =	sand.u32 $0x1, s1  }
0x8c: {  	s17 =	sshll.u32 s0, $0xA;
	s2 =	sadd.s32 s3, s2  }
0x8d: {  	s2 =	sadd.s32 s2, s17  }
0x8e: {  	[smem:$0x3FC6] =	sst s2  }
0x8f: {  	_ = 	snop  }
0x90: {  	s2 =	sld [smem:$0x3FD0];
	(tm) =	ssettm $0x1  }
0x91: {  	s18 =	sld [smem:$0x3FFB];
	_ =	sdelay $0x3  }
0x92: {  	_ =	strace s18  }
0x93: {  	s3 =	sld [smem:$0x3FFC];
	_ =	sdelay $0x3  }
0x94: {  	_ =	strace s3  }
0x95: {  	s3 =	sld [smem:$0x3FFD];
	_ =	sdelay $0x3  }
0x96: {  	_ =	strace s3  }
0x97: {  	_ =	strace $0x8FFFFFFF  }
0x98: {  	s19 =	sld [smem:$0x3FDB];
	_ =	sdelay $0x1  }
0x99: {  	s4 =	simm.s32 $_scs_section_size  }
0x9a: {  	s5 =	simm.s32 $_size__tile_overlayer_lowered;
	s6 =	simm.s32 $_tile_overlayer_lowered  }
0x9b: {  	s22 =	simm.s32 $0x1BFF;
	s21 =	sshll.u32 s6, $0x1;
	s3 =	sadd.s32 s4, s19  }
0x9c: {  	s7 =	simm.s32 $0x0;
	s20 =	sshll.u32 s5, $0x1;
	s5 =	sadd.s32 s21, s3  }
0x9d: {  	[timem:s7], [sflag:s22] =	dma.local [hbm:s5], s20  }
0x9e: {  	_ =	swait.ge [sflag:s22], s20  }
0x9f: {  	s4 =	ssub.s32 $0x0, s20;
	[sflag:s22] =	ssyncset.done $0x0  }
0xa0: {  	[sflag:s22] =	ssyncadd.s32 s4;
	_ =	sdelay $0x1  }
0xa1: {  	s23 =	simm.s32 $0x1B8B  }
0xa2: {  	_ =	swait.ge [sflag:s23], $0x1  }
0xa3: {  	[sflag:s23] =	ssyncset.done $0x0  }
0xa4: {  	s25 =	simm.s32 $0x1B8E;
	s24 =	sld [smem:$0x3FFE];
	[sflag:s23] =	ssyncadd.s32 $0xFFFFFFFF  }
0xa5: {  	s26 =	simm.s32 $execute0_lowered;
	[smem:$0x3FD2] =	sst s25  }
0xa6: {  	s5 =	sshll.u32 s26, $0x1;
	_ =	strace $0x80000046;
	[dreg:$0x1] =	wrdreg $0xFFFFFFFF  }
0xa7: {  	s28 =	simm.s32 $_size_execute0_lowered;
	s3 =	sadd.s32 s3, s5;
	[dreg:$0x0] =	wrdreg $0x0  }
0xa8: {  	s5 =	sshll.u32 s28, $0x1;
	[dreg:$0x2] =	wrdreg s3  }
0xa9: {  	[dreg:$0x3] =	wrdreg s5  }
0xaa: {  	[dreg:$0x4] =	wrdreg $0xC0  }
0xab: {  	_ =	task [dreg:s7], $0x5FFFF  }
0xac: {  	[dreg:$0x1] =	wrdreg $0xFFFFFFFF  }
0xad: {  	[dreg:$0x0] =	wrdreg $0x60  }
0xae: {  	[dreg:$0x2] =	wrdreg s24  }
0xaf: {  	[dreg:$0x3] =	wrdreg s2  }
0xb0: {  	[dreg:$0x4] =	wrdreg $0x9  }
0xb1: {  	_ =	task.clear_ibuf [dreg:s7], $0x5FFFF;
	_ =	strace $0x90000046  }
0xb2: {  	s29 =	simm.s32 $0x9;
	_ =	strace $0x80000048  }
0xb3: {  	_ =	swait.ge [sflag:s29], $0x1  }
0xb4: {  	[sflag:s29] =	ssyncadd.s32 $0xFFFFFFFF  }
0xb5: {  	_ =	strace $0x90000048  }
0xb6: {  	_ =	sfence  }
0xb7: {  	s30 =	sld [smem:$0x0];
	_ =	sdelay $0x2  }
0xb8: {  	s31 =	sshll.u32 s1, $0xD;
	s1 =	sshrl.u32 s1, $0x2  }
0xb9: {  	s3 =	sand.u32 $0x4000, s31;
	s1 =	sadd.s32 s1, s30  }
0xba: {  	s0 =	sor.u32 s3, s0;
	s1 =	sshll.u32 s1, $0x11  }
0xbb: {  	s0 =	sor.u32 s1, s0  }
0xbc: {  	s0 =	sadd.s32 $0x8F2B, s0  }
0xbd: {  	[sflag:s0] =	ssyncadd.remote.s32 $0x1  }
0xbe: {  	_ =	sfence.sel $0xFFFF  }
0xbf: {  	[dreg:$0x0] =	wrdreg $0xFFFFFFFF;
	(pc) =	sbr.abs _section_cstart, $3  }
0xc0: {  	[dreg:$0x1] =	wrdreg $0xFFFFFFFF  }
0xc1: {  	_ =	task.clear_ibuf [dreg:s7], $0x2FFFF;
	_ =	strace $0x9FFFFFFF  }
0xc2: {  	(tm) =	ssettm $0x7FFFFFFF  }
0xc3: {  	_ =	shalt  }
tec
execute0_lowered:
.L_overlay_start_1:
0x0: {  	(tag) =	ssettag $0x1  }
0x1: {  	s0 =	srdreg.scid;
	s1 =	rddreg [dreg:$0x0]  }
0x2: {  	s11 =	stileid.u32;
	s4 =	rddreg [dreg:$0x1]  }
0x3: {  	s2 =	simm.s32 $0x0;
	s12 =	simm.s32 $0x48;
	s28 =	simm.s32 $0x2  }
0x4: {  	s29 =	simm.s32 $0x7080;
	s19 =	simm.s32 $0x5;
	s20 =	simm.s32 $0x640  }
0x5: {  	s21 =	simm.s32 $0x3;
	s22 =	simm.s32 $0xD480;
	s16 =	simm.s32 $0x6  }
0x6: {  	s17 =	simm.s32 $0x960;
	s18 =	simm.s32 $0x4;
	s23 =	simm.s32 $0x13880  }
0x7: {  	s13 =	simm.s32 $0xBB8;
	s14 =	simm.s32 $0x18380;
	s15 =	simm.s32 $0xC38  }
0x8: {  	s24 =	simm.s32 $0x19380;
	s0 =	sand.u32 $0x1, s0;
	s3 =	sshll.u32 s11, $0xA  }
0x9: {  	[smem:$0x7FF] =	sst s2;
	s7 =	sadd.s32 $0x800, s1;
	s9 =	smul.u32 $0x6400, s11  }
0xa: {  	s26 =	smul.u32 $0xC8000, s11;
	s11 =	simm.s32 $0xC80;
	s5 =	sshll.u32 s0, $0x9  }
0xb: {  	_ =	strace $0x80000047;
	s8 =	ssub.s32 $0x2, s0;
	s10 =	smul.u32 $0x3200, s0  }
0xc: {  	s0 =	smul.u32 $0x64000, s0;
	s3 =	sor.u32 s5, s3;
	s25 =	sshrl.u32 s8, $0x1  }
0xd: {  	s31 =	sadd.s32 s9, s7;
	s9 =	simm.s32 $0x1;
	s5 =	smul.u32 $0x19, s3  }
0xe: {  	s6 =	smul.u32 $0x1900, s3;
	s3 =	sadd.s32 $0xFA6C00, s1;
	s1 =	ssub.s32 s8, s25  }
0xf: {  	s8 =	simm.s32 $0x17A80;
	s25 =	simm.s32 $0x7;
	s1 =	smax.u32 s1, $0x1  }
0x10: {  	s6 =	sshrl.u32 s6, $0x3;
	s5 =	sadd.s32 s7, s5;
	[dreg:$0x5] =	wrdreg s1  }
.Ltmp0:
0x11: {  	s7 =	sadd.s32 s10, s31;
	s10 =	simm.s32 $0x80;
	(pc) =	sbr.rel .LBB2_1-.Ltmp0, $4  }
0x12: {  	[dreg:$0x3] =	wrdreg s5;
	s30 =	sadd.s32 s4, s6;
	s4 =	sadd.s32 s26, s4  }
0x13: {  	s26 =	simm.s32 $0x320;
	s5 =	sadd.s32 $0x63380, s30;
	s0 =	sadd.s32 s0, s4  }
0x14: {  	s6 =	simm.s32 $0xB70;
	[dreg:$0x4] =	wrdreg s5;
	s0 =	sadd.s32 $0x1900, s0  }
0x15: {  	s4 =	simm.s32 $0x0;
	s5 =	simm.s32 $0x16A80;
	[dreg:$0x6] =	wrdreg s0  }
.LBB2_4:
0x16: {  	s0 =	simm.s32 $0x8  }
0x17: {  	_ =	swait.ge [sflag:s0], $0x1000  }
0x18: {  	[sflag:s0] =	ssyncset.done $0x0  }
0x19: {  	[sflag:s0] =	ssyncadd.s32 $0xFFFFF000  }
0x1a: {  	_ =	swait.ge [sflag:s0], $0x900  }
0x1b: {  	[sflag:s0] =	ssyncset.done $0x0  }
0x1c: {  	[sflag:s0] =	ssyncadd.s32 $0xFFFFF700  }
0x1d: {  	_ =	swait.ge [sflag:s0], $0x1000  }
0x1e: {  	[sflag:s0] =	ssyncset.done $0x0  }
0x1f: {  	[sflag:s0] =	ssyncadd.s32 $0xFFFFF000  }
0x20: {  	_ =	swait.ge [sflag:s0], $0x900  }
0x21: {  	[sflag:s0] =	ssyncset.done $0x0  }
0x22: {  	[sflag:s0] =	ssyncadd.s32 $0xFFFFF700  }
0x23: {  	_ =	swait.ge [sflag:s0], $0x1000  }
0x24: {  	[sflag:s0] =	ssyncset.done $0x0  }
0x25: {  	[sflag:s0] =	ssyncadd.s32 $0xFFFFF000  }
0x26: {  	_ =	swait.ge [sflag:s0], $0x900  }
0x27: {  	[sflag:s0] =	ssyncset.done $0x0  }
0x28: {  	[sflag:s0] =	ssyncadd.s32 $0xFFFFF700  }
0x29: {  	_ =	swait.ge [sflag:s0], $0x1000  }
0x2a: {  	[sflag:s0] =	ssyncset.done $0x0  }
0x2b: {  	[sflag:s0] =	ssyncadd.s32 $0xFFFFF000  }
0x2c: {  	_ =	swait.ge [sflag:s0], $0x900  }
0x2d: {  	[sflag:s0] =	ssyncset.done $0x0  }
0x2e: {  	s1 =	simm.s32 $0x9;
	s31 =	rddreg [dreg:$0x4];
	[sflag:s0] =	ssyncadd.s32 $0xFFFFF700  }
0x2f: {  	[hbm4b:s31+s2] =	stream.linear.scatter [tilespmem:s23], [sflag:$0xC], $0x6400, $0x38;
	[tilespmem:$0x19C80] =	vst v63  }
0x30: {  	_ =	swait.ge [sflag:s1], $0x6400  }
0x31: {  	[sflag:s1] =	ssyncset.done $0x0  }
0x32: {  	s4 =	simm.s32 $0xA;
	[sflag:s1] =	ssyncadd.s32 $0xFFFF9C00  }
0x33: {  	_ =	swait.ge [sflag:s4], $0x6400  }
0x34: {  	[sflag:s4] =	ssyncset.done $0x0  }
0x35: {  	s30 =	simm.s32 $0xB;
	[sflag:s4] =	ssyncadd.s32 $0xFFFF9C00  }
0x36: {  	_ =	swait.ge [sflag:s30], $0x6400  }
0x37: {  	[sflag:s30] =	ssyncset.done $0x0  }
0x38: {  	s1 =	simm.s32 $0xC;
	[sflag:s30] =	ssyncadd.s32 $0xFFFF9C00  }
0x39: {  	_ =	swait.ge [sflag:s1], $0x6400  }
0x3a: {  	s4 =	rddreg [dreg:$0x7]  }
0x3b: {  	s31 =	rddreg [dreg:$0x5];
	s4 =	sadd.s32 $0x1, s4  }
0x3c: {  	p0 =	sne.s32 s4, s31  }
.Ltmp1:
0x3d: {  	_ = 	snop;
	(pc) =	sbr.rel @!p0 .LBB2_5-.Ltmp1, $3  }
0x3e: {  	_ =	sdelay $0x1  }
0x3f: {  	[sflag:s1] =	ssyncset.done $0x0  }
0x40: {  	[sflag:s1] =	ssyncadd.s32 $0xFFFF9C00  }
.LBB2_1:
0x41: {  	[dreg:$0x7] =	wrdreg s4  }
0x42: {  	s0 =	rddreg [dreg:$0x3]  }
0x43: {  	s30 =	rddreg [dreg:$0x6];
	s31 =	simm.s32 $0x0  }
0x44: {  	[tilespmem:s2], [sflag:$0x1] =	stream.linear.gather [hbm4b:s0+s2], $0x320, $0x38;
	[tilespmem:$0x19C80] =	vst v63  }
.LBB2_2:
0x45: {  	p0 =	seq.s32 s31, $0x0  }
0x46: {  	s1 =	simm.s32 @!p0 $0x9  }
0x47: {  	_ =	swait.ge @!p0 [sflag:s1], $0x6400  }
0x48: {  	[sflag:s1] =	ssyncset.done @!p0 $0x0  }
0x49: {  	[sflag:s1] =	ssyncadd.s32 @!p0 $0xFFFF9C00  }
0x4a: {  	_ =	swait.ge [sflag:s9], $0x320  }
0x4b: {  	[sflag:s9] =	ssyncset.done $0x0  }
0x4c: {  	[sflag:s9] =	ssyncadd.s32 $0xFFFFFCE0  }
0x4d: {  	[tilespmem:s11], [sflag:$0x5] =	stream.indirect.gather [hbm4b:s3+s10], $0x20, s2, s10, $0xb8;
	[tilespmem:$0x19C80] =	vst v63  }
0x4e: {  	s0 =	simm.s32 $0x1C80  }
0x4f: {  	[tilespmem:s0], [sflag:$0x5] =	stream.indirect.gather [hbm4b:s3+s12], $0x20, s10, s12, $0xb8;
	[tilespmem:$0x19C80] =	vst v63  }
0x50: {  	s4 =	simm.s32 $0x2580;
	s1 =	simm.s32 $0xC8  }
0x51: {  	[tilespmem:s4], [sflag:$0x5] =	stream.indirect.gather [hbm4b:s3+s10], $0x20, s1, s10, $0xb8;
	[tilespmem:$0x19C80] =	vst v63  }
0x52: {  	s1 =	simm.s32 $0x148;
	s4 =	simm.s32 $0x3580  }
0x53: {  	[tilespmem:s4], [sflag:$0x5] =	stream.indirect.gather [hbm4b:s3+s12], $0x20, s1, s12, $0xb8;
	[tilespmem:$0x19C80] =	vst v63  }
0x54: {  	s1 =	simm.s32 $0x190;
	s4 =	simm.s32 $0x3E80  }
0x55: {  	[tilespmem:s4], [sflag:$0x5] =	stream.indirect.gather [hbm4b:s3+s10], $0x20, s1, s10, $0xb8;
	[tilespmem:$0x19C80] =	vst v63  }
0x56: {  	s1 =	simm.s32 $0x210;
	s4 =	simm.s32 $0x4E80  }
0x57: {  	[tilespmem:s4], [sflag:$0x5] =	stream.indirect.gather [hbm4b:s3+s12], $0x20, s1, s12, $0xb8;
	[tilespmem:$0x19C80] =	vst v63  }
0x58: {  	s1 =	simm.s32 $0x258;
	s4 =	simm.s32 $0x5780  }
0x59: {  	[tilespmem:s4], [sflag:$0x5] =	stream.indirect.gather [hbm4b:s3+s10], $0x20, s1, s10, $0xb8;
	[tilespmem:$0x19C80] =	vst v63  }
0x5a: {  	s1 =	simm.s32 $0x2D8;
	s4 =	simm.s32 $0x6780  }
0x5b: {  	[tilespmem:s4], [sflag:$0x5] =	stream.indirect.gather [hbm4b:s3+s12], $0x20, s1, s12, $0xb8;
	[tilespmem:$0x19C80] =	vst v63  }
0x5c: {  	s1 =	simm.s32 @!p0 $0x8  }
0x5d: {  	_ =	swait.ge @!p0 [sflag:s1], $0x1000  }
0x5e: {  	[sflag:s1] =	ssyncset.done @!p0 $0x0  }
0x5f: {  	[sflag:s1] =	ssyncadd.s32 @!p0 $0xFFFFF000  }
0x60: {  	_ =	swait.ge @!p0 [sflag:s1], $0x900  }
0x61: {  	[sflag:s1] =	ssyncset.done @!p0 $0x0  }
0x62: {  	[sflag:s1] =	ssyncadd.s32 @!p0 $0xFFFFF700  }
0x63: {  	_ =	swait.ge @!p0 [sflag:s1], $0x1000  }
0x64: {  	[sflag:s1] =	ssyncset.done @!p0 $0x0  }
0x65: {  	[sflag:s1] =	ssyncadd.s32 @!p0 $0xFFFFF000  }
0x66: {  	_ =	swait.ge @!p0 [sflag:s1], $0x900  }
0x67: {  	[sflag:s1] =	ssyncset.done @!p0 $0x0  }
0x68: {  	[sflag:s1] =	ssyncadd.s32 @!p0 $0xFFFFF700  }
0x69: {  	_ =	swait.ge @!p0 [sflag:s1], $0x1000  }
0x6a: {  	[sflag:s1] =	ssyncset.done @!p0 $0x0  }
0x6b: {  	[sflag:s1] =	ssyncadd.s32 @!p0 $0xFFFFF000  }
0x6c: {  	_ =	swait.ge @!p0 [sflag:s1], $0x900  }
0x6d: {  	[sflag:s1] =	ssyncset.done @!p0 $0x0  }
0x6e: {  	[sflag:s1] =	ssyncadd.s32 @!p0 $0xFFFFF700  }
0x6f: {  	_ =	swait.ge @!p0 [sflag:s1], $0x1000  }
0x70: {  	[sflag:s1] =	ssyncset.done @!p0 $0x0  }
0x71: {  	[sflag:s1] =	ssyncadd.s32 @!p0 $0xFFFFF000  }
0x72: {  	_ =	swait.ge @!p0 [sflag:s1], $0x900  }
0x73: {  	s0 =	simm.s32 @!p0 $0x0;
	[sflag:s1] =	ssyncset.done @!p0 $0x0  }
0x74: {  	s4 =	simm.s32 @!p0 $0x13880;
	[sflag:s1] =	ssyncadd.s32 @!p0 $0xFFFFF700;
	s1 =	sadd.s32 @!p0 $0xFFFFDA80, s30  }
0x75: {  	[hbm4b:s1+s0] =	stream.linear.scatter @!p0 [tilespmem:s4], [sflag:$0xC], $0x6400, $0x38;
	[tilespmem:$0x19C80] =	vst v63  }
0x76: {  	s1 =	sadd.s32 s31, s7  }
0x77: {  	s0 =	simm.s32 @!p0 $0xA;
	s4 =	sadd.s32 $0x64, s1  }
0x78: {  	[tilespmem:s26], [sflag:$0x2] =	stream.linear.gather [hbm4b:s4+s2], $0x320, $0x38;
	[tilespmem:$0x19C80] =	vst v63  }
0x79: {  	_ =	swait.ge @!p0 [sflag:s0], $0x6400  }
0x7a: {  	[sflag:s0] =	ssyncset.done @!p0 $0x0  }
0x7b: {  	[sflag:s0] =	ssyncadd.s32 @!p0 $0xFFFF9C00  }
0x7c: {  	_ =	swait.ge [sflag:s28], $0x320  }
0x7d: {  	[sflag:s28] =	ssyncset.done $0x0  }
0x7e: {  	[sflag:s28] =	ssyncadd.s32 $0xFFFFFCE0  }
0x7f: {  	[tilespmem:s29], [sflag:$0x6] =	stream.indirect.gather [hbm4b:s3+s10], $0x20, s26, s10, $0xb8;
	[tilespmem:$0x19C80] =	vst v63  }
0x80: {  	s4 =	simm.s32 $0x8080;
	s0 =	simm.s32 $0x3A0  }
0x81: {  	[tilespmem:s4], [sflag:$0x6] =	stream.indirect.gather [hbm4b:s3+s12], $0x20, s0, s12, $0xb8;
	[tilespmem:$0x19C80] =	vst v63  }
0x82: {  	s0 =	simm.s32 $0x3E8;
	s4 =	simm.s32 $0x8980  }
0x83: {  	[tilespmem:s4], [sflag:$0x6] =	stream.indirect.gather [hbm4b:s3+s10], $0x20, s0, s10, $0xb8;
	[tilespmem:$0x19C80] =	vst v63  }
0x84: {  	s0 =	simm.s32 $0x468;
	s4 =	simm.s32 $0x9980  }
0x85: {  	[tilespmem:s4], [sflag:$0x6] =	stream.indirect.gather [hbm4b:s3+s12], $0x20, s0, s12, $0xb8;
	[tilespmem:$0x19C80] =	vst v63  }
0x86: {  	s0 =	simm.s32 $0x4B0;
	s4 =	simm.s32 $0xA280  }
0x87: {  	[tilespmem:s4], [sflag:$0x6] =	stream.indirect.gather [hbm4b:s3+s10], $0x20, s0, s10, $0xb8;
	[tilespmem:$0x19C80] =	vst v63  }
0x88: {  	s0 =	simm.s32 $0x530;
	s4 =	simm.s32 $0xB280  }
0x89: {  	[tilespmem:s4], [sflag:$0x6] =	stream.indirect.gather [hbm4b:s3+s12], $0x20, s0, s12, $0xb8;
	[tilespmem:$0x19C80] =	vst v63  }
0x8a: {  	s0 =	simm.s32 $0x578;
	s4 =	simm.s32 $0xBB80  }
0x8b: {  	[tilespmem:s4], [sflag:$0x6] =	stream.indirect.gather [hbm4b:s3+s10], $0x20, s0, s10, $0xb8;
	[tilespmem:$0x19C80] =	vst v63  }
0x8c: {  	s0 =	simm.s32 $0x5F8;
	s4 =	simm.s32 $0xCB80  }
0x8d: {  	[tilespmem:s4], [sflag:$0x6] =	stream.indirect.gather [hbm4b:s3+s12], $0x20, s0, s12, $0xb8;
	[tilespmem:$0x19C80] =	vst v63  }
0x8e: {  	_ =	swait.ge [sflag:s19], $0x1000  }
0x8f: {  	[sflag:s19] =	ssyncset.done $0x0  }
0x90: {  	[sflag:s19] =	ssyncadd.s32 $0xFFFFF000  }
0x91: {  	_ =	swait.ge [sflag:s19], $0x900  }
0x92: {  	[sflag:s19] =	ssyncset.done $0x0  }
0x93: {  	[sflag:s19] =	ssyncadd.s32 $0xFFFFF700  }
0x94: {  	_ =	swait.ge [sflag:s19], $0x1000  }
0x95: {  	[sflag:s19] =	ssyncset.done $0x0  }
0x96: {  	[sflag:s19] =	ssyncadd.s32 $0xFFFFF000  }
0x97: {  	_ =	swait.ge [sflag:s19], $0x900  }
0x98: {  	[sflag:s19] =	ssyncset.done $0x0  }
0x99: {  	[sflag:s19] =	ssyncadd.s32 $0xFFFFF700  }
0x9a: {  	_ =	swait.ge [sflag:s19], $0x1000  }
0x9b: {  	[sflag:s19] =	ssyncset.done $0x0  }
0x9c: {  	[sflag:s19] =	ssyncadd.s32 $0xFFFFF000  }
0x9d: {  	_ =	swait.ge [sflag:s19], $0x900  }
0x9e: {  	[sflag:s19] =	ssyncset.done $0x0  }
0x9f: {  	[sflag:s19] =	ssyncadd.s32 $0xFFFFF700  }
0xa0: {  	_ =	swait.ge [sflag:s19], $0x1000  }
0xa1: {  	[sflag:s19] =	ssyncset.done $0x0  }
0xa2: {  	[sflag:s19] =	ssyncadd.s32 $0xFFFFF000  }
0xa3: {  	_ =	swait.ge [sflag:s19], $0x900  }
0xa4: {  	[sflag:s19] =	ssyncset.done $0x0  }
0xa5: {  	s4 =	sadd.s32 $0xFFFFE700, s30;
	[sflag:s19] =	ssyncadd.s32 $0xFFFFF700  }
0xa6: {  	[hbm4b:s4+s2] =	stream.linear.scatter [tilespmem:s11], [sflag:$0x9], $0x6400, $0x38;
	[tilespmem:$0x19C80] =	vst v63  }
0xa7: {  	s0 =	simm.s32 @!p0 $0xB;
	s4 =	sadd.s32 $0xC8, s1  }
0xa8: {  	[tilespmem:s20], [sflag:$0x3] =	stream.linear.gather [hbm4b:s4+s2], $0x320, $0x38;
	[tilespmem:$0x19C80] =	vst v63  }
0xa9: {  	_ =	swait.ge @!p0 [sflag:s0], $0x6400  }
0xaa: {  	[sflag:s0] =	ssyncset.done @!p0 $0x0  }
0xab: {  	[sflag:s0] =	ssyncadd.s32 @!p0 $0xFFFF9C00  }
0xac: {  	_ =	swait.ge [sflag:s21], $0x320  }
0xad: {  	[sflag:s21] =	ssyncset.done $0x0  }
0xae: {  	[sflag:s21] =	ssyncadd.s32 $0xFFFFFCE0  }
0xaf: {  	[tilespmem:s22], [sflag:$0x7] =	stream.indirect.gather [hbm4b:s3+s10], $0x20, s20, s10, $0xb8;
	[tilespmem:$0x19C80] =	vst v63  }
0xb0: {  	s4 =	simm.s32 $0xE480;
	s0 =	simm.s32 $0x6C0  }
0xb1: {  	[tilespmem:s4], [sflag:$0x7] =	stream.indirect.gather [hbm4b:s3+s12], $0x20, s0, s12, $0xb8;
	[tilespmem:$0x19C80] =	vst v63  }
0xb2: {  	s0 =	simm.s32 $0x708;
	s4 =	simm.s32 $0xED80  }
0xb3: {  	[tilespmem:s4], [sflag:$0x7] =	stream.indirect.gather [hbm4b:s3+s10], $0x20, s0, s10, $0xb8;
	[tilespmem:$0x19C80] =	vst v63  }
0xb4: {  	s0 =	simm.s32 $0x788;
	s4 =	simm.s32 $0xFD80  }
0xb5: {  	[tilespmem:s4], [sflag:$0x7] =	stream.indirect.gather [hbm4b:s3+s12], $0x20, s0, s12, $0xb8;
	[tilespmem:$0x19C80] =	vst v63  }
0xb6: {  	s0 =	simm.s32 $0x7D0;
	s4 =	simm.s32 $0x10680  }
0xb7: {  	[tilespmem:s4], [sflag:$0x7] =	stream.indirect.gather [hbm4b:s3+s10], $0x20, s0, s10, $0xb8;
	[tilespmem:$0x19C80] =	vst v63  }
0xb8: {  	s0 =	simm.s32 $0x850;
	s4 =	simm.s32 $0x11680  }
0xb9: {  	[tilespmem:s4], [sflag:$0x7] =	stream.indirect.gather [hbm4b:s3+s12], $0x20, s0, s12, $0xb8;
	[tilespmem:$0x19C80] =	vst v63  }
0xba: {  	s0 =	simm.s32 $0x898;
	s4 =	simm.s32 $0x11F80  }
0xbb: {  	[tilespmem:s4], [sflag:$0x7] =	stream.indirect.gather [hbm4b:s3+s10], $0x20, s0, s10, $0xb8;
	[tilespmem:$0x19C80] =	vst v63  }
0xbc: {  	s0 =	simm.s32 $0x918;
	s4 =	simm.s32 $0x12F80  }
0xbd: {  	[tilespmem:s4], [sflag:$0x7] =	stream.indirect.gather [hbm4b:s3+s12], $0x20, s0, s12, $0xb8;
	[tilespmem:$0x19C80] =	vst v63  }
0xbe: {  	_ =	swait.ge [sflag:s16], $0x1000  }
0xbf: {  	[sflag:s16] =	ssyncset.done $0x0  }
0xc0: {  	[sflag:s16] =	ssyncadd.s32 $0xFFFFF000  }
0xc1: {  	_ =	swait.ge [sflag:s16], $0x900  }
0xc2: {  	[sflag:s16] =	ssyncset.done $0x0  }
0xc3: {  	[sflag:s16] =	ssyncadd.s32 $0xFFFFF700  }
0xc4: {  	_ =	swait.ge [sflag:s16], $0x1000  }
0xc5: {  	[sflag:s16] =	ssyncset.done $0x0  }
0xc6: {  	[sflag:s16] =	ssyncadd.s32 $0xFFFFF000  }
0xc7: {  	_ =	swait.ge [sflag:s16], $0x900  }
0xc8: {  	[sflag:s16] =	ssyncset.done $0x0  }
0xc9: {  	[sflag:s16] =	ssyncadd.s32 $0xFFFFF700  }
0xca: {  	_ =	swait.ge [sflag:s16], $0x1000  }
0xcb: {  	[sflag:s16] =	ssyncset.done $0x0  }
0xcc: {  	[sflag:s16] =	ssyncadd.s32 $0xFFFFF000  }
0xcd: {  	_ =	swait.ge [sflag:s16], $0x900  }
0xce: {  	[sflag:s16] =	ssyncset.done $0x0  }
0xcf: {  	[sflag:s16] =	ssyncadd.s32 $0xFFFFF700  }
0xd0: {  	_ =	swait.ge [sflag:s16], $0x1000  }
0xd1: {  	[sflag:s16] =	ssyncset.done $0x0  }
0xd2: {  	[sflag:s16] =	ssyncadd.s32 $0xFFFFF000  }
0xd3: {  	_ =	swait.ge [sflag:s16], $0x900  }
0xd4: {  	[sflag:s16] =	ssyncset.done $0x0  }
0xd5: {  	s4 =	sadd.s32 $0xFFFFF380, s30;
	[sflag:s16] =	ssyncadd.s32 $0xFFFFF700  }
0xd6: {  	[hbm4b:s4+s2] =	stream.linear.scatter [tilespmem:s29], [sflag:$0xA], $0x6400, $0x38;
	[tilespmem:$0x19C80] =	vst v63  }
0xd7: {  	s0 =	simm.s32 @!p0 $0xC;
	s4 =	sadd.s32 $0x12C, s1  }
0xd8: {  	[tilespmem:s17], [sflag:$0x4] =	stream.linear.gather [hbm4b:s4+s2], $0x320, $0x38;
	[tilespmem:$0x19C80] =	vst v63  }
0xd9: {  	_ =	swait.ge @!p0 [sflag:s0], $0x6400  }
0xda: {  	[sflag:s0] =	ssyncset.done @!p0 $0x0  }
0xdb: {  	[sflag:s0] =	ssyncadd.s32 @!p0 $0xFFFF9C00  }
0xdc: {  	_ =	swait.ge [sflag:s18], $0x320  }
0xdd: {  	[sflag:s18] =	ssyncset.done $0x0  }
0xde: {  	[sflag:s18] =	ssyncadd.s32 $0xFFFFFCE0  }
0xdf: {  	[tilespmem:s23], [sflag:$0x8] =	stream.indirect.gather [hbm4b:s3+s10], $0x20, s17, s10, $0xb8;
	[tilespmem:$0x19C80] =	vst v63  }
0xe0: {  	s4 =	simm.s32 $0x14880;
	s0 =	simm.s32 $0x9E0  }
0xe1: {  	[tilespmem:s4], [sflag:$0x8] =	stream.indirect.gather [hbm4b:s3+s12], $0x20, s0, s12, $0xb8;
	[tilespmem:$0x19C80] =	vst v63  }
0xe2: {  	s0 =	simm.s32 $0xA28;
	s4 =	simm.s32 $0x15180  }
0xe3: {  	[tilespmem:s4], [sflag:$0x8] =	stream.indirect.gather [hbm4b:s3+s10], $0x20, s0, s10, $0xb8;
	[tilespmem:$0x19C80] =	vst v63  }
0xe4: {  	s0 =	simm.s32 $0xAA8;
	s4 =	simm.s32 $0x16180  }
0xe5: {  	[tilespmem:s4], [sflag:$0x8] =	stream.indirect.gather [hbm4b:s3+s12], $0x20, s0, s12, $0xb8;
	[tilespmem:$0x19C80] =	vst v63  }
0xe6: {  	s4 =	simm.s32 $0xAF0  }
0xe7: {  	[tilespmem:s5], [sflag:$0x8] =	stream.indirect.gather [hbm4b:s3+s10], $0x20, s4, s10, $0xb8;
	[tilespmem:$0x19C80] =	vst v63  }
0xe8: {  	_ = 	snop  }
0xe9: {  	[tilespmem:s8], [sflag:$0x8] =	stream.indirect.gather [hbm4b:s3+s12], $0x20, s6, s12, $0xb8;
	[tilespmem:$0x19C80] =	vst v63  }
0xea: {  	_ = 	snop  }
0xeb: {  	[tilespmem:s14], [sflag:$0x8] =	stream.indirect.gather [hbm4b:s3+s10], $0x20, s13, s10, $0xb8;
	[tilespmem:$0x19C80] =	vst v63  }
0xec: {  	_ = 	snop  }
0xed: {  	[tilespmem:s24], [sflag:$0x8] =	stream.indirect.gather [hbm4b:s3+s12], $0x20, s15, s12, $0xb8;
	[tilespmem:$0x19C80] =	vst v63  }
0xee: {  	_ =	swait.ge [sflag:s25], $0x1000  }
0xef: {  	[sflag:s25] =	ssyncset.done $0x0  }
0xf0: {  	[sflag:s25] =	ssyncadd.s32 $0xFFFFF000  }
0xf1: {  	_ =	swait.ge [sflag:s25], $0x900  }
0xf2: {  	[sflag:s25] =	ssyncset.done $0x0  }
0xf3: {  	[sflag:s25] =	ssyncadd.s32 $0xFFFFF700  }
0xf4: {  	_ =	swait.ge [sflag:s25], $0x1000  }
0xf5: {  	[sflag:s25] =	ssyncset.done $0x0  }
0xf6: {  	[sflag:s25] =	ssyncadd.s32 $0xFFFFF000  }
0xf7: {  	_ =	swait.ge [sflag:s25], $0x900  }
0xf8: {  	[sflag:s25] =	ssyncset.done $0x0  }
0xf9: {  	[sflag:s25] =	ssyncadd.s32 $0xFFFFF700  }
0xfa: {  	_ =	swait.ge [sflag:s25], $0x1000  }
0xfb: {  	[sflag:s25] =	ssyncset.done $0x0  }
0xfc: {  	[sflag:s25] =	ssyncadd.s32 $0xFFFFF000  }
0xfd: {  	_ =	swait.ge [sflag:s25], $0x900  }
0xfe: {  	[sflag:s25] =	ssyncset.done $0x0  }
0xff: {  	[sflag:s25] =	ssyncadd.s32 $0xFFFFF700  }
0x100: {  	_ =	swait.ge [sflag:s25], $0x1000  }
0x101: {  	p0 =	seq.s32 s31, $0x3070;
	[sflag:s25] =	ssyncset.done $0x0  }
.Ltmp2:
0x102: {  	[sflag:s25] =	ssyncadd.s32 $0xFFFFF000;
	(pc) =	sbr.rel @p0 .LBB2_4-.Ltmp2, $4  }
0x103: {  	_ =	swait.ge [sflag:s25], $0x900  }
0x104: {  	[sflag:s25] =	ssyncset.done $0x0  }
0x105: {  	[sflag:s25] =	ssyncadd.s32 $0xFFFFF700  }
0x106: {  	[hbm4b:s30+s2] =	stream.linear.scatter [tilespmem:s22], [sflag:$0xB], $0x6400, $0x38;
	[tilespmem:$0x19C80] =	vst v63  }
.Ltmp3:
0x107: {  	(pc) =	sbr.rel .LBB2_2-.Ltmp3, $3  }
0x108: {  	_ =	sdelay $0x1  }
0x109: {  	s0 =	sadd.s32 $0x190, s1;
	s31 =	sadd.s32 $0x190, s31;
	s30 =	sadd.s32 $0x3200, s30  }
0x10a: {  	[tilespmem:s2], [sflag:$0x1] =	stream.linear.gather [hbm4b:s0+s2], $0x320, $0x38;
	[tilespmem:$0x19C80] =	vst v63  }
.LBB2_5:
0x10b: {  	_ =	sfence.sel $0x180000  }
0x10c: {  	[bflag:$0x0] =	sbarrier.arrive $0xFFFF  }
0x10d: {  	_ =	strace $0x90000047  }
0x10e: {  	s0 =	stileid.u32;
	[bflag:$0x2] =	sbarrier.arrive $0xFFFF  }
0x10f: {  	p0 =	sne.s32 s0, $0x0;
	s0 =	rddreg [dreg:$0x2]  }
0x110: {  	s0 =	sadd.s32 @!p0 $0x100000, s0  }
0x111: {  	[sflag:s0] =	ssyncadd.tile.s32 @!p0 $0x1;
	_ =	shalt  }
.Lfunc_end2:
_tile_overlayer_lowered:
.L_overlay_start_2:
0x112: {  	(tag) =	ssettag $0x2  }
0x113: {  	s0 =	rddreg [dreg:$0x0];
	s2 =	stileid.u32  }
0x114: {  	s1 =	rddreg [dreg:$0x1];
	p0 =	sne.s32 s2, $0x0  }
0x115: {  	s3 =	rddreg [dreg:$0x2];
	[bflag:$0x3] =	sbarrier.arrive $0xFFFF;
	s2 =	simm.s32 @!p0 $0x1C0D  }
0x116: {  	[timem:s3], [sflag:s2] =	dma.local @!p0 [hbm:s0], s1  }
0x117: {  	s0 =	simm.s32 @!p0 $0xD  }
0x118: {  	_ =	swait.ge @!p0 [sflag:s0], s1  }
0x119: {  	s1 =	ssub.s32 @!p0 $0x0, s1;
	[sflag:s0] =	ssyncset.done @!p0 $0x0  }
0x11a: {  	[sflag:s0] =	ssyncadd.s32 @!p0 s1  }
0x11b: {  	[bflag:$0x3] =	sbarrier.arrive $0xFFFF  }
0x11c: {  	_ =	shalt  }

// kernel: sparse-core-data-format-call.cloned.1.call-start
scs
called_computation_lowered:
.L_overlay_start_0:
0x0: {  	s2 =	sld [smem:$0x3FD9]  }
0x1: {  	s3 =	sld [smem:$0x3FFE];
	_ =	sdelay $0x1  }
0x2: {  	s1 =	srdreg.scid  }
0x3: {  	s0 =	sand.u32 $0x1, s1  }
0x4: {  	s18 =	sshll.u32 s0, $0xA;
	s2 =	sadd.s32 s3, s2  }
0x5: {  	s2 =	sadd.s32 s2, s18  }
0x6: {  	[smem:$0x3FC6] =	sst s2  }
0x7: {  	_ = 	snop  }
0x8: {  	s2 =	sld [smem:$0x3FD0];
	(tm) =	ssettm $0x1  }
0x9: {  	s19 =	sld [smem:$0x3FFB];
	_ =	sdelay $0x3  }
0xa: {  	_ =	strace s19  }
0xb: {  	s3 =	sld [smem:$0x3FFC];
	_ =	sdelay $0x3  }
0xc: {  	_ =	strace s3  }
0xd: {  	s3 =	sld [smem:$0x3FFD];
	_ =	sdelay $0x3  }
0xe: {  	_ =	strace s3  }
0xf: {  	_ =	strace $0x8FFFFFFF  }
0x10: {  	s20 =	sld [smem:$0x3FDB];
	_ =	sdelay $0x1  }
0x11: {  	s4 =	simm.s32 $_scs_section_size  }
0x12: {  	s5 =	simm.s32 $_size__tile_overlayer_lowered;
	s6 =	simm.s32 $_tile_overlayer_lowered  }
0x13: {  	s23 =	simm.s32 $0x1BFF;
	s22 =	sshll.u32 s6, $0x1;
	s3 =	sadd.s32 s4, s20  }
0x14: {  	s7 =	simm.s32 $0x0;
	s21 =	sshll.u32 s5, $0x1;
	s5 =	sadd.s32 s22, s3  }
0x15: {  	[timem:s7], [sflag:s23] =	dma.local [hbm:s5], s21  }
0x16: {  	_ =	swait.ge [sflag:s23], s21  }
0x17: {  	s4 =	ssub.s32 $0x0, s21;
	[sflag:s23] =	ssyncset.done $0x0  }
0x18: {  	[sflag:s23] =	ssyncadd.s32 s4;
	_ =	sdelay $0x1  }
0x19: {  	s24 =	simm.s32 $0x1B8B  }
0x1a: {  	_ =	swait.ge [sflag:s24], $0x1  }
0x1b: {  	[sflag:s24] =	ssyncset.done $0x0  }
0x1c: {  	s26 =	simm.s32 $0x1B8E;
	s25 =	sld [smem:$0x3FFE];
	[sflag:s24] =	ssyncadd.s32 $0xFFFFFFFF  }
0x1d: {  	s27 =	simm.s32 $execute0_lowered;
	[smem:$0x3FD2] =	sst s26  }
0x1e: {  	s5 =	sshll.u32 s27, $0x1;
	_ =	strace $0x80000049;
	[dreg:$0x1] =	wrdreg $0xFFFFFFFF  }
0x1f: {  	s28 =	simm.s32 $_size_execute0_lowered;
	s3 =	sadd.s32 s3, s5;
	[dreg:$0x0] =	wrdreg $0x0  }
0x20: {  	s5 =	sshll.u32 s28, $0x1;
	[dreg:$0x2] =	wrdreg s3  }
0x21: {  	[dreg:$0x3] =	wrdreg s5  }
0x22: {  	[dreg:$0x4] =	wrdreg $0xC0  }
0x23: {  	_ =	task [dreg:s7], $0x5FFFF  }
0x24: {  	[dreg:$0x1] =	wrdreg $0xFFFFFFFF  }
0x25: {  	[dreg:$0x0] =	wrdreg $0x60  }
0x26: {  	[dreg:$0x2] =	wrdreg s25  }
0x27: {  	[dreg:$0x3] =	wrdreg s2  }
0x28: {  	[dreg:$0x4] =	wrdreg $0x9  }
0x29: {  	_ =	task.clear_ibuf [dreg:s7], $0x5FFFF;
	_ =	strace $0x90000049  }
0x2a: {  	s29 =	simm.s32 $0x9;
	_ =	strace $0x8000004B  }
0x2b: {  	_ =	swait.ge [sflag:s29], $0x1  }
0x2c: {  	[sflag:s29] =	ssyncadd.s32 $0xFFFFFFFF  }
0x2d: {  	_ =	strace $0x9000004B  }
0x2e: {  	_ =	sfence  }
0x2f: {  	s30 =	sld [smem:$0x0];
	_ =	sdelay $0x2  }
0x30: {  	s31 =	sshll.u32 s1, $0xD;
	s1 =	sshrl.u32 s1, $0x2  }
0x31: {  	s3 =	sand.u32 $0x4000, s31;
	s1 =	sadd.s32 s1, s30  }
0x32: {  	s0 =	sor.u32 s3, s0;
	s1 =	sshll.u32 s1, $0x11  }
0x33: {  	s0 =	sor.u32 s1, s0  }
0x34: {  	s0 =	sadd.s32 $0x8F2B, s0  }
0x35: {  	[sflag:s0] =	ssyncadd.remote.s32 $0x1  }
0x36: {  	_ =	sfence.sel $0xFFFF  }
0x37: {  	[dreg:$0x0] =	wrdreg $0xFFFFFFFF;
	(pc) =	sbr.abs _section_cstart, $3  }
0x38: {  	[dreg:$0x1] =	wrdreg $0xFFFFFFFF  }
0x39: {  	_ =	task.clear_ibuf [dreg:s7], $0x2FFFF;
	_ =	strace $0x9FFFFFFF  }
0x3a: {  	(tm) =	ssettm $0x7FFFFFFF  }
0x3b: {  	_ =	shalt  }
tec
execute0_lowered:
.L_overlay_start_1:
0x0: {  	(tag) =	ssettag $0x1  }
0x1: {  	s0 =	srdreg.scid  }
0x2: {  	s1 =	sshll.u32 s0, $0x4  }
0x3: {  	s0 =	stileid.u32;
	s1 =	sand.u32 $0x10, s1  }
0x4: {  	s1 =	sor.u32 s0, s1  }
0x5: {  	s6 =	rddreg [dreg:$0x0];
	s4 =	simm.s32 $0x1;
	s2 =	sshll.u32 s1, $0x7  }
0x6: {  	s7 =	simm.s32 $0x2;
	s12 =	simm.s32 $0x0;
	s1 =	ssub.s32 $0x4000, s2  }
0x7: {  	s8 =	simm.s32 $0x20000;
	s13 =	simm.s32 $0x0;
	s3 =	sand.u32 $0xF80, s1  }
0x8: {  	s9 =	simm.s32 $0x0;
	s5 =	sshrl.u32 s1, $0xC;
	p0 =	sne.s32 s3, $0x0  }
.Ltmp0:
0x9: {  	s1 =	rddreg [dreg:$0x2];
	s4 =	simm.s32 @!p0 $0x0;
	(pc) =	sbr.rel .LBB1_1-.Ltmp0, $4  }
0xa: {  	s11 =	simm.s32 $0x0;
	s3 =	rddreg [dreg:$0x1];
	s5 =	sadd.s32 s4, s5  }
0xb: {  	_ =	strace $0x8000004A;
	s4 =	simm.s32 $0x1;
	s5 =	smul.u32 $0xC8, s5  }
0xc: {  	s6 =	sadd.s32 $0x800, s6;
	s10 =	smov.u32 s2;
	[sflag:s4] =	ssyncpa.u1 $0x0  }
0xd: {  	p0 =	por $0x0, $0x0;
	[sflag:s7] =	ssyncpa.u1 $0x0;
	s7 =	sor.u32 $0x1, s5  }
.LBB1_4:
0xe: {  	s16 =	sshll.u32 s13, $0x3;
	s17 =	sand.u32 $0x78, s13  }
0xf: {  	s30 =	sand.u32 $0xF800, s13;
	s12 =	sshll.u32 s12, $0x10;
	s16 =	sand.u32 $0x3C00, s16  }
0x10: {  	s31 =	sand.u32 $0x7, s13;
	s16 =	sor.u32 s17, s16;
	s17 =	sadd.s32 s3, s30  }
0x11: {  	s13 =	sshll.u32 s31, $0x12;
	s16 =	sshrl.u32 s16, $0x3;
	s12 =	sadd.s32 s12, s17  }
0x12: {  	[tilespmem:s15+$0x0 ss:$0x81] =	vst.msk $0xffff, v0;
	s13 =	sor.u32 $0x400, s13;
	s12 =	sadd.s32 s16, s12  }
0x13: {  	[hbm4b:s12+s13] =	stream.strided.scatter [tilespmem:s14], [sflag:$0x2], $0x1000, s8, s13, $0x20;
	[tilespmem:$0x4040] =	vst v63  }
.LBB1_5:
0x14: {  	s14 =	sadd.s32 $0x1, s9  }
0x15: {  	s12 =	sadd.s32 $0x1000, s10;
	s16 =	smov.u32 s10;
	p2 =	sgt.s32 s14, $0xC7  }
0x16: {  	s16 =	smov.u32 @p2 s12  }
0x17: {  	s14 =	simm.s32 @p2 $0x0;
	p2 =	sgt.s32 s16, $0x3FFF  }
0x18: {  	s16 =	smov.u32 @p2 s2;
	p2 =	sne.s32 s11, s7  }
.Ltmp1:
0x19: {  	p1 =	slt.u32 s11, $0x2;
	(pc) =	sbr.rel @!p2 .LBB1_6-.Ltmp1, $4  }
0x1a: {  	s15 =	simm.s32 @!p1 $0x2  }
0x1b: {  	s13 =	smov.u32 s10;
	p0 =	por !p0, !p0;
	_ =	swait.ge @!p1 [sflag:s15], $0x1000  }
0x1c: {  	s12 =	smov.u32 s9;
	[sflag:s15] =	ssyncset.done @!p1 $0x0;
	s9 =	smov.u32 s14  }
0x1d: {  	s11 =	sadd.s32 $0x1, s11;
	[sflag:s15] =	ssyncadd.s32 @!p1 $0xFFFFF000;
	s10 =	smov.u32 s16  }
.LBB1_1:
0x1e: {  	p1 =	sge.u32 s11, s5  }
0x1f: {  	s14 =	sand.u32 @!p1 $0x1FFFFFF, s9  }
0x20: {  	s15 =	smulhi.u32 @!p1 $0x147AE15, s14;
	_ =	sdelay $0x1  }
0x21: {  	s15 =	smul.u32 @!p1 $0xC8, s15  }
0x22: {  	s16 =	sxor.u32 @!p1 $0xFFFFFFFF, s11;
	s17 =	smul.u32 @!p1 $0xC80, s10  }
0x23: {  	s31 =	sadd.s32 $0xFFFFFFFF, s11;
	s16 =	sshll.u32 @!p1 s16, $0xC;
	s14 =	ssub.s32 @!p1 s14, s15  }
0x24: {  	s15 =	sand.u32 @!p1 $0x1000, s16;
	s16 =	sadd.s32 @!p1 s6, s17;
	s14 =	sshll.u32 @!p1 s14, $0x4  }
0x25: {  	s17 =	simm.s32 @!p1 $0x6400;
	s14 =	sadd.s32 @!p1 s14, s16;
	s16 =	simm.s32 @!p1 $0x20  }
0x26: {  	[tilespmem:s15], [sflag:$0x1] =	stream.strided.gather @!p1 [hbm4b:s14+s16], $0x1000, s17, s16, $0x38;
	[tilespmem:$0x4040] =	vst v63  }
0x27: {  	p1 =	sge.u32 s31, s5  }
.Ltmp2:
0x28: {  	_ = 	snop;
	(pc) =	sbr.rel @p1 .LBB1_5-.Ltmp2, $1  }
0x29: {  	_ =	sdelay $0x3  }
0x2a: {  	s14 =	simm.s32 $0x1  }
0x2b: {  	_ =	swait.ge [sflag:s4], $0x1000;
	s14 =	simm.s32 @!p0 $0x0  }
0x2c: {  	[sflag:s4] =	ssyncset.done $0x0;
	s15 =	sshll.u32 s14, $0xC  }
0x2d: {  	[sflag:s4] =	ssyncadd.s32 $0xFFFFF000;
	s18 =	sor.u32 $0x10, s15  }
0x2e: {  	s14 =	smul.u32 $0x4080, s14;
	v1 =	vld [tilespmem:s18+$0x0]  }
0x2f: {  	s30 =	sand.u32 $0x1, s11;
	v0 =	vld [tilespmem:s18+$0xFFFFFFF0]  }
0x30: {  	s15 =	smul.u32 $0x4080, s30;
	s14 =	sshrl.u32 s14, $0x2  }
0x31: {  	s16 =	sor.u32 $0x2000, s14  }
0x32: {  	s31 =	sshrl.u32 s15, $0x2;
	s15 =	sadd.s32 $0x0, s16  }
0x33: {  	s17 =	simm.s32 $0x4;
	s18 =	sadd.s32 $0x20, s18;
	s14 =	sor.u32 $0x2000, s31;
	[tilespmem:s15+$0x810 ss:$0x81] =	vst.msk $0xffff, v1  }
.LBB1_3:
0x34: {  	v1 =	vld [tilespmem:s18+$0x0];
	p1 =	sne.s32 s17, $0x1FC;
	[tilespmem:s15+$0x0 ss:$0x81] =	vst.msk $0xffff, v0;
	s15 =	smov.u32 s17;
	s17 =	sadd.s32 $0x4, s17  }
.Ltmp3:
0x35: {  	v0 =	vld [tilespmem:s18+$0xFFFFFFF0];
	(pc) =	sbr.rel @p1 .LBB1_3-.Ltmp3, $4  }
0x36: {  	_ = 	snop  }
0x37: {  	s15 =	sshra.s32 s15, $0x2  }
0x38: {  	s15 =	sadd.s32 s15, s16  }
0x39: {  	s18 =	sadd.s32 $0x20, s18;
	[tilespmem:s15+$0x810 ss:$0x81] =	vst.msk $0xffff, v1  }
.Ltmp4:
0x3a: {  	_ = 	snop;
	(pc) =	sbr.rel .LBB1_4-.Ltmp4, $1  }
0x3b: {  	_ =	sdelay $0x3  }
.LBB1_6:
0x3c: {  	_ =	sfence.sel $0x180000  }
0x3d: {  	s2 =	simm.s32 $0x1;
	[bflag:$0x0] =	sbarrier.arrive $0xFFFF  }
0x3e: {  	s31 =	simm.s32 $0x2;
	[sflag:s2] =	ssyncpa.u1 $0x1  }
0x3f: {  	[sflag:s31] =	ssyncpa.u1 $0x1  }
0x40: {  	p0 =	sne.s32 s0, $0x0;
	_ =	strace $0x9000004A  }
0x41: {  	s0 =	sadd.s32 @!p0 $0x100000, s1;
	[bflag:$0x2] =	sbarrier.arrive $0xFFFF  }
0x42: {  	[sflag:s0] =	ssyncadd.tile.s32 @!p0 $0x1;
	_ =	shalt  }
.Lfunc_end1:
_tile_overlayer_lowered:
.L_overlay_start_2:
0x43: {  	(tag) =	ssettag $0x2  }
0x44: {  	s0 =	rddreg [dreg:$0x0];
	s2 =	stileid.u32  }
0x45: {  	s1 =	rddreg [dreg:$0x1];
	p0 =	sne.s32 s2, $0x0  }
0x46: {  	s3 =	rddreg [dreg:$0x2];
	[bflag:$0x3] =	sbarrier.arrive $0xFFFF;
	s2 =	simm.s32 @!p0 $0x1C01  }
0x47: {  	[timem:s3], [sflag:s2] =	dma.local @!p0 [hbm:s0], s1  }
0x48: {  	s0 =	simm.s32 @!p0 $0x1  }
0x49: {  	_ =	swait.ge @!p0 [sflag:s0], s1  }
0x4a: {  	s1 =	ssub.s32 @!p0 $0x0, s1;
	[sflag:s0] =	ssyncset.done @!p0 $0x0  }
0x4b: {  	[sflag:s0] =	ssyncadd.s32 @!p0 s1  }
0x4c: {  	[bflag:$0x3] =	sbarrier.arrive $0xFFFF  }
0x4d: {  	_ =	shalt  }

</sc_bundles>
